<compile_context>
chip_gen: v7x
topology: tpu7x:2x2x1
jax: 0.10.2.dev20260603
libtpu: 0.0.44.dev20260713+nightly
codegen_flags: <defaults>
</compile_context>

<pallas_src>
import functools
import math

import jax
import jax.numpy as jnp
from jax import lax
from jax.experimental import pallas as pl
from jax.experimental.pallas import tpu as pltpu
from jax.experimental.pallas import tpu_sc as plsc

_B = 2048
_C = 4
_M = 4096
_P = 16384

_NC = 2
_NS = 16
_NW = _NC * _NS
_CH = _P // _NW
_LANES = 16

_LOG2PI = math.log(2.0 * math.pi)


def _sc_gather_body(edges_hbm, mu_hbm, ls_hbm, gmu_hbm, gls_hbm,
                    mu_v, ls_v, edges_v, gmu_v, gls_v):
    wid = lax.axis_index("s") * _NC + lax.axis_index("c")
    pltpu.sync_copy(mu_hbm, mu_v)
    pltpu.sync_copy(ls_hbm, ls_v)
    for c in range(_C):
        pltpu.sync_copy(edges_hbm.at[c, wid], edges_v.at[c])
    for c in range(_C):
        for i in range(_CH // _LANES):
            sl = pl.ds(i * _LANES, _LANES)
            idx = edges_v[c, sl] + c * _M
            gmu_v[c, sl] = plsc.load_gather(mu_v, [idx])
            gls_v[c, sl] = plsc.load_gather(ls_v, [idx])
    for c in range(_C):
        pltpu.sync_copy(gmu_v.at[c], gmu_hbm.at[c, wid])
        pltpu.sync_copy(gls_v.at[c], gls_hbm.at[c, wid])


@functools.lru_cache(maxsize=1)
def _sc_gather():
    return pl.kernel(
        _sc_gather_body,
        out_type=[
            jax.ShapeDtypeStruct((_C, _NW, _CH), jnp.float32),
            jax.ShapeDtypeStruct((_C, _NW, _CH), jnp.float32),
        ],
        mesh=plsc.VectorSubcoreMesh(core_axis_name="c", subcore_axis_name="s"),
        compiler_params=pltpu.CompilerParams(needs_layout_passes=False),
        scratch_types=[
            pltpu.VMEM((_C * _M,), jnp.float32),
            pltpu.VMEM((_C * _M,), jnp.float32),
            pltpu.VMEM((_C, _CH), jnp.int32),
            pltpu.VMEM((_C, _CH), jnp.float32),
            pltpu.VMEM((_C, _CH), jnp.float32),
        ],
    )


_BB = 512
_PB = 2048


def _tc_combine_body(xcat_ref, gmu_ref, gls_ref, out_ref):
    xcat = xcat_ref[...]
    gmu = gmu_ref[...]
    gls = gls_ref[...]
    inv2 = jnp.exp(-2.0 * gls)
    a2 = -0.5 * inv2
    b2 = gmu * inv2
    coef = jnp.concatenate([a2, b2], axis=0)
    drow = (jnp.sum(-0.5 * gmu * gmu * inv2 - gls, axis=0, keepdims=True)
            - _C * 0.5 * _LOG2PI)
    acc = jnp.dot(xcat, coef, preferred_element_type=jnp.float32)
    out_ref[...] = acc + drow


_tc_combine = pl.pallas_call(
    _tc_combine_body,
    grid=(_B // _BB, _P // _PB),
    in_specs=[
        pl.BlockSpec((_BB, 2 * _C), lambda i, j: (i, 0)),
        pl.BlockSpec((_C, _PB), lambda i, j: (0, j)),
        pl.BlockSpec((_C, _PB), lambda i, j: (0, j)),
    ],
    out_specs=pl.BlockSpec((_BB, _PB), lambda i, j: (i, j)),
    out_shape=jax.ShapeDtypeStruct((_B, _P), jnp.float32),
)


def kernel(x, edges, mu, log_sigma):
    edges3 = edges.reshape(_C, _NW, _CH)
    gmu3, gls3 = _sc_gather()(edges3, mu.reshape(-1), log_sigma.reshape(-1))
    xcat = jnp.concatenate([x * x, x], axis=1)
    return _tc_combine(xcat, gmu3.reshape(_C, _P), gls3.reshape(_C, _P))

# --- scband reference (transcript-rebuilt; emitter-appended) ---
"""Pipeline reference for scband-layer-55697135894671 (READ-ONLY COPY).

The authoritative reference and input builder live on the scoring server;
editing this copy changes nothing except your own understanding.
"""

import jax, jax.numpy as jnp
import numpy as np

B = 2048   # batch of samples
C = 4      # number of child layers (one variable each)
M = 4096   # nodes per child layer
P = 16384  # number of product nodes in this layer


def _child_log_likelihood(xc, mu_c, log_sigma_c):
    # Univariate Gaussian input layer: log N(x | mu_n, sigma_n) per node n.
    sigma = jnp.exp(log_sigma_c)
    z = (xc - mu_c[None, :]) / sigma[None, :]
    return -0.5 * z * z - log_sigma_c[None, :] - 0.5 * jnp.log(2.0 * jnp.pi)


def setup_inputs(seed: int = 0) -> dict:
    key = jax.random.key(seed)
    k1, k2, k3, k4 = jax.random.split(key, 4)
    x = jax.random.normal(k1, (B, C), dtype=jnp.float32)
    # edges[c, p] = index of the child-layer-c node feeding product node p
    edges = jax.random.randint(k2, (C, P), 0, M, dtype=jnp.int32)
    mu = jax.random.normal(k3, (C, M), dtype=jnp.float32)
    log_sigma = 0.1 * jax.random.normal(k4, (C, M), dtype=jnp.float32)
    return {"x": x, "edges": edges, "mu": mu, "log_sigma": log_sigma}


def reference(x, edges, mu, log_sigma):
    # ProductLayer.log_likelihood:
    #   result = zeros(len(x), number_of_nodes)
    #   for each child layer: ll = child.log_likelihood(x[:, columns]);
    #                         result[:, edge_indices] += ll[:, edge_values]
    # With coalesced edges covering every product node this is a gather
    # (jnp.take along node axis) followed by an index-add accumulation.
    n = x.shape[0]
    result = jnp.zeros((n, edges.shape[1]), dtype=jnp.float32)
    for c in range(edges.shape[0]):
        xc = x[:, c:c + 1]
        ll = _child_log_likelihood(xc, mu[c], log_sigma[c])       # [B, M]
        gathered = jnp.take(ll, edges[c], axis=1)                  # [B, P] gather
        cols = jnp.arange(edges.shape[1])
        result = result.at[:, cols].add(gathered)                  # scatter-add into result
    return result

if __name__ == "__main__":
    import jax
    _d = setup_inputs()
    print(jax.jit(kernel)(*tuple(_d.values())))

</pallas_src>

<mosaic_0001>
#map = affine_map<(d0, d1) -> (0, 0, 0)>
#map1 = affine_map<(d0, d1) -> (0)>
module attributes {stable_mosaic.version = 14 : i64} {
  func.func @_sc_gather_body(%arg0: i32, %arg1: i32, %arg2: memref<4x32x512xi32, #tpu.memory_space<hbm>>, %arg3: memref<16384xf32, #tpu.memory_space<hbm>>, %arg4: memref<16384xf32, #tpu.memory_space<hbm>>, %arg5: memref<4x32x512xf32, #tpu.memory_space<hbm>>, %arg6: memref<4x32x512xf32, #tpu.memory_space<hbm>>, %arg7: memref<16384xf32, #tpu.memory_space<vmem>>, %arg8: memref<16384xf32, #tpu.memory_space<vmem>>, %arg9: memref<4x512xi32, #tpu.memory_space<vmem>>, %arg10: memref<4x512xf32, #tpu.memory_space<vmem>>, %arg11: memref<4x512xf32, #tpu.memory_space<vmem>>) attributes {dimension_semantics = [#tpu.dimension_semantics<core_parallel>, #tpu.dimension_semantics<subcore_parallel>], iteration_bounds = array<i64: 2, 16>, scalar_prefetch = 0 : i64, scratch_operands = 5 : i64, tpu.core_type = #tpu.core_type<sc_vector_subcore>, window_params = [{transform_indices = #map}, {transform_indices = #map1}, {transform_indices = #map1}, {transform_indices = #map}, {transform_indices = #map}]} {
    %mul3A = arith.constant 2 : i32
    %mul3A_0 = arith.muli %arg1, %mul3A : i32
    %add3A = arith.addi %mul3A_0, %arg0 : i32
    "tpu.region"() ({
      %run_scoped3A_2197 = tpu.sem_alloc : memref<!tpu.dma_semaphore, #tpu.memory_space<semaphore_mem>>
      tpu.enqueue_dma source(%arg3 : memref<16384xf32, #tpu.memory_space<hbm>>) target(%arg7 : memref<16384xf32, #tpu.memory_space<vmem>>) target_semaphore(%run_scoped3A_2197 : memref<!tpu.dma_semaphore, #tpu.memory_space<semaphore_mem>>)
      tpu.wait_dma2 semaphore(%run_scoped3A_2197 : memref<!tpu.dma_semaphore, #tpu.memory_space<semaphore_mem>>) src(%arg3 : memref<16384xf32, #tpu.memory_space<hbm>>) dst(%arg7 : memref<16384xf32, #tpu.memory_space<vmem>>)
      tpu.yield
    }) : () -> ()
    "tpu.region"() ({
      %run_scoped3A_2197 = tpu.sem_alloc : memref<!tpu.dma_semaphore, #tpu.memory_space<semaphore_mem>>
      tpu.enqueue_dma source(%arg4 : memref<16384xf32, #tpu.memory_space<hbm>>) target(%arg8 : memref<16384xf32, #tpu.memory_space<vmem>>) target_semaphore(%run_scoped3A_2197 : memref<!tpu.dma_semaphore, #tpu.memory_space<semaphore_mem>>)
      tpu.wait_dma2 semaphore(%run_scoped3A_2197 : memref<!tpu.dma_semaphore, #tpu.memory_space<semaphore_mem>>) src(%arg4 : memref<16384xf32, #tpu.memory_space<hbm>>) dst(%arg8 : memref<16384xf32, #tpu.memory_space<vmem>>)
      tpu.yield
    }) : () -> ()
    %run_scoped3A = arith.constant 0 : i32
    %run_scoped3A_1 = arith.constant 0 : i32
    "tpu.region"() ({
      %run_scoped3A_2197 = tpu.sem_alloc : memref<!tpu.dma_semaphore, #tpu.memory_space<semaphore_mem>>
      %dma_start3A = arith.constant 0 : i32
      %dma_start3A_2198 = tpu.memref_slice %arg9[%run_scoped3A_1, %dma_start3A] : memref<4x512xi32, #tpu.memory_space<vmem>> -> memref<1x512xi32, #tpu.memory_space<vmem>>
      %dma_start3A_2199 = tpu.memref_squeeze %dma_start3A_2198 : memref<1x512xi32, #tpu.memory_space<vmem>> -> memref<512xi32, #tpu.memory_space<vmem>>
      %dma_start3A_2200 = arith.constant 0 : i32
      %dma_start3A_2201 = tpu.memref_slice %arg2[%run_scoped3A, %add3A, %dma_start3A_2200] : memref<4x32x512xi32, #tpu.memory_space<hbm>> -> memref<1x1x512xi32, #tpu.memory_space<hbm>>
      %dma_start3A_2202 = tpu.memref_squeeze %dma_start3A_2201 : memref<1x1x512xi32, #tpu.memory_space<hbm>> -> memref<512xi32, #tpu.memory_space<hbm>>
      %dma_start3A_2203 = arith.constant 0 : i32
      %dma_start3A_2204 = tpu.memref_slice %arg9[%run_scoped3A_1, %dma_start3A_2203] : memref<4x512xi32, #tpu.memory_space<vmem>> -> memref<1x512xi32, #tpu.memory_space<vmem>>
      %dma_start3A_2205 = tpu.memref_squeeze %dma_start3A_2204 : memref<1x512xi32, #tpu.memory_space<vmem>> -> memref<512xi32, #tpu.memory_space<vmem>>
      %dma_start3A_2206 = arith.constant 0 : i32
      %dma_start3A_2207 = tpu.memref_slice %arg2[%run_scoped3A, %add3A, %dma_start3A_2206] : memref<4x32x512xi32, #tpu.memory_space<hbm>> -> memref<1x1x512xi32, #tpu.memory_space<hbm>>
      %dma_start3A_2208 = tpu.memref_squeeze %dma_start3A_2207 : memref<1x1x512xi32, #tpu.memory_space<hbm>> -> memref<512xi32, #tpu.memory_space<hbm>>
      tpu.enqueue_dma source(%dma_start3A_2208 : memref<512xi32, #tpu.memory_space<hbm>>) target(%dma_start3A_2205 : memref<512xi32, #tpu.memory_space<vmem>>) target_semaphore(%run_scoped3A_2197 : memref<!tpu.dma_semaphore, #tpu.memory_space<semaphore_mem>>)
      %dma_wait3A = arith.constant 0 : i32
      %dma_wait3A_2209 = tpu.memref_slice %arg9[%run_scoped3A_1, %dma_wait3A] : memref<4x512xi32, #tpu.memory_space<vmem>> -> memref<1x512xi32, #tpu.memory_space<vmem>>
      %dma_wait3A_2210 = tpu.memref_squeeze %dma_wait3A_2209 : memref<1x512xi32, #tpu.memory_space<vmem>> -> memref<512xi32, #tpu.memory_space<vmem>>
      %dma_wait3A_2211 = arith.constant 0 : i32
      %dma_wait3A_2212 = tpu.memref_slice %arg2[%run_scoped3A, %add3A, %dma_wait3A_2211] : memref<4x32x512xi32, #tpu.memory_space<hbm>> -> memref<1x1x512xi32, #tpu.memory_space<hbm>>
      %dma_wait3A_2213 = tpu.memref_squeeze %dma_wait3A_2212 : memref<1x1x512xi32, #tpu.memory_space<hbm>> -> memref<512xi32, #tpu.memory_space<hbm>>
      %dma_wait3A_2214 = arith.constant 0 : i32
      %dma_wait3A_2215 = tpu.memref_slice %arg9[%run_scoped3A_1, %dma_wait3A_2214] : memref<4x512xi32, #tpu.memory_space<vmem>> -> memref<1x512xi32, #tpu.memory_space<vmem>>
      %dma_wait3A_2216 = tpu.memref_squeeze %dma_wait3A_2215 : memref<1x512xi32, #tpu.memory_space<vmem>> -> memref<512xi32, #tpu.memory_space<vmem>>
      %dma_wait3A_2217 = arith.constant 0 : i32
      %dma_wait3A_2218 = tpu.memref_slice %arg2[%run_scoped3A, %add3A, %dma_wait3A_2217] : memref<4x32x512xi32, #tpu.memory_space<hbm>> -> memref<1x1x512xi32, #tpu.memory_space<hbm>>
      %dma_wait3A_2219 = tpu.memref_squeeze %dma_wait3A_2218 : memref<1x1x512xi32, #tpu.memory_space<hbm>> -> memref<512xi32, #tpu.memory_space<hbm>>
      tpu.wait_dma2 semaphore(%run_scoped3A_2197 : memref<!tpu.dma_semaphore, #tpu.memory_space<semaphore_mem>>) src(%dma_wait3A_2219 : memref<512xi32, #tpu.memory_space<hbm>>) dst(%dma_wait3A_2216 : memref<512xi32, #tpu.memory_space<vmem>>)
      tpu.yield
    }) : () -> ()
    %run_scoped3A_2 = arith.constant 1 : i32
    %run_scoped3A_3 = arith.constant 1 : i32
    "tpu.region"() ({
      %run_scoped3A_2197 = tpu.sem_alloc : memref<!tpu.dma_semaphore, #tpu.memory_space<semaphore_mem>>
      %dma_start3A = arith.constant 0 : i32
      %dma_start3A_2198 = tpu.memref_slice %arg9[%run_scoped3A_3, %dma_start3A] : memref<4x512xi32, #tpu.memory_space<vmem>> -> memref<1x512xi32, #tpu.memory_space<vmem>>
      %dma_start3A_2199 = tpu.memref_squeeze %dma_start3A_2198 : memref<1x512xi32, #tpu.memory_space<vmem>> -> memref<512xi32, #tpu.memory_space<vmem>>
      %dma_start3A_2200 = arith.constant 0 : i32
      %dma_start3A_2201 = tpu.memref_slice %arg2[%run_scoped3A_2, %add3A, %dma_start3A_2200] : memref<4x32x512xi32, #tpu.memory_space<hbm>> -> memref<1x1x512xi32, #tpu.memory_space<hbm>>
      %dma_start3A_2202 = tpu.memref_squeeze %dma_start3A_2201 : memref<1x1x512xi32, #tpu.memory_space<hbm>> -> memref<512xi32, #tpu.memory_space<hbm>>
      %dma_start3A_2203 = arith.constant 0 : i32
      %dma_start3A_2204 = tpu.memref_slice %arg9[%run_scoped3A_3, %dma_start3A_2203] : memref<4x512xi32, #tpu.memory_space<vmem>> -> memref<1x512xi32, #tpu.memory_space<vmem>>
      %dma_start3A_2205 = tpu.memref_squeeze %dma_start3A_2204 : memref<1x512xi32, #tpu.memory_space<vmem>> -> memref<512xi32, #tpu.memory_space<vmem>>
      %dma_start3A_2206 = arith.constant 0 : i32
      %dma_start3A_2207 = tpu.memref_slice %arg2[%run_scoped3A_2, %add3A, %dma_start3A_2206] : memref<4x32x512xi32, #tpu.memory_space<hbm>> -> memref<1x1x512xi32, #tpu.memory_space<hbm>>
      %dma_start3A_2208 = tpu.memref_squeeze %dma_start3A_2207 : memref<1x1x512xi32, #tpu.memory_space<hbm>> -> memref<512xi32, #tpu.memory_space<hbm>>
      tpu.enqueue_dma source(%dma_start3A_2208 : memref<512xi32, #tpu.memory_space<hbm>>) target(%dma_start3A_2205 : memref<512xi32, #tpu.memory_space<vmem>>) target_semaphore(%run_scoped3A_2197 : memref<!tpu.dma_semaphore, #tpu.memory_space<semaphore_mem>>)
      %dma_wait3A = arith.constant 0 : i32
      %dma_wait3A_2209 = tpu.memref_slice %arg9[%run_scoped3A_3, %dma_wait3A] : memref<4x512xi32, #tpu.memory_space<vmem>> -> memref<1x512xi32, #tpu.memory_space<vmem>>
      %dma_wait3A_2210 = tpu.memref_squeeze %dma_wait3A_2209 : memref<1x512xi32, #tpu.memory_space<vmem>> -> memref<512xi32, #tpu.memory_space<vmem>>
      %dma_wait3A_2211 = arith.constant 0 : i32
      %dma_wait3A_2212 = tpu.memref_slice %arg2[%run_scoped3A_2, %add3A, %dma_wait3A_2211] : memref<4x32x512xi32, #tpu.memory_space<hbm>> -> memref<1x1x512xi32, #tpu.memory_space<hbm>>
      %dma_wait3A_2213 = tpu.memref_squeeze %dma_wait3A_2212 : memref<1x1x512xi32, #tpu.memory_space<hbm>> -> memref<512xi32, #tpu.memory_space<hbm>>
      %dma_wait3A_2214 = arith.constant 0 : i32
      %dma_wait3A_2215 = tpu.memref_slice %arg9[%run_scoped3A_3, %dma_wait3A_2214] : memref<4x512xi32, #tpu.memory_space<vmem>> -> memref<1x512xi32, #tpu.memory_space<vmem>>
      %dma_wait3A_2216 = tpu.memref_squeeze %dma_wait3A_2215 : memref<1x512xi32, #tpu.memory_space<vmem>> -> memref<512xi32, #tpu.memory_space<vmem>>
      %dma_wait3A_2217 = arith.constant 0 : i32
      %dma_wait3A_2218 = tpu.memref_slice %arg2[%run_scoped3A_2, %add3A, %dma_wait3A_2217] : memref<4x32x512xi32, #tpu.memory_space<hbm>> -> memref<1x1x512xi32, #tpu.memory_space<hbm>>
      %dma_wait3A_2219 = tpu.memref_squeeze %dma_wait3A_2218 : memref<1x1x512xi32, #tpu.memory_space<hbm>> -> memref<512xi32, #tpu.memory_space<hbm>>
      tpu.wait_dma2 semaphore(%run_scoped3A_2197 : memref<!tpu.dma_semaphore, #tpu.memory_space<semaphore_mem>>) src(%dma_wait3A_2219 : memref<512xi32, #tpu.memory_space<hbm>>) dst(%dma_wait3A_2216 : memref<512xi32, #tpu.memory_space<vmem>>)
      tpu.yield
    }) : () -> ()
    %run_scoped3A_4 = arith.constant 2 : i32
    %run_scoped3A_5 = arith.constant 2 : i32
    "tpu.region"() ({
      %run_scoped3A_2197 = tpu.sem_alloc : memref<!tpu.dma_semaphore, #tpu.memory_space<semaphore_mem>>
      %dma_start3A = arith.constant 0 : i32
      %dma_start3A_2198 = tpu.memref_slice %arg9[%run_scoped3A_5, %dma_start3A] : memref<4x512xi32, #tpu.memory_space<vmem>> -> memref<1x512xi32, #tpu.memory_space<vmem>>
      %dma_start3A_2199 = tpu.memref_squeeze %dma_start3A_2198 : memref<1x512xi32, #tpu.memory_space<vmem>> -> memref<512xi32, #tpu.memory_space<vmem>>
      %dma_start3A_2200 = arith.constant 0 : i32
      %dma_start3A_2201 = tpu.memref_slice %arg2[%run_scoped3A_4, %add3A, %dma_start3A_2200] : memref<4x32x512xi32, #tpu.memory_space<hbm>> -> memref<1x1x512xi32, #tpu.memory_space<hbm>>
      %dma_start3A_2202 = tpu.memref_squeeze %dma_start3A_2201 : memref<1x1x512xi32, #tpu.memory_space<hbm>> -> memref<512xi32, #tpu.memory_space<hbm>>
      %dma_start3A_2203 = arith.constant 0 : i32
      %dma_start3A_2204 = tpu.memref_slice %arg9[%run_scoped3A_5, %dma_start3A_2203] : memref<4x512xi32, #tpu.memory_space<vmem>> -> memref<1x512xi32, #tpu.memory_space<vmem>>
      %dma_start3A_2205 = tpu.memref_squeeze %dma_start3A_2204 : memref<1x512xi32, #tpu.memory_space<vmem>> -> memref<512xi32, #tpu.memory_space<vmem>>
      %dma_start3A_2206 = arith.constant 0 : i32
      %dma_start3A_2207 = tpu.memref_slice %arg2[%run_scoped3A_4, %add3A, %dma_start3A_2206] : memref<4x32x512xi32, #tpu.memory_space<hbm>> -> memref<1x1x512xi32, #tpu.memory_space<hbm>>
      %dma_start3A_2208 = tpu.memref_squeeze %dma_start3A_2207 : memref<1x1x512xi32, #tpu.memory_space<hbm>> -> memref<512xi32, #tpu.memory_space<hbm>>
      tpu.enqueue_dma source(%dma_start3A_2208 : memref<512xi32, #tpu.memory_space<hbm>>) target(%dma_start3A_2205 : memref<512xi32, #tpu.memory_space<vmem>>) target_semaphore(%run_scoped3A_2197 : memref<!tpu.dma_semaphore, #tpu.memory_space<semaphore_mem>>)
      %dma_wait3A = arith.constant 0 : i32
      %dma_wait3A_2209 = tpu.memref_slice %arg9[%run_scoped3A_5, %dma_wait3A] : memref<4x512xi32, #tpu.memory_space<vmem>> -> memref<1x512xi32, #tpu.memory_space<vmem>>
      %dma_wait3A_2210 = tpu.memref_squeeze %dma_wait3A_2209 : memref<1x512xi32, #tpu.memory_space<vmem>> -> memref<512xi32, #tpu.memory_space<vmem>>
      %dma_wait3A_2211 = arith.constant 0 : i32
      %dma_wait3A_2212 = tpu.memref_slice %arg2[%run_scoped3A_4, %add3A, %dma_wait3A_2211] : memref<4x32x512xi32, #tpu.memory_space<hbm>> -> memref<1x1x512xi32, #tpu.memory_space<hbm>>
      %dma_wait3A_2213 = tpu.memref_squeeze %dma_wait3A_2212 : memref<1x1x512xi32, #tpu.memory_space<hbm>> -> memref<512xi32, #tpu.memory_space<hbm>>
      %dma_wait3A_2214 = arith.constant 0 : i32
      %dma_wait3A_2215 = tpu.memref_slice %arg9[%run_scoped3A_5, %dma_wait3A_2214] : memref<4x512xi32, #tpu.memory_space<vmem>> -> memref<1x512xi32, #tpu.memory_space<vmem>>
      %dma_wait3A_2216 = tpu.memref_squeeze %dma_wait3A_2215 : memref<1x512xi32, #tpu.memory_space<vmem>> -> memref<512xi32, #tpu.memory_space<vmem>>
      %dma_wait3A_2217 = arith.constant 0 : i32
      %dma_wait3A_2218 = tpu.memref_slice %arg2[%run_scoped3A_4, %add3A, %dma_wait3A_2217] : memref<4x32x512xi32, #tpu.memory_space<hbm>> -> memref<1x1x512xi32, #tpu.memory_space<hbm>>
      %dma_wait3A_2219 = tpu.memref_squeeze %dma_wait3A_2218 : memref<1x1x512xi32, #tpu.memory_space<hbm>> -> memref<512xi32, #tpu.memory_space<hbm>>
      tpu.wait_dma2 semaphore(%run_scoped3A_2197 : memref<!tpu.dma_semaphore, #tpu.memory_space<semaphore_mem>>) src(%dma_wait3A_2219 : memref<512xi32, #tpu.memory_space<hbm>>) dst(%dma_wait3A_2216 : memref<512xi32, #tpu.memory_space<vmem>>)
      tpu.yield
    }) : () -> ()
    %run_scoped3A_6 = arith.constant 3 : i32
    %run_scoped3A_7 = arith.constant 3 : i32
    "tpu.region"() ({
      %run_scoped3A_2197 = tpu.sem_alloc : memref<!tpu.dma_semaphore, #tpu.memory_space<semaphore_mem>>
      %dma_start3A = arith.constant 0 : i32
      %dma_start3A_2198 = tpu.memref_slice %arg9[%run_scoped3A_7, %dma_start3A] : memref<4x512xi32, #tpu.memory_space<vmem>> -> memref<1x512xi32, #tpu.memory_space<vmem>>
      %dma_start3A_2199 = tpu.memref_squeeze %dma_start3A_2198 : memref<1x512xi32, #tpu.memory_space<vmem>> -> memref<512xi32, #tpu.memory_space<vmem>>
      %dma_start3A_2200 = arith.constant 0 : i32
      %dma_start3A_2201 = tpu.memref_slice %arg2[%run_scoped3A_6, %add3A, %dma_start3A_2200] : memref<4x32x512xi32, #tpu.memory_space<hbm>> -> memref<1x1x512xi32, #tpu.memory_space<hbm>>
      %dma_start3A_2202 = tpu.memref_squeeze %dma_start3A_2201 : memref<1x1x512xi32, #tpu.memory_space<hbm>> -> memref<512xi32, #tpu.memory_space<hbm>>
      %dma_start3A_2203 = arith.constant 0 : i32
      %dma_start3A_2204 = tpu.memref_slice %arg9[%run_scoped3A_7, %dma_start3A_2203] : memref<4x512xi32, #tpu.memory_space<vmem>> -> memref<1x512xi32, #tpu.memory_space<vmem>>
      %dma_start3A_2205 = tpu.memref_squeeze %dma_start3A_2204 : memref<1x512xi32, #tpu.memory_space<vmem>> -> memref<512xi32, #tpu.memory_space<vmem>>
      %dma_start3A_2206 = arith.constant 0 : i32
      %dma_start3A_2207 = tpu.memref_slice %arg2[%run_scoped3A_6, %add3A, %dma_start3A_2206] : memref<4x32x512xi32, #tpu.memory_space<hbm>> -> memref<1x1x512xi32, #tpu.memory_space<hbm>>
      %dma_start3A_2208 = tpu.memref_squeeze %dma_start3A_2207 : memref<1x1x512xi32, #tpu.memory_space<hbm>> -> memref<512xi32, #tpu.memory_space<hbm>>
      tpu.enqueue_dma source(%dma_start3A_2208 : memref<512xi32, #tpu.memory_space<hbm>>) target(%dma_start3A_2205 : memref<512xi32, #tpu.memory_space<vmem>>) target_semaphore(%run_scoped3A_2197 : memref<!tpu.dma_semaphore, #tpu.memory_space<semaphore_mem>>)
      %dma_wait3A = arith.constant 0 : i32
      %dma_wait3A_2209 = tpu.memref_slice %arg9[%run_scoped3A_7, %dma_wait3A] : memref<4x512xi32, #tpu.memory_space<vmem>> -> memref<1x512xi32, #tpu.memory_space<vmem>>
      %dma_wait3A_2210 = tpu.memref_squeeze %dma_wait3A_2209 : memref<1x512xi32, #tpu.memory_space<vmem>> -> memref<512xi32, #tpu.memory_space<vmem>>
      %dma_wait3A_2211 = arith.constant 0 : i32
      %dma_wait3A_2212 = tpu.memref_slice %arg2[%run_scoped3A_6, %add3A, %dma_wait3A_2211] : memref<4x32x512xi32, #tpu.memory_space<hbm>> -> memref<1x1x512xi32, #tpu.memory_space<hbm>>
      %dma_wait3A_2213 = tpu.memref_squeeze %dma_wait3A_2212 : memref<1x1x512xi32, #tpu.memory_space<hbm>> -> memref<512xi32, #tpu.memory_space<hbm>>
      %dma_wait3A_2214 = arith.constant 0 : i32
      %dma_wait3A_2215 = tpu.memref_slice %arg9[%run_scoped3A_7, %dma_wait3A_2214] : memref<4x512xi32, #tpu.memory_space<vmem>> -> memref<1x512xi32, #tpu.memory_space<vmem>>
      %dma_wait3A_2216 = tpu.memref_squeeze %dma_wait3A_2215 : memref<1x512xi32, #tpu.memory_space<vmem>> -> memref<512xi32, #tpu.memory_space<vmem>>
      %dma_wait3A_2217 = arith.constant 0 : i32
      %dma_wait3A_2218 = tpu.memref_slice %arg2[%run_scoped3A_6, %add3A, %dma_wait3A_2217] : memref<4x32x512xi32, #tpu.memory_space<hbm>> -> memref<1x1x512xi32, #tpu.memory_space<hbm>>
      %dma_wait3A_2219 = tpu.memref_squeeze %dma_wait3A_2218 : memref<1x1x512xi32, #tpu.memory_space<hbm>> -> memref<512xi32, #tpu.memory_space<hbm>>
      tpu.wait_dma2 semaphore(%run_scoped3A_2197 : memref<!tpu.dma_semaphore, #tpu.memory_space<semaphore_mem>>) src(%dma_wait3A_2219 : memref<512xi32, #tpu.memory_space<hbm>>) dst(%dma_wait3A_2216 : memref<512xi32, #tpu.memory_space<vmem>>)
      tpu.yield
    }) : () -> ()
    %get3A = arith.constant 0 : i32
    %get3A_8 = arith.index_cast %get3A : i32 to index
    %get3A_9 = arith.constant 0 : index
    %get3A_10 = tpu.vector_load %arg9[%get3A_8, %get3A_9] {strides = array<i32>} : memref<4x512xi32, #tpu.memory_space<vmem>>, vector<16xi32>,
    %add3A_11 = arith.constant 0 : i32
    %add3A_12 = vector.broadcast %add3A_11 : i32 to vector<16xi32>
    %add3A_13 = arith.addi %get3A_10, %add3A_12 : vector<16xi32>
    %gather3A = tpu.vector_load_idx %arg7[%add3A_13] : memref<16384xf32, #tpu.memory_space<vmem>>[vector<16xi32>], vector<16xf32>,
    %swap3A = arith.constant 0 : i32
    %swap3A_14 = arith.index_cast %swap3A : i32 to index
    %swap3A_15 = arith.constant 0 : index
    %swap3A_16 = tpu.vector_load %arg10[%swap3A_14, %swap3A_15] {strides = array<i32>} : memref<4x512xf32, #tpu.memory_space<vmem>>, vector<16xf32>,
    tpu.vector_store %arg10[%swap3A_14, %swap3A_15], %gather3A {strides = array<i32>} : memref<4x512xf32, #tpu.memory_space<vmem>>, vector<16xf32>,
    %gather3A_17 = tpu.vector_load_idx %arg8[%add3A_13] : memref<16384xf32, #tpu.memory_space<vmem>>[vector<16xi32>], vector<16xf32>,
    %swap3A_18 = arith.constant 0 : i32
    %swap3A_19 = arith.index_cast %swap3A_18 : i32 to index
    %swap3A_20 = arith.constant 0 : index
    %swap3A_21 = tpu.vector_load %arg11[%swap3A_19, %swap3A_20] {strides = array<i32>} : memref<4x512xf32, #tpu.memory_space<vmem>>, vector<16xf32>,
    tpu.vector_store %arg11[%swap3A_19, %swap3A_20], %gather3A_17 {strides = array<i32>} : memref<4x512xf32, #tpu.memory_space<vmem>>, vector<16xf32>,
    %get3A_22 = arith.constant 0 : i32
    %get3A_23 = arith.index_cast %get3A_22 : i32 to index
    %get3A_24 = arith.constant 16 : index
    %get3A_25 = tpu.vector_load %arg9[%get3A_23, %get3A_24] {strides = array<i32>} : memref<4x512xi32, #tpu.memory_space<vmem>>, vector<16xi32>,
    %add3A_26 = arith.constant 0 : i32
    %add3A_27 = vector.broadcast %add3A_26 : i32 to vector<16xi32>
    %add3A_28 = arith.addi %get3A_25, %add3A_27 : vector<16xi32>
    %gather3A_29 = tpu.vector_load_idx %arg7[%add3A_28] : memref<16384xf32, #tpu.memory_space<vmem>>[vector<16xi32>], vector<16xf32>,
    %swap3A_30 = arith.constant 0 : i32
    %swap3A_31 = arith.index_cast %swap3A_30 : i32 to index
    %swap3A_32 = arith.constant 16 : index
    %swap3A_33 = tpu.vector_load %arg10[%swap3A_31, %swap3A_32] {strides = array<i32>} : memref<4x512xf32, #tpu.memory_space<vmem>>, vector<16xf32>,
    tpu.vector_store %arg10[%swap3A_31, %swap3A_32], %gather3A_29 {strides = array<i32>} : memref<4x512xf32, #tpu.memory_space<vmem>>, vector<16xf32>,
    %gather3A_34 = tpu.vector_load_idx %arg8[%add3A_28] : memref<16384xf32, #tpu.memory_space<vmem>>[vector<16xi32>], vector<16xf32>,
    %swap3A_35 = arith.constant 0 : i32
    %swap3A_36 = arith.index_cast %swap3A_35 : i32 to index
    %swap3A_37 = arith.constant 16 : index
    %swap3A_38 = tpu.vector_load %arg11[%swap3A_36, %swap3A_37] {strides = array<i32>} : memref<4x512xf32, #tpu.memory_space<vmem>>, vector<16xf32>,
    tpu.vector_store %arg11[%swap3A_36, %swap3A_37], %gather3A_34 {strides = array<i32>} : memref<4x512xf32, #tpu.memory_space<vmem>>, vector<16xf32>,
    %get3A_39 = arith.constant 0 : i32
    %get3A_40 = arith.index_cast %get3A_39 : i32 to index
    %get3A_41 = arith.constant 32 : index
    %get3A_42 = tpu.vector_load %arg9[%get3A_40, %get3A_41] {strides = array<i32>} : memref<4x512xi32, #tpu.memory_space<vmem>>, vector<16xi32>,
    %add3A_43 = arith.constant 0 : i32
    %add3A_44 = vector.broadcast %add3A_43 : i32 to vector<16xi32>
    %add3A_45 = arith.addi %get3A_42, %add3A_44 : vector<16xi32>
    %gather3A_46 = tpu.vector_load_idx %arg7[%add3A_45] : memref<16384xf32, #tpu.memory_space<vmem>>[vector<16xi32>], vector<16xf32>,
    %swap3A_47 = arith.constant 0 : i32
    %swap3A_48 = arith.index_cast %swap3A_47 : i32 to index
    %swap3A_49 = arith.constant 32 : index
    %swap3A_50 = tpu.vector_load %arg10[%swap3A_48, %swap3A_49] {strides = array<i32>} : memref<4x512xf32, #tpu.memory_space<vmem>>, vector<16xf32>,
    tpu.vector_store %arg10[%swap3A_48, %swap3A_49], %gather3A_46 {strides = array<i32>} : memref<4x512xf32, #tpu.memory_space<vmem>>, vector<16xf32>,
    %gather3A_51 = tpu.vector_load_idx %arg8[%add3A_45] : memref<16384xf32, #tpu.memory_space<vmem>>[vector<16xi32>], vector<16xf32>,
    %swap3A_52 = arith.constant 0 : i32
    %swap3A_53 = arith.index_cast %swap3A_52 : i32 to index
    %swap3A_54 = arith.constant 32 : index
    %swap3A_55 = tpu.vector_load %arg11[%swap3A_53, %swap3A_54] {strides = array<i32>} : memref<4x512xf32, #tpu.memory_space<vmem>>, vector<16xf32>,
    tpu.vector_store %arg11[%swap3A_53, %swap3A_54], %gather3A_51 {strides = array<i32>} : memref<4x512xf32, #tpu.memory_space<vmem>>, vector<16xf32>,
    %get3A_56 = arith.constant 0 : i32
    %get3A_57 = arith.index_cast %get3A_56 : i32 to index
    %get3A_58 = arith.constant 48 : index
    %get3A_59 = tpu.vector_load %arg9[%get3A_57, %get3A_58] {strides = array<i32>} : memref<4x512xi32, #tpu.memory_space<vmem>>, vector<16xi32>,
    %add3A_60 = arith.constant 0 : i32
    %add3A_61 = vector.broadcast %add3A_60 : i32 to vector<16xi32>
    %add3A_62 = arith.addi %get3A_59, %add3A_61 : vector<16xi32>
    %gather3A_63 = tpu.vector_load_idx %arg7[%add3A_62] : memref<16384xf32, #tpu.memory_space<vmem>>[vector<16xi32>], vector<16xf32>,
    %swap3A_64 = arith.constant 0 : i32
    %swap3A_65 = arith.index_cast %swap3A_64 : i32 to index
    %swap3A_66 = arith.constant 48 : index
    %swap3A_67 = tpu.vector_load %arg10[%swap3A_65, %swap3A_66] {strides = array<i32>} : memref<4x512xf32, #tpu.memory_space<vmem>>, vector<16xf32>,
    tpu.vector_store %arg10[%swap3A_65, %swap3A_66], %gather3A_63 {strides = array<i32>} : memref<4x512xf32, #tpu.memory_space<vmem>>, vector<16xf32>,
    %gather3A_68 = tpu.vector_load_idx %arg8[%add3A_62] : memref<16384xf32, #tpu.memory_space<vmem>>[vector<16xi32>], vector<16xf32>,
    %swap3A_69 = arith.constant 0 : i32
    %swap3A_70 = arith.index_cast %swap3A_69 : i32 to index
    %swap3A_71 = arith.constant 48 : index
    %swap3A_72 = tpu.vector_load %arg11[%swap3A_70, %swap3A_71] {strides = array<i32>} : memref<4x512xf32, #tpu.memory_space<vmem>>, vector<16xf32>,
    tpu.vector_store %arg11[%swap3A_70, %swap3A_71], %gather3A_68 {strides = array<i32>} : memref<4x512xf32, #tpu.memory_space<vmem>>, vector<16xf32>,
    %get3A_73 = arith.constant 0 : i32
    %get3A_74 = arith.index_cast %get3A_73 : i32 to index
    %get3A_75 = arith.constant 64 : index
    %get3A_76 = tpu.vector_load %arg9[%get3A_74, %get3A_75] {strides = array<i32>} : memref<4x512xi32, #tpu.memory_space<vmem>>, vector<16xi32>,
    %add3A_77 = arith.constant 0 : i32
    %add3A_78 = vector.broadcast %add3A_77 : i32 to vector<16xi32>
    %add3A_79 = arith.addi %get3A_76, %add3A_78 : vector<16xi32>
    %gather3A_80 = tpu.vector_load_idx %arg7[%add3A_79] : memref<16384xf32, #tpu.memory_space<vmem>>[vector<16xi32>], vector<16xf32>,
    %swap3A_81 = arith.constant 0 : i32
    %swap3A_82 = arith.index_cast %swap3A_81 : i32 to index
    %swap3A_83 = arith.constant 64 : index
    %swap3A_84 = tpu.vector_load %arg10[%swap3A_82, %swap3A_83] {strides = array<i32>} : memref<4x512xf32, #tpu.memory_space<vmem>>, vector<16xf32>,
    tpu.vector_store %arg10[%swap3A_82, %swap3A_83], %gather3A_80 {strides = array<i32>} : memref<4x512xf32, #tpu.memory_space<vmem>>, vector<16xf32>,
    %gather3A_85 = tpu.vector_load_idx %arg8[%add3A_79] : memref<16384xf32, #tpu.memory_space<vmem>>[vector<16xi32>], vector<16xf32>,
    %swap3A_86 = arith.constant 0 : i32
    %swap3A_87 = arith.index_cast %swap3A_86 : i32 to index
    %swap3A_88 = arith.constant 64 : index
    %swap3A_89 = tpu.vector_load %arg11[%swap3A_87, %swap3A_88] {strides = array<i32>} : memref<4x512xf32, #tpu.memory_space<vmem>>, vector<16xf32>,
    tpu.vector_store %arg11[%swap3A_87, %swap3A_88], %gather3A_85 {strides = array<i32>} : memref<4x512xf32, #tpu.memory_space<vmem>>, vector<16xf32>,
    %get3A_90 = arith.constant 0 : i32
    %get3A_91 = arith.index_cast %get3A_90 : i32 to index
    %get3A_92 = arith.constant 80 : index
    %get3A_93 = tpu.vector_load %arg9[%get3A_91, %get3A_92] {strides = array<i32>} : memref<4x512xi32, #tpu.memory_space<vmem>>, vector<16xi32>,
    %add3A_94 = arith.constant 0 : i32
    %add3A_95 = vector.broadcast %add3A_94 : i32 to vector<16xi32>
    %add3A_96 = arith.addi %get3A_93, %add3A_95 : vector<16xi32>
    %gather3A_97 = tpu.vector_load_idx %arg7[%add3A_96] : memref<16384xf32, #tpu.memory_space<vmem>>[vector<16xi32>], vector<16xf32>,
    %swap3A_98 = arith.constant 0 : i32
    %swap3A_99 = arith.index_cast %swap3A_98 : i32 to index
    %swap3A_100 = arith.constant 80 : index
    %swap3A_101 = tpu.vector_load %arg10[%swap3A_99, %swap3A_100] {strides = array<i32>} : memref<4x512xf32, #tpu.memory_space<vmem>>, vector<16xf32>,
    tpu.vector_store %arg10[%swap3A_99, %swap3A_100], %gather3A_97 {strides = array<i32>} : memref<4x512xf32, #tpu.memory_space<vmem>>, vector<16xf32>,
    %gather3A_102 = tpu.vector_load_idx %arg8[%add3A_96] : memref<16384xf32, #tpu.memory_space<vmem>>[vector<16xi32>], vector<16xf32>,
    %swap3A_103 = arith.constant 0 : i32
    %swap3A_104 = arith.index_cast %swap3A_103 : i32 to index
    %swap3A_105 = arith.constant 80 : index
    %swap3A_106 = tpu.vector_load %arg11[%swap3A_104, %swap3A_105] {strides = array<i32>} : memref<4x512xf32, #tpu.memory_space<vmem>>, vector<16xf32>,
    tpu.vector_store %arg11[%swap3A_104, %swap3A_105], %gather3A_102 {strides = array<i32>} : memref<4x512xf32, #tpu.memory_space<vmem>>, vector<16xf32>,
    %get3A_107 = arith.constant 0 : i32
    %get3A_108 = arith.index_cast %get3A_107 : i32 to index
    %get3A_109 = arith.constant 96 : index
    %get3A_110 = tpu.vector_load %arg9[%get3A_108, %get3A_109] {strides = array<i32>} : memref<4x512xi32, #tpu.memory_space<vmem>>, vector<16xi32>,
    %add3A_111 = arith.constant 0 : i32
    %add3A_112 = vector.broadcast %add3A_111 : i32 to vector<16xi32>
    %add3A_113 = arith.addi %get3A_110, %add3A_112 : vector<16xi32>
    %gather3A_114 = tpu.vector_load_idx %arg7[%add3A_113] : memref<16384xf32, #tpu.memory_space<vmem>>[vector<16xi32>], vector<16xf32>,
    %swap3A_115 = arith.constant 0 : i32
    %swap3A_116 = arith.index_cast %swap3A_115 : i32 to index
    %swap3A_117 = arith.constant 96 : index
    %swap3A_118 = tpu.vector_load %arg10[%swap3A_116, %swap3A_117] {strides = array<i32>} : memref<4x512xf32, #tpu.memory_space<vmem>>, vector<16xf32>,
    tpu.vector_store %arg10[%swap3A_116, %swap3A_117], %gather3A_114 {strides = array<i32>} : memref<4x512xf32, #tpu.memory_space<vmem>>, vector<16xf32>,
    %gather3A_119 = tpu.vector_load_idx %arg8[%add3A_113] : memref<16384xf32, #tpu.memory_space<vmem>>[vector<16xi32>], vector<16xf32>,
    %swap3A_120 = arith.constant 0 : i32
    %swap3A_121 = arith.index_cast %swap3A_120 : i32 to index
    %swap3A_122 = arith.constant 96 : index
    %swap3A_123 = tpu.vector_load %arg11[%swap3A_121, %swap3A_122] {strides = array<i32>} : memref<4x512xf32, #tpu.memory_space<vmem>>, vector<16xf32>,
    tpu.vector_store %arg11[%swap3A_121, %swap3A_122], %gather3A_119 {strides = array<i32>} : memref<4x512xf32, #tpu.memory_space<vmem>>, vector<16xf32>,
    %get3A_124 = arith.constant 0 : i32
    %get3A_125 = arith.index_cast %get3A_124 : i32 to index
    %get3A_126 = arith.constant 112 : index
    %get3A_127 = tpu.vector_load %arg9[%get3A_125, %get3A_126] {strides = array<i32>} : memref<4x512xi32, #tpu.memory_space<vmem>>, vector<16xi32>,
    %add3A_128 = arith.constant 0 : i32
    %add3A_129 = vector.broadcast %add3A_128 : i32 to vector<16xi32>
    %add3A_130 = arith.addi %get3A_127, %add3A_129 : vector<16xi32>
    %gather3A_131 = tpu.vector_load_idx %arg7[%add3A_130] : memref<16384xf32, #tpu.memory_space<vmem>>[vector<16xi32>], vector<16xf32>,
    %swap3A_132 = arith.constant 0 : i32
    %swap3A_133 = arith.index_cast %swap3A_132 : i32 to index
    %swap3A_134 = arith.constant 112 : index
    %swap3A_135 = tpu.vector_load %arg10[%swap3A_133, %swap3A_134] {strides = array<i32>} : memref<4x512xf32, #tpu.memory_space<vmem>>, vector<16xf32>,
    tpu.vector_store %arg10[%swap3A_133, %swap3A_134], %gather3A_131 {strides = array<i32>} : memref<4x512xf32, #tpu.memory_space<vmem>>, vector<16xf32>,
    %gather3A_136 = tpu.vector_load_idx %arg8[%add3A_130] : memref<16384xf32, #tpu.memory_space<vmem>>[vector<16xi32>], vector<16xf32>,
    %swap3A_137 = arith.constant 0 : i32
    %swap3A_138 = arith.index_cast %swap3A_137 : i32 to index
    %swap3A_139 = arith.constant 112 : index
    %swap3A_140 = tpu.vector_load %arg11[%swap3A_138, %swap3A_139] {strides = array<i32>} : memref<4x512xf32, #tpu.memory_space<vmem>>, vector<16xf32>,
    tpu.vector_store %arg11[%swap3A_138, %swap3A_139], %gather3A_136 {strides = array<i32>} : memref<4x512xf32, #tpu.memory_space<vmem>>, vector<16xf32>,
    %get3A_141 = arith.constant 0 : i32
    %get3A_142 = arith.index_cast %get3A_141 : i32 to index
    %get3A_143 = arith.constant 128 : index
    %get3A_144 = tpu.vector_load %arg9[%get3A_142, %get3A_143] {strides = array<i32>} : memref<4x512xi32, #tpu.memory_space<vmem>>, vector<16xi32>,
    %add3A_145 = arith.constant 0 : i32
    %add3A_146 = vector.broadcast %add3A_145 : i32 to vector<16xi32>
    %add3A_147 = arith.addi %get3A_144, %add3A_146 : vector<16xi32>
    %gather3A_148 = tpu.vector_load_idx %arg7[%add3A_147] : memref<16384xf32, #tpu.memory_space<vmem>>[vector<16xi32>], vector<16xf32>,
    %swap3A_149 = arith.constant 0 : i32
    %swap3A_150 = arith.index_cast %swap3A_149 : i32 to index
    %swap3A_151 = arith.constant 128 : index
    %swap3A_152 = tpu.vector_load %arg10[%swap3A_150, %swap3A_151] {strides = array<i32>} : memref<4x512xf32, #tpu.memory_space<vmem>>, vector<16xf32>,
    tpu.vector_store %arg10[%swap3A_150, %swap3A_151], %gather3A_148 {strides = array<i32>} : memref<4x512xf32, #tpu.memory_space<vmem>>, vector<16xf32>,
    %gather3A_153 = tpu.vector_load_idx %arg8[%add3A_147] : memref<16384xf32, #tpu.memory_space<vmem>>[vector<16xi32>], vector<16xf32>,
    %swap3A_154 = arith.constant 0 : i32
    %swap3A_155 = arith.index_cast %swap3A_154 : i32 to index
    %swap3A_156 = arith.constant 128 : index
    %swap3A_157 = tpu.vector_load %arg11[%swap3A_155, %swap3A_156] {strides = array<i32>} : memref<4x512xf32, #tpu.memory_space<vmem>>, vector<16xf32>,
    tpu.vector_store %arg11[%swap3A_155, %swap3A_156], %gather3A_153 {strides = array<i32>} : memref<4x512xf32, #tpu.memory_space<vmem>>, vector<16xf32>,
    %get3A_158 = arith.constant 0 : i32
    %get3A_159 = arith.index_cast %get3A_158 : i32 to index
    %get3A_160 = arith.constant 144 : index
    %get3A_161 = tpu.vector_load %arg9[%get3A_159, %get3A_160] {strides = array<i32>} : memref<4x512xi32, #tpu.memory_space<vmem>>, vector<16xi32>,
    %add3A_162 = arith.constant 0 : i32
    %add3A_163 = vector.broadcast %add3A_162 : i32 to vector<16xi32>
    %add3A_164 = arith.addi %get3A_161, %add3A_163 : vector<16xi32>
    %gather3A_165 = tpu.vector_load_idx %arg7[%add3A_164] : memref<16384xf32, #tpu.memory_space<vmem>>[vector<16xi32>], vector<16xf32>,
    %swap3A_166 = arith.constant 0 : i32
    %swap3A_167 = arith.index_cast %swap3A_166 : i32 to index
    %swap3A_168 = arith.constant 144 : index
    %swap3A_169 = tpu.vector_load %arg10[%swap3A_167, %swap3A_168] {strides = array<i32>} : memref<4x512xf32, #tpu.memory_space<vmem>>, vector<16xf32>,
    tpu.vector_store %arg10[%swap3A_167, %swap3A_168], %gather3A_165 {strides = array<i32>} : memref<4x512xf32, #tpu.memory_space<vmem>>, vector<16xf32>,
    %gather3A_170 = tpu.vector_load_idx %arg8[%add3A_164] : memref<16384xf32, #tpu.memory_space<vmem>>[vector<16xi32>], vector<16xf32>,
    %swap3A_171 = arith.constant 0 : i32
    %swap3A_172 = arith.index_cast %swap3A_171 : i32 to index
    %swap3A_173 = arith.constant 144 : index
    %swap3A_174 = tpu.vector_load %arg11[%swap3A_172, %swap3A_173] {strides = array<i32>} : memref<4x512xf32, #tpu.memory_space<vmem>>, vector<16xf32>,
    tpu.vector_store %arg11[%swap3A_172, %swap3A_173], %gather3A_170 {strides = array<i32>} : memref<4x512xf32, #tpu.memory_space<vmem>>, vector<16xf32>,
    %get3A_175 = arith.constant 0 : i32
    %get3A_176 = arith.index_cast %get3A_175 : i32 to index
    %get3A_177 = arith.constant 160 : index
    %get3A_178 = tpu.vector_load %arg9[%get3A_176, %get3A_177] {strides = array<i32>} : memref<4x512xi32, #tpu.memory_space<vmem>>, vector<16xi32>,
    %add3A_179 = arith.constant 0 : i32
    %add3A_180 = vector.broadcast %add3A_179 : i32 to vector<16xi32>
    %add3A_181 = arith.addi %get3A_178, %add3A_180 : vector<16xi32>
    %gather3A_182 = tpu.vector_load_idx %arg7[%add3A_181] : memref<16384xf32, #tpu.memory_space<vmem>>[vector<16xi32>], vector<16xf32>,
    %swap3A_183 = arith.constant 0 : i32
    %swap3A_184 = arith.index_cast %swap3A_183 : i32 to index
    %swap3A_185 = arith.constant 160 : index
    %swap3A_186 = tpu.vector_load %arg10[%swap3A_184, %swap3A_185] {strides = array<i32>} : memref<4x512xf32, #tpu.memory_space<vmem>>, vector<16xf32>,
    tpu.vector_store %arg10[%swap3A_184, %swap3A_185], %gather3A_182 {strides = array<i32>} : memref<4x512xf32, #tpu.memory_space<vmem>>, vector<16xf32>,
    %gather3A_187 = tpu.vector_load_idx %arg8[%add3A_181] : memref<16384xf32, #tpu.memory_space<vmem>>[vector<16xi32>], vector<16xf32>,
    %swap3A_188 = arith.constant 0 : i32
    %swap3A_189 = arith.index_cast %swap3A_188 : i32 to index
    %swap3A_190 = arith.constant 160 : index
    %swap3A_191 = tpu.vector_load %arg11[%swap3A_189, %swap3A_190] {strides = array<i32>} : memref<4x512xf32, #tpu.memory_space<vmem>>, vector<16xf32>,
    tpu.vector_store %arg11[%swap3A_189, %swap3A_190], %gather3A_187 {strides = array<i32>} : memref<4x512xf32, #tpu.memory_space<vmem>>, vector<16xf32>,
    %get3A_192 = arith.constant 0 : i32
    %get3A_193 = arith.index_cast %get3A_192 : i32 to index
    %get3A_194 = arith.constant 176 : index
    %get3A_195 = tpu.vector_load %arg9[%get3A_193, %get3A_194] {strides = array<i32>} : memref<4x512xi32, #tpu.memory_space<vmem>>, vector<16xi32>,
    %add3A_196 = arith.constant 0 : i32
    %add3A_197 = vector.broadcast %add3A_196 : i32 to vector<16xi32>
    %add3A_198 = arith.addi %get3A_195, %add3A_197 : vector<16xi32>
    %gather3A_199 = tpu.vector_load_idx %arg7[%add3A_198] : memref<16384xf32, #tpu.memory_space<vmem>>[vector<16xi32>], vector<16xf32>,
    %swap3A_200 = arith.constant 0 : i32
    %swap3A_201 = arith.index_cast %swap3A_200 : i32 to index
    %swap3A_202 = arith.constant 176 : index
    %swap3A_203 = tpu.vector_load %arg10[%swap3A_201, %swap3A_202] {strides = array<i32>} : memref<4x512xf32, #tpu.memory_space<vmem>>, vector<16xf32>,
    tpu.vector_store %arg10[%swap3A_201, %swap3A_202], %gather3A_199 {strides = array<i32>} : memref<4x512xf32, #tpu.memory_space<vmem>>, vector<16xf32>,
    %gather3A_204 = tpu.vector_load_idx %arg8[%add3A_198] : memref<16384xf32, #tpu.memory_space<vmem>>[vector<16xi32>], vector<16xf32>,
    %swap3A_205 = arith.constant 0 : i32
    %swap3A_206 = arith.index_cast %swap3A_205 : i32 to index
    %swap3A_207 = arith.constant 176 : index
    %swap3A_208 = tpu.vector_load %arg11[%swap3A_206, %swap3A_207] {strides = array<i32>} : memref<4x512xf32, #tpu.memory_space<vmem>>, vector<16xf32>,
    tpu.vector_store %arg11[%swap3A_206, %swap3A_207], %gather3A_204 {strides = array<i32>} : memref<4x512xf32, #tpu.memory_space<vmem>>, vector<16xf32>,
    %get3A_209 = arith.constant 0 : i32
    %get3A_210 = arith.index_cast %get3A_209 : i32 to index
    %get3A_211 = arith.constant 192 : index
    %get3A_212 = tpu.vector_load %arg9[%get3A_210, %get3A_211] {strides = array<i32>} : memref<4x512xi32, #tpu.memory_space<vmem>>, vector<16xi32>,
    %add3A_213 = arith.constant 0 : i32
    %add3A_214 = vector.broadcast %add3A_213 : i32 to vector<16xi32>
    %add3A_215 = arith.addi %get3A_212, %add3A_214 : vector<16xi32>
    %gather3A_216 = tpu.vector_load_idx %arg7[%add3A_215] : memref<16384xf32, #tpu.memory_space<vmem>>[vector<16xi32>], vector<16xf32>,
    %swap3A_217 = arith.constant 0 : i32
    %swap3A_218 = arith.index_cast %swap3A_217 : i32 to index
    %swap3A_219 = arith.constant 192 : index
    %swap3A_220 = tpu.vector_load %arg10[%swap3A_218, %swap3A_219] {strides = array<i32>} : memref<4x512xf32, #tpu.memory_space<vmem>>, vector<16xf32>,
    tpu.vector_store %arg10[%swap3A_218, %swap3A_219], %gather3A_216 {strides = array<i32>} : memref<4x512xf32, #tpu.memory_space<vmem>>, vector<16xf32>,
    %gather3A_221 = tpu.vector_load_idx %arg8[%add3A_215] : memref<16384xf32, #tpu.memory_space<vmem>>[vector<16xi32>], vector<16xf32>,
    %swap3A_222 = arith.constant 0 : i32
    %swap3A_223 = arith.index_cast %swap3A_222 : i32 to index
    %swap3A_224 = arith.constant 192 : index
    %swap3A_225 = tpu.vector_load %arg11[%swap3A_223, %swap3A_224] {strides = array<i32>} : memref<4x512xf32, #tpu.memory_space<vmem>>, vector<16xf32>,
    tpu.vector_store %arg11[%swap3A_223, %swap3A_224], %gather3A_221 {strides = array<i32>} : memref<4x512xf32, #tpu.memory_space<vmem>>, vector<16xf32>,
    %get3A_226 = arith.constant 0 : i32
    %get3A_227 = arith.index_cast %get3A_226 : i32 to index
    %get3A_228 = arith.constant 208 : index
    %get3A_229 = tpu.vector_load %arg9[%get3A_227, %get3A_228] {strides = array<i32>} : memref<4x512xi32, #tpu.memory_space<vmem>>, vector<16xi32>,
    %add3A_230 = arith.constant 0 : i32
    %add3A_231 = vector.broadcast %add3A_230 : i32 to vector<16xi32>
    %add3A_232 = arith.addi %get3A_229, %add3A_231 : vector<16xi32>
    %gather3A_233 = tpu.vector_load_idx %arg7[%add3A_232] : memref<16384xf32, #tpu.memory_space<vmem>>[vector<16xi32>], vector<16xf32>,
    %swap3A_234 = arith.constant 0 : i32
    %swap3A_235 = arith.index_cast %swap3A_234 : i32 to index
    %swap3A_236 = arith.constant 208 : index
    %swap3A_237 = tpu.vector_load %arg10[%swap3A_235, %swap3A_236] {strides = array<i32>} : memref<4x512xf32, #tpu.memory_space<vmem>>, vector<16xf32>,
    tpu.vector_store %arg10[%swap3A_235, %swap3A_236], %gather3A_233 {strides = array<i32>} : memref<4x512xf32, #tpu.memory_space<vmem>>, vector<16xf32>,
    %gather3A_238 = tpu.vector_load_idx %arg8[%add3A_232] : memref<16384xf32, #tpu.memory_space<vmem>>[vector<16xi32>], vector<16xf32>,
    %swap3A_239 = arith.constant 0 : i32
    %swap3A_240 = arith.index_cast %swap3A_239 : i32 to index
    %swap3A_241 = arith.constant 208 : index
    %swap3A_242 = tpu.vector_load %arg11[%swap3A_240, %swap3A_241] {strides = array<i32>} : memref<4x512xf32, #tpu.memory_space<vmem>>, vector<16xf32>,
    tpu.vector_store %arg11[%swap3A_240, %swap3A_241], %gather3A_238 {strides = array<i32>} : memref<4x512xf32, #tpu.memory_space<vmem>>, vector<16xf32>,
    %get3A_243 = arith.constant 0 : i32
    %get3A_244 = arith.index_cast %get3A_243 : i32 to index
    %get3A_245 = arith.constant 224 : index
    %get3A_246 = tpu.vector_load %arg9[%get3A_244, %get3A_245] {strides = array<i32>} : memref<4x512xi32, #tpu.memory_space<vmem>>, vector<16xi32>,
    %add3A_247 = arith.constant 0 : i32
    %add3A_248 = vector.broadcast %add3A_247 : i32 to vector<16xi32>
    %add3A_249 = arith.addi %get3A_246, %add3A_248 : vector<16xi32>
    %gather3A_250 = tpu.vector_load_idx %arg7[%add3A_249] : memref<16384xf32, #tpu.memory_space<vmem>>[vector<16xi32>], vector<16xf32>,
    %swap3A_251 = arith.constant 0 : i32
    %swap3A_252 = arith.index_cast %swap3A_251 : i32 to index
    %swap3A_253 = arith.constant 224 : index
    %swap3A_254 = tpu.vector_load %arg10[%swap3A_252, %swap3A_253] {strides = array<i32>} : memref<4x512xf32, #tpu.memory_space<vmem>>, vector<16xf32>,
    tpu.vector_store %arg10[%swap3A_252, %swap3A_253], %gather3A_250 {strides = array<i32>} : memref<4x512xf32, #tpu.memory_space<vmem>>, vector<16xf32>,
    %gather3A_255 = tpu.vector_load_idx %arg8[%add3A_249] : memref<16384xf32, #tpu.memory_space<vmem>>[vector<16xi32>], vector<16xf32>,
    %swap3A_256 = arith.constant 0 : i32
    %swap3A_257 = arith.index_cast %swap3A_256 : i32 to index
    %swap3A_258 = arith.constant 224 : index
    %swap3A_259 = tpu.vector_load %arg11[%swap3A_257, %swap3A_258] {strides = array<i32>} : memref<4x512xf32, #tpu.memory_space<vmem>>, vector<16xf32>,
    tpu.vector_store %arg11[%swap3A_257, %swap3A_258], %gather3A_255 {strides = array<i32>} : memref<4x512xf32, #tpu.memory_space<vmem>>, vector<16xf32>,
    %get3A_260 = arith.constant 0 : i32
    %get3A_261 = arith.index_cast %get3A_260 : i32 to index
    %get3A_262 = arith.constant 240 : index
    %get3A_263 = tpu.vector_load %arg9[%get3A_261, %get3A_262] {strides = array<i32>} : memref<4x512xi32, #tpu.memory_space<vmem>>, vector<16xi32>,
    %add3A_264 = arith.constant 0 : i32
    %add3A_265 = vector.broadcast %add3A_264 : i32 to vector<16xi32>
    %add3A_266 = arith.addi %get3A_263, %add3A_265 : vector<16xi32>
    %gather3A_267 = tpu.vector_load_idx %arg7[%add3A_266] : memref<16384xf32, #tpu.memory_space<vmem>>[vector<16xi32>], vector<16xf32>,
    %swap3A_268 = arith.constant 0 : i32
    %swap3A_269 = arith.index_cast %swap3A_268 : i32 to index
    %swap3A_270 = arith.constant 240 : index
    %swap3A_271 = tpu.vector_load %arg10[%swap3A_269, %swap3A_270] {strides = array<i32>} : memref<4x512xf32, #tpu.memory_space<vmem>>, vector<16xf32>,
    tpu.vector_store %arg10[%swap3A_269, %swap3A_270], %gather3A_267 {strides = array<i32>} : memref<4x512xf32, #tpu.memory_space<vmem>>, vector<16xf32>,
    %gather3A_272 = tpu.vector_load_idx %arg8[%add3A_266] : memref<16384xf32, #tpu.memory_space<vmem>>[vector<16xi32>], vector<16xf32>,
    %swap3A_273 = arith.constant 0 : i32
    %swap3A_274 = arith.index_cast %swap3A_273 : i32 to index
    %swap3A_275 = arith.constant 240 : index
    %swap3A_276 = tpu.vector_load %arg11[%swap3A_274, %swap3A_275] {strides = array<i32>} : memref<4x512xf32, #tpu.memory_space<vmem>>, vector<16xf32>,
    tpu.vector_store %arg11[%swap3A_274, %swap3A_275], %gather3A_272 {strides = array<i32>} : memref<4x512xf32, #tpu.memory_space<vmem>>, vector<16xf32>,
    %get3A_277 = arith.constant 0 : i32
    %get3A_278 = arith.index_cast %get3A_277 : i32 to index
    %get3A_279 = arith.constant 256 : index
    %get3A_280 = tpu.vector_load %arg9[%get3A_278, %get3A_279] {strides = array<i32>} : memref<4x512xi32, #tpu.memory_space<vmem>>, vector<16xi32>,
    %add3A_281 = arith.constant 0 : i32
    %add3A_282 = vector.broadcast %add3A_281 : i32 to vector<16xi32>
    %add3A_283 = arith.addi %get3A_280, %add3A_282 : vector<16xi32>
    %gather3A_284 = tpu.vector_load_idx %arg7[%add3A_283] : memref<16384xf32, #tpu.memory_space<vmem>>[vector<16xi32>], vector<16xf32>,
    %swap3A_285 = arith.constant 0 : i32
    %swap3A_286 = arith.index_cast %swap3A_285 : i32 to index
    %swap3A_287 = arith.constant 256 : index
    %swap3A_288 = tpu.vector_load %arg10[%swap3A_286, %swap3A_287] {strides = array<i32>} : memref<4x512xf32, #tpu.memory_space<vmem>>, vector<16xf32>,
    tpu.vector_store %arg10[%swap3A_286, %swap3A_287], %gather3A_284 {strides = array<i32>} : memref<4x512xf32, #tpu.memory_space<vmem>>, vector<16xf32>,
    %gather3A_289 = tpu.vector_load_idx %arg8[%add3A_283] : memref<16384xf32, #tpu.memory_space<vmem>>[vector<16xi32>], vector<16xf32>,
    %swap3A_290 = arith.constant 0 : i32
    %swap3A_291 = arith.index_cast %swap3A_290 : i32 to index
    %swap3A_292 = arith.constant 256 : index
    %swap3A_293 = tpu.vector_load %arg11[%swap3A_291, %swap3A_292] {strides = array<i32>} : memref<4x512xf32, #tpu.memory_space<vmem>>, vector<16xf32>,
    tpu.vector_store %arg11[%swap3A_291, %swap3A_292], %gather3A_289 {strides = array<i32>} : memref<4x512xf32, #tpu.memory_space<vmem>>, vector<16xf32>,
    %get3A_294 = arith.constant 0 : i32
    %get3A_295 = arith.index_cast %get3A_294 : i32 to index
    %get3A_296 = arith.constant 272 : index
    %get3A_297 = tpu.vector_load %arg9[%get3A_295, %get3A_296] {strides = array<i32>} : memref<4x512xi32, #tpu.memory_space<vmem>>, vector<16xi32>,
    %add3A_298 = arith.constant 0 : i32
    %add3A_299 = vector.broadcast %add3A_298 : i32 to vector<16xi32>
    %add3A_300 = arith.addi %get3A_297, %add3A_299 : vector<16xi32>
    %gather3A_301 = tpu.vector_load_idx %arg7[%add3A_300] : memref<16384xf32, #tpu.memory_space<vmem>>[vector<16xi32>], vector<16xf32>,
    %swap3A_302 = arith.constant 0 : i32
    %swap3A_303 = arith.index_cast %swap3A_302 : i32 to index
    %swap3A_304 = arith.constant 272 : index
    %swap3A_305 = tpu.vector_load %arg10[%swap3A_303, %swap3A_304] {strides = array<i32>} : memref<4x512xf32, #tpu.memory_space<vmem>>, vector<16xf32>,
    tpu.vector_store %arg10[%swap3A_303, %swap3A_304], %gather3A_301 {strides = array<i32>} : memref<4x512xf32, #tpu.memory_space<vmem>>, vector<16xf32>,
    %gather3A_306 = tpu.vector_load_idx %arg8[%add3A_300] : memref<16384xf32, #tpu.memory_space<vmem>>[vector<16xi32>], vector<16xf32>,
    %swap3A_307 = arith.constant 0 : i32
    %swap3A_308 = arith.index_cast %swap3A_307 : i32 to index
    %swap3A_309 = arith.constant 272 : index
    %swap3A_310 = tpu.vector_load %arg11[%swap3A_308, %swap3A_309] {strides = array<i32>} : memref<4x512xf32, #tpu.memory_space<vmem>>, vector<16xf32>,
    tpu.vector_store %arg11[%swap3A_308, %swap3A_309], %gather3A_306 {strides = array<i32>} : memref<4x512xf32, #tpu.memory_space<vmem>>, vector<16xf32>,
    %get3A_311 = arith.constant 0 : i32
    %get3A_312 = arith.index_cast %get3A_311 : i32 to index
    %get3A_313 = arith.constant 288 : index
    %get3A_314 = tpu.vector_load %arg9[%get3A_312, %get3A_313] {strides = array<i32>} : memref<4x512xi32, #tpu.memory_space<vmem>>, vector<16xi32>,
    %add3A_315 = arith.constant 0 : i32
    %add3A_316 = vector.broadcast %add3A_315 : i32 to vector<16xi32>
    %add3A_317 = arith.addi %get3A_314, %add3A_316 : vector<16xi32>
    %gather3A_318 = tpu.vector_load_idx %arg7[%add3A_317] : memref<16384xf32, #tpu.memory_space<vmem>>[vector<16xi32>], vector<16xf32>,
    %swap3A_319 = arith.constant 0 : i32
    %swap3A_320 = arith.index_cast %swap3A_319 : i32 to index
    %swap3A_321 = arith.constant 288 : index
    %swap3A_322 = tpu.vector_load %arg10[%swap3A_320, %swap3A_321] {strides = array<i32>} : memref<4x512xf32, #tpu.memory_space<vmem>>, vector<16xf32>,
    tpu.vector_store %arg10[%swap3A_320, %swap3A_321], %gather3A_318 {strides = array<i32>} : memref<4x512xf32, #tpu.memory_space<vmem>>, vector<16xf32>,
    %gather3A_323 = tpu.vector_load_idx %arg8[%add3A_317] : memref<16384xf32, #tpu.memory_space<vmem>>[vector<16xi32>], vector<16xf32>,
    %swap3A_324 = arith.constant 0 : i32
    %swap3A_325 = arith.index_cast %swap3A_324 : i32 to index
    %swap3A_326 = arith.constant 288 : index
    %swap3A_327 = tpu.vector_load %arg11[%swap3A_325, %swap3A_326] {strides = array<i32>} : memref<4x512xf32, #tpu.memory_space<vmem>>, vector<16xf32>,
    tpu.vector_store %arg11[%swap3A_325, %swap3A_326], %gather3A_323 {strides = array<i32>} : memref<4x512xf32, #tpu.memory_space<vmem>>, vector<16xf32>,
    %get3A_328 = arith.constant 0 : i32
    %get3A_329 = arith.index_cast %get3A_328 : i32 to index
    %get3A_330 = arith.constant 304 : index
    %get3A_331 = tpu.vector_load %arg9[%get3A_329, %get3A_330] {strides = array<i32>} : memref<4x512xi32, #tpu.memory_space<vmem>>, vector<16xi32>,
    %add3A_332 = arith.constant 0 : i32
    %add3A_333 = vector.broadcast %add3A_332 : i32 to vector<16xi32>
    %add3A_334 = arith.addi %get3A_331, %add3A_333 : vector<16xi32>
    %gather3A_335 = tpu.vector_load_idx %arg7[%add3A_334] : memref<16384xf32, #tpu.memory_space<vmem>>[vector<16xi32>], vector<16xf32>,
    %swap3A_336 = arith.constant 0 : i32
    %swap3A_337 = arith.index_cast %swap3A_336 : i32 to index
    %swap3A_338 = arith.constant 304 : index
    %swap3A_339 = tpu.vector_load %arg10[%swap3A_337, %swap3A_338] {strides = array<i32>} : memref<4x512xf32, #tpu.memory_space<vmem>>, vector<16xf32>,
    tpu.vector_store %arg10[%swap3A_337, %swap3A_338], %gather3A_335 {strides = array<i32>} : memref<4x512xf32, #tpu.memory_space<vmem>>, vector<16xf32>,
    %gather3A_340 = tpu.vector_load_idx %arg8[%add3A_334] : memref<16384xf32, #tpu.memory_space<vmem>>[vector<16xi32>], vector<16xf32>,
    %swap3A_341 = arith.constant 0 : i32
    %swap3A_342 = arith.index_cast %swap3A_341 : i32 to index
    %swap3A_343 = arith.constant 304 : index
    %swap3A_344 = tpu.vector_load %arg11[%swap3A_342, %swap3A_343] {strides = array<i32>} : memref<4x512xf32, #tpu.memory_space<vmem>>, vector<16xf32>,
    tpu.vector_store %arg11[%swap3A_342, %swap3A_343], %gather3A_340 {strides = array<i32>} : memref<4x512xf32, #tpu.memory_space<vmem>>, vector<16xf32>,
    %get3A_345 = arith.constant 0 : i32
    %get3A_346 = arith.index_cast %get3A_345 : i32 to index
    %get3A_347 = arith.constant 320 : index
    %get3A_348 = tpu.vector_load %arg9[%get3A_346, %get3A_347] {strides = array<i32>} : memref<4x512xi32, #tpu.memory_space<vmem>>, vector<16xi32>,
    %add3A_349 = arith.constant 0 : i32
    %add3A_350 = vector.broadcast %add3A_349 : i32 to vector<16xi32>
    %add3A_351 = arith.addi %get3A_348, %add3A_350 : vector<16xi32>
    %gather3A_352 = tpu.vector_load_idx %arg7[%add3A_351] : memref<16384xf32, #tpu.memory_space<vmem>>[vector<16xi32>], vector<16xf32>,
    %swap3A_353 = arith.constant 0 : i32
    %swap3A_354 = arith.index_cast %swap3A_353 : i32 to index
    %swap3A_355 = arith.constant 320 : index
    %swap3A_356 = tpu.vector_load %arg10[%swap3A_354, %swap3A_355] {strides = array<i32>} : memref<4x512xf32, #tpu.memory_space<vmem>>, vector<16xf32>,
    tpu.vector_store %arg10[%swap3A_354, %swap3A_355], %gather3A_352 {strides = array<i32>} : memref<4x512xf32, #tpu.memory_space<vmem>>, vector<16xf32>,
    %gather3A_357 = tpu.vector_load_idx %arg8[%add3A_351] : memref<16384xf32, #tpu.memory_space<vmem>>[vector<16xi32>], vector<16xf32>,
    %swap3A_358 = arith.constant 0 : i32
    %swap3A_359 = arith.index_cast %swap3A_358 : i32 to index
    %swap3A_360 = arith.constant 320 : index
    %swap3A_361 = tpu.vector_load %arg11[%swap3A_359, %swap3A_360] {strides = array<i32>} : memref<4x512xf32, #tpu.memory_space<vmem>>, vector<16xf32>,
    tpu.vector_store %arg11[%swap3A_359, %swap3A_360], %gather3A_357 {strides = array<i32>} : memref<4x512xf32, #tpu.memory_space<vmem>>, vector<16xf32>,
    %get3A_362 = arith.constant 0 : i32
    %get3A_363 = arith.index_cast %get3A_362 : i32 to index
    %get3A_364 = arith.constant 336 : index
    %get3A_365 = tpu.vector_load %arg9[%get3A_363, %get3A_364] {strides = array<i32>} : memref<4x512xi32, #tpu.memory_space<vmem>>, vector<16xi32>,
    %add3A_366 = arith.constant 0 : i32
    %add3A_367 = vector.broadcast %add3A_366 : i32 to vector<16xi32>
    %add3A_368 = arith.addi %get3A_365, %add3A_367 : vector<16xi32>
    %gather3A_369 = tpu.vector_load_idx %arg7[%add3A_368] : memref<16384xf32, #tpu.memory_space<vmem>>[vector<16xi32>], vector<16xf32>,
    %swap3A_370 = arith.constant 0 : i32
    %swap3A_371 = arith.index_cast %swap3A_370 : i32 to index
    %swap3A_372 = arith.constant 336 : index
    %swap3A_373 = tpu.vector_load %arg10[%swap3A_371, %swap3A_372] {strides = array<i32>} : memref<4x512xf32, #tpu.memory_space<vmem>>, vector<16xf32>,
    tpu.vector_store %arg10[%swap3A_371, %swap3A_372], %gather3A_369 {strides = array<i32>} : memref<4x512xf32, #tpu.memory_space<vmem>>, vector<16xf32>,
    %gather3A_374 = tpu.vector_load_idx %arg8[%add3A_368] : memref<16384xf32, #tpu.memory_space<vmem>>[vector<16xi32>], vector<16xf32>,
    %swap3A_375 = arith.constant 0 : i32
    %swap3A_376 = arith.index_cast %swap3A_375 : i32 to index
    %swap3A_377 = arith.constant 336 : index
    %swap3A_378 = tpu.vector_load %arg11[%swap3A_376, %swap3A_377] {strides = array<i32>} : memref<4x512xf32, #tpu.memory_space<vmem>>, vector<16xf32>,
    tpu.vector_store %arg11[%swap3A_376, %swap3A_377], %gather3A_374 {strides = array<i32>} : memref<4x512xf32, #tpu.memory_space<vmem>>, vector<16xf32>,
    %get3A_379 = arith.constant 0 : i32
    %get3A_380 = arith.index_cast %get3A_379 : i32 to index
    %get3A_381 = arith.constant 352 : index
    %get3A_382 = tpu.vector_load %arg9[%get3A_380, %get3A_381] {strides = array<i32>} : memref<4x512xi32, #tpu.memory_space<vmem>>, vector<16xi32>,
    %add3A_383 = arith.constant 0 : i32
    %add3A_384 = vector.broadcast %add3A_383 : i32 to vector<16xi32>
    %add3A_385 = arith.addi %get3A_382, %add3A_384 : vector<16xi32>
    %gather3A_386 = tpu.vector_load_idx %arg7[%add3A_385] : memref<16384xf32, #tpu.memory_space<vmem>>[vector<16xi32>], vector<16xf32>,
    %swap3A_387 = arith.constant 0 : i32
    %swap3A_388 = arith.index_cast %swap3A_387 : i32 to index
    %swap3A_389 = arith.constant 352 : index
    %swap3A_390 = tpu.vector_load %arg10[%swap3A_388, %swap3A_389] {strides = array<i32>} : memref<4x512xf32, #tpu.memory_space<vmem>>, vector<16xf32>,
    tpu.vector_store %arg10[%swap3A_388, %swap3A_389], %gather3A_386 {strides = array<i32>} : memref<4x512xf32, #tpu.memory_space<vmem>>, vector<16xf32>,
    %gather3A_391 = tpu.vector_load_idx %arg8[%add3A_385] : memref<16384xf32, #tpu.memory_space<vmem>>[vector<16xi32>], vector<16xf32>,
    %swap3A_392 = arith.constant 0 : i32
    %swap3A_393 = arith.index_cast %swap3A_392 : i32 to index
    %swap3A_394 = arith.constant 352 : index
    %swap3A_395 = tpu.vector_load %arg11[%swap3A_393, %swap3A_394] {strides = array<i32>} : memref<4x512xf32, #tpu.memory_space<vmem>>, vector<16xf32>,
    tpu.vector_store %arg11[%swap3A_393, %swap3A_394], %gather3A_391 {strides = array<i32>} : memref<4x512xf32, #tpu.memory_space<vmem>>, vector<16xf32>,
    %get3A_396 = arith.constant 0 : i32
    %get3A_397 = arith.index_cast %get3A_396 : i32 to index
    %get3A_398 = arith.constant 368 : index
    %get3A_399 = tpu.vector_load %arg9[%get3A_397, %get3A_398] {strides = array<i32>} : memref<4x512xi32, #tpu.memory_space<vmem>>, vector<16xi32>,
    %add3A_400 = arith.constant 0 : i32
    %add3A_401 = vector.broadcast %add3A_400 : i32 to vector<16xi32>
    %add3A_402 = arith.addi %get3A_399, %add3A_401 : vector<16xi32>
    %gather3A_403 = tpu.vector_load_idx %arg7[%add3A_402] : memref<16384xf32, #tpu.memory_space<vmem>>[vector<16xi32>], vector<16xf32>,
    %swap3A_404 = arith.constant 0 : i32
    %swap3A_405 = arith.index_cast %swap3A_404 : i32 to index
    %swap3A_406 = arith.constant 368 : index
    %swap3A_407 = tpu.vector_load %arg10[%swap3A_405, %swap3A_406] {strides = array<i32>} : memref<4x512xf32, #tpu.memory_space<vmem>>, vector<16xf32>,
    tpu.vector_store %arg10[%swap3A_405, %swap3A_406], %gather3A_403 {strides = array<i32>} : memref<4x512xf32, #tpu.memory_space<vmem>>, vector<16xf32>,
    %gather3A_408 = tpu.vector_load_idx %arg8[%add3A_402] : memref<16384xf32, #tpu.memory_space<vmem>>[vector<16xi32>], vector<16xf32>,
    %swap3A_409 = arith.constant 0 : i32
    %swap3A_410 = arith.index_cast %swap3A_409 : i32 to index
    %swap3A_411 = arith.constant 368 : index
    %swap3A_412 = tpu.vector_load %arg11[%swap3A_410, %swap3A_411] {strides = array<i32>} : memref<4x512xf32, #tpu.memory_space<vmem>>, vector<16xf32>,
    tpu.vector_store %arg11[%swap3A_410, %swap3A_411], %gather3A_408 {strides = array<i32>} : memref<4x512xf32, #tpu.memory_space<vmem>>, vector<16xf32>,
    %get3A_413 = arith.constant 0 : i32
    %get3A_414 = arith.index_cast %get3A_413 : i32 to index
    %get3A_415 = arith.constant 384 : index
    %get3A_416 = tpu.vector_load %arg9[%get3A_414, %get3A_415] {strides = array<i32>} : memref<4x512xi32, #tpu.memory_space<vmem>>, vector<16xi32>,
    %add3A_417 = arith.constant 0 : i32
    %add3A_418 = vector.broadcast %add3A_417 : i32 to vector<16xi32>
    %add3A_419 = arith.addi %get3A_416, %add3A_418 : vector<16xi32>
    %gather3A_420 = tpu.vector_load_idx %arg7[%add3A_419] : memref<16384xf32, #tpu.memory_space<vmem>>[vector<16xi32>], vector<16xf32>,
    %swap3A_421 = arith.constant 0 : i32
    %swap3A_422 = arith.index_cast %swap3A_421 : i32 to index
    %swap3A_423 = arith.constant 384 : index
    %swap3A_424 = tpu.vector_load %arg10[%swap3A_422, %swap3A_423] {strides = array<i32>} : memref<4x512xf32, #tpu.memory_space<vmem>>, vector<16xf32>,
    tpu.vector_store %arg10[%swap3A_422, %swap3A_423], %gather3A_420 {strides = array<i32>} : memref<4x512xf32, #tpu.memory_space<vmem>>, vector<16xf32>,
    %gather3A_425 = tpu.vector_load_idx %arg8[%add3A_419] : memref<16384xf32, #tpu.memory_space<vmem>>[vector<16xi32>], vector<16xf32>,
    %swap3A_426 = arith.constant 0 : i32
    %swap3A_427 = arith.index_cast %swap3A_426 : i32 to index
    %swap3A_428 = arith.constant 384 : index
    %swap3A_429 = tpu.vector_load %arg11[%swap3A_427, %swap3A_428] {strides = array<i32>} : memref<4x512xf32, #tpu.memory_space<vmem>>, vector<16xf32>,
    tpu.vector_store %arg11[%swap3A_427, %swap3A_428], %gather3A_425 {strides = array<i32>} : memref<4x512xf32, #tpu.memory_space<vmem>>, vector<16xf32>,
    %get3A_430 = arith.constant 0 : i32
    %get3A_431 = arith.index_cast %get3A_430 : i32 to index
    %get3A_432 = arith.constant 400 : index
    %get3A_433 = tpu.vector_load %arg9[%get3A_431, %get3A_432] {strides = array<i32>} : memref<4x512xi32, #tpu.memory_space<vmem>>, vector<16xi32>,
    %add3A_434 = arith.constant 0 : i32
    %add3A_435 = vector.broadcast %add3A_434 : i32 to vector<16xi32>
    %add3A_436 = arith.addi %get3A_433, %add3A_435 : vector<16xi32>
    %gather3A_437 = tpu.vector_load_idx %arg7[%add3A_436] : memref<16384xf32, #tpu.memory_space<vmem>>[vector<16xi32>], vector<16xf32>,
    %swap3A_438 = arith.constant 0 : i32
    %swap3A_439 = arith.index_cast %swap3A_438 : i32 to index
    %swap3A_440 = arith.constant 400 : index
    %swap3A_441 = tpu.vector_load %arg10[%swap3A_439, %swap3A_440] {strides = array<i32>} : memref<4x512xf32, #tpu.memory_space<vmem>>, vector<16xf32>,
    tpu.vector_store %arg10[%swap3A_439, %swap3A_440], %gather3A_437 {strides = array<i32>} : memref<4x512xf32, #tpu.memory_space<vmem>>, vector<16xf32>,
    %gather3A_442 = tpu.vector_load_idx %arg8[%add3A_436] : memref<16384xf32, #tpu.memory_space<vmem>>[vector<16xi32>], vector<16xf32>,
    %swap3A_443 = arith.constant 0 : i32
    %swap3A_444 = arith.index_cast %swap3A_443 : i32 to index
    %swap3A_445 = arith.constant 400 : index
    %swap3A_446 = tpu.vector_load %arg11[%swap3A_444, %swap3A_445] {strides = array<i32>} : memref<4x512xf32, #tpu.memory_space<vmem>>, vector<16xf32>,
    tpu.vector_store %arg11[%swap3A_444, %swap3A_445], %gather3A_442 {strides = array<i32>} : memref<4x512xf32, #tpu.memory_space<vmem>>, vector<16xf32>,
    %get3A_447 = arith.constant 0 : i32
    %get3A_448 = arith.index_cast %get3A_447 : i32 to index
    %get3A_449 = arith.constant 416 : index
    %get3A_450 = tpu.vector_load %arg9[%get3A_448, %get3A_449] {strides = array<i32>} : memref<4x512xi32, #tpu.memory_space<vmem>>, vector<16xi32>,
    %add3A_451 = arith.constant 0 : i32
    %add3A_452 = vector.broadcast %add3A_451 : i32 to vector<16xi32>
    %add3A_453 = arith.addi %get3A_450, %add3A_452 : vector<16xi32>
    %gather3A_454 = tpu.vector_load_idx %arg7[%add3A_453] : memref<16384xf32, #tpu.memory_space<vmem>>[vector<16xi32>], vector<16xf32>,
    %swap3A_455 = arith.constant 0 : i32
    %swap3A_456 = arith.index_cast %swap3A_455 : i32 to index
    %swap3A_457 = arith.constant 416 : index
    %swap3A_458 = tpu.vector_load %arg10[%swap3A_456, %swap3A_457] {strides = array<i32>} : memref<4x512xf32, #tpu.memory_space<vmem>>, vector<16xf32>,
    tpu.vector_store %arg10[%swap3A_456, %swap3A_457], %gather3A_454 {strides = array<i32>} : memref<4x512xf32, #tpu.memory_space<vmem>>, vector<16xf32>,
    %gather3A_459 = tpu.vector_load_idx %arg8[%add3A_453] : memref<16384xf32, #tpu.memory_space<vmem>>[vector<16xi32>], vector<16xf32>,
    %swap3A_460 = arith.constant 0 : i32
    %swap3A_461 = arith.index_cast %swap3A_460 : i32 to index
    %swap3A_462 = arith.constant 416 : index
    %swap3A_463 = tpu.vector_load %arg11[%swap3A_461, %swap3A_462] {strides = array<i32>} : memref<4x512xf32, #tpu.memory_space<vmem>>, vector<16xf32>,
    tpu.vector_store %arg11[%swap3A_461, %swap3A_462], %gather3A_459 {strides = array<i32>} : memref<4x512xf32, #tpu.memory_space<vmem>>, vector<16xf32>,
    %get3A_464 = arith.constant 0 : i32
    %get3A_465 = arith.index_cast %get3A_464 : i32 to index
    %get3A_466 = arith.constant 432 : index
    %get3A_467 = tpu.vector_load %arg9[%get3A_465, %get3A_466] {strides = array<i32>} : memref<4x512xi32, #tpu.memory_space<vmem>>, vector<16xi32>,
    %add3A_468 = arith.constant 0 : i32
    %add3A_469 = vector.broadcast %add3A_468 : i32 to vector<16xi32>
    %add3A_470 = arith.addi %get3A_467, %add3A_469 : vector<16xi32>
    %gather3A_471 = tpu.vector_load_idx %arg7[%add3A_470] : memref<16384xf32, #tpu.memory_space<vmem>>[vector<16xi32>], vector<16xf32>,
    %swap3A_472 = arith.constant 0 : i32
    %swap3A_473 = arith.index_cast %swap3A_472 : i32 to index
    %swap3A_474 = arith.constant 432 : index
    %swap3A_475 = tpu.vector_load %arg10[%swap3A_473, %swap3A_474] {strides = array<i32>} : memref<4x512xf32, #tpu.memory_space<vmem>>, vector<16xf32>,
    tpu.vector_store %arg10[%swap3A_473, %swap3A_474], %gather3A_471 {strides = array<i32>} : memref<4x512xf32, #tpu.memory_space<vmem>>, vector<16xf32>,
    %gather3A_476 = tpu.vector_load_idx %arg8[%add3A_470] : memref<16384xf32, #tpu.memory_space<vmem>>[vector<16xi32>], vector<16xf32>,
    %swap3A_477 = arith.constant 0 : i32
    %swap3A_478 = arith.index_cast %swap3A_477 : i32 to index
    %swap3A_479 = arith.constant 432 : index
    %swap3A_480 = tpu.vector_load %arg11[%swap3A_478, %swap3A_479] {strides = array<i32>} : memref<4x512xf32, #tpu.memory_space<vmem>>, vector<16xf32>,
    tpu.vector_store %arg11[%swap3A_478, %swap3A_479], %gather3A_476 {strides = array<i32>} : memref<4x512xf32, #tpu.memory_space<vmem>>, vector<16xf32>,
    %get3A_481 = arith.constant 0 : i32
    %get3A_482 = arith.index_cast %get3A_481 : i32 to index
    %get3A_483 = arith.constant 448 : index
    %get3A_484 = tpu.vector_load %arg9[%get3A_482, %get3A_483] {strides = array<i32>} : memref<4x512xi32, #tpu.memory_space<vmem>>, vector<16xi32>,
    %add3A_485 = arith.constant 0 : i32
    %add3A_486 = vector.broadcast %add3A_485 : i32 to vector<16xi32>
    %add3A_487 = arith.addi %get3A_484, %add3A_486 : vector<16xi32>
    %gather3A_488 = tpu.vector_load_idx %arg7[%add3A_487] : memref<16384xf32, #tpu.memory_space<vmem>>[vector<16xi32>], vector<16xf32>,
    %swap3A_489 = arith.constant 0 : i32
    %swap3A_490 = arith.index_cast %swap3A_489 : i32 to index
    %swap3A_491 = arith.constant 448 : index
    %swap3A_492 = tpu.vector_load %arg10[%swap3A_490, %swap3A_491] {strides = array<i32>} : memref<4x512xf32, #tpu.memory_space<vmem>>, vector<16xf32>,
    tpu.vector_store %arg10[%swap3A_490, %swap3A_491], %gather3A_488 {strides = array<i32>} : memref<4x512xf32, #tpu.memory_space<vmem>>, vector<16xf32>,
    %gather3A_493 = tpu.vector_load_idx %arg8[%add3A_487] : memref<16384xf32, #tpu.memory_space<vmem>>[vector<16xi32>], vector<16xf32>,
    %swap3A_494 = arith.constant 0 : i32
    %swap3A_495 = arith.index_cast %swap3A_494 : i32 to index
    %swap3A_496 = arith.constant 448 : index
    %swap3A_497 = tpu.vector_load %arg11[%swap3A_495, %swap3A_496] {strides = array<i32>} : memref<4x512xf32, #tpu.memory_space<vmem>>, vector<16xf32>,
    tpu.vector_store %arg11[%swap3A_495, %swap3A_496], %gather3A_493 {strides = array<i32>} : memref<4x512xf32, #tpu.memory_space<vmem>>, vector<16xf32>,
    %get3A_498 = arith.constant 0 : i32
    %get3A_499 = arith.index_cast %get3A_498 : i32 to index
    %get3A_500 = arith.constant 464 : index
    %get3A_501 = tpu.vector_load %arg9[%get3A_499, %get3A_500] {strides = array<i32>} : memref<4x512xi32, #tpu.memory_space<vmem>>, vector<16xi32>,
    %add3A_502 = arith.constant 0 : i32
    %add3A_503 = vector.broadcast %add3A_502 : i32 to vector<16xi32>
    %add3A_504 = arith.addi %get3A_501, %add3A_503 : vector<16xi32>
    %gather3A_505 = tpu.vector_load_idx %arg7[%add3A_504] : memref<16384xf32, #tpu.memory_space<vmem>>[vector<16xi32>], vector<16xf32>,
    %swap3A_506 = arith.constant 0 : i32
    %swap3A_507 = arith.index_cast %swap3A_506 : i32 to index
    %swap3A_508 = arith.constant 464 : index
    %swap3A_509 = tpu.vector_load %arg10[%swap3A_507, %swap3A_508] {strides = array<i32>} : memref<4x512xf32, #tpu.memory_space<vmem>>, vector<16xf32>,
    tpu.vector_store %arg10[%swap3A_507, %swap3A_508], %gather3A_505 {strides = array<i32>} : memref<4x512xf32, #tpu.memory_space<vmem>>, vector<16xf32>,
    %gather3A_510 = tpu.vector_load_idx %arg8[%add3A_504] : memref<16384xf32, #tpu.memory_space<vmem>>[vector<16xi32>], vector<16xf32>,
    %swap3A_511 = arith.constant 0 : i32
    %swap3A_512 = arith.index_cast %swap3A_511 : i32 to index
    %swap3A_513 = arith.constant 464 : index
    %swap3A_514 = tpu.vector_load %arg11[%swap3A_512, %swap3A_513] {strides = array<i32>} : memref<4x512xf32, #tpu.memory_space<vmem>>, vector<16xf32>,
    tpu.vector_store %arg11[%swap3A_512, %swap3A_513], %gather3A_510 {strides = array<i32>} : memref<4x512xf32, #tpu.memory_space<vmem>>, vector<16xf32>,
    %get3A_515 = arith.constant 0 : i32
    %get3A_516 = arith.index_cast %get3A_515 : i32 to index
    %get3A_517 = arith.constant 480 : index
    %get3A_518 = tpu.vector_load %arg9[%get3A_516, %get3A_517] {strides = array<i32>} : memref<4x512xi32, #tpu.memory_space<vmem>>, vector<16xi32>,
    %add3A_519 = arith.constant 0 : i32
    %add3A_520 = vector.broadcast %add3A_519 : i32 to vector<16xi32>
    %add3A_521 = arith.addi %get3A_518, %add3A_520 : vector<16xi32>
    %gather3A_522 = tpu.vector_load_idx %arg7[%add3A_521] : memref<16384xf32, #tpu.memory_space<vmem>>[vector<16xi32>], vector<16xf32>,
    %swap3A_523 = arith.constant 0 : i32
    %swap3A_524 = arith.index_cast %swap3A_523 : i32 to index
    %swap3A_525 = arith.constant 480 : index
    %swap3A_526 = tpu.vector_load %arg10[%swap3A_524, %swap3A_525] {strides = array<i32>} : memref<4x512xf32, #tpu.memory_space<vmem>>, vector<16xf32>,
    tpu.vector_store %arg10[%swap3A_524, %swap3A_525], %gather3A_522 {strides = array<i32>} : memref<4x512xf32, #tpu.memory_space<vmem>>, vector<16xf32>,
    %gather3A_527 = tpu.vector_load_idx %arg8[%add3A_521] : memref<16384xf32, #tpu.memory_space<vmem>>[vector<16xi32>], vector<16xf32>,
    %swap3A_528 = arith.constant 0 : i32
    %swap3A_529 = arith.index_cast %swap3A_528 : i32 to index
    %swap3A_530 = arith.constant 480 : index
    %swap3A_531 = tpu.vector_load %arg11[%swap3A_529, %swap3A_530] {strides = array<i32>} : memref<4x512xf32, #tpu.memory_space<vmem>>, vector<16xf32>,
    tpu.vector_store %arg11[%swap3A_529, %swap3A_530], %gather3A_527 {strides = array<i32>} : memref<4x512xf32, #tpu.memory_space<vmem>>, vector<16xf32>,
    %get3A_532 = arith.constant 0 : i32
    %get3A_533 = arith.index_cast %get3A_532 : i32 to index
    %get3A_534 = arith.constant 496 : index
    %get3A_535 = tpu.vector_load %arg9[%get3A_533, %get3A_534] {strides = array<i32>} : memref<4x512xi32, #tpu.memory_space<vmem>>, vector<16xi32>,
    %add3A_536 = arith.constant 0 : i32
    %add3A_537 = vector.broadcast %add3A_536 : i32 to vector<16xi32>
    %add3A_538 = arith.addi %get3A_535, %add3A_537 : vector<16xi32>
    %gather3A_539 = tpu.vector_load_idx %arg7[%add3A_538] : memref<16384xf32, #tpu.memory_space<vmem>>[vector<16xi32>], vector<16xf32>,
    %swap3A_540 = arith.constant 0 : i32
    %swap3A_541 = arith.index_cast %swap3A_540 : i32 to index
    %swap3A_542 = arith.constant 496 : index
    %swap3A_543 = tpu.vector_load %arg10[%swap3A_541, %swap3A_542] {strides = array<i32>} : memref<4x512xf32, #tpu.memory_space<vmem>>, vector<16xf32>,
    tpu.vector_store %arg10[%swap3A_541, %swap3A_542], %gather3A_539 {strides = array<i32>} : memref<4x512xf32, #tpu.memory_space<vmem>>, vector<16xf32>,
    %gather3A_544 = tpu.vector_load_idx %arg8[%add3A_538] : memref<16384xf32, #tpu.memory_space<vmem>>[vector<16xi32>], vector<16xf32>,
    %swap3A_545 = arith.constant 0 : i32
    %swap3A_546 = arith.index_cast %swap3A_545 : i32 to index
    %swap3A_547 = arith.constant 496 : index
    %swap3A_548 = tpu.vector_load %arg11[%swap3A_546, %swap3A_547] {strides = array<i32>} : memref<4x512xf32, #tpu.memory_space<vmem>>, vector<16xf32>,
    tpu.vector_store %arg11[%swap3A_546, %swap3A_547], %gather3A_544 {strides = array<i32>} : memref<4x512xf32, #tpu.memory_space<vmem>>, vector<16xf32>,
    %get3A_549 = arith.constant 1 : i32
    %get3A_550 = arith.index_cast %get3A_549 : i32 to index
    %get3A_551 = arith.constant 0 : index
    %get3A_552 = tpu.vector_load %arg9[%get3A_550, %get3A_551] {strides = array<i32>} : memref<4x512xi32, #tpu.memory_space<vmem>>, vector<16xi32>,
    %add3A_553 = arith.constant 4096 : i32
    %add3A_554 = vector.broadcast %add3A_553 : i32 to vector<16xi32>
    %add3A_555 = arith.addi %get3A_552, %add3A_554 : vector<16xi32>
    %gather3A_556 = tpu.vector_load_idx %arg7[%add3A_555] : memref<16384xf32, #tpu.memory_space<vmem>>[vector<16xi32>], vector<16xf32>,
    %swap3A_557 = arith.constant 1 : i32
    %swap3A_558 = arith.index_cast %swap3A_557 : i32 to index
    %swap3A_559 = arith.constant 0 : index
    %swap3A_560 = tpu.vector_load %arg10[%swap3A_558, %swap3A_559] {strides = array<i32>} : memref<4x512xf32, #tpu.memory_space<vmem>>, vector<16xf32>,
    tpu.vector_store %arg10[%swap3A_558, %swap3A_559], %gather3A_556 {strides = array<i32>} : memref<4x512xf32, #tpu.memory_space<vmem>>, vector<16xf32>,
    %gather3A_561 = tpu.vector_load_idx %arg8[%add3A_555] : memref<16384xf32, #tpu.memory_space<vmem>>[vector<16xi32>], vector<16xf32>,
    %swap3A_562 = arith.constant 1 : i32
    %swap3A_563 = arith.index_cast %swap3A_562 : i32 to index
    %swap3A_564 = arith.constant 0 : index
    %swap3A_565 = tpu.vector_load %arg11[%swap3A_563, %swap3A_564] {strides = array<i32>} : memref<4x512xf32, #tpu.memory_space<vmem>>, vector<16xf32>,
    tpu.vector_store %arg11[%swap3A_563, %swap3A_564], %gather3A_561 {strides = array<i32>} : memref<4x512xf32, #tpu.memory_space<vmem>>, vector<16xf32>,
    %get3A_566 = arith.constant 1 : i32
    %get3A_567 = arith.index_cast %get3A_566 : i32 to index
    %get3A_568 = arith.constant 16 : index
    %get3A_569 = tpu.vector_load %arg9[%get3A_567, %get3A_568] {strides = array<i32>} : memref<4x512xi32, #tpu.memory_space<vmem>>, vector<16xi32>,
    %add3A_570 = arith.constant 4096 : i32
    %add3A_571 = vector.broadcast %add3A_570 : i32 to vector<16xi32>
    %add3A_572 = arith.addi %get3A_569, %add3A_571 : vector<16xi32>
    %gather3A_573 = tpu.vector_load_idx %arg7[%add3A_572] : memref<16384xf32, #tpu.memory_space<vmem>>[vector<16xi32>], vector<16xf32>,
    %swap3A_574 = arith.constant 1 : i32
    %swap3A_575 = arith.index_cast %swap3A_574 : i32 to index
    %swap3A_576 = arith.constant 16 : index
    %swap3A_577 = tpu.vector_load %arg10[%swap3A_575, %swap3A_576] {strides = array<i32>} : memref<4x512xf32, #tpu.memory_space<vmem>>, vector<16xf32>,
    tpu.vector_store %arg10[%swap3A_575, %swap3A_576], %gather3A_573 {strides = array<i32>} : memref<4x512xf32, #tpu.memory_space<vmem>>, vector<16xf32>,
    %gather3A_578 = tpu.vector_load_idx %arg8[%add3A_572] : memref<16384xf32, #tpu.memory_space<vmem>>[vector<16xi32>], vector<16xf32>,
    %swap3A_579 = arith.constant 1 : i32
    %swap3A_580 = arith.index_cast %swap3A_579 : i32 to index
    %swap3A_581 = arith.constant 16 : index
    %swap3A_582 = tpu.vector_load %arg11[%swap3A_580, %swap3A_581] {strides = array<i32>} : memref<4x512xf32, #tpu.memory_space<vmem>>, vector<16xf32>,
    tpu.vector_store %arg11[%swap3A_580, %swap3A_581], %gather3A_578 {strides = array<i32>} : memref<4x512xf32, #tpu.memory_space<vmem>>, vector<16xf32>,
    %get3A_583 = arith.constant 1 : i32
    %get3A_584 = arith.index_cast %get3A_583 : i32 to index
    %get3A_585 = arith.constant 32 : index
    %get3A_586 = tpu.vector_load %arg9[%get3A_584, %get3A_585] {strides = array<i32>} : memref<4x512xi32, #tpu.memory_space<vmem>>, vector<16xi32>,
    %add3A_587 = arith.constant 4096 : i32
    %add3A_588 = vector.broadcast %add3A_587 : i32 to vector<16xi32>
    %add3A_589 = arith.addi %get3A_586, %add3A_588 : vector<16xi32>
    %gather3A_590 = tpu.vector_load_idx %arg7[%add3A_589] : memref<16384xf32, #tpu.memory_space<vmem>>[vector<16xi32>], vector<16xf32>,
    %swap3A_591 = arith.constant 1 : i32
    %swap3A_592 = arith.index_cast %swap3A_591 : i32 to index
    %swap3A_593 = arith.constant 32 : index
    %swap3A_594 = tpu.vector_load %arg10[%swap3A_592, %swap3A_593] {strides = array<i32>} : memref<4x512xf32, #tpu.memory_space<vmem>>, vector<16xf32>,
    tpu.vector_store %arg10[%swap3A_592, %swap3A_593], %gather3A_590 {strides = array<i32>} : memref<4x512xf32, #tpu.memory_space<vmem>>, vector<16xf32>,
    %gather3A_595 = tpu.vector_load_idx %arg8[%add3A_589] : memref<16384xf32, #tpu.memory_space<vmem>>[vector<16xi32>], vector<16xf32>,
    %swap3A_596 = arith.constant 1 : i32
    %swap3A_597 = arith.index_cast %swap3A_596 : i32 to index
    %swap3A_598 = arith.constant 32 : index
    %swap3A_599 = tpu.vector_load %arg11[%swap3A_597, %swap3A_598] {strides = array<i32>} : memref<4x512xf32, #tpu.memory_space<vmem>>, vector<16xf32>,
    tpu.vector_store %arg11[%swap3A_597, %swap3A_598], %gather3A_595 {strides = array<i32>} : memref<4x512xf32, #tpu.memory_space<vmem>>, vector<16xf32>,
    %get3A_600 = arith.constant 1 : i32
    %get3A_601 = arith.index_cast %get3A_600 : i32 to index
    %get3A_602 = arith.constant 48 : index
    %get3A_603 = tpu.vector_load %arg9[%get3A_601, %get3A_602] {strides = array<i32>} : memref<4x512xi32, #tpu.memory_space<vmem>>, vector<16xi32>,
    %add3A_604 = arith.constant 4096 : i32
    %add3A_605 = vector.broadcast %add3A_604 : i32 to vector<16xi32>
    %add3A_606 = arith.addi %get3A_603, %add3A_605 : vector<16xi32>
    %gather3A_607 = tpu.vector_load_idx %arg7[%add3A_606] : memref<16384xf32, #tpu.memory_space<vmem>>[vector<16xi32>], vector<16xf32>,
    %swap3A_608 = arith.constant 1 : i32
    %swap3A_609 = arith.index_cast %swap3A_608 : i32 to index
    %swap3A_610 = arith.constant 48 : index
    %swap3A_611 = tpu.vector_load %arg10[%swap3A_609, %swap3A_610] {strides = array<i32>} : memref<4x512xf32, #tpu.memory_space<vmem>>, vector<16xf32>,
    tpu.vector_store %arg10[%swap3A_609, %swap3A_610], %gather3A_607 {strides = array<i32>} : memref<4x512xf32, #tpu.memory_space<vmem>>, vector<16xf32>,
    %gather3A_612 = tpu.vector_load_idx %arg8[%add3A_606] : memref<16384xf32, #tpu.memory_space<vmem>>[vector<16xi32>], vector<16xf32>,
    %swap3A_613 = arith.constant 1 : i32
    %swap3A_614 = arith.index_cast %swap3A_613 : i32 to index
    %swap3A_615 = arith.constant 48 : index
    %swap3A_616 = tpu.vector_load %arg11[%swap3A_614, %swap3A_615] {strides = array<i32>} : memref<4x512xf32, #tpu.memory_space<vmem>>, vector<16xf32>,
    tpu.vector_store %arg11[%swap3A_614, %swap3A_615], %gather3A_612 {strides = array<i32>} : memref<4x512xf32, #tpu.memory_space<vmem>>, vector<16xf32>,
    %get3A_617 = arith.constant 1 : i32
    %get3A_618 = arith.index_cast %get3A_617 : i32 to index
    %get3A_619 = arith.constant 64 : index
    %get3A_620 = tpu.vector_load %arg9[%get3A_618, %get3A_619] {strides = array<i32>} : memref<4x512xi32, #tpu.memory_space<vmem>>, vector<16xi32>,
    %add3A_621 = arith.constant 4096 : i32
    %add3A_622 = vector.broadcast %add3A_621 : i32 to vector<16xi32>
    %add3A_623 = arith.addi %get3A_620, %add3A_622 : vector<16xi32>
    %gather3A_624 = tpu.vector_load_idx %arg7[%add3A_623] : memref<16384xf32, #tpu.memory_space<vmem>>[vector<16xi32>], vector<16xf32>,
    %swap3A_625 = arith.constant 1 : i32
    %swap3A_626 = arith.index_cast %swap3A_625 : i32 to index
    %swap3A_627 = arith.constant 64 : index
    %swap3A_628 = tpu.vector_load %arg10[%swap3A_626, %swap3A_627] {strides = array<i32>} : memref<4x512xf32, #tpu.memory_space<vmem>>, vector<16xf32>,
    tpu.vector_store %arg10[%swap3A_626, %swap3A_627], %gather3A_624 {strides = array<i32>} : memref<4x512xf32, #tpu.memory_space<vmem>>, vector<16xf32>,
    %gather3A_629 = tpu.vector_load_idx %arg8[%add3A_623] : memref<16384xf32, #tpu.memory_space<vmem>>[vector<16xi32>], vector<16xf32>,
    %swap3A_630 = arith.constant 1 : i32
    %swap3A_631 = arith.index_cast %swap3A_630 : i32 to index
    %swap3A_632 = arith.constant 64 : index
    %swap3A_633 = tpu.vector_load %arg11[%swap3A_631, %swap3A_632] {strides = array<i32>} : memref<4x512xf32, #tpu.memory_space<vmem>>, vector<16xf32>,
    tpu.vector_store %arg11[%swap3A_631, %swap3A_632], %gather3A_629 {strides = array<i32>} : memref<4x512xf32, #tpu.memory_space<vmem>>, vector<16xf32>,
    %get3A_634 = arith.constant 1 : i32
    %get3A_635 = arith.index_cast %get3A_634 : i32 to index
    %get3A_636 = arith.constant 80 : index
    %get3A_637 = tpu.vector_load %arg9[%get3A_635, %get3A_636] {strides = array<i32>} : memref<4x512xi32, #tpu.memory_space<vmem>>, vector<16xi32>,
    %add3A_638 = arith.constant 4096 : i32
    %add3A_639 = vector.broadcast %add3A_638 : i32 to vector<16xi32>
    %add3A_640 = arith.addi %get3A_637, %add3A_639 : vector<16xi32>
    %gather3A_641 = tpu.vector_load_idx %arg7[%add3A_640] : memref<16384xf32, #tpu.memory_space<vmem>>[vector<16xi32>], vector<16xf32>,
    %swap3A_642 = arith.constant 1 : i32
    %swap3A_643 = arith.index_cast %swap3A_642 : i32 to index
    %swap3A_644 = arith.constant 80 : index
    %swap3A_645 = tpu.vector_load %arg10[%swap3A_643, %swap3A_644] {strides = array<i32>} : memref<4x512xf32, #tpu.memory_space<vmem>>, vector<16xf32>,
    tpu.vector_store %arg10[%swap3A_643, %swap3A_644], %gather3A_641 {strides = array<i32>} : memref<4x512xf32, #tpu.memory_space<vmem>>, vector<16xf32>,
    %gather3A_646 = tpu.vector_load_idx %arg8[%add3A_640] : memref<16384xf32, #tpu.memory_space<vmem>>[vector<16xi32>], vector<16xf32>,
    %swap3A_647 = arith.constant 1 : i32
    %swap3A_648 = arith.index_cast %swap3A_647 : i32 to index
    %swap3A_649 = arith.constant 80 : index
    %swap3A_650 = tpu.vector_load %arg11[%swap3A_648, %swap3A_649] {strides = array<i32>} : memref<4x512xf32, #tpu.memory_space<vmem>>, vector<16xf32>,
    tpu.vector_store %arg11[%swap3A_648, %swap3A_649], %gather3A_646 {strides = array<i32>} : memref<4x512xf32, #tpu.memory_space<vmem>>, vector<16xf32>,
    %get3A_651 = arith.constant 1 : i32
    %get3A_652 = arith.index_cast %get3A_651 : i32 to index
    %get3A_653 = arith.constant 96 : index
    %get3A_654 = tpu.vector_load %arg9[%get3A_652, %get3A_653] {strides = array<i32>} : memref<4x512xi32, #tpu.memory_space<vmem>>, vector<16xi32>,
    %add3A_655 = arith.constant 4096 : i32
    %add3A_656 = vector.broadcast %add3A_655 : i32 to vector<16xi32>
    %add3A_657 = arith.addi %get3A_654, %add3A_656 : vector<16xi32>
    %gather3A_658 = tpu.vector_load_idx %arg7[%add3A_657] : memref<16384xf32, #tpu.memory_space<vmem>>[vector<16xi32>], vector<16xf32>,
    %swap3A_659 = arith.constant 1 : i32
    %swap3A_660 = arith.index_cast %swap3A_659 : i32 to index
    %swap3A_661 = arith.constant 96 : index
    %swap3A_662 = tpu.vector_load %arg10[%swap3A_660, %swap3A_661] {strides = array<i32>} : memref<4x512xf32, #tpu.memory_space<vmem>>, vector<16xf32>,
    tpu.vector_store %arg10[%swap3A_660, %swap3A_661], %gather3A_658 {strides = array<i32>} : memref<4x512xf32, #tpu.memory_space<vmem>>, vector<16xf32>,
    %gather3A_663 = tpu.vector_load_idx %arg8[%add3A_657] : memref<16384xf32, #tpu.memory_space<vmem>>[vector<16xi32>], vector<16xf32>,
    %swap3A_664 = arith.constant 1 : i32
    %swap3A_665 = arith.index_cast %swap3A_664 : i32 to index
    %swap3A_666 = arith.constant 96 : index
    %swap3A_667 = tpu.vector_load %arg11[%swap3A_665, %swap3A_666] {strides = array<i32>} : memref<4x512xf32, #tpu.memory_space<vmem>>, vector<16xf32>,
    tpu.vector_store %arg11[%swap3A_665, %swap3A_666], %gather3A_663 {strides = array<i32>} : memref<4x512xf32, #tpu.memory_space<vmem>>, vector<16xf32>,
    %get3A_668 = arith.constant 1 : i32
    %get3A_669 = arith.index_cast %get3A_668 : i32 to index
    %get3A_670 = arith.constant 112 : index
    %get3A_671 = tpu.vector_load %arg9[%get3A_669, %get3A_670] {strides = array<i32>} : memref<4x512xi32, #tpu.memory_space<vmem>>, vector<16xi32>,
    %add3A_672 = arith.constant 4096 : i32
    %add3A_673 = vector.broadcast %add3A_672 : i32 to vector<16xi32>
    %add3A_674 = arith.addi %get3A_671, %add3A_673 : vector<16xi32>
    %gather3A_675 = tpu.vector_load_idx %arg7[%add3A_674] : memref<16384xf32, #tpu.memory_space<vmem>>[vector<16xi32>], vector<16xf32>,
    %swap3A_676 = arith.constant 1 : i32
    %swap3A_677 = arith.index_cast %swap3A_676 : i32 to index
    %swap3A_678 = arith.constant 112 : index
    %swap3A_679 = tpu.vector_load %arg10[%swap3A_677, %swap3A_678] {strides = array<i32>} : memref<4x512xf32, #tpu.memory_space<vmem>>, vector<16xf32>,
    tpu.vector_store %arg10[%swap3A_677, %swap3A_678], %gather3A_675 {strides = array<i32>} : memref<4x512xf32, #tpu.memory_space<vmem>>, vector<16xf32>,
    %gather3A_680 = tpu.vector_load_idx %arg8[%add3A_674] : memref<16384xf32, #tpu.memory_space<vmem>>[vector<16xi32>], vector<16xf32>,
    %swap3A_681 = arith.constant 1 : i32
    %swap3A_682 = arith.index_cast %swap3A_681 : i32 to index
    %swap3A_683 = arith.constant 112 : index
    %swap3A_684 = tpu.vector_load %arg11[%swap3A_682, %swap3A_683] {strides = array<i32>} : memref<4x512xf32, #tpu.memory_space<vmem>>, vector<16xf32>,
    tpu.vector_store %arg11[%swap3A_682, %swap3A_683], %gather3A_680 {strides = array<i32>} : memref<4x512xf32, #tpu.memory_space<vmem>>, vector<16xf32>,
    %get3A_685 = arith.constant 1 : i32
    %get3A_686 = arith.index_cast %get3A_685 : i32 to index
    %get3A_687 = arith.constant 128 : index
    %get3A_688 = tpu.vector_load %arg9[%get3A_686, %get3A_687] {strides = array<i32>} : memref<4x512xi32, #tpu.memory_space<vmem>>, vector<16xi32>,
    %add3A_689 = arith.constant 4096 : i32
    %add3A_690 = vector.broadcast %add3A_689 : i32 to vector<16xi32>
    %add3A_691 = arith.addi %get3A_688, %add3A_690 : vector<16xi32>
    %gather3A_692 = tpu.vector_load_idx %arg7[%add3A_691] : memref<16384xf32, #tpu.memory_space<vmem>>[vector<16xi32>], vector<16xf32>,
    %swap3A_693 = arith.constant 1 : i32
    %swap3A_694 = arith.index_cast %swap3A_693 : i32 to index
    %swap3A_695 = arith.constant 128 : index
    %swap3A_696 = tpu.vector_load %arg10[%swap3A_694, %swap3A_695] {strides = array<i32>} : memref<4x512xf32, #tpu.memory_space<vmem>>, vector<16xf32>,
    tpu.vector_store %arg10[%swap3A_694, %swap3A_695], %gather3A_692 {strides = array<i32>} : memref<4x512xf32, #tpu.memory_space<vmem>>, vector<16xf32>,
    %gather3A_697 = tpu.vector_load_idx %arg8[%add3A_691] : memref<16384xf32, #tpu.memory_space<vmem>>[vector<16xi32>], vector<16xf32>,
    %swap3A_698 = arith.constant 1 : i32
    %swap3A_699 = arith.index_cast %swap3A_698 : i32 to index
    %swap3A_700 = arith.constant 128 : index
    %swap3A_701 = tpu.vector_load %arg11[%swap3A_699, %swap3A_700] {strides = array<i32>} : memref<4x512xf32, #tpu.memory_space<vmem>>, vector<16xf32>,
    tpu.vector_store %arg11[%swap3A_699, %swap3A_700], %gather3A_697 {strides = array<i32>} : memref<4x512xf32, #tpu.memory_space<vmem>>, vector<16xf32>,
    %get3A_702 = arith.constant 1 : i32
    %get3A_703 = arith.index_cast %get3A_702 : i32 to index
    %get3A_704 = arith.constant 144 : index
    %get3A_705 = tpu.vector_load %arg9[%get3A_703, %get3A_704] {strides = array<i32>} : memref<4x512xi32, #tpu.memory_space<vmem>>, vector<16xi32>,
    %add3A_706 = arith.constant 4096 : i32
    %add3A_707 = vector.broadcast %add3A_706 : i32 to vector<16xi32>
    %add3A_708 = arith.addi %get3A_705, %add3A_707 : vector<16xi32>
    %gather3A_709 = tpu.vector_load_idx %arg7[%add3A_708] : memref<16384xf32, #tpu.memory_space<vmem>>[vector<16xi32>], vector<16xf32>,
    %swap3A_710 = arith.constant 1 : i32
    %swap3A_711 = arith.index_cast %swap3A_710 : i32 to index
    %swap3A_712 = arith.constant 144 : index
    %swap3A_713 = tpu.vector_load %arg10[%swap3A_711, %swap3A_712] {strides = array<i32>} : memref<4x512xf32, #tpu.memory_space<vmem>>, vector<16xf32>,
    tpu.vector_store %arg10[%swap3A_711, %swap3A_712], %gather3A_709 {strides = array<i32>} : memref<4x512xf32, #tpu.memory_space<vmem>>, vector<16xf32>,
    %gather3A_714 = tpu.vector_load_idx %arg8[%add3A_708] : memref<16384xf32, #tpu.memory_space<vmem>>[vector<16xi32>], vector<16xf32>,
    %swap3A_715 = arith.constant 1 : i32
    %swap3A_716 = arith.index_cast %swap3A_715 : i32 to index
    %swap3A_717 = arith.constant 144 : index
    %swap3A_718 = tpu.vector_load %arg11[%swap3A_716, %swap3A_717] {strides = array<i32>} : memref<4x512xf32, #tpu.memory_space<vmem>>, vector<16xf32>,
    tpu.vector_store %arg11[%swap3A_716, %swap3A_717], %gather3A_714 {strides = array<i32>} : memref<4x512xf32, #tpu.memory_space<vmem>>, vector<16xf32>,
    %get3A_719 = arith.constant 1 : i32
    %get3A_720 = arith.index_cast %get3A_719 : i32 to index
    %get3A_721 = arith.constant 160 : index
    %get3A_722 = tpu.vector_load %arg9[%get3A_720, %get3A_721] {strides = array<i32>} : memref<4x512xi32, #tpu.memory_space<vmem>>, vector<16xi32>,
    %add3A_723 = arith.constant 4096 : i32
    %add3A_724 = vector.broadcast %add3A_723 : i32 to vector<16xi32>
    %add3A_725 = arith.addi %get3A_722, %add3A_724 : vector<16xi32>
    %gather3A_726 = tpu.vector_load_idx %arg7[%add3A_725] : memref<16384xf32, #tpu.memory_space<vmem>>[vector<16xi32>], vector<16xf32>,
    %swap3A_727 = arith.constant 1 : i32
    %swap3A_728 = arith.index_cast %swap3A_727 : i32 to index
    %swap3A_729 = arith.constant 160 : index
    %swap3A_730 = tpu.vector_load %arg10[%swap3A_728, %swap3A_729] {strides = array<i32>} : memref<4x512xf32, #tpu.memory_space<vmem>>, vector<16xf32>,
    tpu.vector_store %arg10[%swap3A_728, %swap3A_729], %gather3A_726 {strides = array<i32>} : memref<4x512xf32, #tpu.memory_space<vmem>>, vector<16xf32>,
    %gather3A_731 = tpu.vector_load_idx %arg8[%add3A_725] : memref<16384xf32, #tpu.memory_space<vmem>>[vector<16xi32>], vector<16xf32>,
    %swap3A_732 = arith.constant 1 : i32
    %swap3A_733 = arith.index_cast %swap3A_732 : i32 to index
    %swap3A_734 = arith.constant 160 : index
    %swap3A_735 = tpu.vector_load %arg11[%swap3A_733, %swap3A_734] {strides = array<i32>} : memref<4x512xf32, #tpu.memory_space<vmem>>, vector<16xf32>,
    tpu.vector_store %arg11[%swap3A_733, %swap3A_734], %gather3A_731 {strides = array<i32>} : memref<4x512xf32, #tpu.memory_space<vmem>>, vector<16xf32>,
    %get3A_736 = arith.constant 1 : i32
    %get3A_737 = arith.index_cast %get3A_736 : i32 to index
    %get3A_738 = arith.constant 176 : index
    %get3A_739 = tpu.vector_load %arg9[%get3A_737, %get3A_738] {strides = array<i32>} : memref<4x512xi32, #tpu.memory_space<vmem>>, vector<16xi32>,
    %add3A_740 = arith.constant 4096 : i32
    %add3A_741 = vector.broadcast %add3A_740 : i32 to vector<16xi32>
    %add3A_742 = arith.addi %get3A_739, %add3A_741 : vector<16xi32>
    %gather3A_743 = tpu.vector_load_idx %arg7[%add3A_742] : memref<16384xf32, #tpu.memory_space<vmem>>[vector<16xi32>], vector<16xf32>,
    %swap3A_744 = arith.constant 1 : i32
    %swap3A_745 = arith.index_cast %swap3A_744 : i32 to index
    %swap3A_746 = arith.constant 176 : index
    %swap3A_747 = tpu.vector_load %arg10[%swap3A_745, %swap3A_746] {strides = array<i32>} : memref<4x512xf32, #tpu.memory_space<vmem>>, vector<16xf32>,
    tpu.vector_store %arg10[%swap3A_745, %swap3A_746], %gather3A_743 {strides = array<i32>} : memref<4x512xf32, #tpu.memory_space<vmem>>, vector<16xf32>,
    %gather3A_748 = tpu.vector_load_idx %arg8[%add3A_742] : memref<16384xf32, #tpu.memory_space<vmem>>[vector<16xi32>], vector<16xf32>,
    %swap3A_749 = arith.constant 1 : i32
    %swap3A_750 = arith.index_cast %swap3A_749 : i32 to index
    %swap3A_751 = arith.constant 176 : index
    %swap3A_752 = tpu.vector_load %arg11[%swap3A_750, %swap3A_751] {strides = array<i32>} : memref<4x512xf32, #tpu.memory_space<vmem>>, vector<16xf32>,
    tpu.vector_store %arg11[%swap3A_750, %swap3A_751], %gather3A_748 {strides = array<i32>} : memref<4x512xf32, #tpu.memory_space<vmem>>, vector<16xf32>,
    %get3A_753 = arith.constant 1 : i32
    %get3A_754 = arith.index_cast %get3A_753 : i32 to index
    %get3A_755 = arith.constant 192 : index
    %get3A_756 = tpu.vector_load %arg9[%get3A_754, %get3A_755] {strides = array<i32>} : memref<4x512xi32, #tpu.memory_space<vmem>>, vector<16xi32>,
    %add3A_757 = arith.constant 4096 : i32
    %add3A_758 = vector.broadcast %add3A_757 : i32 to vector<16xi32>
    %add3A_759 = arith.addi %get3A_756, %add3A_758 : vector<16xi32>
    %gather3A_760 = tpu.vector_load_idx %arg7[%add3A_759] : memref<16384xf32, #tpu.memory_space<vmem>>[vector<16xi32>], vector<16xf32>,
    %swap3A_761 = arith.constant 1 : i32
    %swap3A_762 = arith.index_cast %swap3A_761 : i32 to index
    %swap3A_763 = arith.constant 192 : index
    %swap3A_764 = tpu.vector_load %arg10[%swap3A_762, %swap3A_763] {strides = array<i32>} : memref<4x512xf32, #tpu.memory_space<vmem>>, vector<16xf32>,
    tpu.vector_store %arg10[%swap3A_762, %swap3A_763], %gather3A_760 {strides = array<i32>} : memref<4x512xf32, #tpu.memory_space<vmem>>, vector<16xf32>,
    %gather3A_765 = tpu.vector_load_idx %arg8[%add3A_759] : memref<16384xf32, #tpu.memory_space<vmem>>[vector<16xi32>], vector<16xf32>,
    %swap3A_766 = arith.constant 1 : i32
    %swap3A_767 = arith.index_cast %swap3A_766 : i32 to index
    %swap3A_768 = arith.constant 192 : index
    %swap3A_769 = tpu.vector_load %arg11[%swap3A_767, %swap3A_768] {strides = array<i32>} : memref<4x512xf32, #tpu.memory_space<vmem>>, vector<16xf32>,
    tpu.vector_store %arg11[%swap3A_767, %swap3A_768], %gather3A_765 {strides = array<i32>} : memref<4x512xf32, #tpu.memory_space<vmem>>, vector<16xf32>,
    %get3A_770 = arith.constant 1 : i32
    %get3A_771 = arith.index_cast %get3A_770 : i32 to index
    %get3A_772 = arith.constant 208 : index
    %get3A_773 = tpu.vector_load %arg9[%get3A_771, %get3A_772] {strides = array<i32>} : memref<4x512xi32, #tpu.memory_space<vmem>>, vector<16xi32>,
    %add3A_774 = arith.constant 4096 : i32
    %add3A_775 = vector.broadcast %add3A_774 : i32 to vector<16xi32>
    %add3A_776 = arith.addi %get3A_773, %add3A_775 : vector<16xi32>
    %gather3A_777 = tpu.vector_load_idx %arg7[%add3A_776] : memref<16384xf32, #tpu.memory_space<vmem>>[vector<16xi32>], vector<16xf32>,
    %swap3A_778 = arith.constant 1 : i32
    %swap3A_779 = arith.index_cast %swap3A_778 : i32 to index
    %swap3A_780 = arith.constant 208 : index
    %swap3A_781 = tpu.vector_load %arg10[%swap3A_779, %swap3A_780] {strides = array<i32>} : memref<4x512xf32, #tpu.memory_space<vmem>>, vector<16xf32>,
    tpu.vector_store %arg10[%swap3A_779, %swap3A_780], %gather3A_777 {strides = array<i32>} : memref<4x512xf32, #tpu.memory_space<vmem>>, vector<16xf32>,
    %gather3A_782 = tpu.vector_load_idx %arg8[%add3A_776] : memref<16384xf32, #tpu.memory_space<vmem>>[vector<16xi32>], vector<16xf32>,
    %swap3A_783 = arith.constant 1 : i32
    %swap3A_784 = arith.index_cast %swap3A_783 : i32 to index
    %swap3A_785 = arith.constant 208 : index
    %swap3A_786 = tpu.vector_load %arg11[%swap3A_784, %swap3A_785] {strides = array<i32>} : memref<4x512xf32, #tpu.memory_space<vmem>>, vector<16xf32>,
    tpu.vector_store %arg11[%swap3A_784, %swap3A_785], %gather3A_782 {strides = array<i32>} : memref<4x512xf32, #tpu.memory_space<vmem>>, vector<16xf32>,
    %get3A_787 = arith.constant 1 : i32
    %get3A_788 = arith.index_cast %get3A_787 : i32 to index
    %get3A_789 = arith.constant 224 : index
    %get3A_790 = tpu.vector_load %arg9[%get3A_788, %get3A_789] {strides = array<i32>} : memref<4x512xi32, #tpu.memory_space<vmem>>, vector<16xi32>,
    %add3A_791 = arith.constant 4096 : i32
    %add3A_792 = vector.broadcast %add3A_791 : i32 to vector<16xi32>
    %add3A_793 = arith.addi %get3A_790, %add3A_792 : vector<16xi32>
    %gather3A_794 = tpu.vector_load_idx %arg7[%add3A_793] : memref<16384xf32, #tpu.memory_space<vmem>>[vector<16xi32>], vector<16xf32>,
    %swap3A_795 = arith.constant 1 : i32
    %swap3A_796 = arith.index_cast %swap3A_795 : i32 to index
    %swap3A_797 = arith.constant 224 : index
    %swap3A_798 = tpu.vector_load %arg10[%swap3A_796, %swap3A_797] {strides = array<i32>} : memref<4x512xf32, #tpu.memory_space<vmem>>, vector<16xf32>,
    tpu.vector_store %arg10[%swap3A_796, %swap3A_797], %gather3A_794 {strides = array<i32>} : memref<4x512xf32, #tpu.memory_space<vmem>>, vector<16xf32>,
    %gather3A_799 = tpu.vector_load_idx %arg8[%add3A_793] : memref<16384xf32, #tpu.memory_space<vmem>>[vector<16xi32>], vector<16xf32>,
    %swap3A_800 = arith.constant 1 : i32
    %swap3A_801 = arith.index_cast %swap3A_800 : i32 to index
    %swap3A_802 = arith.constant 224 : index
    %swap3A_803 = tpu.vector_load %arg11[%swap3A_801, %swap3A_802] {strides = array<i32>} : memref<4x512xf32, #tpu.memory_space<vmem>>, vector<16xf32>,
    tpu.vector_store %arg11[%swap3A_801, %swap3A_802], %gather3A_799 {strides = array<i32>} : memref<4x512xf32, #tpu.memory_space<vmem>>, vector<16xf32>,
    %get3A_804 = arith.constant 1 : i32
    %get3A_805 = arith.index_cast %get3A_804 : i32 to index
    %get3A_806 = arith.constant 240 : index
    %get3A_807 = tpu.vector_load %arg9[%get3A_805, %get3A_806] {strides = array<i32>} : memref<4x512xi32, #tpu.memory_space<vmem>>, vector<16xi32>,
    %add3A_808 = arith.constant 4096 : i32
    %add3A_809 = vector.broadcast %add3A_808 : i32 to vector<16xi32>
    %add3A_810 = arith.addi %get3A_807, %add3A_809 : vector<16xi32>
    %gather3A_811 = tpu.vector_load_idx %arg7[%add3A_810] : memref<16384xf32, #tpu.memory_space<vmem>>[vector<16xi32>], vector<16xf32>,
    %swap3A_812 = arith.constant 1 : i32
    %swap3A_813 = arith.index_cast %swap3A_812 : i32 to index
    %swap3A_814 = arith.constant 240 : index
    %swap3A_815 = tpu.vector_load %arg10[%swap3A_813, %swap3A_814] {strides = array<i32>} : memref<4x512xf32, #tpu.memory_space<vmem>>, vector<16xf32>,
    tpu.vector_store %arg10[%swap3A_813, %swap3A_814], %gather3A_811 {strides = array<i32>} : memref<4x512xf32, #tpu.memory_space<vmem>>, vector<16xf32>,
    %gather3A_816 = tpu.vector_load_idx %arg8[%add3A_810] : memref<16384xf32, #tpu.memory_space<vmem>>[vector<16xi32>], vector<16xf32>,
    %swap3A_817 = arith.constant 1 : i32
    %swap3A_818 = arith.index_cast %swap3A_817 : i32 to index
    %swap3A_819 = arith.constant 240 : index
    %swap3A_820 = tpu.vector_load %arg11[%swap3A_818, %swap3A_819] {strides = array<i32>} : memref<4x512xf32, #tpu.memory_space<vmem>>, vector<16xf32>,
    tpu.vector_store %arg11[%swap3A_818, %swap3A_819], %gather3A_816 {strides = array<i32>} : memref<4x512xf32, #tpu.memory_space<vmem>>, vector<16xf32>,
    %get3A_821 = arith.constant 1 : i32
    %get3A_822 = arith.index_cast %get3A_821 : i32 to index
    %get3A_823 = arith.constant 256 : index
    %get3A_824 = tpu.vector_load %arg9[%get3A_822, %get3A_823] {strides = array<i32>} : memref<4x512xi32, #tpu.memory_space<vmem>>, vector<16xi32>,
    %add3A_825 = arith.constant 4096 : i32
    %add3A_826 = vector.broadcast %add3A_825 : i32 to vector<16xi32>
    %add3A_827 = arith.addi %get3A_824, %add3A_826 : vector<16xi32>
    %gather3A_828 = tpu.vector_load_idx %arg7[%add3A_827] : memref<16384xf32, #tpu.memory_space<vmem>>[vector<16xi32>], vector<16xf32>,
    %swap3A_829 = arith.constant 1 : i32
    %swap3A_830 = arith.index_cast %swap3A_829 : i32 to index
    %swap3A_831 = arith.constant 256 : index
    %swap3A_832 = tpu.vector_load %arg10[%swap3A_830, %swap3A_831] {strides = array<i32>} : memref<4x512xf32, #tpu.memory_space<vmem>>, vector<16xf32>,
    tpu.vector_store %arg10[%swap3A_830, %swap3A_831], %gather3A_828 {strides = array<i32>} : memref<4x512xf32, #tpu.memory_space<vmem>>, vector<16xf32>,
    %gather3A_833 = tpu.vector_load_idx %arg8[%add3A_827] : memref<16384xf32, #tpu.memory_space<vmem>>[vector<16xi32>], vector<16xf32>,
    %swap3A_834 = arith.constant 1 : i32
    %swap3A_835 = arith.index_cast %swap3A_834 : i32 to index
    %swap3A_836 = arith.constant 256 : index
    %swap3A_837 = tpu.vector_load %arg11[%swap3A_835, %swap3A_836] {strides = array<i32>} : memref<4x512xf32, #tpu.memory_space<vmem>>, vector<16xf32>,
    tpu.vector_store %arg11[%swap3A_835, %swap3A_836], %gather3A_833 {strides = array<i32>} : memref<4x512xf32, #tpu.memory_space<vmem>>, vector<16xf32>,
    %get3A_838 = arith.constant 1 : i32
    %get3A_839 = arith.index_cast %get3A_838 : i32 to index
    %get3A_840 = arith.constant 272 : index
    %get3A_841 = tpu.vector_load %arg9[%get3A_839, %get3A_840] {strides = array<i32>} : memref<4x512xi32, #tpu.memory_space<vmem>>, vector<16xi32>,
    %add3A_842 = arith.constant 4096 : i32
    %add3A_843 = vector.broadcast %add3A_842 : i32 to vector<16xi32>
    %add3A_844 = arith.addi %get3A_841, %add3A_843 : vector<16xi32>
    %gather3A_845 = tpu.vector_load_idx %arg7[%add3A_844] : memref<16384xf32, #tpu.memory_space<vmem>>[vector<16xi32>], vector<16xf32>,
    %swap3A_846 = arith.constant 1 : i32
    %swap3A_847 = arith.index_cast %swap3A_846 : i32 to index
    %swap3A_848 = arith.constant 272 : index
    %swap3A_849 = tpu.vector_load %arg10[%swap3A_847, %swap3A_848] {strides = array<i32>} : memref<4x512xf32, #tpu.memory_space<vmem>>, vector<16xf32>,
    tpu.vector_store %arg10[%swap3A_847, %swap3A_848], %gather3A_845 {strides = array<i32>} : memref<4x512xf32, #tpu.memory_space<vmem>>, vector<16xf32>,
    %gather3A_850 = tpu.vector_load_idx %arg8[%add3A_844] : memref<16384xf32, #tpu.memory_space<vmem>>[vector<16xi32>], vector<16xf32>,
    %swap3A_851 = arith.constant 1 : i32
    %swap3A_852 = arith.index_cast %swap3A_851 : i32 to index
    %swap3A_853 = arith.constant 272 : index
    %swap3A_854 = tpu.vector_load %arg11[%swap3A_852, %swap3A_853] {strides = array<i32>} : memref<4x512xf32, #tpu.memory_space<vmem>>, vector<16xf32>,
    tpu.vector_store %arg11[%swap3A_852, %swap3A_853], %gather3A_850 {strides = array<i32>} : memref<4x512xf32, #tpu.memory_space<vmem>>, vector<16xf32>,
    %get3A_855 = arith.constant 1 : i32
    %get3A_856 = arith.index_cast %get3A_855 : i32 to index
    %get3A_857 = arith.constant 288 : index
    %get3A_858 = tpu.vector_load %arg9[%get3A_856, %get3A_857] {strides = array<i32>} : memref<4x512xi32, #tpu.memory_space<vmem>>, vector<16xi32>,
    %add3A_859 = arith.constant 4096 : i32
    %add3A_860 = vector.broadcast %add3A_859 : i32 to vector<16xi32>
    %add3A_861 = arith.addi %get3A_858, %add3A_860 : vector<16xi32>
    %gather3A_862 = tpu.vector_load_idx %arg7[%add3A_861] : memref<16384xf32, #tpu.memory_space<vmem>>[vector<16xi32>], vector<16xf32>,
    %swap3A_863 = arith.constant 1 : i32
    %swap3A_864 = arith.index_cast %swap3A_863 : i32 to index
    %swap3A_865 = arith.constant 288 : index
    %swap3A_866 = tpu.vector_load %arg10[%swap3A_864, %swap3A_865] {strides = array<i32>} : memref<4x512xf32, #tpu.memory_space<vmem>>, vector<16xf32>,
    tpu.vector_store %arg10[%swap3A_864, %swap3A_865], %gather3A_862 {strides = array<i32>} : memref<4x512xf32, #tpu.memory_space<vmem>>, vector<16xf32>,
    %gather3A_867 = tpu.vector_load_idx %arg8[%add3A_861] : memref<16384xf32, #tpu.memory_space<vmem>>[vector<16xi32>], vector<16xf32>,
    %swap3A_868 = arith.constant 1 : i32
    %swap3A_869 = arith.index_cast %swap3A_868 : i32 to index
    %swap3A_870 = arith.constant 288 : index
    %swap3A_871 = tpu.vector_load %arg11[%swap3A_869, %swap3A_870] {strides = array<i32>} : memref<4x512xf32, #tpu.memory_space<vmem>>, vector<16xf32>,
    tpu.vector_store %arg11[%swap3A_869, %swap3A_870], %gather3A_867 {strides = array<i32>} : memref<4x512xf32, #tpu.memory_space<vmem>>, vector<16xf32>,
    %get3A_872 = arith.constant 1 : i32
    %get3A_873 = arith.index_cast %get3A_872 : i32 to index
    %get3A_874 = arith.constant 304 : index
    %get3A_875 = tpu.vector_load %arg9[%get3A_873, %get3A_874] {strides = array<i32>} : memref<4x512xi32, #tpu.memory_space<vmem>>, vector<16xi32>,
    %add3A_876 = arith.constant 4096 : i32
    %add3A_877 = vector.broadcast %add3A_876 : i32 to vector<16xi32>
    %add3A_878 = arith.addi %get3A_875, %add3A_877 : vector<16xi32>
    %gather3A_879 = tpu.vector_load_idx %arg7[%add3A_878] : memref<16384xf32, #tpu.memory_space<vmem>>[vector<16xi32>], vector<16xf32>,
    %swap3A_880 = arith.constant 1 : i32
    %swap3A_881 = arith.index_cast %swap3A_880 : i32 to index
    %swap3A_882 = arith.constant 304 : index
    %swap3A_883 = tpu.vector_load %arg10[%swap3A_881, %swap3A_882] {strides = array<i32>} : memref<4x512xf32, #tpu.memory_space<vmem>>, vector<16xf32>,
    tpu.vector_store %arg10[%swap3A_881, %swap3A_882], %gather3A_879 {strides = array<i32>} : memref<4x512xf32, #tpu.memory_space<vmem>>, vector<16xf32>,
    %gather3A_884 = tpu.vector_load_idx %arg8[%add3A_878] : memref<16384xf32, #tpu.memory_space<vmem>>[vector<16xi32>], vector<16xf32>,
    %swap3A_885 = arith.constant 1 : i32
    %swap3A_886 = arith.index_cast %swap3A_885 : i32 to index
    %swap3A_887 = arith.constant 304 : index
    %swap3A_888 = tpu.vector_load %arg11[%swap3A_886, %swap3A_887] {strides = array<i32>} : memref<4x512xf32, #tpu.memory_space<vmem>>, vector<16xf32>,
    tpu.vector_store %arg11[%swap3A_886, %swap3A_887], %gather3A_884 {strides = array<i32>} : memref<4x512xf32, #tpu.memory_space<vmem>>, vector<16xf32>,
    %get3A_889 = arith.constant 1 : i32
    %get3A_890 = arith.index_cast %get3A_889 : i32 to index
    %get3A_891 = arith.constant 320 : index
    %get3A_892 = tpu.vector_load %arg9[%get3A_890, %get3A_891] {strides = array<i32>} : memref<4x512xi32, #tpu.memory_space<vmem>>, vector<16xi32>,
    %add3A_893 = arith.constant 4096 : i32
    %add3A_894 = vector.broadcast %add3A_893 : i32 to vector<16xi32>
    %add3A_895 = arith.addi %get3A_892, %add3A_894 : vector<16xi32>
    %gather3A_896 = tpu.vector_load_idx %arg7[%add3A_895] : memref<16384xf32, #tpu.memory_space<vmem>>[vector<16xi32>], vector<16xf32>,
    %swap3A_897 = arith.constant 1 : i32
    %swap3A_898 = arith.index_cast %swap3A_897 : i32 to index
    %swap3A_899 = arith.constant 320 : index
    %swap3A_900 = tpu.vector_load %arg10[%swap3A_898, %swap3A_899] {strides = array<i32>} : memref<4x512xf32, #tpu.memory_space<vmem>>, vector<16xf32>,
    tpu.vector_store %arg10[%swap3A_898, %swap3A_899], %gather3A_896 {strides = array<i32>} : memref<4x512xf32, #tpu.memory_space<vmem>>, vector<16xf32>,
    %gather3A_901 = tpu.vector_load_idx %arg8[%add3A_895] : memref<16384xf32, #tpu.memory_space<vmem>>[vector<16xi32>], vector<16xf32>,
    %swap3A_902 = arith.constant 1 : i32
    %swap3A_903 = arith.index_cast %swap3A_902 : i32 to index
    %swap3A_904 = arith.constant 320 : index
    %swap3A_905 = tpu.vector_load %arg11[%swap3A_903, %swap3A_904] {strides = array<i32>} : memref<4x512xf32, #tpu.memory_space<vmem>>, vector<16xf32>,
    tpu.vector_store %arg11[%swap3A_903, %swap3A_904], %gather3A_901 {strides = array<i32>} : memref<4x512xf32, #tpu.memory_space<vmem>>, vector<16xf32>,
    %get3A_906 = arith.constant 1 : i32
    %get3A_907 = arith.index_cast %get3A_906 : i32 to index
    %get3A_908 = arith.constant 336 : index
    %get3A_909 = tpu.vector_load %arg9[%get3A_907, %get3A_908] {strides = array<i32>} : memref<4x512xi32, #tpu.memory_space<vmem>>, vector<16xi32>,
    %add3A_910 = arith.constant 4096 : i32
    %add3A_911 = vector.broadcast %add3A_910 : i32 to vector<16xi32>
    %add3A_912 = arith.addi %get3A_909, %add3A_911 : vector<16xi32>
    %gather3A_913 = tpu.vector_load_idx %arg7[%add3A_912] : memref<16384xf32, #tpu.memory_space<vmem>>[vector<16xi32>], vector<16xf32>,
    %swap3A_914 = arith.constant 1 : i32
    %swap3A_915 = arith.index_cast %swap3A_914 : i32 to index
    %swap3A_916 = arith.constant 336 : index
    %swap3A_917 = tpu.vector_load %arg10[%swap3A_915, %swap3A_916] {strides = array<i32>} : memref<4x512xf32, #tpu.memory_space<vmem>>, vector<16xf32>,
    tpu.vector_store %arg10[%swap3A_915, %swap3A_916], %gather3A_913 {strides = array<i32>} : memref<4x512xf32, #tpu.memory_space<vmem>>, vector<16xf32>,
    %gather3A_918 = tpu.vector_load_idx %arg8[%add3A_912] : memref<16384xf32, #tpu.memory_space<vmem>>[vector<16xi32>], vector<16xf32>,
    %swap3A_919 = arith.constant 1 : i32
    %swap3A_920 = arith.index_cast %swap3A_919 : i32 to index
    %swap3A_921 = arith.constant 336 : index
    %swap3A_922 = tpu.vector_load %arg11[%swap3A_920, %swap3A_921] {strides = array<i32>} : memref<4x512xf32, #tpu.memory_space<vmem>>, vector<16xf32>,
    tpu.vector_store %arg11[%swap3A_920, %swap3A_921], %gather3A_918 {strides = array<i32>} : memref<4x512xf32, #tpu.memory_space<vmem>>, vector<16xf32>,
    %get3A_923 = arith.constant 1 : i32
    %get3A_924 = arith.index_cast %get3A_923 : i32 to index
    %get3A_925 = arith.constant 352 : index
    %get3A_926 = tpu.vector_load %arg9[%get3A_924, %get3A_925] {strides = array<i32>} : memref<4x512xi32, #tpu.memory_space<vmem>>, vector<16xi32>,
    %add3A_927 = arith.constant 4096 : i32
    %add3A_928 = vector.broadcast %add3A_927 : i32 to vector<16xi32>
    %add3A_929 = arith.addi %get3A_926, %add3A_928 : vector<16xi32>
    %gather3A_930 = tpu.vector_load_idx %arg7[%add3A_929] : memref<16384xf32, #tpu.memory_space<vmem>>[vector<16xi32>], vector<16xf32>,
    %swap3A_931 = arith.constant 1 : i32
    %swap3A_932 = arith.index_cast %swap3A_931 : i32 to index
    %swap3A_933 = arith.constant 352 : index
    %swap3A_934 = tpu.vector_load %arg10[%swap3A_932, %swap3A_933] {strides = array<i32>} : memref<4x512xf32, #tpu.memory_space<vmem>>, vector<16xf32>,
    tpu.vector_store %arg10[%swap3A_932, %swap3A_933], %gather3A_930 {strides = array<i32>} : memref<4x512xf32, #tpu.memory_space<vmem>>, vector<16xf32>,
    %gather3A_935 = tpu.vector_load_idx %arg8[%add3A_929] : memref<16384xf32, #tpu.memory_space<vmem>>[vector<16xi32>], vector<16xf32>,
    %swap3A_936 = arith.constant 1 : i32
    %swap3A_937 = arith.index_cast %swap3A_936 : i32 to index
    %swap3A_938 = arith.constant 352 : index
    %swap3A_939 = tpu.vector_load %arg11[%swap3A_937, %swap3A_938] {strides = array<i32>} : memref<4x512xf32, #tpu.memory_space<vmem>>, vector<16xf32>,
    tpu.vector_store %arg11[%swap3A_937, %swap3A_938], %gather3A_935 {strides = array<i32>} : memref<4x512xf32, #tpu.memory_space<vmem>>, vector<16xf32>,
    %get3A_940 = arith.constant 1 : i32
    %get3A_941 = arith.index_cast %get3A_940 : i32 to index
    %get3A_942 = arith.constant 368 : index
    %get3A_943 = tpu.vector_load %arg9[%get3A_941, %get3A_942] {strides = array<i32>} : memref<4x512xi32, #tpu.memory_space<vmem>>, vector<16xi32>,
    %add3A_944 = arith.constant 4096 : i32
    %add3A_945 = vector.broadcast %add3A_944 : i32 to vector<16xi32>
    %add3A_946 = arith.addi %get3A_943, %add3A_945 : vector<16xi32>
    %gather3A_947 = tpu.vector_load_idx %arg7[%add3A_946] : memref<16384xf32, #tpu.memory_space<vmem>>[vector<16xi32>], vector<16xf32>,
    %swap3A_948 = arith.constant 1 : i32
    %swap3A_949 = arith.index_cast %swap3A_948 : i32 to index
    %swap3A_950 = arith.constant 368 : index
    %swap3A_951 = tpu.vector_load %arg10[%swap3A_949, %swap3A_950] {strides = array<i32>} : memref<4x512xf32, #tpu.memory_space<vmem>>, vector<16xf32>,
    tpu.vector_store %arg10[%swap3A_949, %swap3A_950], %gather3A_947 {strides = array<i32>} : memref<4x512xf32, #tpu.memory_space<vmem>>, vector<16xf32>,
    %gather3A_952 = tpu.vector_load_idx %arg8[%add3A_946] : memref<16384xf32, #tpu.memory_space<vmem>>[vector<16xi32>], vector<16xf32>,
    %swap3A_953 = arith.constant 1 : i32
    %swap3A_954 = arith.index_cast %swap3A_953 : i32 to index
    %swap3A_955 = arith.constant 368 : index
    %swap3A_956 = tpu.vector_load %arg11[%swap3A_954, %swap3A_955] {strides = array<i32>} : memref<4x512xf32, #tpu.memory_space<vmem>>, vector<16xf32>,
    tpu.vector_store %arg11[%swap3A_954, %swap3A_955], %gather3A_952 {strides = array<i32>} : memref<4x512xf32, #tpu.memory_space<vmem>>, vector<16xf32>,
    %get3A_957 = arith.constant 1 : i32
    %get3A_958 = arith.index_cast %get3A_957 : i32 to index
    %get3A_959 = arith.constant 384 : index
    %get3A_960 = tpu.vector_load %arg9[%get3A_958, %get3A_959] {strides = array<i32>} : memref<4x512xi32, #tpu.memory_space<vmem>>, vector<16xi32>,
    %add3A_961 = arith.constant 4096 : i32
    %add3A_962 = vector.broadcast %add3A_961 : i32 to vector<16xi32>
    %add3A_963 = arith.addi %get3A_960, %add3A_962 : vector<16xi32>
    %gather3A_964 = tpu.vector_load_idx %arg7[%add3A_963] : memref<16384xf32, #tpu.memory_space<vmem>>[vector<16xi32>], vector<16xf32>,
    %swap3A_965 = arith.constant 1 : i32
    %swap3A_966 = arith.index_cast %swap3A_965 : i32 to index
    %swap3A_967 = arith.constant 384 : index
    %swap3A_968 = tpu.vector_load %arg10[%swap3A_966, %swap3A_967] {strides = array<i32>} : memref<4x512xf32, #tpu.memory_space<vmem>>, vector<16xf32>,
    tpu.vector_store %arg10[%swap3A_966, %swap3A_967], %gather3A_964 {strides = array<i32>} : memref<4x512xf32, #tpu.memory_space<vmem>>, vector<16xf32>,
    %gather3A_969 = tpu.vector_load_idx %arg8[%add3A_963] : memref<16384xf32, #tpu.memory_space<vmem>>[vector<16xi32>], vector<16xf32>,
    %swap3A_970 = arith.constant 1 : i32
    %swap3A_971 = arith.index_cast %swap3A_970 : i32 to index
    %swap3A_972 = arith.constant 384 : index
    %swap3A_973 = tpu.vector_load %arg11[%swap3A_971, %swap3A_972] {strides = array<i32>} : memref<4x512xf32, #tpu.memory_space<vmem>>, vector<16xf32>,
    tpu.vector_store %arg11[%swap3A_971, %swap3A_972], %gather3A_969 {strides = array<i32>} : memref<4x512xf32, #tpu.memory_space<vmem>>, vector<16xf32>,
    %get3A_974 = arith.constant 1 : i32
    %get3A_975 = arith.index_cast %get3A_974 : i32 to index
    %get3A_976 = arith.constant 400 : index
    %get3A_977 = tpu.vector_load %arg9[%get3A_975, %get3A_976] {strides = array<i32>} : memref<4x512xi32, #tpu.memory_space<vmem>>, vector<16xi32>,
    %add3A_978 = arith.constant 4096 : i32
    %add3A_979 = vector.broadcast %add3A_978 : i32 to vector<16xi32>
    %add3A_980 = arith.addi %get3A_977, %add3A_979 : vector<16xi32>
    %gather3A_981 = tpu.vector_load_idx %arg7[%add3A_980] : memref<16384xf32, #tpu.memory_space<vmem>>[vector<16xi32>], vector<16xf32>,
    %swap3A_982 = arith.constant 1 : i32
    %swap3A_983 = arith.index_cast %swap3A_982 : i32 to index
    %swap3A_984 = arith.constant 400 : index
    %swap3A_985 = tpu.vector_load %arg10[%swap3A_983, %swap3A_984] {strides = array<i32>} : memref<4x512xf32, #tpu.memory_space<vmem>>, vector<16xf32>,
    tpu.vector_store %arg10[%swap3A_983, %swap3A_984], %gather3A_981 {strides = array<i32>} : memref<4x512xf32, #tpu.memory_space<vmem>>, vector<16xf32>,
    %gather3A_986 = tpu.vector_load_idx %arg8[%add3A_980] : memref<16384xf32, #tpu.memory_space<vmem>>[vector<16xi32>], vector<16xf32>,
    %swap3A_987 = arith.constant 1 : i32
    %swap3A_988 = arith.index_cast %swap3A_987 : i32 to index
    %swap3A_989 = arith.constant 400 : index
    %swap3A_990 = tpu.vector_load %arg11[%swap3A_988, %swap3A_989] {strides = array<i32>} : memref<4x512xf32, #tpu.memory_space<vmem>>, vector<16xf32>,
    tpu.vector_store %arg11[%swap3A_988, %swap3A_989], %gather3A_986 {strides = array<i32>} : memref<4x512xf32, #tpu.memory_space<vmem>>, vector<16xf32>,
    %get3A_991 = arith.constant 1 : i32
    %get3A_992 = arith.index_cast %get3A_991 : i32 to index
    %get3A_993 = arith.constant 416 : index
    %get3A_994 = tpu.vector_load %arg9[%get3A_992, %get3A_993] {strides = array<i32>} : memref<4x512xi32, #tpu.memory_space<vmem>>, vector<16xi32>,
    %add3A_995 = arith.constant 4096 : i32
    %add3A_996 = vector.broadcast %add3A_995 : i32 to vector<16xi32>
    %add3A_997 = arith.addi %get3A_994, %add3A_996 : vector<16xi32>
    %gather3A_998 = tpu.vector_load_idx %arg7[%add3A_997] : memref<16384xf32, #tpu.memory_space<vmem>>[vector<16xi32>], vector<16xf32>,
    %swap3A_999 = arith.constant 1 : i32
    %swap3A_1000 = arith.index_cast %swap3A_999 : i32 to index
    %swap3A_1001 = arith.constant 416 : index
    %swap3A_1002 = tpu.vector_load %arg10[%swap3A_1000, %swap3A_1001] {strides = array<i32>} : memref<4x512xf32, #tpu.memory_space<vmem>>, vector<16xf32>,
    tpu.vector_store %arg10[%swap3A_1000, %swap3A_1001], %gather3A_998 {strides = array<i32>} : memref<4x512xf32, #tpu.memory_space<vmem>>, vector<16xf32>,
    %gather3A_1003 = tpu.vector_load_idx %arg8[%add3A_997] : memref<16384xf32, #tpu.memory_space<vmem>>[vector<16xi32>], vector<16xf32>,
    %swap3A_1004 = arith.constant 1 : i32
    %swap3A_1005 = arith.index_cast %swap3A_1004 : i32 to index
    %swap3A_1006 = arith.constant 416 : index
    %swap3A_1007 = tpu.vector_load %arg11[%swap3A_1005, %swap3A_1006] {strides = array<i32>} : memref<4x512xf32, #tpu.memory_space<vmem>>, vector<16xf32>,
    tpu.vector_store %arg11[%swap3A_1005, %swap3A_1006], %gather3A_1003 {strides = array<i32>} : memref<4x512xf32, #tpu.memory_space<vmem>>, vector<16xf32>,
    %get3A_1008 = arith.constant 1 : i32
    %get3A_1009 = arith.index_cast %get3A_1008 : i32 to index
    %get3A_1010 = arith.constant 432 : index
    %get3A_1011 = tpu.vector_load %arg9[%get3A_1009, %get3A_1010] {strides = array<i32>} : memref<4x512xi32, #tpu.memory_space<vmem>>, vector<16xi32>,
    %add3A_1012 = arith.constant 4096 : i32
    %add3A_1013 = vector.broadcast %add3A_1012 : i32 to vector<16xi32>
    %add3A_1014 = arith.addi %get3A_1011, %add3A_1013 : vector<16xi32>
    %gather3A_1015 = tpu.vector_load_idx %arg7[%add3A_1014] : memref<16384xf32, #tpu.memory_space<vmem>>[vector<16xi32>], vector<16xf32>,
    %swap3A_1016 = arith.constant 1 : i32
    %swap3A_1017 = arith.index_cast %swap3A_1016 : i32 to index
    %swap3A_1018 = arith.constant 432 : index
    %swap3A_1019 = tpu.vector_load %arg10[%swap3A_1017, %swap3A_1018] {strides = array<i32>} : memref<4x512xf32, #tpu.memory_space<vmem>>, vector<16xf32>,
    tpu.vector_store %arg10[%swap3A_1017, %swap3A_1018], %gather3A_1015 {strides = array<i32>} : memref<4x512xf32, #tpu.memory_space<vmem>>, vector<16xf32>,
    %gather3A_1020 = tpu.vector_load_idx %arg8[%add3A_1014] : memref<16384xf32, #tpu.memory_space<vmem>>[vector<16xi32>], vector<16xf32>,
    %swap3A_1021 = arith.constant 1 : i32
    %swap3A_1022 = arith.index_cast %swap3A_1021 : i32 to index
    %swap3A_1023 = arith.constant 432 : index
    %swap3A_1024 = tpu.vector_load %arg11[%swap3A_1022, %swap3A_1023] {strides = array<i32>} : memref<4x512xf32, #tpu.memory_space<vmem>>, vector<16xf32>,
    tpu.vector_store %arg11[%swap3A_1022, %swap3A_1023], %gather3A_1020 {strides = array<i32>} : memref<4x512xf32, #tpu.memory_space<vmem>>, vector<16xf32>,
    %get3A_1025 = arith.constant 1 : i32
    %get3A_1026 = arith.index_cast %get3A_1025 : i32 to index
    %get3A_1027 = arith.constant 448 : index
    %get3A_1028 = tpu.vector_load %arg9[%get3A_1026, %get3A_1027] {strides = array<i32>} : memref<4x512xi32, #tpu.memory_space<vmem>>, vector<16xi32>,
    %add3A_1029 = arith.constant 4096 : i32
    %add3A_1030 = vector.broadcast %add3A_1029 : i32 to vector<16xi32>
    %add3A_1031 = arith.addi %get3A_1028, %add3A_1030 : vector<16xi32>
    %gather3A_1032 = tpu.vector_load_idx %arg7[%add3A_1031] : memref<16384xf32, #tpu.memory_space<vmem>>[vector<16xi32>], vector<16xf32>,
    %swap3A_1033 = arith.constant 1 : i32
    %swap3A_1034 = arith.index_cast %swap3A_1033 : i32 to index
    %swap3A_1035 = arith.constant 448 : index
    %swap3A_1036 = tpu.vector_load %arg10[%swap3A_1034, %swap3A_1035] {strides = array<i32>} : memref<4x512xf32, #tpu.memory_space<vmem>>, vector<16xf32>,
    tpu.vector_store %arg10[%swap3A_1034, %swap3A_1035], %gather3A_1032 {strides = array<i32>} : memref<4x512xf32, #tpu.memory_space<vmem>>, vector<16xf32>,
    %gather3A_1037 = tpu.vector_load_idx %arg8[%add3A_1031] : memref<16384xf32, #tpu.memory_space<vmem>>[vector<16xi32>], vector<16xf32>,
    %swap3A_1038 = arith.constant 1 : i32
    %swap3A_1039 = arith.index_cast %swap3A_1038 : i32 to index
    %swap3A_1040 = arith.constant 448 : index
    %swap3A_1041 = tpu.vector_load %arg11[%swap3A_1039, %swap3A_1040] {strides = array<i32>} : memref<4x512xf32, #tpu.memory_space<vmem>>, vector<16xf32>,
    tpu.vector_store %arg11[%swap3A_1039, %swap3A_1040], %gather3A_1037 {strides = array<i32>} : memref<4x512xf32, #tpu.memory_space<vmem>>, vector<16xf32>,
    %get3A_1042 = arith.constant 1 : i32
    %get3A_1043 = arith.index_cast %get3A_1042 : i32 to index
    %get3A_1044 = arith.constant 464 : index
    %get3A_1045 = tpu.vector_load %arg9[%get3A_1043, %get3A_1044] {strides = array<i32>} : memref<4x512xi32, #tpu.memory_space<vmem>>, vector<16xi32>,
    %add3A_1046 = arith.constant 4096 : i32
    %add3A_1047 = vector.broadcast %add3A_1046 : i32 to vector<16xi32>
    %add3A_1048 = arith.addi %get3A_1045, %add3A_1047 : vector<16xi32>
    %gather3A_1049 = tpu.vector_load_idx %arg7[%add3A_1048] : memref<16384xf32, #tpu.memory_space<vmem>>[vector<16xi32>], vector<16xf32>,
    %swap3A_1050 = arith.constant 1 : i32
    %swap3A_1051 = arith.index_cast %swap3A_1050 : i32 to index
    %swap3A_1052 = arith.constant 464 : index
    %swap3A_1053 = tpu.vector_load %arg10[%swap3A_1051, %swap3A_1052] {strides = array<i32>} : memref<4x512xf32, #tpu.memory_space<vmem>>, vector<16xf32>,
    tpu.vector_store %arg10[%swap3A_1051, %swap3A_1052], %gather3A_1049 {strides = array<i32>} : memref<4x512xf32, #tpu.memory_space<vmem>>, vector<16xf32>,
    %gather3A_1054 = tpu.vector_load_idx %arg8[%add3A_1048] : memref<16384xf32, #tpu.memory_space<vmem>>[vector<16xi32>], vector<16xf32>,
    %swap3A_1055 = arith.constant 1 : i32
    %swap3A_1056 = arith.index_cast %swap3A_1055 : i32 to index
    %swap3A_1057 = arith.constant 464 : index
    %swap3A_1058 = tpu.vector_load %arg11[%swap3A_1056, %swap3A_1057] {strides = array<i32>} : memref<4x512xf32, #tpu.memory_space<vmem>>, vector<16xf32>,
    tpu.vector_store %arg11[%swap3A_1056, %swap3A_1057], %gather3A_1054 {strides = array<i32>} : memref<4x512xf32, #tpu.memory_space<vmem>>, vector<16xf32>,
    %get3A_1059 = arith.constant 1 : i32
    %get3A_1060 = arith.index_cast %get3A_1059 : i32 to index
    %get3A_1061 = arith.constant 480 : index
    %get3A_1062 = tpu.vector_load %arg9[%get3A_1060, %get3A_1061] {strides = array<i32>} : memref<4x512xi32, #tpu.memory_space<vmem>>, vector<16xi32>,
    %add3A_1063 = arith.constant 4096 : i32
    %add3A_1064 = vector.broadcast %add3A_1063 : i32 to vector<16xi32>
    %add3A_1065 = arith.addi %get3A_1062, %add3A_1064 : vector<16xi32>
    %gather3A_1066 = tpu.vector_load_idx %arg7[%add3A_1065] : memref<16384xf32, #tpu.memory_space<vmem>>[vector<16xi32>], vector<16xf32>,
    %swap3A_1067 = arith.constant 1 : i32
    %swap3A_1068 = arith.index_cast %swap3A_1067 : i32 to index
    %swap3A_1069 = arith.constant 480 : index
    %swap3A_1070 = tpu.vector_load %arg10[%swap3A_1068, %swap3A_1069] {strides = array<i32>} : memref<4x512xf32, #tpu.memory_space<vmem>>, vector<16xf32>,
    tpu.vector_store %arg10[%swap3A_1068, %swap3A_1069], %gather3A_1066 {strides = array<i32>} : memref<4x512xf32, #tpu.memory_space<vmem>>, vector<16xf32>,
    %gather3A_1071 = tpu.vector_load_idx %arg8[%add3A_1065] : memref<16384xf32, #tpu.memory_space<vmem>>[vector<16xi32>], vector<16xf32>,
    %swap3A_1072 = arith.constant 1 : i32
    %swap3A_1073 = arith.index_cast %swap3A_1072 : i32 to index
    %swap3A_1074 = arith.constant 480 : index
    %swap3A_1075 = tpu.vector_load %arg11[%swap3A_1073, %swap3A_1074] {strides = array<i32>} : memref<4x512xf32, #tpu.memory_space<vmem>>, vector<16xf32>,
    tpu.vector_store %arg11[%swap3A_1073, %swap3A_1074], %gather3A_1071 {strides = array<i32>} : memref<4x512xf32, #tpu.memory_space<vmem>>, vector<16xf32>,
    %get3A_1076 = arith.constant 1 : i32
    %get3A_1077 = arith.index_cast %get3A_1076 : i32 to index
    %get3A_1078 = arith.constant 496 : index
    %get3A_1079 = tpu.vector_load %arg9[%get3A_1077, %get3A_1078] {strides = array<i32>} : memref<4x512xi32, #tpu.memory_space<vmem>>, vector<16xi32>,
    %add3A_1080 = arith.constant 4096 : i32
    %add3A_1081 = vector.broadcast %add3A_1080 : i32 to vector<16xi32>
    %add3A_1082 = arith.addi %get3A_1079, %add3A_1081 : vector<16xi32>
    %gather3A_1083 = tpu.vector_load_idx %arg7[%add3A_1082] : memref<16384xf32, #tpu.memory_space<vmem>>[vector<16xi32>], vector<16xf32>,
    %swap3A_1084 = arith.constant 1 : i32
    %swap3A_1085 = arith.index_cast %swap3A_1084 : i32 to index
    %swap3A_1086 = arith.constant 496 : index
    %swap3A_1087 = tpu.vector_load %arg10[%swap3A_1085, %swap3A_1086] {strides = array<i32>} : memref<4x512xf32, #tpu.memory_space<vmem>>, vector<16xf32>,
    tpu.vector_store %arg10[%swap3A_1085, %swap3A_1086], %gather3A_1083 {strides = array<i32>} : memref<4x512xf32, #tpu.memory_space<vmem>>, vector<16xf32>,
    %gather3A_1088 = tpu.vector_load_idx %arg8[%add3A_1082] : memref<16384xf32, #tpu.memory_space<vmem>>[vector<16xi32>], vector<16xf32>,
    %swap3A_1089 = arith.constant 1 : i32
    %swap3A_1090 = arith.index_cast %swap3A_1089 : i32 to index
    %swap3A_1091 = arith.constant 496 : index
    %swap3A_1092 = tpu.vector_load %arg11[%swap3A_1090, %swap3A_1091] {strides = array<i32>} : memref<4x512xf32, #tpu.memory_space<vmem>>, vector<16xf32>,
    tpu.vector_store %arg11[%swap3A_1090, %swap3A_1091], %gather3A_1088 {strides = array<i32>} : memref<4x512xf32, #tpu.memory_space<vmem>>, vector<16xf32>,
    %get3A_1093 = arith.constant 2 : i32
    %get3A_1094 = arith.index_cast %get3A_1093 : i32 to index
    %get3A_1095 = arith.constant 0 : index
    %get3A_1096 = tpu.vector_load %arg9[%get3A_1094, %get3A_1095] {strides = array<i32>} : memref<4x512xi32, #tpu.memory_space<vmem>>, vector<16xi32>,
    %add3A_1097 = arith.constant 8192 : i32
    %add3A_1098 = vector.broadcast %add3A_1097 : i32 to vector<16xi32>
    %add3A_1099 = arith.addi %get3A_1096, %add3A_1098 : vector<16xi32>
    %gather3A_1100 = tpu.vector_load_idx %arg7[%add3A_1099] : memref<16384xf32, #tpu.memory_space<vmem>>[vector<16xi32>], vector<16xf32>,
    %swap3A_1101 = arith.constant 2 : i32
    %swap3A_1102 = arith.index_cast %swap3A_1101 : i32 to index
    %swap3A_1103 = arith.constant 0 : index
    %swap3A_1104 = tpu.vector_load %arg10[%swap3A_1102, %swap3A_1103] {strides = array<i32>} : memref<4x512xf32, #tpu.memory_space<vmem>>, vector<16xf32>,
    tpu.vector_store %arg10[%swap3A_1102, %swap3A_1103], %gather3A_1100 {strides = array<i32>} : memref<4x512xf32, #tpu.memory_space<vmem>>, vector<16xf32>,
    %gather3A_1105 = tpu.vector_load_idx %arg8[%add3A_1099] : memref<16384xf32, #tpu.memory_space<vmem>>[vector<16xi32>], vector<16xf32>,
    %swap3A_1106 = arith.constant 2 : i32
    %swap3A_1107 = arith.index_cast %swap3A_1106 : i32 to index
    %swap3A_1108 = arith.constant 0 : index
    %swap3A_1109 = tpu.vector_load %arg11[%swap3A_1107, %swap3A_1108] {strides = array<i32>} : memref<4x512xf32, #tpu.memory_space<vmem>>, vector<16xf32>,
    tpu.vector_store %arg11[%swap3A_1107, %swap3A_1108], %gather3A_1105 {strides = array<i32>} : memref<4x512xf32, #tpu.memory_space<vmem>>, vector<16xf32>,
    %get3A_1110 = arith.constant 2 : i32
    %get3A_1111 = arith.index_cast %get3A_1110 : i32 to index
    %get3A_1112 = arith.constant 16 : index
    %get3A_1113 = tpu.vector_load %arg9[%get3A_1111, %get3A_1112] {strides = array<i32>} : memref<4x512xi32, #tpu.memory_space<vmem>>, vector<16xi32>,
    %add3A_1114 = arith.constant 8192 : i32
    %add3A_1115 = vector.broadcast %add3A_1114 : i32 to vector<16xi32>
    %add3A_1116 = arith.addi %get3A_1113, %add3A_1115 : vector<16xi32>
    %gather3A_1117 = tpu.vector_load_idx %arg7[%add3A_1116] : memref<16384xf32, #tpu.memory_space<vmem>>[vector<16xi32>], vector<16xf32>,
    %swap3A_1118 = arith.constant 2 : i32
    %swap3A_1119 = arith.index_cast %swap3A_1118 : i32 to index
    %swap3A_1120 = arith.constant 16 : index
    %swap3A_1121 = tpu.vector_load %arg10[%swap3A_1119, %swap3A_1120] {strides = array<i32>} : memref<4x512xf32, #tpu.memory_space<vmem>>, vector<16xf32>,
    tpu.vector_store %arg10[%swap3A_1119, %swap3A_1120], %gather3A_1117 {strides = array<i32>} : memref<4x512xf32, #tpu.memory_space<vmem>>, vector<16xf32>,
    %gather3A_1122 = tpu.vector_load_idx %arg8[%add3A_1116] : memref<16384xf32, #tpu.memory_space<vmem>>[vector<16xi32>], vector<16xf32>,
    %swap3A_1123 = arith.constant 2 : i32
    %swap3A_1124 = arith.index_cast %swap3A_1123 : i32 to index
    %swap3A_1125 = arith.constant 16 : index
    %swap3A_1126 = tpu.vector_load %arg11[%swap3A_1124, %swap3A_1125] {strides = array<i32>} : memref<4x512xf32, #tpu.memory_space<vmem>>, vector<16xf32>,
    tpu.vector_store %arg11[%swap3A_1124, %swap3A_1125], %gather3A_1122 {strides = array<i32>} : memref<4x512xf32, #tpu.memory_space<vmem>>, vector<16xf32>,
    %get3A_1127 = arith.constant 2 : i32
    %get3A_1128 = arith.index_cast %get3A_1127 : i32 to index
    %get3A_1129 = arith.constant 32 : index
    %get3A_1130 = tpu.vector_load %arg9[%get3A_1128, %get3A_1129] {strides = array<i32>} : memref<4x512xi32, #tpu.memory_space<vmem>>, vector<16xi32>,
    %add3A_1131 = arith.constant 8192 : i32
    %add3A_1132 = vector.broadcast %add3A_1131 : i32 to vector<16xi32>
    %add3A_1133 = arith.addi %get3A_1130, %add3A_1132 : vector<16xi32>
    %gather3A_1134 = tpu.vector_load_idx %arg7[%add3A_1133] : memref<16384xf32, #tpu.memory_space<vmem>>[vector<16xi32>], vector<16xf32>,
    %swap3A_1135 = arith.constant 2 : i32
    %swap3A_1136 = arith.index_cast %swap3A_1135 : i32 to index
    %swap3A_1137 = arith.constant 32 : index
    %swap3A_1138 = tpu.vector_load %arg10[%swap3A_1136, %swap3A_1137] {strides = array<i32>} : memref<4x512xf32, #tpu.memory_space<vmem>>, vector<16xf32>,
    tpu.vector_store %arg10[%swap3A_1136, %swap3A_1137], %gather3A_1134 {strides = array<i32>} : memref<4x512xf32, #tpu.memory_space<vmem>>, vector<16xf32>,
    %gather3A_1139 = tpu.vector_load_idx %arg8[%add3A_1133] : memref<16384xf32, #tpu.memory_space<vmem>>[vector<16xi32>], vector<16xf32>,
    %swap3A_1140 = arith.constant 2 : i32
    %swap3A_1141 = arith.index_cast %swap3A_1140 : i32 to index
    %swap3A_1142 = arith.constant 32 : index
    %swap3A_1143 = tpu.vector_load %arg11[%swap3A_1141, %swap3A_1142] {strides = array<i32>} : memref<4x512xf32, #tpu.memory_space<vmem>>, vector<16xf32>,
    tpu.vector_store %arg11[%swap3A_1141, %swap3A_1142], %gather3A_1139 {strides = array<i32>} : memref<4x512xf32, #tpu.memory_space<vmem>>, vector<16xf32>,
    %get3A_1144 = arith.constant 2 : i32
    %get3A_1145 = arith.index_cast %get3A_1144 : i32 to index
    %get3A_1146 = arith.constant 48 : index
    %get3A_1147 = tpu.vector_load %arg9[%get3A_1145, %get3A_1146] {strides = array<i32>} : memref<4x512xi32, #tpu.memory_space<vmem>>, vector<16xi32>,
    %add3A_1148 = arith.constant 8192 : i32
    %add3A_1149 = vector.broadcast %add3A_1148 : i32 to vector<16xi32>
    %add3A_1150 = arith.addi %get3A_1147, %add3A_1149 : vector<16xi32>
    %gather3A_1151 = tpu.vector_load_idx %arg7[%add3A_1150] : memref<16384xf32, #tpu.memory_space<vmem>>[vector<16xi32>], vector<16xf32>,
    %swap3A_1152 = arith.constant 2 : i32
    %swap3A_1153 = arith.index_cast %swap3A_1152 : i32 to index
    %swap3A_1154 = arith.constant 48 : index
    %swap3A_1155 = tpu.vector_load %arg10[%swap3A_1153, %swap3A_1154] {strides = array<i32>} : memref<4x512xf32, #tpu.memory_space<vmem>>, vector<16xf32>,
    tpu.vector_store %arg10[%swap3A_1153, %swap3A_1154], %gather3A_1151 {strides = array<i32>} : memref<4x512xf32, #tpu.memory_space<vmem>>, vector<16xf32>,
    %gather3A_1156 = tpu.vector_load_idx %arg8[%add3A_1150] : memref<16384xf32, #tpu.memory_space<vmem>>[vector<16xi32>], vector<16xf32>,
    %swap3A_1157 = arith.constant 2 : i32
    %swap3A_1158 = arith.index_cast %swap3A_1157 : i32 to index
    %swap3A_1159 = arith.constant 48 : index
    %swap3A_1160 = tpu.vector_load %arg11[%swap3A_1158, %swap3A_1159] {strides = array<i32>} : memref<4x512xf32, #tpu.memory_space<vmem>>, vector<16xf32>,
    tpu.vector_store %arg11[%swap3A_1158, %swap3A_1159], %gather3A_1156 {strides = array<i32>} : memref<4x512xf32, #tpu.memory_space<vmem>>, vector<16xf32>,
    %get3A_1161 = arith.constant 2 : i32
    %get3A_1162 = arith.index_cast %get3A_1161 : i32 to index
    %get3A_1163 = arith.constant 64 : index
    %get3A_1164 = tpu.vector_load %arg9[%get3A_1162, %get3A_1163] {strides = array<i32>} : memref<4x512xi32, #tpu.memory_space<vmem>>, vector<16xi32>,
    %add3A_1165 = arith.constant 8192 : i32
    %add3A_1166 = vector.broadcast %add3A_1165 : i32 to vector<16xi32>
    %add3A_1167 = arith.addi %get3A_1164, %add3A_1166 : vector<16xi32>
    %gather3A_1168 = tpu.vector_load_idx %arg7[%add3A_1167] : memref<16384xf32, #tpu.memory_space<vmem>>[vector<16xi32>], vector<16xf32>,
    %swap3A_1169 = arith.constant 2 : i32
    %swap3A_1170 = arith.index_cast %swap3A_1169 : i32 to index
    %swap3A_1171 = arith.constant 64 : index
    %swap3A_1172 = tpu.vector_load %arg10[%swap3A_1170, %swap3A_1171] {strides = array<i32>} : memref<4x512xf32, #tpu.memory_space<vmem>>, vector<16xf32>,
    tpu.vector_store %arg10[%swap3A_1170, %swap3A_1171], %gather3A_1168 {strides = array<i32>} : memref<4x512xf32, #tpu.memory_space<vmem>>, vector<16xf32>,
    %gather3A_1173 = tpu.vector_load_idx %arg8[%add3A_1167] : memref<16384xf32, #tpu.memory_space<vmem>>[vector<16xi32>], vector<16xf32>,
    %swap3A_1174 = arith.constant 2 : i32
    %swap3A_1175 = arith.index_cast %swap3A_1174 : i32 to index
    %swap3A_1176 = arith.constant 64 : index
    %swap3A_1177 = tpu.vector_load %arg11[%swap3A_1175, %swap3A_1176] {strides = array<i32>} : memref<4x512xf32, #tpu.memory_space<vmem>>, vector<16xf32>,
    tpu.vector_store %arg11[%swap3A_1175, %swap3A_1176], %gather3A_1173 {strides = array<i32>} : memref<4x512xf32, #tpu.memory_space<vmem>>, vector<16xf32>,
    %get3A_1178 = arith.constant 2 : i32
    %get3A_1179 = arith.index_cast %get3A_1178 : i32 to index
    %get3A_1180 = arith.constant 80 : index
    %get3A_1181 = tpu.vector_load %arg9[%get3A_1179, %get3A_1180] {strides = array<i32>} : memref<4x512xi32, #tpu.memory_space<vmem>>, vector<16xi32>,
    %add3A_1182 = arith.constant 8192 : i32
    %add3A_1183 = vector.broadcast %add3A_1182 : i32 to vector<16xi32>
    %add3A_1184 = arith.addi %get3A_1181, %add3A_1183 : vector<16xi32>
    %gather3A_1185 = tpu.vector_load_idx %arg7[%add3A_1184] : memref<16384xf32, #tpu.memory_space<vmem>>[vector<16xi32>], vector<16xf32>,
    %swap3A_1186 = arith.constant 2 : i32
    %swap3A_1187 = arith.index_cast %swap3A_1186 : i32 to index
    %swap3A_1188 = arith.constant 80 : index
    %swap3A_1189 = tpu.vector_load %arg10[%swap3A_1187, %swap3A_1188] {strides = array<i32>} : memref<4x512xf32, #tpu.memory_space<vmem>>, vector<16xf32>,
    tpu.vector_store %arg10[%swap3A_1187, %swap3A_1188], %gather3A_1185 {strides = array<i32>} : memref<4x512xf32, #tpu.memory_space<vmem>>, vector<16xf32>,
    %gather3A_1190 = tpu.vector_load_idx %arg8[%add3A_1184] : memref<16384xf32, #tpu.memory_space<vmem>>[vector<16xi32>], vector<16xf32>,
    %swap3A_1191 = arith.constant 2 : i32
    %swap3A_1192 = arith.index_cast %swap3A_1191 : i32 to index
    %swap3A_1193 = arith.constant 80 : index
    %swap3A_1194 = tpu.vector_load %arg11[%swap3A_1192, %swap3A_1193] {strides = array<i32>} : memref<4x512xf32, #tpu.memory_space<vmem>>, vector<16xf32>,
    tpu.vector_store %arg11[%swap3A_1192, %swap3A_1193], %gather3A_1190 {strides = array<i32>} : memref<4x512xf32, #tpu.memory_space<vmem>>, vector<16xf32>,
    %get3A_1195 = arith.constant 2 : i32
    %get3A_1196 = arith.index_cast %get3A_1195 : i32 to index
    %get3A_1197 = arith.constant 96 : index
    %get3A_1198 = tpu.vector_load %arg9[%get3A_1196, %get3A_1197] {strides = array<i32>} : memref<4x512xi32, #tpu.memory_space<vmem>>, vector<16xi32>,
    %add3A_1199 = arith.constant 8192 : i32
    %add3A_1200 = vector.broadcast %add3A_1199 : i32 to vector<16xi32>
    %add3A_1201 = arith.addi %get3A_1198, %add3A_1200 : vector<16xi32>
    %gather3A_1202 = tpu.vector_load_idx %arg7[%add3A_1201] : memref<16384xf32, #tpu.memory_space<vmem>>[vector<16xi32>], vector<16xf32>,
    %swap3A_1203 = arith.constant 2 : i32
    %swap3A_1204 = arith.index_cast %swap3A_1203 : i32 to index
    %swap3A_1205 = arith.constant 96 : index
    %swap3A_1206 = tpu.vector_load %arg10[%swap3A_1204, %swap3A_1205] {strides = array<i32>} : memref<4x512xf32, #tpu.memory_space<vmem>>, vector<16xf32>,
    tpu.vector_store %arg10[%swap3A_1204, %swap3A_1205], %gather3A_1202 {strides = array<i32>} : memref<4x512xf32, #tpu.memory_space<vmem>>, vector<16xf32>,
    %gather3A_1207 = tpu.vector_load_idx %arg8[%add3A_1201] : memref<16384xf32, #tpu.memory_space<vmem>>[vector<16xi32>], vector<16xf32>,
    %swap3A_1208 = arith.constant 2 : i32
    %swap3A_1209 = arith.index_cast %swap3A_1208 : i32 to index
    %swap3A_1210 = arith.constant 96 : index
    %swap3A_1211 = tpu.vector_load %arg11[%swap3A_1209, %swap3A_1210] {strides = array<i32>} : memref<4x512xf32, #tpu.memory_space<vmem>>, vector<16xf32>,
    tpu.vector_store %arg11[%swap3A_1209, %swap3A_1210], %gather3A_1207 {strides = array<i32>} : memref<4x512xf32, #tpu.memory_space<vmem>>, vector<16xf32>,
    %get3A_1212 = arith.constant 2 : i32
    %get3A_1213 = arith.index_cast %get3A_1212 : i32 to index
    %get3A_1214 = arith.constant 112 : index
    %get3A_1215 = tpu.vector_load %arg9[%get3A_1213, %get3A_1214] {strides = array<i32>} : memref<4x512xi32, #tpu.memory_space<vmem>>, vector<16xi32>,
    %add3A_1216 = arith.constant 8192 : i32
    %add3A_1217 = vector.broadcast %add3A_1216 : i32 to vector<16xi32>
    %add3A_1218 = arith.addi %get3A_1215, %add3A_1217 : vector<16xi32>
    %gather3A_1219 = tpu.vector_load_idx %arg7[%add3A_1218] : memref<16384xf32, #tpu.memory_space<vmem>>[vector<16xi32>], vector<16xf32>,
    %swap3A_1220 = arith.constant 2 : i32
    %swap3A_1221 = arith.index_cast %swap3A_1220 : i32 to index
    %swap3A_1222 = arith.constant 112 : index
    %swap3A_1223 = tpu.vector_load %arg10[%swap3A_1221, %swap3A_1222] {strides = array<i32>} : memref<4x512xf32, #tpu.memory_space<vmem>>, vector<16xf32>,
    tpu.vector_store %arg10[%swap3A_1221, %swap3A_1222], %gather3A_1219 {strides = array<i32>} : memref<4x512xf32, #tpu.memory_space<vmem>>, vector<16xf32>,
    %gather3A_1224 = tpu.vector_load_idx %arg8[%add3A_1218] : memref<16384xf32, #tpu.memory_space<vmem>>[vector<16xi32>], vector<16xf32>,
    %swap3A_1225 = arith.constant 2 : i32
    %swap3A_1226 = arith.index_cast %swap3A_1225 : i32 to index
    %swap3A_1227 = arith.constant 112 : index
    %swap3A_1228 = tpu.vector_load %arg11[%swap3A_1226, %swap3A_1227] {strides = array<i32>} : memref<4x512xf32, #tpu.memory_space<vmem>>, vector<16xf32>,
    tpu.vector_store %arg11[%swap3A_1226, %swap3A_1227], %gather3A_1224 {strides = array<i32>} : memref<4x512xf32, #tpu.memory_space<vmem>>, vector<16xf32>,
    %get3A_1229 = arith.constant 2 : i32
    %get3A_1230 = arith.index_cast %get3A_1229 : i32 to index
    %get3A_1231 = arith.constant 128 : index
    %get3A_1232 = tpu.vector_load %arg9[%get3A_1230, %get3A_1231] {strides = array<i32>} : memref<4x512xi32, #tpu.memory_space<vmem>>, vector<16xi32>,
    %add3A_1233 = arith.constant 8192 : i32
    %add3A_1234 = vector.broadcast %add3A_1233 : i32 to vector<16xi32>
    %add3A_1235 = arith.addi %get3A_1232, %add3A_1234 : vector<16xi32>
    %gather3A_1236 = tpu.vector_load_idx %arg7[%add3A_1235] : memref<16384xf32, #tpu.memory_space<vmem>>[vector<16xi32>], vector<16xf32>,
    %swap3A_1237 = arith.constant 2 : i32
    %swap3A_1238 = arith.index_cast %swap3A_1237 : i32 to index
    %swap3A_1239 = arith.constant 128 : index
    %swap3A_1240 = tpu.vector_load %arg10[%swap3A_1238, %swap3A_1239] {strides = array<i32>} : memref<4x512xf32, #tpu.memory_space<vmem>>, vector<16xf32>,
    tpu.vector_store %arg10[%swap3A_1238, %swap3A_1239], %gather3A_1236 {strides = array<i32>} : memref<4x512xf32, #tpu.memory_space<vmem>>, vector<16xf32>,
    %gather3A_1241 = tpu.vector_load_idx %arg8[%add3A_1235] : memref<16384xf32, #tpu.memory_space<vmem>>[vector<16xi32>], vector<16xf32>,
    %swap3A_1242 = arith.constant 2 : i32
    %swap3A_1243 = arith.index_cast %swap3A_1242 : i32 to index
    %swap3A_1244 = arith.constant 128 : index
    %swap3A_1245 = tpu.vector_load %arg11[%swap3A_1243, %swap3A_1244] {strides = array<i32>} : memref<4x512xf32, #tpu.memory_space<vmem>>, vector<16xf32>,
    tpu.vector_store %arg11[%swap3A_1243, %swap3A_1244], %gather3A_1241 {strides = array<i32>} : memref<4x512xf32, #tpu.memory_space<vmem>>, vector<16xf32>,
    %get3A_1246 = arith.constant 2 : i32
    %get3A_1247 = arith.index_cast %get3A_1246 : i32 to index
    %get3A_1248 = arith.constant 144 : index
    %get3A_1249 = tpu.vector_load %arg9[%get3A_1247, %get3A_1248] {strides = array<i32>} : memref<4x512xi32, #tpu.memory_space<vmem>>, vector<16xi32>,
    %add3A_1250 = arith.constant 8192 : i32
    %add3A_1251 = vector.broadcast %add3A_1250 : i32 to vector<16xi32>
    %add3A_1252 = arith.addi %get3A_1249, %add3A_1251 : vector<16xi32>
    %gather3A_1253 = tpu.vector_load_idx %arg7[%add3A_1252] : memref<16384xf32, #tpu.memory_space<vmem>>[vector<16xi32>], vector<16xf32>,
    %swap3A_1254 = arith.constant 2 : i32
    %swap3A_1255 = arith.index_cast %swap3A_1254 : i32 to index
    %swap3A_1256 = arith.constant 144 : index
    %swap3A_1257 = tpu.vector_load %arg10[%swap3A_1255, %swap3A_1256] {strides = array<i32>} : memref<4x512xf32, #tpu.memory_space<vmem>>, vector<16xf32>,
    tpu.vector_store %arg10[%swap3A_1255, %swap3A_1256], %gather3A_1253 {strides = array<i32>} : memref<4x512xf32, #tpu.memory_space<vmem>>, vector<16xf32>,
    %gather3A_1258 = tpu.vector_load_idx %arg8[%add3A_1252] : memref<16384xf32, #tpu.memory_space<vmem>>[vector<16xi32>], vector<16xf32>,
    %swap3A_1259 = arith.constant 2 : i32
    %swap3A_1260 = arith.index_cast %swap3A_1259 : i32 to index
    %swap3A_1261 = arith.constant 144 : index
    %swap3A_1262 = tpu.vector_load %arg11[%swap3A_1260, %swap3A_1261] {strides = array<i32>} : memref<4x512xf32, #tpu.memory_space<vmem>>, vector<16xf32>,
    tpu.vector_store %arg11[%swap3A_1260, %swap3A_1261], %gather3A_1258 {strides = array<i32>} : memref<4x512xf32, #tpu.memory_space<vmem>>, vector<16xf32>,
    %get3A_1263 = arith.constant 2 : i32
    %get3A_1264 = arith.index_cast %get3A_1263 : i32 to index
    %get3A_1265 = arith.constant 160 : index
    %get3A_1266 = tpu.vector_load %arg9[%get3A_1264, %get3A_1265] {strides = array<i32>} : memref<4x512xi32, #tpu.memory_space<vmem>>, vector<16xi32>,
    %add3A_1267 = arith.constant 8192 : i32
    %add3A_1268 = vector.broadcast %add3A_1267 : i32 to vector<16xi32>
    %add3A_1269 = arith.addi %get3A_1266, %add3A_1268 : vector<16xi32>
    %gather3A_1270 = tpu.vector_load_idx %arg7[%add3A_1269] : memref<16384xf32, #tpu.memory_space<vmem>>[vector<16xi32>], vector<16xf32>,
    %swap3A_1271 = arith.constant 2 : i32
    %swap3A_1272 = arith.index_cast %swap3A_1271 : i32 to index
    %swap3A_1273 = arith.constant 160 : index
    %swap3A_1274 = tpu.vector_load %arg10[%swap3A_1272, %swap3A_1273] {strides = array<i32>} : memref<4x512xf32, #tpu.memory_space<vmem>>, vector<16xf32>,
    tpu.vector_store %arg10[%swap3A_1272, %swap3A_1273], %gather3A_1270 {strides = array<i32>} : memref<4x512xf32, #tpu.memory_space<vmem>>, vector<16xf32>,
    %gather3A_1275 = tpu.vector_load_idx %arg8[%add3A_1269] : memref<16384xf32, #tpu.memory_space<vmem>>[vector<16xi32>], vector<16xf32>,
    %swap3A_1276 = arith.constant 2 : i32
    %swap3A_1277 = arith.index_cast %swap3A_1276 : i32 to index
    %swap3A_1278 = arith.constant 160 : index
    %swap3A_1279 = tpu.vector_load %arg11[%swap3A_1277, %swap3A_1278] {strides = array<i32>} : memref<4x512xf32, #tpu.memory_space<vmem>>, vector<16xf32>,
    tpu.vector_store %arg11[%swap3A_1277, %swap3A_1278], %gather3A_1275 {strides = array<i32>} : memref<4x512xf32, #tpu.memory_space<vmem>>, vector<16xf32>,
    %get3A_1280 = arith.constant 2 : i32
    %get3A_1281 = arith.index_cast %get3A_1280 : i32 to index
    %get3A_1282 = arith.constant 176 : index
    %get3A_1283 = tpu.vector_load %arg9[%get3A_1281, %get3A_1282] {strides = array<i32>} : memref<4x512xi32, #tpu.memory_space<vmem>>, vector<16xi32>,
    %add3A_1284 = arith.constant 8192 : i32
    %add3A_1285 = vector.broadcast %add3A_1284 : i32 to vector<16xi32>
    %add3A_1286 = arith.addi %get3A_1283, %add3A_1285 : vector<16xi32>
    %gather3A_1287 = tpu.vector_load_idx %arg7[%add3A_1286] : memref<16384xf32, #tpu.memory_space<vmem>>[vector<16xi32>], vector<16xf32>,
    %swap3A_1288 = arith.constant 2 : i32
    %swap3A_1289 = arith.index_cast %swap3A_1288 : i32 to index
    %swap3A_1290 = arith.constant 176 : index
    %swap3A_1291 = tpu.vector_load %arg10[%swap3A_1289, %swap3A_1290] {strides = array<i32>} : memref<4x512xf32, #tpu.memory_space<vmem>>, vector<16xf32>,
    tpu.vector_store %arg10[%swap3A_1289, %swap3A_1290], %gather3A_1287 {strides = array<i32>} : memref<4x512xf32, #tpu.memory_space<vmem>>, vector<16xf32>,
    %gather3A_1292 = tpu.vector_load_idx %arg8[%add3A_1286] : memref<16384xf32, #tpu.memory_space<vmem>>[vector<16xi32>], vector<16xf32>,
    %swap3A_1293 = arith.constant 2 : i32
    %swap3A_1294 = arith.index_cast %swap3A_1293 : i32 to index
    %swap3A_1295 = arith.constant 176 : index
    %swap3A_1296 = tpu.vector_load %arg11[%swap3A_1294, %swap3A_1295] {strides = array<i32>} : memref<4x512xf32, #tpu.memory_space<vmem>>, vector<16xf32>,
    tpu.vector_store %arg11[%swap3A_1294, %swap3A_1295], %gather3A_1292 {strides = array<i32>} : memref<4x512xf32, #tpu.memory_space<vmem>>, vector<16xf32>,
    %get3A_1297 = arith.constant 2 : i32
    %get3A_1298 = arith.index_cast %get3A_1297 : i32 to index
    %get3A_1299 = arith.constant 192 : index
    %get3A_1300 = tpu.vector_load %arg9[%get3A_1298, %get3A_1299] {strides = array<i32>} : memref<4x512xi32, #tpu.memory_space<vmem>>, vector<16xi32>,
    %add3A_1301 = arith.constant 8192 : i32
    %add3A_1302 = vector.broadcast %add3A_1301 : i32 to vector<16xi32>
    %add3A_1303 = arith.addi %get3A_1300, %add3A_1302 : vector<16xi32>
    %gather3A_1304 = tpu.vector_load_idx %arg7[%add3A_1303] : memref<16384xf32, #tpu.memory_space<vmem>>[vector<16xi32>], vector<16xf32>,
    %swap3A_1305 = arith.constant 2 : i32
    %swap3A_1306 = arith.index_cast %swap3A_1305 : i32 to index
    %swap3A_1307 = arith.constant 192 : index
    %swap3A_1308 = tpu.vector_load %arg10[%swap3A_1306, %swap3A_1307] {strides = array<i32>} : memref<4x512xf32, #tpu.memory_space<vmem>>, vector<16xf32>,
    tpu.vector_store %arg10[%swap3A_1306, %swap3A_1307], %gather3A_1304 {strides = array<i32>} : memref<4x512xf32, #tpu.memory_space<vmem>>, vector<16xf32>,
    %gather3A_1309 = tpu.vector_load_idx %arg8[%add3A_1303] : memref<16384xf32, #tpu.memory_space<vmem>>[vector<16xi32>], vector<16xf32>,
    %swap3A_1310 = arith.constant 2 : i32
    %swap3A_1311 = arith.index_cast %swap3A_1310 : i32 to index
    %swap3A_1312 = arith.constant 192 : index
    %swap3A_1313 = tpu.vector_load %arg11[%swap3A_1311, %swap3A_1312] {strides = array<i32>} : memref<4x512xf32, #tpu.memory_space<vmem>>, vector<16xf32>,
    tpu.vector_store %arg11[%swap3A_1311, %swap3A_1312], %gather3A_1309 {strides = array<i32>} : memref<4x512xf32, #tpu.memory_space<vmem>>, vector<16xf32>,
    %get3A_1314 = arith.constant 2 : i32
    %get3A_1315 = arith.index_cast %get3A_1314 : i32 to index
    %get3A_1316 = arith.constant 208 : index
    %get3A_1317 = tpu.vector_load %arg9[%get3A_1315, %get3A_1316] {strides = array<i32>} : memref<4x512xi32, #tpu.memory_space<vmem>>, vector<16xi32>,
    %add3A_1318 = arith.constant 8192 : i32
    %add3A_1319 = vector.broadcast %add3A_1318 : i32 to vector<16xi32>
    %add3A_1320 = arith.addi %get3A_1317, %add3A_1319 : vector<16xi32>
    %gather3A_1321 = tpu.vector_load_idx %arg7[%add3A_1320] : memref<16384xf32, #tpu.memory_space<vmem>>[vector<16xi32>], vector<16xf32>,
    %swap3A_1322 = arith.constant 2 : i32
    %swap3A_1323 = arith.index_cast %swap3A_1322 : i32 to index
    %swap3A_1324 = arith.constant 208 : index
    %swap3A_1325 = tpu.vector_load %arg10[%swap3A_1323, %swap3A_1324] {strides = array<i32>} : memref<4x512xf32, #tpu.memory_space<vmem>>, vector<16xf32>,
    tpu.vector_store %arg10[%swap3A_1323, %swap3A_1324], %gather3A_1321 {strides = array<i32>} : memref<4x512xf32, #tpu.memory_space<vmem>>, vector<16xf32>,
    %gather3A_1326 = tpu.vector_load_idx %arg8[%add3A_1320] : memref<16384xf32, #tpu.memory_space<vmem>>[vector<16xi32>], vector<16xf32>,
    %swap3A_1327 = arith.constant 2 : i32
    %swap3A_1328 = arith.index_cast %swap3A_1327 : i32 to index
    %swap3A_1329 = arith.constant 208 : index
    %swap3A_1330 = tpu.vector_load %arg11[%swap3A_1328, %swap3A_1329] {strides = array<i32>} : memref<4x512xf32, #tpu.memory_space<vmem>>, vector<16xf32>,
    tpu.vector_store %arg11[%swap3A_1328, %swap3A_1329], %gather3A_1326 {strides = array<i32>} : memref<4x512xf32, #tpu.memory_space<vmem>>, vector<16xf32>,
    %get3A_1331 = arith.constant 2 : i32
    %get3A_1332 = arith.index_cast %get3A_1331 : i32 to index
    %get3A_1333 = arith.constant 224 : index
    %get3A_1334 = tpu.vector_load %arg9[%get3A_1332, %get3A_1333] {strides = array<i32>} : memref<4x512xi32, #tpu.memory_space<vmem>>, vector<16xi32>,
    %add3A_1335 = arith.constant 8192 : i32
    %add3A_1336 = vector.broadcast %add3A_1335 : i32 to vector<16xi32>
    %add3A_1337 = arith.addi %get3A_1334, %add3A_1336 : vector<16xi32>
    %gather3A_1338 = tpu.vector_load_idx %arg7[%add3A_1337] : memref<16384xf32, #tpu.memory_space<vmem>>[vector<16xi32>], vector<16xf32>,
    %swap3A_1339 = arith.constant 2 : i32
    %swap3A_1340 = arith.index_cast %swap3A_1339 : i32 to index
    %swap3A_1341 = arith.constant 224 : index
    %swap3A_1342 = tpu.vector_load %arg10[%swap3A_1340, %swap3A_1341] {strides = array<i32>} : memref<4x512xf32, #tpu.memory_space<vmem>>, vector<16xf32>,
    tpu.vector_store %arg10[%swap3A_1340, %swap3A_1341], %gather3A_1338 {strides = array<i32>} : memref<4x512xf32, #tpu.memory_space<vmem>>, vector<16xf32>,
    %gather3A_1343 = tpu.vector_load_idx %arg8[%add3A_1337] : memref<16384xf32, #tpu.memory_space<vmem>>[vector<16xi32>], vector<16xf32>,
    %swap3A_1344 = arith.constant 2 : i32
    %swap3A_1345 = arith.index_cast %swap3A_1344 : i32 to index
    %swap3A_1346 = arith.constant 224 : index
    %swap3A_1347 = tpu.vector_load %arg11[%swap3A_1345, %swap3A_1346] {strides = array<i32>} : memref<4x512xf32, #tpu.memory_space<vmem>>, vector<16xf32>,
    tpu.vector_store %arg11[%swap3A_1345, %swap3A_1346], %gather3A_1343 {strides = array<i32>} : memref<4x512xf32, #tpu.memory_space<vmem>>, vector<16xf32>,
    %get3A_1348 = arith.constant 2 : i32
    %get3A_1349 = arith.index_cast %get3A_1348 : i32 to index
    %get3A_1350 = arith.constant 240 : index
    %get3A_1351 = tpu.vector_load %arg9[%get3A_1349, %get3A_1350] {strides = array<i32>} : memref<4x512xi32, #tpu.memory_space<vmem>>, vector<16xi32>,
    %add3A_1352 = arith.constant 8192 : i32
    %add3A_1353 = vector.broadcast %add3A_1352 : i32 to vector<16xi32>
    %add3A_1354 = arith.addi %get3A_1351, %add3A_1353 : vector<16xi32>
    %gather3A_1355 = tpu.vector_load_idx %arg7[%add3A_1354] : memref<16384xf32, #tpu.memory_space<vmem>>[vector<16xi32>], vector<16xf32>,
    %swap3A_1356 = arith.constant 2 : i32
    %swap3A_1357 = arith.index_cast %swap3A_1356 : i32 to index
    %swap3A_1358 = arith.constant 240 : index
    %swap3A_1359 = tpu.vector_load %arg10[%swap3A_1357, %swap3A_1358] {strides = array<i32>} : memref<4x512xf32, #tpu.memory_space<vmem>>, vector<16xf32>,
    tpu.vector_store %arg10[%swap3A_1357, %swap3A_1358], %gather3A_1355 {strides = array<i32>} : memref<4x512xf32, #tpu.memory_space<vmem>>, vector<16xf32>,
    %gather3A_1360 = tpu.vector_load_idx %arg8[%add3A_1354] : memref<16384xf32, #tpu.memory_space<vmem>>[vector<16xi32>], vector<16xf32>,
    %swap3A_1361 = arith.constant 2 : i32
    %swap3A_1362 = arith.index_cast %swap3A_1361 : i32 to index
    %swap3A_1363 = arith.constant 240 : index
    %swap3A_1364 = tpu.vector_load %arg11[%swap3A_1362, %swap3A_1363] {strides = array<i32>} : memref<4x512xf32, #tpu.memory_space<vmem>>, vector<16xf32>,
    tpu.vector_store %arg11[%swap3A_1362, %swap3A_1363], %gather3A_1360 {strides = array<i32>} : memref<4x512xf32, #tpu.memory_space<vmem>>, vector<16xf32>,
    %get3A_1365 = arith.constant 2 : i32
    %get3A_1366 = arith.index_cast %get3A_1365 : i32 to index
    %get3A_1367 = arith.constant 256 : index
    %get3A_1368 = tpu.vector_load %arg9[%get3A_1366, %get3A_1367] {strides = array<i32>} : memref<4x512xi32, #tpu.memory_space<vmem>>, vector<16xi32>,
    %add3A_1369 = arith.constant 8192 : i32
    %add3A_1370 = vector.broadcast %add3A_1369 : i32 to vector<16xi32>
    %add3A_1371 = arith.addi %get3A_1368, %add3A_1370 : vector<16xi32>
    %gather3A_1372 = tpu.vector_load_idx %arg7[%add3A_1371] : memref<16384xf32, #tpu.memory_space<vmem>>[vector<16xi32>], vector<16xf32>,
    %swap3A_1373 = arith.constant 2 : i32
    %swap3A_1374 = arith.index_cast %swap3A_1373 : i32 to index
    %swap3A_1375 = arith.constant 256 : index
    %swap3A_1376 = tpu.vector_load %arg10[%swap3A_1374, %swap3A_1375] {strides = array<i32>} : memref<4x512xf32, #tpu.memory_space<vmem>>, vector<16xf32>,
    tpu.vector_store %arg10[%swap3A_1374, %swap3A_1375], %gather3A_1372 {strides = array<i32>} : memref<4x512xf32, #tpu.memory_space<vmem>>, vector<16xf32>,
    %gather3A_1377 = tpu.vector_load_idx %arg8[%add3A_1371] : memref<16384xf32, #tpu.memory_space<vmem>>[vector<16xi32>], vector<16xf32>,
    %swap3A_1378 = arith.constant 2 : i32
    %swap3A_1379 = arith.index_cast %swap3A_1378 : i32 to index
    %swap3A_1380 = arith.constant 256 : index
    %swap3A_1381 = tpu.vector_load %arg11[%swap3A_1379, %swap3A_1380] {strides = array<i32>} : memref<4x512xf32, #tpu.memory_space<vmem>>, vector<16xf32>,
    tpu.vector_store %arg11[%swap3A_1379, %swap3A_1380], %gather3A_1377 {strides = array<i32>} : memref<4x512xf32, #tpu.memory_space<vmem>>, vector<16xf32>,
    %get3A_1382 = arith.constant 2 : i32
    %get3A_1383 = arith.index_cast %get3A_1382 : i32 to index
    %get3A_1384 = arith.constant 272 : index
    %get3A_1385 = tpu.vector_load %arg9[%get3A_1383, %get3A_1384] {strides = array<i32>} : memref<4x512xi32, #tpu.memory_space<vmem>>, vector<16xi32>,
    %add3A_1386 = arith.constant 8192 : i32
    %add3A_1387 = vector.broadcast %add3A_1386 : i32 to vector<16xi32>
    %add3A_1388 = arith.addi %get3A_1385, %add3A_1387 : vector<16xi32>
    %gather3A_1389 = tpu.vector_load_idx %arg7[%add3A_1388] : memref<16384xf32, #tpu.memory_space<vmem>>[vector<16xi32>], vector<16xf32>,
    %swap3A_1390 = arith.constant 2 : i32
    %swap3A_1391 = arith.index_cast %swap3A_1390 : i32 to index
    %swap3A_1392 = arith.constant 272 : index
    %swap3A_1393 = tpu.vector_load %arg10[%swap3A_1391, %swap3A_1392] {strides = array<i32>} : memref<4x512xf32, #tpu.memory_space<vmem>>, vector<16xf32>,
    tpu.vector_store %arg10[%swap3A_1391, %swap3A_1392], %gather3A_1389 {strides = array<i32>} : memref<4x512xf32, #tpu.memory_space<vmem>>, vector<16xf32>,
    %gather3A_1394 = tpu.vector_load_idx %arg8[%add3A_1388] : memref<16384xf32, #tpu.memory_space<vmem>>[vector<16xi32>], vector<16xf32>,
    %swap3A_1395 = arith.constant 2 : i32
    %swap3A_1396 = arith.index_cast %swap3A_1395 : i32 to index
    %swap3A_1397 = arith.constant 272 : index
    %swap3A_1398 = tpu.vector_load %arg11[%swap3A_1396, %swap3A_1397] {strides = array<i32>} : memref<4x512xf32, #tpu.memory_space<vmem>>, vector<16xf32>,
    tpu.vector_store %arg11[%swap3A_1396, %swap3A_1397], %gather3A_1394 {strides = array<i32>} : memref<4x512xf32, #tpu.memory_space<vmem>>, vector<16xf32>,
    %get3A_1399 = arith.constant 2 : i32
    %get3A_1400 = arith.index_cast %get3A_1399 : i32 to index
    %get3A_1401 = arith.constant 288 : index
    %get3A_1402 = tpu.vector_load %arg9[%get3A_1400, %get3A_1401] {strides = array<i32>} : memref<4x512xi32, #tpu.memory_space<vmem>>, vector<16xi32>,
    %add3A_1403 = arith.constant 8192 : i32
    %add3A_1404 = vector.broadcast %add3A_1403 : i32 to vector<16xi32>
    %add3A_1405 = arith.addi %get3A_1402, %add3A_1404 : vector<16xi32>
    %gather3A_1406 = tpu.vector_load_idx %arg7[%add3A_1405] : memref<16384xf32, #tpu.memory_space<vmem>>[vector<16xi32>], vector<16xf32>,
    %swap3A_1407 = arith.constant 2 : i32
    %swap3A_1408 = arith.index_cast %swap3A_1407 : i32 to index
    %swap3A_1409 = arith.constant 288 : index
    %swap3A_1410 = tpu.vector_load %arg10[%swap3A_1408, %swap3A_1409] {strides = array<i32>} : memref<4x512xf32, #tpu.memory_space<vmem>>, vector<16xf32>,
    tpu.vector_store %arg10[%swap3A_1408, %swap3A_1409], %gather3A_1406 {strides = array<i32>} : memref<4x512xf32, #tpu.memory_space<vmem>>, vector<16xf32>,
    %gather3A_1411 = tpu.vector_load_idx %arg8[%add3A_1405] : memref<16384xf32, #tpu.memory_space<vmem>>[vector<16xi32>], vector<16xf32>,
    %swap3A_1412 = arith.constant 2 : i32
    %swap3A_1413 = arith.index_cast %swap3A_1412 : i32 to index
    %swap3A_1414 = arith.constant 288 : index
    %swap3A_1415 = tpu.vector_load %arg11[%swap3A_1413, %swap3A_1414] {strides = array<i32>} : memref<4x512xf32, #tpu.memory_space<vmem>>, vector<16xf32>,
    tpu.vector_store %arg11[%swap3A_1413, %swap3A_1414], %gather3A_1411 {strides = array<i32>} : memref<4x512xf32, #tpu.memory_space<vmem>>, vector<16xf32>,
    %get3A_1416 = arith.constant 2 : i32
    %get3A_1417 = arith.index_cast %get3A_1416 : i32 to index
    %get3A_1418 = arith.constant 304 : index
    %get3A_1419 = tpu.vector_load %arg9[%get3A_1417, %get3A_1418] {strides = array<i32>} : memref<4x512xi32, #tpu.memory_space<vmem>>, vector<16xi32>,
    %add3A_1420 = arith.constant 8192 : i32
    %add3A_1421 = vector.broadcast %add3A_1420 : i32 to vector<16xi32>
    %add3A_1422 = arith.addi %get3A_1419, %add3A_1421 : vector<16xi32>
    %gather3A_1423 = tpu.vector_load_idx %arg7[%add3A_1422] : memref<16384xf32, #tpu.memory_space<vmem>>[vector<16xi32>], vector<16xf32>,
    %swap3A_1424 = arith.constant 2 : i32
    %swap3A_1425 = arith.index_cast %swap3A_1424 : i32 to index
    %swap3A_1426 = arith.constant 304 : index
    %swap3A_1427 = tpu.vector_load %arg10[%swap3A_1425, %swap3A_1426] {strides = array<i32>} : memref<4x512xf32, #tpu.memory_space<vmem>>, vector<16xf32>,
    tpu.vector_store %arg10[%swap3A_1425, %swap3A_1426], %gather3A_1423 {strides = array<i32>} : memref<4x512xf32, #tpu.memory_space<vmem>>, vector<16xf32>,
    %gather3A_1428 = tpu.vector_load_idx %arg8[%add3A_1422] : memref<16384xf32, #tpu.memory_space<vmem>>[vector<16xi32>], vector<16xf32>,
    %swap3A_1429 = arith.constant 2 : i32
    %swap3A_1430 = arith.index_cast %swap3A_1429 : i32 to index
    %swap3A_1431 = arith.constant 304 : index
    %swap3A_1432 = tpu.vector_load %arg11[%swap3A_1430, %swap3A_1431] {strides = array<i32>} : memref<4x512xf32, #tpu.memory_space<vmem>>, vector<16xf32>,
    tpu.vector_store %arg11[%swap3A_1430, %swap3A_1431], %gather3A_1428 {strides = array<i32>} : memref<4x512xf32, #tpu.memory_space<vmem>>, vector<16xf32>,
    %get3A_1433 = arith.constant 2 : i32
    %get3A_1434 = arith.index_cast %get3A_1433 : i32 to index
    %get3A_1435 = arith.constant 320 : index
    %get3A_1436 = tpu.vector_load %arg9[%get3A_1434, %get3A_1435] {strides = array<i32>} : memref<4x512xi32, #tpu.memory_space<vmem>>, vector<16xi32>,
    %add3A_1437 = arith.constant 8192 : i32
    %add3A_1438 = vector.broadcast %add3A_1437 : i32 to vector<16xi32>
    %add3A_1439 = arith.addi %get3A_1436, %add3A_1438 : vector<16xi32>
    %gather3A_1440 = tpu.vector_load_idx %arg7[%add3A_1439] : memref<16384xf32, #tpu.memory_space<vmem>>[vector<16xi32>], vector<16xf32>,
    %swap3A_1441 = arith.constant 2 : i32
    %swap3A_1442 = arith.index_cast %swap3A_1441 : i32 to index
    %swap3A_1443 = arith.constant 320 : index
    %swap3A_1444 = tpu.vector_load %arg10[%swap3A_1442, %swap3A_1443] {strides = array<i32>} : memref<4x512xf32, #tpu.memory_space<vmem>>, vector<16xf32>,
    tpu.vector_store %arg10[%swap3A_1442, %swap3A_1443], %gather3A_1440 {strides = array<i32>} : memref<4x512xf32, #tpu.memory_space<vmem>>, vector<16xf32>,
    %gather3A_1445 = tpu.vector_load_idx %arg8[%add3A_1439] : memref<16384xf32, #tpu.memory_space<vmem>>[vector<16xi32>], vector<16xf32>,
    %swap3A_1446 = arith.constant 2 : i32
    %swap3A_1447 = arith.index_cast %swap3A_1446 : i32 to index
    %swap3A_1448 = arith.constant 320 : index
    %swap3A_1449 = tpu.vector_load %arg11[%swap3A_1447, %swap3A_1448] {strides = array<i32>} : memref<4x512xf32, #tpu.memory_space<vmem>>, vector<16xf32>,
    tpu.vector_store %arg11[%swap3A_1447, %swap3A_1448], %gather3A_1445 {strides = array<i32>} : memref<4x512xf32, #tpu.memory_space<vmem>>, vector<16xf32>,
    %get3A_1450 = arith.constant 2 : i32
    %get3A_1451 = arith.index_cast %get3A_1450 : i32 to index
    %get3A_1452 = arith.constant 336 : index
    %get3A_1453 = tpu.vector_load %arg9[%get3A_1451, %get3A_1452] {strides = array<i32>} : memref<4x512xi32, #tpu.memory_space<vmem>>, vector<16xi32>,
    %add3A_1454 = arith.constant 8192 : i32
    %add3A_1455 = vector.broadcast %add3A_1454 : i32 to vector<16xi32>
    %add3A_1456 = arith.addi %get3A_1453, %add3A_1455 : vector<16xi32>
    %gather3A_1457 = tpu.vector_load_idx %arg7[%add3A_1456] : memref<16384xf32, #tpu.memory_space<vmem>>[vector<16xi32>], vector<16xf32>,
    %swap3A_1458 = arith.constant 2 : i32
    %swap3A_1459 = arith.index_cast %swap3A_1458 : i32 to index
    %swap3A_1460 = arith.constant 336 : index
    %swap3A_1461 = tpu.vector_load %arg10[%swap3A_1459, %swap3A_1460] {strides = array<i32>} : memref<4x512xf32, #tpu.memory_space<vmem>>, vector<16xf32>,
    tpu.vector_store %arg10[%swap3A_1459, %swap3A_1460], %gather3A_1457 {strides = array<i32>} : memref<4x512xf32, #tpu.memory_space<vmem>>, vector<16xf32>,
    %gather3A_1462 = tpu.vector_load_idx %arg8[%add3A_1456] : memref<16384xf32, #tpu.memory_space<vmem>>[vector<16xi32>], vector<16xf32>,
    %swap3A_1463 = arith.constant 2 : i32
    %swap3A_1464 = arith.index_cast %swap3A_1463 : i32 to index
    %swap3A_1465 = arith.constant 336 : index
    %swap3A_1466 = tpu.vector_load %arg11[%swap3A_1464, %swap3A_1465] {strides = array<i32>} : memref<4x512xf32, #tpu.memory_space<vmem>>, vector<16xf32>,
    tpu.vector_store %arg11[%swap3A_1464, %swap3A_1465], %gather3A_1462 {strides = array<i32>} : memref<4x512xf32, #tpu.memory_space<vmem>>, vector<16xf32>,
    %get3A_1467 = arith.constant 2 : i32
    %get3A_1468 = arith.index_cast %get3A_1467 : i32 to index
    %get3A_1469 = arith.constant 352 : index
    %get3A_1470 = tpu.vector_load %arg9[%get3A_1468, %get3A_1469] {strides = array<i32>} : memref<4x512xi32, #tpu.memory_space<vmem>>, vector<16xi32>,
    %add3A_1471 = arith.constant 8192 : i32
    %add3A_1472 = vector.broadcast %add3A_1471 : i32 to vector<16xi32>
    %add3A_1473 = arith.addi %get3A_1470, %add3A_1472 : vector<16xi32>
    %gather3A_1474 = tpu.vector_load_idx %arg7[%add3A_1473] : memref<16384xf32, #tpu.memory_space<vmem>>[vector<16xi32>], vector<16xf32>,
    %swap3A_1475 = arith.constant 2 : i32
    %swap3A_1476 = arith.index_cast %swap3A_1475 : i32 to index
    %swap3A_1477 = arith.constant 352 : index
    %swap3A_1478 = tpu.vector_load %arg10[%swap3A_1476, %swap3A_1477] {strides = array<i32>} : memref<4x512xf32, #tpu.memory_space<vmem>>, vector<16xf32>,
    tpu.vector_store %arg10[%swap3A_1476, %swap3A_1477], %gather3A_1474 {strides = array<i32>} : memref<4x512xf32, #tpu.memory_space<vmem>>, vector<16xf32>,
    %gather3A_1479 = tpu.vector_load_idx %arg8[%add3A_1473] : memref<16384xf32, #tpu.memory_space<vmem>>[vector<16xi32>], vector<16xf32>,
    %swap3A_1480 = arith.constant 2 : i32
    %swap3A_1481 = arith.index_cast %swap3A_1480 : i32 to index
    %swap3A_1482 = arith.constant 352 : index
    %swap3A_1483 = tpu.vector_load %arg11[%swap3A_1481, %swap3A_1482] {strides = array<i32>} : memref<4x512xf32, #tpu.memory_space<vmem>>, vector<16xf32>,
    tpu.vector_store %arg11[%swap3A_1481, %swap3A_1482], %gather3A_1479 {strides = array<i32>} : memref<4x512xf32, #tpu.memory_space<vmem>>, vector<16xf32>,
    %get3A_1484 = arith.constant 2 : i32
    %get3A_1485 = arith.index_cast %get3A_1484 : i32 to index
    %get3A_1486 = arith.constant 368 : index
    %get3A_1487 = tpu.vector_load %arg9[%get3A_1485, %get3A_1486] {strides = array<i32>} : memref<4x512xi32, #tpu.memory_space<vmem>>, vector<16xi32>,
    %add3A_1488 = arith.constant 8192 : i32
    %add3A_1489 = vector.broadcast %add3A_1488 : i32 to vector<16xi32>
    %add3A_1490 = arith.addi %get3A_1487, %add3A_1489 : vector<16xi32>
    %gather3A_1491 = tpu.vector_load_idx %arg7[%add3A_1490] : memref<16384xf32, #tpu.memory_space<vmem>>[vector<16xi32>], vector<16xf32>,
    %swap3A_1492 = arith.constant 2 : i32
    %swap3A_1493 = arith.index_cast %swap3A_1492 : i32 to index
    %swap3A_1494 = arith.constant 368 : index
    %swap3A_1495 = tpu.vector_load %arg10[%swap3A_1493, %swap3A_1494] {strides = array<i32>} : memref<4x512xf32, #tpu.memory_space<vmem>>, vector<16xf32>,
    tpu.vector_store %arg10[%swap3A_1493, %swap3A_1494], %gather3A_1491 {strides = array<i32>} : memref<4x512xf32, #tpu.memory_space<vmem>>, vector<16xf32>,
    %gather3A_1496 = tpu.vector_load_idx %arg8[%add3A_1490] : memref<16384xf32, #tpu.memory_space<vmem>>[vector<16xi32>], vector<16xf32>,
    %swap3A_1497 = arith.constant 2 : i32
    %swap3A_1498 = arith.index_cast %swap3A_1497 : i32 to index
    %swap3A_1499 = arith.constant 368 : index
    %swap3A_1500 = tpu.vector_load %arg11[%swap3A_1498, %swap3A_1499] {strides = array<i32>} : memref<4x512xf32, #tpu.memory_space<vmem>>, vector<16xf32>,
    tpu.vector_store %arg11[%swap3A_1498, %swap3A_1499], %gather3A_1496 {strides = array<i32>} : memref<4x512xf32, #tpu.memory_space<vmem>>, vector<16xf32>,
    %get3A_1501 = arith.constant 2 : i32
    %get3A_1502 = arith.index_cast %get3A_1501 : i32 to index
    %get3A_1503 = arith.constant 384 : index
    %get3A_1504 = tpu.vector_load %arg9[%get3A_1502, %get3A_1503] {strides = array<i32>} : memref<4x512xi32, #tpu.memory_space<vmem>>, vector<16xi32>,
    %add3A_1505 = arith.constant 8192 : i32
    %add3A_1506 = vector.broadcast %add3A_1505 : i32 to vector<16xi32>
    %add3A_1507 = arith.addi %get3A_1504, %add3A_1506 : vector<16xi32>
    %gather3A_1508 = tpu.vector_load_idx %arg7[%add3A_1507] : memref<16384xf32, #tpu.memory_space<vmem>>[vector<16xi32>], vector<16xf32>,
    %swap3A_1509 = arith.constant 2 : i32
    %swap3A_1510 = arith.index_cast %swap3A_1509 : i32 to index
    %swap3A_1511 = arith.constant 384 : index
    %swap3A_1512 = tpu.vector_load %arg10[%swap3A_1510, %swap3A_1511] {strides = array<i32>} : memref<4x512xf32, #tpu.memory_space<vmem>>, vector<16xf32>,
    tpu.vector_store %arg10[%swap3A_1510, %swap3A_1511], %gather3A_1508 {strides = array<i32>} : memref<4x512xf32, #tpu.memory_space<vmem>>, vector<16xf32>,
    %gather3A_1513 = tpu.vector_load_idx %arg8[%add3A_1507] : memref<16384xf32, #tpu.memory_space<vmem>>[vector<16xi32>], vector<16xf32>,
    %swap3A_1514 = arith.constant 2 : i32
    %swap3A_1515 = arith.index_cast %swap3A_1514 : i32 to index
    %swap3A_1516 = arith.constant 384 : index
    %swap3A_1517 = tpu.vector_load %arg11[%swap3A_1515, %swap3A_1516] {strides = array<i32>} : memref<4x512xf32, #tpu.memory_space<vmem>>, vector<16xf32>,
    tpu.vector_store %arg11[%swap3A_1515, %swap3A_1516], %gather3A_1513 {strides = array<i32>} : memref<4x512xf32, #tpu.memory_space<vmem>>, vector<16xf32>,
    %get3A_1518 = arith.constant 2 : i32
    %get3A_1519 = arith.index_cast %get3A_1518 : i32 to index
    %get3A_1520 = arith.constant 400 : index
    %get3A_1521 = tpu.vector_load %arg9[%get3A_1519, %get3A_1520] {strides = array<i32>} : memref<4x512xi32, #tpu.memory_space<vmem>>, vector<16xi32>,
    %add3A_1522 = arith.constant 8192 : i32
    %add3A_1523 = vector.broadcast %add3A_1522 : i32 to vector<16xi32>
    %add3A_1524 = arith.addi %get3A_1521, %add3A_1523 : vector<16xi32>
    %gather3A_1525 = tpu.vector_load_idx %arg7[%add3A_1524] : memref<16384xf32, #tpu.memory_space<vmem>>[vector<16xi32>], vector<16xf32>,
    %swap3A_1526 = arith.constant 2 : i32
    %swap3A_1527 = arith.index_cast %swap3A_1526 : i32 to index
    %swap3A_1528 = arith.constant 400 : index
    %swap3A_1529 = tpu.vector_load %arg10[%swap3A_1527, %swap3A_1528] {strides = array<i32>} : memref<4x512xf32, #tpu.memory_space<vmem>>, vector<16xf32>,
    tpu.vector_store %arg10[%swap3A_1527, %swap3A_1528], %gather3A_1525 {strides = array<i32>} : memref<4x512xf32, #tpu.memory_space<vmem>>, vector<16xf32>,
    %gather3A_1530 = tpu.vector_load_idx %arg8[%add3A_1524] : memref<16384xf32, #tpu.memory_space<vmem>>[vector<16xi32>], vector<16xf32>,
    %swap3A_1531 = arith.constant 2 : i32
    %swap3A_1532 = arith.index_cast %swap3A_1531 : i32 to index
    %swap3A_1533 = arith.constant 400 : index
    %swap3A_1534 = tpu.vector_load %arg11[%swap3A_1532, %swap3A_1533] {strides = array<i32>} : memref<4x512xf32, #tpu.memory_space<vmem>>, vector<16xf32>,
    tpu.vector_store %arg11[%swap3A_1532, %swap3A_1533], %gather3A_1530 {strides = array<i32>} : memref<4x512xf32, #tpu.memory_space<vmem>>, vector<16xf32>,
    %get3A_1535 = arith.constant 2 : i32
    %get3A_1536 = arith.index_cast %get3A_1535 : i32 to index
    %get3A_1537 = arith.constant 416 : index
    %get3A_1538 = tpu.vector_load %arg9[%get3A_1536, %get3A_1537] {strides = array<i32>} : memref<4x512xi32, #tpu.memory_space<vmem>>, vector<16xi32>,
    %add3A_1539 = arith.constant 8192 : i32
    %add3A_1540 = vector.broadcast %add3A_1539 : i32 to vector<16xi32>
    %add3A_1541 = arith.addi %get3A_1538, %add3A_1540 : vector<16xi32>
    %gather3A_1542 = tpu.vector_load_idx %arg7[%add3A_1541] : memref<16384xf32, #tpu.memory_space<vmem>>[vector<16xi32>], vector<16xf32>,
    %swap3A_1543 = arith.constant 2 : i32
    %swap3A_1544 = arith.index_cast %swap3A_1543 : i32 to index
    %swap3A_1545 = arith.constant 416 : index
    %swap3A_1546 = tpu.vector_load %arg10[%swap3A_1544, %swap3A_1545] {strides = array<i32>} : memref<4x512xf32, #tpu.memory_space<vmem>>, vector<16xf32>,
    tpu.vector_store %arg10[%swap3A_1544, %swap3A_1545], %gather3A_1542 {strides = array<i32>} : memref<4x512xf32, #tpu.memory_space<vmem>>, vector<16xf32>,
    %gather3A_1547 = tpu.vector_load_idx %arg8[%add3A_1541] : memref<16384xf32, #tpu.memory_space<vmem>>[vector<16xi32>], vector<16xf32>,
    %swap3A_1548 = arith.constant 2 : i32
    %swap3A_1549 = arith.index_cast %swap3A_1548 : i32 to index
    %swap3A_1550 = arith.constant 416 : index
    %swap3A_1551 = tpu.vector_load %arg11[%swap3A_1549, %swap3A_1550] {strides = array<i32>} : memref<4x512xf32, #tpu.memory_space<vmem>>, vector<16xf32>,
    tpu.vector_store %arg11[%swap3A_1549, %swap3A_1550], %gather3A_1547 {strides = array<i32>} : memref<4x512xf32, #tpu.memory_space<vmem>>, vector<16xf32>,
    %get3A_1552 = arith.constant 2 : i32
    %get3A_1553 = arith.index_cast %get3A_1552 : i32 to index
    %get3A_1554 = arith.constant 432 : index
    %get3A_1555 = tpu.vector_load %arg9[%get3A_1553, %get3A_1554] {strides = array<i32>} : memref<4x512xi32, #tpu.memory_space<vmem>>, vector<16xi32>,
    %add3A_1556 = arith.constant 8192 : i32
    %add3A_1557 = vector.broadcast %add3A_1556 : i32 to vector<16xi32>
    %add3A_1558 = arith.addi %get3A_1555, %add3A_1557 : vector<16xi32>
    %gather3A_1559 = tpu.vector_load_idx %arg7[%add3A_1558] : memref<16384xf32, #tpu.memory_space<vmem>>[vector<16xi32>], vector<16xf32>,
    %swap3A_1560 = arith.constant 2 : i32
    %swap3A_1561 = arith.index_cast %swap3A_1560 : i32 to index
    %swap3A_1562 = arith.constant 432 : index
    %swap3A_1563 = tpu.vector_load %arg10[%swap3A_1561, %swap3A_1562] {strides = array<i32>} : memref<4x512xf32, #tpu.memory_space<vmem>>, vector<16xf32>,
    tpu.vector_store %arg10[%swap3A_1561, %swap3A_1562], %gather3A_1559 {strides = array<i32>} : memref<4x512xf32, #tpu.memory_space<vmem>>, vector<16xf32>,
    %gather3A_1564 = tpu.vector_load_idx %arg8[%add3A_1558] : memref<16384xf32, #tpu.memory_space<vmem>>[vector<16xi32>], vector<16xf32>,
    %swap3A_1565 = arith.constant 2 : i32
    %swap3A_1566 = arith.index_cast %swap3A_1565 : i32 to index
    %swap3A_1567 = arith.constant 432 : index
    %swap3A_1568 = tpu.vector_load %arg11[%swap3A_1566, %swap3A_1567] {strides = array<i32>} : memref<4x512xf32, #tpu.memory_space<vmem>>, vector<16xf32>,
    tpu.vector_store %arg11[%swap3A_1566, %swap3A_1567], %gather3A_1564 {strides = array<i32>} : memref<4x512xf32, #tpu.memory_space<vmem>>, vector<16xf32>,
    %get3A_1569 = arith.constant 2 : i32
    %get3A_1570 = arith.index_cast %get3A_1569 : i32 to index
    %get3A_1571 = arith.constant 448 : index
    %get3A_1572 = tpu.vector_load %arg9[%get3A_1570, %get3A_1571] {strides = array<i32>} : memref<4x512xi32, #tpu.memory_space<vmem>>, vector<16xi32>,
    %add3A_1573 = arith.constant 8192 : i32
    %add3A_1574 = vector.broadcast %add3A_1573 : i32 to vector<16xi32>
    %add3A_1575 = arith.addi %get3A_1572, %add3A_1574 : vector<16xi32>
    %gather3A_1576 = tpu.vector_load_idx %arg7[%add3A_1575] : memref<16384xf32, #tpu.memory_space<vmem>>[vector<16xi32>], vector<16xf32>,
    %swap3A_1577 = arith.constant 2 : i32
    %swap3A_1578 = arith.index_cast %swap3A_1577 : i32 to index
    %swap3A_1579 = arith.constant 448 : index
    %swap3A_1580 = tpu.vector_load %arg10[%swap3A_1578, %swap3A_1579] {strides = array<i32>} : memref<4x512xf32, #tpu.memory_space<vmem>>, vector<16xf32>,
    tpu.vector_store %arg10[%swap3A_1578, %swap3A_1579], %gather3A_1576 {strides = array<i32>} : memref<4x512xf32, #tpu.memory_space<vmem>>, vector<16xf32>,
    %gather3A_1581 = tpu.vector_load_idx %arg8[%add3A_1575] : memref<16384xf32, #tpu.memory_space<vmem>>[vector<16xi32>], vector<16xf32>,
    %swap3A_1582 = arith.constant 2 : i32
    %swap3A_1583 = arith.index_cast %swap3A_1582 : i32 to index
    %swap3A_1584 = arith.constant 448 : index
    %swap3A_1585 = tpu.vector_load %arg11[%swap3A_1583, %swap3A_1584] {strides = array<i32>} : memref<4x512xf32, #tpu.memory_space<vmem>>, vector<16xf32>,
    tpu.vector_store %arg11[%swap3A_1583, %swap3A_1584], %gather3A_1581 {strides = array<i32>} : memref<4x512xf32, #tpu.memory_space<vmem>>, vector<16xf32>,
    %get3A_1586 = arith.constant 2 : i32
    %get3A_1587 = arith.index_cast %get3A_1586 : i32 to index
    %get3A_1588 = arith.constant 464 : index
    %get3A_1589 = tpu.vector_load %arg9[%get3A_1587, %get3A_1588] {strides = array<i32>} : memref<4x512xi32, #tpu.memory_space<vmem>>, vector<16xi32>,
    %add3A_1590 = arith.constant 8192 : i32
    %add3A_1591 = vector.broadcast %add3A_1590 : i32 to vector<16xi32>
    %add3A_1592 = arith.addi %get3A_1589, %add3A_1591 : vector<16xi32>
    %gather3A_1593 = tpu.vector_load_idx %arg7[%add3A_1592] : memref<16384xf32, #tpu.memory_space<vmem>>[vector<16xi32>], vector<16xf32>,
    %swap3A_1594 = arith.constant 2 : i32
    %swap3A_1595 = arith.index_cast %swap3A_1594 : i32 to index
    %swap3A_1596 = arith.constant 464 : index
    %swap3A_1597 = tpu.vector_load %arg10[%swap3A_1595, %swap3A_1596] {strides = array<i32>} : memref<4x512xf32, #tpu.memory_space<vmem>>, vector<16xf32>,
    tpu.vector_store %arg10[%swap3A_1595, %swap3A_1596], %gather3A_1593 {strides = array<i32>} : memref<4x512xf32, #tpu.memory_space<vmem>>, vector<16xf32>,
    %gather3A_1598 = tpu.vector_load_idx %arg8[%add3A_1592] : memref<16384xf32, #tpu.memory_space<vmem>>[vector<16xi32>], vector<16xf32>,
    %swap3A_1599 = arith.constant 2 : i32
    %swap3A_1600 = arith.index_cast %swap3A_1599 : i32 to index
    %swap3A_1601 = arith.constant 464 : index
    %swap3A_1602 = tpu.vector_load %arg11[%swap3A_1600, %swap3A_1601] {strides = array<i32>} : memref<4x512xf32, #tpu.memory_space<vmem>>, vector<16xf32>,
    tpu.vector_store %arg11[%swap3A_1600, %swap3A_1601], %gather3A_1598 {strides = array<i32>} : memref<4x512xf32, #tpu.memory_space<vmem>>, vector<16xf32>,
    %get3A_1603 = arith.constant 2 : i32
    %get3A_1604 = arith.index_cast %get3A_1603 : i32 to index
    %get3A_1605 = arith.constant 480 : index
    %get3A_1606 = tpu.vector_load %arg9[%get3A_1604, %get3A_1605] {strides = array<i32>} : memref<4x512xi32, #tpu.memory_space<vmem>>, vector<16xi32>,
    %add3A_1607 = arith.constant 8192 : i32
    %add3A_1608 = vector.broadcast %add3A_1607 : i32 to vector<16xi32>
    %add3A_1609 = arith.addi %get3A_1606, %add3A_1608 : vector<16xi32>
    %gather3A_1610 = tpu.vector_load_idx %arg7[%add3A_1609] : memref<16384xf32, #tpu.memory_space<vmem>>[vector<16xi32>], vector<16xf32>,
    %swap3A_1611 = arith.constant 2 : i32
    %swap3A_1612 = arith.index_cast %swap3A_1611 : i32 to index
    %swap3A_1613 = arith.constant 480 : index
    %swap3A_1614 = tpu.vector_load %arg10[%swap3A_1612, %swap3A_1613] {strides = array<i32>} : memref<4x512xf32, #tpu.memory_space<vmem>>, vector<16xf32>,
    tpu.vector_store %arg10[%swap3A_1612, %swap3A_1613], %gather3A_1610 {strides = array<i32>} : memref<4x512xf32, #tpu.memory_space<vmem>>, vector<16xf32>,
    %gather3A_1615 = tpu.vector_load_idx %arg8[%add3A_1609] : memref<16384xf32, #tpu.memory_space<vmem>>[vector<16xi32>], vector<16xf32>,
    %swap3A_1616 = arith.constant 2 : i32
    %swap3A_1617 = arith.index_cast %swap3A_1616 : i32 to index
    %swap3A_1618 = arith.constant 480 : index
    %swap3A_1619 = tpu.vector_load %arg11[%swap3A_1617, %swap3A_1618] {strides = array<i32>} : memref<4x512xf32, #tpu.memory_space<vmem>>, vector<16xf32>,
    tpu.vector_store %arg11[%swap3A_1617, %swap3A_1618], %gather3A_1615 {strides = array<i32>} : memref<4x512xf32, #tpu.memory_space<vmem>>, vector<16xf32>,
    %get3A_1620 = arith.constant 2 : i32
    %get3A_1621 = arith.index_cast %get3A_1620 : i32 to index
    %get3A_1622 = arith.constant 496 : index
    %get3A_1623 = tpu.vector_load %arg9[%get3A_1621, %get3A_1622] {strides = array<i32>} : memref<4x512xi32, #tpu.memory_space<vmem>>, vector<16xi32>,
    %add3A_1624 = arith.constant 8192 : i32
    %add3A_1625 = vector.broadcast %add3A_1624 : i32 to vector<16xi32>
    %add3A_1626 = arith.addi %get3A_1623, %add3A_1625 : vector<16xi32>
    %gather3A_1627 = tpu.vector_load_idx %arg7[%add3A_1626] : memref<16384xf32, #tpu.memory_space<vmem>>[vector<16xi32>], vector<16xf32>,
    %swap3A_1628 = arith.constant 2 : i32
    %swap3A_1629 = arith.index_cast %swap3A_1628 : i32 to index
    %swap3A_1630 = arith.constant 496 : index
    %swap3A_1631 = tpu.vector_load %arg10[%swap3A_1629, %swap3A_1630] {strides = array<i32>} : memref<4x512xf32, #tpu.memory_space<vmem>>, vector<16xf32>,
    tpu.vector_store %arg10[%swap3A_1629, %swap3A_1630], %gather3A_1627 {strides = array<i32>} : memref<4x512xf32, #tpu.memory_space<vmem>>, vector<16xf32>,
    %gather3A_1632 = tpu.vector_load_idx %arg8[%add3A_1626] : memref<16384xf32, #tpu.memory_space<vmem>>[vector<16xi32>], vector<16xf32>,
    %swap3A_1633 = arith.constant 2 : i32
    %swap3A_1634 = arith.index_cast %swap3A_1633 : i32 to index
    %swap3A_1635 = arith.constant 496 : index
    %swap3A_1636 = tpu.vector_load %arg11[%swap3A_1634, %swap3A_1635] {strides = array<i32>} : memref<4x512xf32, #tpu.memory_space<vmem>>, vector<16xf32>,
    tpu.vector_store %arg11[%swap3A_1634, %swap3A_1635], %gather3A_1632 {strides = array<i32>} : memref<4x512xf32, #tpu.memory_space<vmem>>, vector<16xf32>,
    %get3A_1637 = arith.constant 3 : i32
    %get3A_1638 = arith.index_cast %get3A_1637 : i32 to index
    %get3A_1639 = arith.constant 0 : index
    %get3A_1640 = tpu.vector_load %arg9[%get3A_1638, %get3A_1639] {strides = array<i32>} : memref<4x512xi32, #tpu.memory_space<vmem>>, vector<16xi32>,
    %add3A_1641 = arith.constant 12288 : i32
    %add3A_1642 = vector.broadcast %add3A_1641 : i32 to vector<16xi32>
    %add3A_1643 = arith.addi %get3A_1640, %add3A_1642 : vector<16xi32>
    %gather3A_1644 = tpu.vector_load_idx %arg7[%add3A_1643] : memref<16384xf32, #tpu.memory_space<vmem>>[vector<16xi32>], vector<16xf32>,
    %swap3A_1645 = arith.constant 3 : i32
    %swap3A_1646 = arith.index_cast %swap3A_1645 : i32 to index
    %swap3A_1647 = arith.constant 0 : index
    %swap3A_1648 = tpu.vector_load %arg10[%swap3A_1646, %swap3A_1647] {strides = array<i32>} : memref<4x512xf32, #tpu.memory_space<vmem>>, vector<16xf32>,
    tpu.vector_store %arg10[%swap3A_1646, %swap3A_1647], %gather3A_1644 {strides = array<i32>} : memref<4x512xf32, #tpu.memory_space<vmem>>, vector<16xf32>,
    %gather3A_1649 = tpu.vector_load_idx %arg8[%add3A_1643] : memref<16384xf32, #tpu.memory_space<vmem>>[vector<16xi32>], vector<16xf32>,
    %swap3A_1650 = arith.constant 3 : i32
    %swap3A_1651 = arith.index_cast %swap3A_1650 : i32 to index
    %swap3A_1652 = arith.constant 0 : index
    %swap3A_1653 = tpu.vector_load %arg11[%swap3A_1651, %swap3A_1652] {strides = array<i32>} : memref<4x512xf32, #tpu.memory_space<vmem>>, vector<16xf32>,
    tpu.vector_store %arg11[%swap3A_1651, %swap3A_1652], %gather3A_1649 {strides = array<i32>} : memref<4x512xf32, #tpu.memory_space<vmem>>, vector<16xf32>,
    %get3A_1654 = arith.constant 3 : i32
    %get3A_1655 = arith.index_cast %get3A_1654 : i32 to index
    %get3A_1656 = arith.constant 16 : index
    %get3A_1657 = tpu.vector_load %arg9[%get3A_1655, %get3A_1656] {strides = array<i32>} : memref<4x512xi32, #tpu.memory_space<vmem>>, vector<16xi32>,
    %add3A_1658 = arith.constant 12288 : i32
    %add3A_1659 = vector.broadcast %add3A_1658 : i32 to vector<16xi32>
    %add3A_1660 = arith.addi %get3A_1657, %add3A_1659 : vector<16xi32>
    %gather3A_1661 = tpu.vector_load_idx %arg7[%add3A_1660] : memref<16384xf32, #tpu.memory_space<vmem>>[vector<16xi32>], vector<16xf32>,
    %swap3A_1662 = arith.constant 3 : i32
    %swap3A_1663 = arith.index_cast %swap3A_1662 : i32 to index
    %swap3A_1664 = arith.constant 16 : index
    %swap3A_1665 = tpu.vector_load %arg10[%swap3A_1663, %swap3A_1664] {strides = array<i32>} : memref<4x512xf32, #tpu.memory_space<vmem>>, vector<16xf32>,
    tpu.vector_store %arg10[%swap3A_1663, %swap3A_1664], %gather3A_1661 {strides = array<i32>} : memref<4x512xf32, #tpu.memory_space<vmem>>, vector<16xf32>,
    %gather3A_1666 = tpu.vector_load_idx %arg8[%add3A_1660] : memref<16384xf32, #tpu.memory_space<vmem>>[vector<16xi32>], vector<16xf32>,
    %swap3A_1667 = arith.constant 3 : i32
    %swap3A_1668 = arith.index_cast %swap3A_1667 : i32 to index
    %swap3A_1669 = arith.constant 16 : index
    %swap3A_1670 = tpu.vector_load %arg11[%swap3A_1668, %swap3A_1669] {strides = array<i32>} : memref<4x512xf32, #tpu.memory_space<vmem>>, vector<16xf32>,
    tpu.vector_store %arg11[%swap3A_1668, %swap3A_1669], %gather3A_1666 {strides = array<i32>} : memref<4x512xf32, #tpu.memory_space<vmem>>, vector<16xf32>,
    %get3A_1671 = arith.constant 3 : i32
    %get3A_1672 = arith.index_cast %get3A_1671 : i32 to index
    %get3A_1673 = arith.constant 32 : index
    %get3A_1674 = tpu.vector_load %arg9[%get3A_1672, %get3A_1673] {strides = array<i32>} : memref<4x512xi32, #tpu.memory_space<vmem>>, vector<16xi32>,
    %add3A_1675 = arith.constant 12288 : i32
    %add3A_1676 = vector.broadcast %add3A_1675 : i32 to vector<16xi32>
    %add3A_1677 = arith.addi %get3A_1674, %add3A_1676 : vector<16xi32>
    %gather3A_1678 = tpu.vector_load_idx %arg7[%add3A_1677] : memref<16384xf32, #tpu.memory_space<vmem>>[vector<16xi32>], vector<16xf32>,
    %swap3A_1679 = arith.constant 3 : i32
    %swap3A_1680 = arith.index_cast %swap3A_1679 : i32 to index
    %swap3A_1681 = arith.constant 32 : index
    %swap3A_1682 = tpu.vector_load %arg10[%swap3A_1680, %swap3A_1681] {strides = array<i32>} : memref<4x512xf32, #tpu.memory_space<vmem>>, vector<16xf32>,
    tpu.vector_store %arg10[%swap3A_1680, %swap3A_1681], %gather3A_1678 {strides = array<i32>} : memref<4x512xf32, #tpu.memory_space<vmem>>, vector<16xf32>,
    %gather3A_1683 = tpu.vector_load_idx %arg8[%add3A_1677] : memref<16384xf32, #tpu.memory_space<vmem>>[vector<16xi32>], vector<16xf32>,
    %swap3A_1684 = arith.constant 3 : i32
    %swap3A_1685 = arith.index_cast %swap3A_1684 : i32 to index
    %swap3A_1686 = arith.constant 32 : index
    %swap3A_1687 = tpu.vector_load %arg11[%swap3A_1685, %swap3A_1686] {strides = array<i32>} : memref<4x512xf32, #tpu.memory_space<vmem>>, vector<16xf32>,
    tpu.vector_store %arg11[%swap3A_1685, %swap3A_1686], %gather3A_1683 {strides = array<i32>} : memref<4x512xf32, #tpu.memory_space<vmem>>, vector<16xf32>,
    %get3A_1688 = arith.constant 3 : i32
    %get3A_1689 = arith.index_cast %get3A_1688 : i32 to index
    %get3A_1690 = arith.constant 48 : index
    %get3A_1691 = tpu.vector_load %arg9[%get3A_1689, %get3A_1690] {strides = array<i32>} : memref<4x512xi32, #tpu.memory_space<vmem>>, vector<16xi32>,
    %add3A_1692 = arith.constant 12288 : i32
    %add3A_1693 = vector.broadcast %add3A_1692 : i32 to vector<16xi32>
    %add3A_1694 = arith.addi %get3A_1691, %add3A_1693 : vector<16xi32>
    %gather3A_1695 = tpu.vector_load_idx %arg7[%add3A_1694] : memref<16384xf32, #tpu.memory_space<vmem>>[vector<16xi32>], vector<16xf32>,
    %swap3A_1696 = arith.constant 3 : i32
    %swap3A_1697 = arith.index_cast %swap3A_1696 : i32 to index
    %swap3A_1698 = arith.constant 48 : index
    %swap3A_1699 = tpu.vector_load %arg10[%swap3A_1697, %swap3A_1698] {strides = array<i32>} : memref<4x512xf32, #tpu.memory_space<vmem>>, vector<16xf32>,
    tpu.vector_store %arg10[%swap3A_1697, %swap3A_1698], %gather3A_1695 {strides = array<i32>} : memref<4x512xf32, #tpu.memory_space<vmem>>, vector<16xf32>,
    %gather3A_1700 = tpu.vector_load_idx %arg8[%add3A_1694] : memref<16384xf32, #tpu.memory_space<vmem>>[vector<16xi32>], vector<16xf32>,
    %swap3A_1701 = arith.constant 3 : i32
    %swap3A_1702 = arith.index_cast %swap3A_1701 : i32 to index
    %swap3A_1703 = arith.constant 48 : index
    %swap3A_1704 = tpu.vector_load %arg11[%swap3A_1702, %swap3A_1703] {strides = array<i32>} : memref<4x512xf32, #tpu.memory_space<vmem>>, vector<16xf32>,
    tpu.vector_store %arg11[%swap3A_1702, %swap3A_1703], %gather3A_1700 {strides = array<i32>} : memref<4x512xf32, #tpu.memory_space<vmem>>, vector<16xf32>,
    %get3A_1705 = arith.constant 3 : i32
    %get3A_1706 = arith.index_cast %get3A_1705 : i32 to index
    %get3A_1707 = arith.constant 64 : index
    %get3A_1708 = tpu.vector_load %arg9[%get3A_1706, %get3A_1707] {strides = array<i32>} : memref<4x512xi32, #tpu.memory_space<vmem>>, vector<16xi32>,
    %add3A_1709 = arith.constant 12288 : i32
    %add3A_1710 = vector.broadcast %add3A_1709 : i32 to vector<16xi32>
    %add3A_1711 = arith.addi %get3A_1708, %add3A_1710 : vector<16xi32>
    %gather3A_1712 = tpu.vector_load_idx %arg7[%add3A_1711] : memref<16384xf32, #tpu.memory_space<vmem>>[vector<16xi32>], vector<16xf32>,
    %swap3A_1713 = arith.constant 3 : i32
    %swap3A_1714 = arith.index_cast %swap3A_1713 : i32 to index
    %swap3A_1715 = arith.constant 64 : index
    %swap3A_1716 = tpu.vector_load %arg10[%swap3A_1714, %swap3A_1715] {strides = array<i32>} : memref<4x512xf32, #tpu.memory_space<vmem>>, vector<16xf32>,
    tpu.vector_store %arg10[%swap3A_1714, %swap3A_1715], %gather3A_1712 {strides = array<i32>} : memref<4x512xf32, #tpu.memory_space<vmem>>, vector<16xf32>,
    %gather3A_1717 = tpu.vector_load_idx %arg8[%add3A_1711] : memref<16384xf32, #tpu.memory_space<vmem>>[vector<16xi32>], vector<16xf32>,
    %swap3A_1718 = arith.constant 3 : i32
    %swap3A_1719 = arith.index_cast %swap3A_1718 : i32 to index
    %swap3A_1720 = arith.constant 64 : index
    %swap3A_1721 = tpu.vector_load %arg11[%swap3A_1719, %swap3A_1720] {strides = array<i32>} : memref<4x512xf32, #tpu.memory_space<vmem>>, vector<16xf32>,
    tpu.vector_store %arg11[%swap3A_1719, %swap3A_1720], %gather3A_1717 {strides = array<i32>} : memref<4x512xf32, #tpu.memory_space<vmem>>, vector<16xf32>,
    %get3A_1722 = arith.constant 3 : i32
    %get3A_1723 = arith.index_cast %get3A_1722 : i32 to index
    %get3A_1724 = arith.constant 80 : index
    %get3A_1725 = tpu.vector_load %arg9[%get3A_1723, %get3A_1724] {strides = array<i32>} : memref<4x512xi32, #tpu.memory_space<vmem>>, vector<16xi32>,
    %add3A_1726 = arith.constant 12288 : i32
    %add3A_1727 = vector.broadcast %add3A_1726 : i32 to vector<16xi32>
    %add3A_1728 = arith.addi %get3A_1725, %add3A_1727 : vector<16xi32>
    %gather3A_1729 = tpu.vector_load_idx %arg7[%add3A_1728] : memref<16384xf32, #tpu.memory_space<vmem>>[vector<16xi32>], vector<16xf32>,
    %swap3A_1730 = arith.constant 3 : i32
    %swap3A_1731 = arith.index_cast %swap3A_1730 : i32 to index
    %swap3A_1732 = arith.constant 80 : index
    %swap3A_1733 = tpu.vector_load %arg10[%swap3A_1731, %swap3A_1732] {strides = array<i32>} : memref<4x512xf32, #tpu.memory_space<vmem>>, vector<16xf32>,
    tpu.vector_store %arg10[%swap3A_1731, %swap3A_1732], %gather3A_1729 {strides = array<i32>} : memref<4x512xf32, #tpu.memory_space<vmem>>, vector<16xf32>,
    %gather3A_1734 = tpu.vector_load_idx %arg8[%add3A_1728] : memref<16384xf32, #tpu.memory_space<vmem>>[vector<16xi32>], vector<16xf32>,
    %swap3A_1735 = arith.constant 3 : i32
    %swap3A_1736 = arith.index_cast %swap3A_1735 : i32 to index
    %swap3A_1737 = arith.constant 80 : index
    %swap3A_1738 = tpu.vector_load %arg11[%swap3A_1736, %swap3A_1737] {strides = array<i32>} : memref<4x512xf32, #tpu.memory_space<vmem>>, vector<16xf32>,
    tpu.vector_store %arg11[%swap3A_1736, %swap3A_1737], %gather3A_1734 {strides = array<i32>} : memref<4x512xf32, #tpu.memory_space<vmem>>, vector<16xf32>,
    %get3A_1739 = arith.constant 3 : i32
    %get3A_1740 = arith.index_cast %get3A_1739 : i32 to index
    %get3A_1741 = arith.constant 96 : index
    %get3A_1742 = tpu.vector_load %arg9[%get3A_1740, %get3A_1741] {strides = array<i32>} : memref<4x512xi32, #tpu.memory_space<vmem>>, vector<16xi32>,
    %add3A_1743 = arith.constant 12288 : i32
    %add3A_1744 = vector.broadcast %add3A_1743 : i32 to vector<16xi32>
    %add3A_1745 = arith.addi %get3A_1742, %add3A_1744 : vector<16xi32>
    %gather3A_1746 = tpu.vector_load_idx %arg7[%add3A_1745] : memref<16384xf32, #tpu.memory_space<vmem>>[vector<16xi32>], vector<16xf32>,
    %swap3A_1747 = arith.constant 3 : i32
    %swap3A_1748 = arith.index_cast %swap3A_1747 : i32 to index
    %swap3A_1749 = arith.constant 96 : index
    %swap3A_1750 = tpu.vector_load %arg10[%swap3A_1748, %swap3A_1749] {strides = array<i32>} : memref<4x512xf32, #tpu.memory_space<vmem>>, vector<16xf32>,
    tpu.vector_store %arg10[%swap3A_1748, %swap3A_1749], %gather3A_1746 {strides = array<i32>} : memref<4x512xf32, #tpu.memory_space<vmem>>, vector<16xf32>,
    %gather3A_1751 = tpu.vector_load_idx %arg8[%add3A_1745] : memref<16384xf32, #tpu.memory_space<vmem>>[vector<16xi32>], vector<16xf32>,
    %swap3A_1752 = arith.constant 3 : i32
    %swap3A_1753 = arith.index_cast %swap3A_1752 : i32 to index
    %swap3A_1754 = arith.constant 96 : index
    %swap3A_1755 = tpu.vector_load %arg11[%swap3A_1753, %swap3A_1754] {strides = array<i32>} : memref<4x512xf32, #tpu.memory_space<vmem>>, vector<16xf32>,
    tpu.vector_store %arg11[%swap3A_1753, %swap3A_1754], %gather3A_1751 {strides = array<i32>} : memref<4x512xf32, #tpu.memory_space<vmem>>, vector<16xf32>,
    %get3A_1756 = arith.constant 3 : i32
    %get3A_1757 = arith.index_cast %get3A_1756 : i32 to index
    %get3A_1758 = arith.constant 112 : index
    %get3A_1759 = tpu.vector_load %arg9[%get3A_1757, %get3A_1758] {strides = array<i32>} : memref<4x512xi32, #tpu.memory_space<vmem>>, vector<16xi32>,
    %add3A_1760 = arith.constant 12288 : i32
    %add3A_1761 = vector.broadcast %add3A_1760 : i32 to vector<16xi32>
    %add3A_1762 = arith.addi %get3A_1759, %add3A_1761 : vector<16xi32>
    %gather3A_1763 = tpu.vector_load_idx %arg7[%add3A_1762] : memref<16384xf32, #tpu.memory_space<vmem>>[vector<16xi32>], vector<16xf32>,
    %swap3A_1764 = arith.constant 3 : i32
    %swap3A_1765 = arith.index_cast %swap3A_1764 : i32 to index
    %swap3A_1766 = arith.constant 112 : index
    %swap3A_1767 = tpu.vector_load %arg10[%swap3A_1765, %swap3A_1766] {strides = array<i32>} : memref<4x512xf32, #tpu.memory_space<vmem>>, vector<16xf32>,
    tpu.vector_store %arg10[%swap3A_1765, %swap3A_1766], %gather3A_1763 {strides = array<i32>} : memref<4x512xf32, #tpu.memory_space<vmem>>, vector<16xf32>,
    %gather3A_1768 = tpu.vector_load_idx %arg8[%add3A_1762] : memref<16384xf32, #tpu.memory_space<vmem>>[vector<16xi32>], vector<16xf32>,
    %swap3A_1769 = arith.constant 3 : i32
    %swap3A_1770 = arith.index_cast %swap3A_1769 : i32 to index
    %swap3A_1771 = arith.constant 112 : index
    %swap3A_1772 = tpu.vector_load %arg11[%swap3A_1770, %swap3A_1771] {strides = array<i32>} : memref<4x512xf32, #tpu.memory_space<vmem>>, vector<16xf32>,
    tpu.vector_store %arg11[%swap3A_1770, %swap3A_1771], %gather3A_1768 {strides = array<i32>} : memref<4x512xf32, #tpu.memory_space<vmem>>, vector<16xf32>,
    %get3A_1773 = arith.constant 3 : i32
    %get3A_1774 = arith.index_cast %get3A_1773 : i32 to index
    %get3A_1775 = arith.constant 128 : index
    %get3A_1776 = tpu.vector_load %arg9[%get3A_1774, %get3A_1775] {strides = array<i32>} : memref<4x512xi32, #tpu.memory_space<vmem>>, vector<16xi32>,
    %add3A_1777 = arith.constant 12288 : i32
    %add3A_1778 = vector.broadcast %add3A_1777 : i32 to vector<16xi32>
    %add3A_1779 = arith.addi %get3A_1776, %add3A_1778 : vector<16xi32>
    %gather3A_1780 = tpu.vector_load_idx %arg7[%add3A_1779] : memref<16384xf32, #tpu.memory_space<vmem>>[vector<16xi32>], vector<16xf32>,
    %swap3A_1781 = arith.constant 3 : i32
    %swap3A_1782 = arith.index_cast %swap3A_1781 : i32 to index
    %swap3A_1783 = arith.constant 128 : index
    %swap3A_1784 = tpu.vector_load %arg10[%swap3A_1782, %swap3A_1783] {strides = array<i32>} : memref<4x512xf32, #tpu.memory_space<vmem>>, vector<16xf32>,
    tpu.vector_store %arg10[%swap3A_1782, %swap3A_1783], %gather3A_1780 {strides = array<i32>} : memref<4x512xf32, #tpu.memory_space<vmem>>, vector<16xf32>,
    %gather3A_1785 = tpu.vector_load_idx %arg8[%add3A_1779] : memref<16384xf32, #tpu.memory_space<vmem>>[vector<16xi32>], vector<16xf32>,
    %swap3A_1786 = arith.constant 3 : i32
    %swap3A_1787 = arith.index_cast %swap3A_1786 : i32 to index
    %swap3A_1788 = arith.constant 128 : index
    %swap3A_1789 = tpu.vector_load %arg11[%swap3A_1787, %swap3A_1788] {strides = array<i32>} : memref<4x512xf32, #tpu.memory_space<vmem>>, vector<16xf32>,
    tpu.vector_store %arg11[%swap3A_1787, %swap3A_1788], %gather3A_1785 {strides = array<i32>} : memref<4x512xf32, #tpu.memory_space<vmem>>, vector<16xf32>,
    %get3A_1790 = arith.constant 3 : i32
    %get3A_1791 = arith.index_cast %get3A_1790 : i32 to index
    %get3A_1792 = arith.constant 144 : index
    %get3A_1793 = tpu.vector_load %arg9[%get3A_1791, %get3A_1792] {strides = array<i32>} : memref<4x512xi32, #tpu.memory_space<vmem>>, vector<16xi32>,
    %add3A_1794 = arith.constant 12288 : i32
    %add3A_1795 = vector.broadcast %add3A_1794 : i32 to vector<16xi32>
    %add3A_1796 = arith.addi %get3A_1793, %add3A_1795 : vector<16xi32>
    %gather3A_1797 = tpu.vector_load_idx %arg7[%add3A_1796] : memref<16384xf32, #tpu.memory_space<vmem>>[vector<16xi32>], vector<16xf32>,
    %swap3A_1798 = arith.constant 3 : i32
    %swap3A_1799 = arith.index_cast %swap3A_1798 : i32 to index
    %swap3A_1800 = arith.constant 144 : index
    %swap3A_1801 = tpu.vector_load %arg10[%swap3A_1799, %swap3A_1800] {strides = array<i32>} : memref<4x512xf32, #tpu.memory_space<vmem>>, vector<16xf32>,
    tpu.vector_store %arg10[%swap3A_1799, %swap3A_1800], %gather3A_1797 {strides = array<i32>} : memref<4x512xf32, #tpu.memory_space<vmem>>, vector<16xf32>,
    %gather3A_1802 = tpu.vector_load_idx %arg8[%add3A_1796] : memref<16384xf32, #tpu.memory_space<vmem>>[vector<16xi32>], vector<16xf32>,
    %swap3A_1803 = arith.constant 3 : i32
    %swap3A_1804 = arith.index_cast %swap3A_1803 : i32 to index
    %swap3A_1805 = arith.constant 144 : index
    %swap3A_1806 = tpu.vector_load %arg11[%swap3A_1804, %swap3A_1805] {strides = array<i32>} : memref<4x512xf32, #tpu.memory_space<vmem>>, vector<16xf32>,
    tpu.vector_store %arg11[%swap3A_1804, %swap3A_1805], %gather3A_1802 {strides = array<i32>} : memref<4x512xf32, #tpu.memory_space<vmem>>, vector<16xf32>,
    %get3A_1807 = arith.constant 3 : i32
    %get3A_1808 = arith.index_cast %get3A_1807 : i32 to index
    %get3A_1809 = arith.constant 160 : index
    %get3A_1810 = tpu.vector_load %arg9[%get3A_1808, %get3A_1809] {strides = array<i32>} : memref<4x512xi32, #tpu.memory_space<vmem>>, vector<16xi32>,
    %add3A_1811 = arith.constant 12288 : i32
    %add3A_1812 = vector.broadcast %add3A_1811 : i32 to vector<16xi32>
    %add3A_1813 = arith.addi %get3A_1810, %add3A_1812 : vector<16xi32>
    %gather3A_1814 = tpu.vector_load_idx %arg7[%add3A_1813] : memref<16384xf32, #tpu.memory_space<vmem>>[vector<16xi32>], vector<16xf32>,
    %swap3A_1815 = arith.constant 3 : i32
    %swap3A_1816 = arith.index_cast %swap3A_1815 : i32 to index
    %swap3A_1817 = arith.constant 160 : index
    %swap3A_1818 = tpu.vector_load %arg10[%swap3A_1816, %swap3A_1817] {strides = array<i32>} : memref<4x512xf32, #tpu.memory_space<vmem>>, vector<16xf32>,
    tpu.vector_store %arg10[%swap3A_1816, %swap3A_1817], %gather3A_1814 {strides = array<i32>} : memref<4x512xf32, #tpu.memory_space<vmem>>, vector<16xf32>,
    %gather3A_1819 = tpu.vector_load_idx %arg8[%add3A_1813] : memref<16384xf32, #tpu.memory_space<vmem>>[vector<16xi32>], vector<16xf32>,
    %swap3A_1820 = arith.constant 3 : i32
    %swap3A_1821 = arith.index_cast %swap3A_1820 : i32 to index
    %swap3A_1822 = arith.constant 160 : index
    %swap3A_1823 = tpu.vector_load %arg11[%swap3A_1821, %swap3A_1822] {strides = array<i32>} : memref<4x512xf32, #tpu.memory_space<vmem>>, vector<16xf32>,
    tpu.vector_store %arg11[%swap3A_1821, %swap3A_1822], %gather3A_1819 {strides = array<i32>} : memref<4x512xf32, #tpu.memory_space<vmem>>, vector<16xf32>,
    %get3A_1824 = arith.constant 3 : i32
    %get3A_1825 = arith.index_cast %get3A_1824 : i32 to index
    %get3A_1826 = arith.constant 176 : index
    %get3A_1827 = tpu.vector_load %arg9[%get3A_1825, %get3A_1826] {strides = array<i32>} : memref<4x512xi32, #tpu.memory_space<vmem>>, vector<16xi32>,
    %add3A_1828 = arith.constant 12288 : i32
    %add3A_1829 = vector.broadcast %add3A_1828 : i32 to vector<16xi32>
    %add3A_1830 = arith.addi %get3A_1827, %add3A_1829 : vector<16xi32>
    %gather3A_1831 = tpu.vector_load_idx %arg7[%add3A_1830] : memref<16384xf32, #tpu.memory_space<vmem>>[vector<16xi32>], vector<16xf32>,
    %swap3A_1832 = arith.constant 3 : i32
    %swap3A_1833 = arith.index_cast %swap3A_1832 : i32 to index
    %swap3A_1834 = arith.constant 176 : index
    %swap3A_1835 = tpu.vector_load %arg10[%swap3A_1833, %swap3A_1834] {strides = array<i32>} : memref<4x512xf32, #tpu.memory_space<vmem>>, vector<16xf32>,
    tpu.vector_store %arg10[%swap3A_1833, %swap3A_1834], %gather3A_1831 {strides = array<i32>} : memref<4x512xf32, #tpu.memory_space<vmem>>, vector<16xf32>,
    %gather3A_1836 = tpu.vector_load_idx %arg8[%add3A_1830] : memref<16384xf32, #tpu.memory_space<vmem>>[vector<16xi32>], vector<16xf32>,
    %swap3A_1837 = arith.constant 3 : i32
    %swap3A_1838 = arith.index_cast %swap3A_1837 : i32 to index
    %swap3A_1839 = arith.constant 176 : index
    %swap3A_1840 = tpu.vector_load %arg11[%swap3A_1838, %swap3A_1839] {strides = array<i32>} : memref<4x512xf32, #tpu.memory_space<vmem>>, vector<16xf32>,
    tpu.vector_store %arg11[%swap3A_1838, %swap3A_1839], %gather3A_1836 {strides = array<i32>} : memref<4x512xf32, #tpu.memory_space<vmem>>, vector<16xf32>,
    %get3A_1841 = arith.constant 3 : i32
    %get3A_1842 = arith.index_cast %get3A_1841 : i32 to index
    %get3A_1843 = arith.constant 192 : index
    %get3A_1844 = tpu.vector_load %arg9[%get3A_1842, %get3A_1843] {strides = array<i32>} : memref<4x512xi32, #tpu.memory_space<vmem>>, vector<16xi32>,
    %add3A_1845 = arith.constant 12288 : i32
    %add3A_1846 = vector.broadcast %add3A_1845 : i32 to vector<16xi32>
    %add3A_1847 = arith.addi %get3A_1844, %add3A_1846 : vector<16xi32>
    %gather3A_1848 = tpu.vector_load_idx %arg7[%add3A_1847] : memref<16384xf32, #tpu.memory_space<vmem>>[vector<16xi32>], vector<16xf32>,
    %swap3A_1849 = arith.constant 3 : i32
    %swap3A_1850 = arith.index_cast %swap3A_1849 : i32 to index
    %swap3A_1851 = arith.constant 192 : index
    %swap3A_1852 = tpu.vector_load %arg10[%swap3A_1850, %swap3A_1851] {strides = array<i32>} : memref<4x512xf32, #tpu.memory_space<vmem>>, vector<16xf32>,
    tpu.vector_store %arg10[%swap3A_1850, %swap3A_1851], %gather3A_1848 {strides = array<i32>} : memref<4x512xf32, #tpu.memory_space<vmem>>, vector<16xf32>,
    %gather3A_1853 = tpu.vector_load_idx %arg8[%add3A_1847] : memref<16384xf32, #tpu.memory_space<vmem>>[vector<16xi32>], vector<16xf32>,
    %swap3A_1854 = arith.constant 3 : i32
    %swap3A_1855 = arith.index_cast %swap3A_1854 : i32 to index
    %swap3A_1856 = arith.constant 192 : index
    %swap3A_1857 = tpu.vector_load %arg11[%swap3A_1855, %swap3A_1856] {strides = array<i32>} : memref<4x512xf32, #tpu.memory_space<vmem>>, vector<16xf32>,
    tpu.vector_store %arg11[%swap3A_1855, %swap3A_1856], %gather3A_1853 {strides = array<i32>} : memref<4x512xf32, #tpu.memory_space<vmem>>, vector<16xf32>,
    %get3A_1858 = arith.constant 3 : i32
    %get3A_1859 = arith.index_cast %get3A_1858 : i32 to index
    %get3A_1860 = arith.constant 208 : index
    %get3A_1861 = tpu.vector_load %arg9[%get3A_1859, %get3A_1860] {strides = array<i32>} : memref<4x512xi32, #tpu.memory_space<vmem>>, vector<16xi32>,
    %add3A_1862 = arith.constant 12288 : i32
    %add3A_1863 = vector.broadcast %add3A_1862 : i32 to vector<16xi32>
    %add3A_1864 = arith.addi %get3A_1861, %add3A_1863 : vector<16xi32>
    %gather3A_1865 = tpu.vector_load_idx %arg7[%add3A_1864] : memref<16384xf32, #tpu.memory_space<vmem>>[vector<16xi32>], vector<16xf32>,
    %swap3A_1866 = arith.constant 3 : i32
    %swap3A_1867 = arith.index_cast %swap3A_1866 : i32 to index
    %swap3A_1868 = arith.constant 208 : index
    %swap3A_1869 = tpu.vector_load %arg10[%swap3A_1867, %swap3A_1868] {strides = array<i32>} : memref<4x512xf32, #tpu.memory_space<vmem>>, vector<16xf32>,
    tpu.vector_store %arg10[%swap3A_1867, %swap3A_1868], %gather3A_1865 {strides = array<i32>} : memref<4x512xf32, #tpu.memory_space<vmem>>, vector<16xf32>,
    %gather3A_1870 = tpu.vector_load_idx %arg8[%add3A_1864] : memref<16384xf32, #tpu.memory_space<vmem>>[vector<16xi32>], vector<16xf32>,
    %swap3A_1871 = arith.constant 3 : i32
    %swap3A_1872 = arith.index_cast %swap3A_1871 : i32 to index
    %swap3A_1873 = arith.constant 208 : index
    %swap3A_1874 = tpu.vector_load %arg11[%swap3A_1872, %swap3A_1873] {strides = array<i32>} : memref<4x512xf32, #tpu.memory_space<vmem>>, vector<16xf32>,
    tpu.vector_store %arg11[%swap3A_1872, %swap3A_1873], %gather3A_1870 {strides = array<i32>} : memref<4x512xf32, #tpu.memory_space<vmem>>, vector<16xf32>,
    %get3A_1875 = arith.constant 3 : i32
    %get3A_1876 = arith.index_cast %get3A_1875 : i32 to index
    %get3A_1877 = arith.constant 224 : index
    %get3A_1878 = tpu.vector_load %arg9[%get3A_1876, %get3A_1877] {strides = array<i32>} : memref<4x512xi32, #tpu.memory_space<vmem>>, vector<16xi32>,
    %add3A_1879 = arith.constant 12288 : i32
    %add3A_1880 = vector.broadcast %add3A_1879 : i32 to vector<16xi32>
    %add3A_1881 = arith.addi %get3A_1878, %add3A_1880 : vector<16xi32>
    %gather3A_1882 = tpu.vector_load_idx %arg7[%add3A_1881] : memref<16384xf32, #tpu.memory_space<vmem>>[vector<16xi32>], vector<16xf32>,
    %swap3A_1883 = arith.constant 3 : i32
    %swap3A_1884 = arith.index_cast %swap3A_1883 : i32 to index
    %swap3A_1885 = arith.constant 224 : index
    %swap3A_1886 = tpu.vector_load %arg10[%swap3A_1884, %swap3A_1885] {strides = array<i32>} : memref<4x512xf32, #tpu.memory_space<vmem>>, vector<16xf32>,
    tpu.vector_store %arg10[%swap3A_1884, %swap3A_1885], %gather3A_1882 {strides = array<i32>} : memref<4x512xf32, #tpu.memory_space<vmem>>, vector<16xf32>,
    %gather3A_1887 = tpu.vector_load_idx %arg8[%add3A_1881] : memref<16384xf32, #tpu.memory_space<vmem>>[vector<16xi32>], vector<16xf32>,
    %swap3A_1888 = arith.constant 3 : i32
    %swap3A_1889 = arith.index_cast %swap3A_1888 : i32 to index
    %swap3A_1890 = arith.constant 224 : index
    %swap3A_1891 = tpu.vector_load %arg11[%swap3A_1889, %swap3A_1890] {strides = array<i32>} : memref<4x512xf32, #tpu.memory_space<vmem>>, vector<16xf32>,
    tpu.vector_store %arg11[%swap3A_1889, %swap3A_1890], %gather3A_1887 {strides = array<i32>} : memref<4x512xf32, #tpu.memory_space<vmem>>, vector<16xf32>,
    %get3A_1892 = arith.constant 3 : i32
    %get3A_1893 = arith.index_cast %get3A_1892 : i32 to index
    %get3A_1894 = arith.constant 240 : index
    %get3A_1895 = tpu.vector_load %arg9[%get3A_1893, %get3A_1894] {strides = array<i32>} : memref<4x512xi32, #tpu.memory_space<vmem>>, vector<16xi32>,
    %add3A_1896 = arith.constant 12288 : i32
    %add3A_1897 = vector.broadcast %add3A_1896 : i32 to vector<16xi32>
    %add3A_1898 = arith.addi %get3A_1895, %add3A_1897 : vector<16xi32>
    %gather3A_1899 = tpu.vector_load_idx %arg7[%add3A_1898] : memref<16384xf32, #tpu.memory_space<vmem>>[vector<16xi32>], vector<16xf32>,
    %swap3A_1900 = arith.constant 3 : i32
    %swap3A_1901 = arith.index_cast %swap3A_1900 : i32 to index
    %swap3A_1902 = arith.constant 240 : index
    %swap3A_1903 = tpu.vector_load %arg10[%swap3A_1901, %swap3A_1902] {strides = array<i32>} : memref<4x512xf32, #tpu.memory_space<vmem>>, vector<16xf32>,
    tpu.vector_store %arg10[%swap3A_1901, %swap3A_1902], %gather3A_1899 {strides = array<i32>} : memref<4x512xf32, #tpu.memory_space<vmem>>, vector<16xf32>,
    %gather3A_1904 = tpu.vector_load_idx %arg8[%add3A_1898] : memref<16384xf32, #tpu.memory_space<vmem>>[vector<16xi32>], vector<16xf32>,
    %swap3A_1905 = arith.constant 3 : i32
    %swap3A_1906 = arith.index_cast %swap3A_1905 : i32 to index
    %swap3A_1907 = arith.constant 240 : index
    %swap3A_1908 = tpu.vector_load %arg11[%swap3A_1906, %swap3A_1907] {strides = array<i32>} : memref<4x512xf32, #tpu.memory_space<vmem>>, vector<16xf32>,
    tpu.vector_store %arg11[%swap3A_1906, %swap3A_1907], %gather3A_1904 {strides = array<i32>} : memref<4x512xf32, #tpu.memory_space<vmem>>, vector<16xf32>,
    %get3A_1909 = arith.constant 3 : i32
    %get3A_1910 = arith.index_cast %get3A_1909 : i32 to index
    %get3A_1911 = arith.constant 256 : index
    %get3A_1912 = tpu.vector_load %arg9[%get3A_1910, %get3A_1911] {strides = array<i32>} : memref<4x512xi32, #tpu.memory_space<vmem>>, vector<16xi32>,
    %add3A_1913 = arith.constant 12288 : i32
    %add3A_1914 = vector.broadcast %add3A_1913 : i32 to vector<16xi32>
    %add3A_1915 = arith.addi %get3A_1912, %add3A_1914 : vector<16xi32>
    %gather3A_1916 = tpu.vector_load_idx %arg7[%add3A_1915] : memref<16384xf32, #tpu.memory_space<vmem>>[vector<16xi32>], vector<16xf32>,
    %swap3A_1917 = arith.constant 3 : i32
    %swap3A_1918 = arith.index_cast %swap3A_1917 : i32 to index
    %swap3A_1919 = arith.constant 256 : index
    %swap3A_1920 = tpu.vector_load %arg10[%swap3A_1918, %swap3A_1919] {strides = array<i32>} : memref<4x512xf32, #tpu.memory_space<vmem>>, vector<16xf32>,
    tpu.vector_store %arg10[%swap3A_1918, %swap3A_1919], %gather3A_1916 {strides = array<i32>} : memref<4x512xf32, #tpu.memory_space<vmem>>, vector<16xf32>,
    %gather3A_1921 = tpu.vector_load_idx %arg8[%add3A_1915] : memref<16384xf32, #tpu.memory_space<vmem>>[vector<16xi32>], vector<16xf32>,
    %swap3A_1922 = arith.constant 3 : i32
    %swap3A_1923 = arith.index_cast %swap3A_1922 : i32 to index
    %swap3A_1924 = arith.constant 256 : index
    %swap3A_1925 = tpu.vector_load %arg11[%swap3A_1923, %swap3A_1924] {strides = array<i32>} : memref<4x512xf32, #tpu.memory_space<vmem>>, vector<16xf32>,
    tpu.vector_store %arg11[%swap3A_1923, %swap3A_1924], %gather3A_1921 {strides = array<i32>} : memref<4x512xf32, #tpu.memory_space<vmem>>, vector<16xf32>,
    %get3A_1926 = arith.constant 3 : i32
    %get3A_1927 = arith.index_cast %get3A_1926 : i32 to index
    %get3A_1928 = arith.constant 272 : index
    %get3A_1929 = tpu.vector_load %arg9[%get3A_1927, %get3A_1928] {strides = array<i32>} : memref<4x512xi32, #tpu.memory_space<vmem>>, vector<16xi32>,
    %add3A_1930 = arith.constant 12288 : i32
    %add3A_1931 = vector.broadcast %add3A_1930 : i32 to vector<16xi32>
    %add3A_1932 = arith.addi %get3A_1929, %add3A_1931 : vector<16xi32>
    %gather3A_1933 = tpu.vector_load_idx %arg7[%add3A_1932] : memref<16384xf32, #tpu.memory_space<vmem>>[vector<16xi32>], vector<16xf32>,
    %swap3A_1934 = arith.constant 3 : i32
    %swap3A_1935 = arith.index_cast %swap3A_1934 : i32 to index
    %swap3A_1936 = arith.constant 272 : index
    %swap3A_1937 = tpu.vector_load %arg10[%swap3A_1935, %swap3A_1936] {strides = array<i32>} : memref<4x512xf32, #tpu.memory_space<vmem>>, vector<16xf32>,
    tpu.vector_store %arg10[%swap3A_1935, %swap3A_1936], %gather3A_1933 {strides = array<i32>} : memref<4x512xf32, #tpu.memory_space<vmem>>, vector<16xf32>,
    %gather3A_1938 = tpu.vector_load_idx %arg8[%add3A_1932] : memref<16384xf32, #tpu.memory_space<vmem>>[vector<16xi32>], vector<16xf32>,
    %swap3A_1939 = arith.constant 3 : i32
    %swap3A_1940 = arith.index_cast %swap3A_1939 : i32 to index
    %swap3A_1941 = arith.constant 272 : index
    %swap3A_1942 = tpu.vector_load %arg11[%swap3A_1940, %swap3A_1941] {strides = array<i32>} : memref<4x512xf32, #tpu.memory_space<vmem>>, vector<16xf32>,
    tpu.vector_store %arg11[%swap3A_1940, %swap3A_1941], %gather3A_1938 {strides = array<i32>} : memref<4x512xf32, #tpu.memory_space<vmem>>, vector<16xf32>,
    %get3A_1943 = arith.constant 3 : i32
    %get3A_1944 = arith.index_cast %get3A_1943 : i32 to index
    %get3A_1945 = arith.constant 288 : index
    %get3A_1946 = tpu.vector_load %arg9[%get3A_1944, %get3A_1945] {strides = array<i32>} : memref<4x512xi32, #tpu.memory_space<vmem>>, vector<16xi32>,
    %add3A_1947 = arith.constant 12288 : i32
    %add3A_1948 = vector.broadcast %add3A_1947 : i32 to vector<16xi32>
    %add3A_1949 = arith.addi %get3A_1946, %add3A_1948 : vector<16xi32>
    %gather3A_1950 = tpu.vector_load_idx %arg7[%add3A_1949] : memref<16384xf32, #tpu.memory_space<vmem>>[vector<16xi32>], vector<16xf32>,
    %swap3A_1951 = arith.constant 3 : i32
    %swap3A_1952 = arith.index_cast %swap3A_1951 : i32 to index
    %swap3A_1953 = arith.constant 288 : index
    %swap3A_1954 = tpu.vector_load %arg10[%swap3A_1952, %swap3A_1953] {strides = array<i32>} : memref<4x512xf32, #tpu.memory_space<vmem>>, vector<16xf32>,
    tpu.vector_store %arg10[%swap3A_1952, %swap3A_1953], %gather3A_1950 {strides = array<i32>} : memref<4x512xf32, #tpu.memory_space<vmem>>, vector<16xf32>,
    %gather3A_1955 = tpu.vector_load_idx %arg8[%add3A_1949] : memref<16384xf32, #tpu.memory_space<vmem>>[vector<16xi32>], vector<16xf32>,
    %swap3A_1956 = arith.constant 3 : i32
    %swap3A_1957 = arith.index_cast %swap3A_1956 : i32 to index
    %swap3A_1958 = arith.constant 288 : index
    %swap3A_1959 = tpu.vector_load %arg11[%swap3A_1957, %swap3A_1958] {strides = array<i32>} : memref<4x512xf32, #tpu.memory_space<vmem>>, vector<16xf32>,
    tpu.vector_store %arg11[%swap3A_1957, %swap3A_1958], %gather3A_1955 {strides = array<i32>} : memref<4x512xf32, #tpu.memory_space<vmem>>, vector<16xf32>,
    %get3A_1960 = arith.constant 3 : i32
    %get3A_1961 = arith.index_cast %get3A_1960 : i32 to index
    %get3A_1962 = arith.constant 304 : index
    %get3A_1963 = tpu.vector_load %arg9[%get3A_1961, %get3A_1962] {strides = array<i32>} : memref<4x512xi32, #tpu.memory_space<vmem>>, vector<16xi32>,
    %add3A_1964 = arith.constant 12288 : i32
    %add3A_1965 = vector.broadcast %add3A_1964 : i32 to vector<16xi32>
    %add3A_1966 = arith.addi %get3A_1963, %add3A_1965 : vector<16xi32>
    %gather3A_1967 = tpu.vector_load_idx %arg7[%add3A_1966] : memref<16384xf32, #tpu.memory_space<vmem>>[vector<16xi32>], vector<16xf32>,
    %swap3A_1968 = arith.constant 3 : i32
    %swap3A_1969 = arith.index_cast %swap3A_1968 : i32 to index
    %swap3A_1970 = arith.constant 304 : index
    %swap3A_1971 = tpu.vector_load %arg10[%swap3A_1969, %swap3A_1970] {strides = array<i32>} : memref<4x512xf32, #tpu.memory_space<vmem>>, vector<16xf32>,
    tpu.vector_store %arg10[%swap3A_1969, %swap3A_1970], %gather3A_1967 {strides = array<i32>} : memref<4x512xf32, #tpu.memory_space<vmem>>, vector<16xf32>,
    %gather3A_1972 = tpu.vector_load_idx %arg8[%add3A_1966] : memref<16384xf32, #tpu.memory_space<vmem>>[vector<16xi32>], vector<16xf32>,
    %swap3A_1973 = arith.constant 3 : i32
    %swap3A_1974 = arith.index_cast %swap3A_1973 : i32 to index
    %swap3A_1975 = arith.constant 304 : index
    %swap3A_1976 = tpu.vector_load %arg11[%swap3A_1974, %swap3A_1975] {strides = array<i32>} : memref<4x512xf32, #tpu.memory_space<vmem>>, vector<16xf32>,
    tpu.vector_store %arg11[%swap3A_1974, %swap3A_1975], %gather3A_1972 {strides = array<i32>} : memref<4x512xf32, #tpu.memory_space<vmem>>, vector<16xf32>,
    %get3A_1977 = arith.constant 3 : i32
    %get3A_1978 = arith.index_cast %get3A_1977 : i32 to index
    %get3A_1979 = arith.constant 320 : index
    %get3A_1980 = tpu.vector_load %arg9[%get3A_1978, %get3A_1979] {strides = array<i32>} : memref<4x512xi32, #tpu.memory_space<vmem>>, vector<16xi32>,
    %add3A_1981 = arith.constant 12288 : i32
    %add3A_1982 = vector.broadcast %add3A_1981 : i32 to vector<16xi32>
    %add3A_1983 = arith.addi %get3A_1980, %add3A_1982 : vector<16xi32>
    %gather3A_1984 = tpu.vector_load_idx %arg7[%add3A_1983] : memref<16384xf32, #tpu.memory_space<vmem>>[vector<16xi32>], vector<16xf32>,
    %swap3A_1985 = arith.constant 3 : i32
    %swap3A_1986 = arith.index_cast %swap3A_1985 : i32 to index
    %swap3A_1987 = arith.constant 320 : index
    %swap3A_1988 = tpu.vector_load %arg10[%swap3A_1986, %swap3A_1987] {strides = array<i32>} : memref<4x512xf32, #tpu.memory_space<vmem>>, vector<16xf32>,
    tpu.vector_store %arg10[%swap3A_1986, %swap3A_1987], %gather3A_1984 {strides = array<i32>} : memref<4x512xf32, #tpu.memory_space<vmem>>, vector<16xf32>,
    %gather3A_1989 = tpu.vector_load_idx %arg8[%add3A_1983] : memref<16384xf32, #tpu.memory_space<vmem>>[vector<16xi32>], vector<16xf32>,
    %swap3A_1990 = arith.constant 3 : i32
    %swap3A_1991 = arith.index_cast %swap3A_1990 : i32 to index
    %swap3A_1992 = arith.constant 320 : index
    %swap3A_1993 = tpu.vector_load %arg11[%swap3A_1991, %swap3A_1992] {strides = array<i32>} : memref<4x512xf32, #tpu.memory_space<vmem>>, vector<16xf32>,
    tpu.vector_store %arg11[%swap3A_1991, %swap3A_1992], %gather3A_1989 {strides = array<i32>} : memref<4x512xf32, #tpu.memory_space<vmem>>, vector<16xf32>,
    %get3A_1994 = arith.constant 3 : i32
    %get3A_1995 = arith.index_cast %get3A_1994 : i32 to index
    %get3A_1996 = arith.constant 336 : index
    %get3A_1997 = tpu.vector_load %arg9[%get3A_1995, %get3A_1996] {strides = array<i32>} : memref<4x512xi32, #tpu.memory_space<vmem>>, vector<16xi32>,
    %add3A_1998 = arith.constant 12288 : i32
    %add3A_1999 = vector.broadcast %add3A_1998 : i32 to vector<16xi32>
    %add3A_2000 = arith.addi %get3A_1997, %add3A_1999 : vector<16xi32>
    %gather3A_2001 = tpu.vector_load_idx %arg7[%add3A_2000] : memref<16384xf32, #tpu.memory_space<vmem>>[vector<16xi32>], vector<16xf32>,
    %swap3A_2002 = arith.constant 3 : i32
    %swap3A_2003 = arith.index_cast %swap3A_2002 : i32 to index
    %swap3A_2004 = arith.constant 336 : index
    %swap3A_2005 = tpu.vector_load %arg10[%swap3A_2003, %swap3A_2004] {strides = array<i32>} : memref<4x512xf32, #tpu.memory_space<vmem>>, vector<16xf32>,
    tpu.vector_store %arg10[%swap3A_2003, %swap3A_2004], %gather3A_2001 {strides = array<i32>} : memref<4x512xf32, #tpu.memory_space<vmem>>, vector<16xf32>,
    %gather3A_2006 = tpu.vector_load_idx %arg8[%add3A_2000] : memref<16384xf32, #tpu.memory_space<vmem>>[vector<16xi32>], vector<16xf32>,
    %swap3A_2007 = arith.constant 3 : i32
    %swap3A_2008 = arith.index_cast %swap3A_2007 : i32 to index
    %swap3A_2009 = arith.constant 336 : index
    %swap3A_2010 = tpu.vector_load %arg11[%swap3A_2008, %swap3A_2009] {strides = array<i32>} : memref<4x512xf32, #tpu.memory_space<vmem>>, vector<16xf32>,
    tpu.vector_store %arg11[%swap3A_2008, %swap3A_2009], %gather3A_2006 {strides = array<i32>} : memref<4x512xf32, #tpu.memory_space<vmem>>, vector<16xf32>,
    %get3A_2011 = arith.constant 3 : i32
    %get3A_2012 = arith.index_cast %get3A_2011 : i32 to index
    %get3A_2013 = arith.constant 352 : index
    %get3A_2014 = tpu.vector_load %arg9[%get3A_2012, %get3A_2013] {strides = array<i32>} : memref<4x512xi32, #tpu.memory_space<vmem>>, vector<16xi32>,
    %add3A_2015 = arith.constant 12288 : i32
    %add3A_2016 = vector.broadcast %add3A_2015 : i32 to vector<16xi32>
    %add3A_2017 = arith.addi %get3A_2014, %add3A_2016 : vector<16xi32>
    %gather3A_2018 = tpu.vector_load_idx %arg7[%add3A_2017] : memref<16384xf32, #tpu.memory_space<vmem>>[vector<16xi32>], vector<16xf32>,
    %swap3A_2019 = arith.constant 3 : i32
    %swap3A_2020 = arith.index_cast %swap3A_2019 : i32 to index
    %swap3A_2021 = arith.constant 352 : index
    %swap3A_2022 = tpu.vector_load %arg10[%swap3A_2020, %swap3A_2021] {strides = array<i32>} : memref<4x512xf32, #tpu.memory_space<vmem>>, vector<16xf32>,
    tpu.vector_store %arg10[%swap3A_2020, %swap3A_2021], %gather3A_2018 {strides = array<i32>} : memref<4x512xf32, #tpu.memory_space<vmem>>, vector<16xf32>,
    %gather3A_2023 = tpu.vector_load_idx %arg8[%add3A_2017] : memref<16384xf32, #tpu.memory_space<vmem>>[vector<16xi32>], vector<16xf32>,
    %swap3A_2024 = arith.constant 3 : i32
    %swap3A_2025 = arith.index_cast %swap3A_2024 : i32 to index
    %swap3A_2026 = arith.constant 352 : index
    %swap3A_2027 = tpu.vector_load %arg11[%swap3A_2025, %swap3A_2026] {strides = array<i32>} : memref<4x512xf32, #tpu.memory_space<vmem>>, vector<16xf32>,
    tpu.vector_store %arg11[%swap3A_2025, %swap3A_2026], %gather3A_2023 {strides = array<i32>} : memref<4x512xf32, #tpu.memory_space<vmem>>, vector<16xf32>,
    %get3A_2028 = arith.constant 3 : i32
    %get3A_2029 = arith.index_cast %get3A_2028 : i32 to index
    %get3A_2030 = arith.constant 368 : index
    %get3A_2031 = tpu.vector_load %arg9[%get3A_2029, %get3A_2030] {strides = array<i32>} : memref<4x512xi32, #tpu.memory_space<vmem>>, vector<16xi32>,
    %add3A_2032 = arith.constant 12288 : i32
    %add3A_2033 = vector.broadcast %add3A_2032 : i32 to vector<16xi32>
    %add3A_2034 = arith.addi %get3A_2031, %add3A_2033 : vector<16xi32>
    %gather3A_2035 = tpu.vector_load_idx %arg7[%add3A_2034] : memref<16384xf32, #tpu.memory_space<vmem>>[vector<16xi32>], vector<16xf32>,
    %swap3A_2036 = arith.constant 3 : i32
    %swap3A_2037 = arith.index_cast %swap3A_2036 : i32 to index
    %swap3A_2038 = arith.constant 368 : index
    %swap3A_2039 = tpu.vector_load %arg10[%swap3A_2037, %swap3A_2038] {strides = array<i32>} : memref<4x512xf32, #tpu.memory_space<vmem>>, vector<16xf32>,
    tpu.vector_store %arg10[%swap3A_2037, %swap3A_2038], %gather3A_2035 {strides = array<i32>} : memref<4x512xf32, #tpu.memory_space<vmem>>, vector<16xf32>,
    %gather3A_2040 = tpu.vector_load_idx %arg8[%add3A_2034] : memref<16384xf32, #tpu.memory_space<vmem>>[vector<16xi32>], vector<16xf32>,
    %swap3A_2041 = arith.constant 3 : i32
    %swap3A_2042 = arith.index_cast %swap3A_2041 : i32 to index
    %swap3A_2043 = arith.constant 368 : index
    %swap3A_2044 = tpu.vector_load %arg11[%swap3A_2042, %swap3A_2043] {strides = array<i32>} : memref<4x512xf32, #tpu.memory_space<vmem>>, vector<16xf32>,
    tpu.vector_store %arg11[%swap3A_2042, %swap3A_2043], %gather3A_2040 {strides = array<i32>} : memref<4x512xf32, #tpu.memory_space<vmem>>, vector<16xf32>,
    %get3A_2045 = arith.constant 3 : i32
    %get3A_2046 = arith.index_cast %get3A_2045 : i32 to index
    %get3A_2047 = arith.constant 384 : index
    %get3A_2048 = tpu.vector_load %arg9[%get3A_2046, %get3A_2047] {strides = array<i32>} : memref<4x512xi32, #tpu.memory_space<vmem>>, vector<16xi32>,
    %add3A_2049 = arith.constant 12288 : i32
    %add3A_2050 = vector.broadcast %add3A_2049 : i32 to vector<16xi32>
    %add3A_2051 = arith.addi %get3A_2048, %add3A_2050 : vector<16xi32>
    %gather3A_2052 = tpu.vector_load_idx %arg7[%add3A_2051] : memref<16384xf32, #tpu.memory_space<vmem>>[vector<16xi32>], vector<16xf32>,
    %swap3A_2053 = arith.constant 3 : i32
    %swap3A_2054 = arith.index_cast %swap3A_2053 : i32 to index
    %swap3A_2055 = arith.constant 384 : index
    %swap3A_2056 = tpu.vector_load %arg10[%swap3A_2054, %swap3A_2055] {strides = array<i32>} : memref<4x512xf32, #tpu.memory_space<vmem>>, vector<16xf32>,
    tpu.vector_store %arg10[%swap3A_2054, %swap3A_2055], %gather3A_2052 {strides = array<i32>} : memref<4x512xf32, #tpu.memory_space<vmem>>, vector<16xf32>,
    %gather3A_2057 = tpu.vector_load_idx %arg8[%add3A_2051] : memref<16384xf32, #tpu.memory_space<vmem>>[vector<16xi32>], vector<16xf32>,
    %swap3A_2058 = arith.constant 3 : i32
    %swap3A_2059 = arith.index_cast %swap3A_2058 : i32 to index
    %swap3A_2060 = arith.constant 384 : index
    %swap3A_2061 = tpu.vector_load %arg11[%swap3A_2059, %swap3A_2060] {strides = array<i32>} : memref<4x512xf32, #tpu.memory_space<vmem>>, vector<16xf32>,
    tpu.vector_store %arg11[%swap3A_2059, %swap3A_2060], %gather3A_2057 {strides = array<i32>} : memref<4x512xf32, #tpu.memory_space<vmem>>, vector<16xf32>,
    %get3A_2062 = arith.constant 3 : i32
    %get3A_2063 = arith.index_cast %get3A_2062 : i32 to index
    %get3A_2064 = arith.constant 400 : index
    %get3A_2065 = tpu.vector_load %arg9[%get3A_2063, %get3A_2064] {strides = array<i32>} : memref<4x512xi32, #tpu.memory_space<vmem>>, vector<16xi32>,
    %add3A_2066 = arith.constant 12288 : i32
    %add3A_2067 = vector.broadcast %add3A_2066 : i32 to vector<16xi32>
    %add3A_2068 = arith.addi %get3A_2065, %add3A_2067 : vector<16xi32>
    %gather3A_2069 = tpu.vector_load_idx %arg7[%add3A_2068] : memref<16384xf32, #tpu.memory_space<vmem>>[vector<16xi32>], vector<16xf32>,
    %swap3A_2070 = arith.constant 3 : i32
    %swap3A_2071 = arith.index_cast %swap3A_2070 : i32 to index
    %swap3A_2072 = arith.constant 400 : index
    %swap3A_2073 = tpu.vector_load %arg10[%swap3A_2071, %swap3A_2072] {strides = array<i32>} : memref<4x512xf32, #tpu.memory_space<vmem>>, vector<16xf32>,
    tpu.vector_store %arg10[%swap3A_2071, %swap3A_2072], %gather3A_2069 {strides = array<i32>} : memref<4x512xf32, #tpu.memory_space<vmem>>, vector<16xf32>,
    %gather3A_2074 = tpu.vector_load_idx %arg8[%add3A_2068] : memref<16384xf32, #tpu.memory_space<vmem>>[vector<16xi32>], vector<16xf32>,
    %swap3A_2075 = arith.constant 3 : i32
    %swap3A_2076 = arith.index_cast %swap3A_2075 : i32 to index
    %swap3A_2077 = arith.constant 400 : index
    %swap3A_2078 = tpu.vector_load %arg11[%swap3A_2076, %swap3A_2077] {strides = array<i32>} : memref<4x512xf32, #tpu.memory_space<vmem>>, vector<16xf32>,
    tpu.vector_store %arg11[%swap3A_2076, %swap3A_2077], %gather3A_2074 {strides = array<i32>} : memref<4x512xf32, #tpu.memory_space<vmem>>, vector<16xf32>,
    %get3A_2079 = arith.constant 3 : i32
    %get3A_2080 = arith.index_cast %get3A_2079 : i32 to index
    %get3A_2081 = arith.constant 416 : index
    %get3A_2082 = tpu.vector_load %arg9[%get3A_2080, %get3A_2081] {strides = array<i32>} : memref<4x512xi32, #tpu.memory_space<vmem>>, vector<16xi32>,
    %add3A_2083 = arith.constant 12288 : i32
    %add3A_2084 = vector.broadcast %add3A_2083 : i32 to vector<16xi32>
    %add3A_2085 = arith.addi %get3A_2082, %add3A_2084 : vector<16xi32>
    %gather3A_2086 = tpu.vector_load_idx %arg7[%add3A_2085] : memref<16384xf32, #tpu.memory_space<vmem>>[vector<16xi32>], vector<16xf32>,
    %swap3A_2087 = arith.constant 3 : i32
    %swap3A_2088 = arith.index_cast %swap3A_2087 : i32 to index
    %swap3A_2089 = arith.constant 416 : index
    %swap3A_2090 = tpu.vector_load %arg10[%swap3A_2088, %swap3A_2089] {strides = array<i32>} : memref<4x512xf32, #tpu.memory_space<vmem>>, vector<16xf32>,
    tpu.vector_store %arg10[%swap3A_2088, %swap3A_2089], %gather3A_2086 {strides = array<i32>} : memref<4x512xf32, #tpu.memory_space<vmem>>, vector<16xf32>,
    %gather3A_2091 = tpu.vector_load_idx %arg8[%add3A_2085] : memref<16384xf32, #tpu.memory_space<vmem>>[vector<16xi32>], vector<16xf32>,
    %swap3A_2092 = arith.constant 3 : i32
    %swap3A_2093 = arith.index_cast %swap3A_2092 : i32 to index
    %swap3A_2094 = arith.constant 416 : index
    %swap3A_2095 = tpu.vector_load %arg11[%swap3A_2093, %swap3A_2094] {strides = array<i32>} : memref<4x512xf32, #tpu.memory_space<vmem>>, vector<16xf32>,
    tpu.vector_store %arg11[%swap3A_2093, %swap3A_2094], %gather3A_2091 {strides = array<i32>} : memref<4x512xf32, #tpu.memory_space<vmem>>, vector<16xf32>,
    %get3A_2096 = arith.constant 3 : i32
    %get3A_2097 = arith.index_cast %get3A_2096 : i32 to index
    %get3A_2098 = arith.constant 432 : index
    %get3A_2099 = tpu.vector_load %arg9[%get3A_2097, %get3A_2098] {strides = array<i32>} : memref<4x512xi32, #tpu.memory_space<vmem>>, vector<16xi32>,
    %add3A_2100 = arith.constant 12288 : i32
    %add3A_2101 = vector.broadcast %add3A_2100 : i32 to vector<16xi32>
    %add3A_2102 = arith.addi %get3A_2099, %add3A_2101 : vector<16xi32>
    %gather3A_2103 = tpu.vector_load_idx %arg7[%add3A_2102] : memref<16384xf32, #tpu.memory_space<vmem>>[vector<16xi32>], vector<16xf32>,
    %swap3A_2104 = arith.constant 3 : i32
    %swap3A_2105 = arith.index_cast %swap3A_2104 : i32 to index
    %swap3A_2106 = arith.constant 432 : index
    %swap3A_2107 = tpu.vector_load %arg10[%swap3A_2105, %swap3A_2106] {strides = array<i32>} : memref<4x512xf32, #tpu.memory_space<vmem>>, vector<16xf32>,
    tpu.vector_store %arg10[%swap3A_2105, %swap3A_2106], %gather3A_2103 {strides = array<i32>} : memref<4x512xf32, #tpu.memory_space<vmem>>, vector<16xf32>,
    %gather3A_2108 = tpu.vector_load_idx %arg8[%add3A_2102] : memref<16384xf32, #tpu.memory_space<vmem>>[vector<16xi32>], vector<16xf32>,
    %swap3A_2109 = arith.constant 3 : i32
    %swap3A_2110 = arith.index_cast %swap3A_2109 : i32 to index
    %swap3A_2111 = arith.constant 432 : index
    %swap3A_2112 = tpu.vector_load %arg11[%swap3A_2110, %swap3A_2111] {strides = array<i32>} : memref<4x512xf32, #tpu.memory_space<vmem>>, vector<16xf32>,
    tpu.vector_store %arg11[%swap3A_2110, %swap3A_2111], %gather3A_2108 {strides = array<i32>} : memref<4x512xf32, #tpu.memory_space<vmem>>, vector<16xf32>,
    %get3A_2113 = arith.constant 3 : i32
    %get3A_2114 = arith.index_cast %get3A_2113 : i32 to index
    %get3A_2115 = arith.constant 448 : index
    %get3A_2116 = tpu.vector_load %arg9[%get3A_2114, %get3A_2115] {strides = array<i32>} : memref<4x512xi32, #tpu.memory_space<vmem>>, vector<16xi32>,
    %add3A_2117 = arith.constant 12288 : i32
    %add3A_2118 = vector.broadcast %add3A_2117 : i32 to vector<16xi32>
    %add3A_2119 = arith.addi %get3A_2116, %add3A_2118 : vector<16xi32>
    %gather3A_2120 = tpu.vector_load_idx %arg7[%add3A_2119] : memref<16384xf32, #tpu.memory_space<vmem>>[vector<16xi32>], vector<16xf32>,
    %swap3A_2121 = arith.constant 3 : i32
    %swap3A_2122 = arith.index_cast %swap3A_2121 : i32 to index
    %swap3A_2123 = arith.constant 448 : index
    %swap3A_2124 = tpu.vector_load %arg10[%swap3A_2122, %swap3A_2123] {strides = array<i32>} : memref<4x512xf32, #tpu.memory_space<vmem>>, vector<16xf32>,
    tpu.vector_store %arg10[%swap3A_2122, %swap3A_2123], %gather3A_2120 {strides = array<i32>} : memref<4x512xf32, #tpu.memory_space<vmem>>, vector<16xf32>,
    %gather3A_2125 = tpu.vector_load_idx %arg8[%add3A_2119] : memref<16384xf32, #tpu.memory_space<vmem>>[vector<16xi32>], vector<16xf32>,
    %swap3A_2126 = arith.constant 3 : i32
    %swap3A_2127 = arith.index_cast %swap3A_2126 : i32 to index
    %swap3A_2128 = arith.constant 448 : index
    %swap3A_2129 = tpu.vector_load %arg11[%swap3A_2127, %swap3A_2128] {strides = array<i32>} : memref<4x512xf32, #tpu.memory_space<vmem>>, vector<16xf32>,
    tpu.vector_store %arg11[%swap3A_2127, %swap3A_2128], %gather3A_2125 {strides = array<i32>} : memref<4x512xf32, #tpu.memory_space<vmem>>, vector<16xf32>,
    %get3A_2130 = arith.constant 3 : i32
    %get3A_2131 = arith.index_cast %get3A_2130 : i32 to index
    %get3A_2132 = arith.constant 464 : index
    %get3A_2133 = tpu.vector_load %arg9[%get3A_2131, %get3A_2132] {strides = array<i32>} : memref<4x512xi32, #tpu.memory_space<vmem>>, vector<16xi32>,
    %add3A_2134 = arith.constant 12288 : i32
    %add3A_2135 = vector.broadcast %add3A_2134 : i32 to vector<16xi32>
    %add3A_2136 = arith.addi %get3A_2133, %add3A_2135 : vector<16xi32>
    %gather3A_2137 = tpu.vector_load_idx %arg7[%add3A_2136] : memref<16384xf32, #tpu.memory_space<vmem>>[vector<16xi32>], vector<16xf32>,
    %swap3A_2138 = arith.constant 3 : i32
    %swap3A_2139 = arith.index_cast %swap3A_2138 : i32 to index
    %swap3A_2140 = arith.constant 464 : index
    %swap3A_2141 = tpu.vector_load %arg10[%swap3A_2139, %swap3A_2140] {strides = array<i32>} : memref<4x512xf32, #tpu.memory_space<vmem>>, vector<16xf32>,
    tpu.vector_store %arg10[%swap3A_2139, %swap3A_2140], %gather3A_2137 {strides = array<i32>} : memref<4x512xf32, #tpu.memory_space<vmem>>, vector<16xf32>,
    %gather3A_2142 = tpu.vector_load_idx %arg8[%add3A_2136] : memref<16384xf32, #tpu.memory_space<vmem>>[vector<16xi32>], vector<16xf32>,
    %swap3A_2143 = arith.constant 3 : i32
    %swap3A_2144 = arith.index_cast %swap3A_2143 : i32 to index
    %swap3A_2145 = arith.constant 464 : index
    %swap3A_2146 = tpu.vector_load %arg11[%swap3A_2144, %swap3A_2145] {strides = array<i32>} : memref<4x512xf32, #tpu.memory_space<vmem>>, vector<16xf32>,
    tpu.vector_store %arg11[%swap3A_2144, %swap3A_2145], %gather3A_2142 {strides = array<i32>} : memref<4x512xf32, #tpu.memory_space<vmem>>, vector<16xf32>,
    %get3A_2147 = arith.constant 3 : i32
    %get3A_2148 = arith.index_cast %get3A_2147 : i32 to index
    %get3A_2149 = arith.constant 480 : index
    %get3A_2150 = tpu.vector_load %arg9[%get3A_2148, %get3A_2149] {strides = array<i32>} : memref<4x512xi32, #tpu.memory_space<vmem>>, vector<16xi32>,
    %add3A_2151 = arith.constant 12288 : i32
    %add3A_2152 = vector.broadcast %add3A_2151 : i32 to vector<16xi32>
    %add3A_2153 = arith.addi %get3A_2150, %add3A_2152 : vector<16xi32>
    %gather3A_2154 = tpu.vector_load_idx %arg7[%add3A_2153] : memref<16384xf32, #tpu.memory_space<vmem>>[vector<16xi32>], vector<16xf32>,
    %swap3A_2155 = arith.constant 3 : i32
    %swap3A_2156 = arith.index_cast %swap3A_2155 : i32 to index
    %swap3A_2157 = arith.constant 480 : index
    %swap3A_2158 = tpu.vector_load %arg10[%swap3A_2156, %swap3A_2157] {strides = array<i32>} : memref<4x512xf32, #tpu.memory_space<vmem>>, vector<16xf32>,
    tpu.vector_store %arg10[%swap3A_2156, %swap3A_2157], %gather3A_2154 {strides = array<i32>} : memref<4x512xf32, #tpu.memory_space<vmem>>, vector<16xf32>,
    %gather3A_2159 = tpu.vector_load_idx %arg8[%add3A_2153] : memref<16384xf32, #tpu.memory_space<vmem>>[vector<16xi32>], vector<16xf32>,
    %swap3A_2160 = arith.constant 3 : i32
    %swap3A_2161 = arith.index_cast %swap3A_2160 : i32 to index
    %swap3A_2162 = arith.constant 480 : index
    %swap3A_2163 = tpu.vector_load %arg11[%swap3A_2161, %swap3A_2162] {strides = array<i32>} : memref<4x512xf32, #tpu.memory_space<vmem>>, vector<16xf32>,
    tpu.vector_store %arg11[%swap3A_2161, %swap3A_2162], %gather3A_2159 {strides = array<i32>} : memref<4x512xf32, #tpu.memory_space<vmem>>, vector<16xf32>,
    %get3A_2164 = arith.constant 3 : i32
    %get3A_2165 = arith.index_cast %get3A_2164 : i32 to index
    %get3A_2166 = arith.constant 496 : index
    %get3A_2167 = tpu.vector_load %arg9[%get3A_2165, %get3A_2166] {strides = array<i32>} : memref<4x512xi32, #tpu.memory_space<vmem>>, vector<16xi32>,
    %add3A_2168 = arith.constant 12288 : i32
    %add3A_2169 = vector.broadcast %add3A_2168 : i32 to vector<16xi32>
    %add3A_2170 = arith.addi %get3A_2167, %add3A_2169 : vector<16xi32>
    %gather3A_2171 = tpu.vector_load_idx %arg7[%add3A_2170] : memref<16384xf32, #tpu.memory_space<vmem>>[vector<16xi32>], vector<16xf32>,
    %swap3A_2172 = arith.constant 3 : i32
    %swap3A_2173 = arith.index_cast %swap3A_2172 : i32 to index
    %swap3A_2174 = arith.constant 496 : index
    %swap3A_2175 = tpu.vector_load %arg10[%swap3A_2173, %swap3A_2174] {strides = array<i32>} : memref<4x512xf32, #tpu.memory_space<vmem>>, vector<16xf32>,
    tpu.vector_store %arg10[%swap3A_2173, %swap3A_2174], %gather3A_2171 {strides = array<i32>} : memref<4x512xf32, #tpu.memory_space<vmem>>, vector<16xf32>,
    %gather3A_2176 = tpu.vector_load_idx %arg8[%add3A_2170] : memref<16384xf32, #tpu.memory_space<vmem>>[vector<16xi32>], vector<16xf32>,
    %swap3A_2177 = arith.constant 3 : i32
    %swap3A_2178 = arith.index_cast %swap3A_2177 : i32 to index
    %swap3A_2179 = arith.constant 496 : index
    %swap3A_2180 = tpu.vector_load %arg11[%swap3A_2178, %swap3A_2179] {strides = array<i32>} : memref<4x512xf32, #tpu.memory_space<vmem>>, vector<16xf32>,
    tpu.vector_store %arg11[%swap3A_2178, %swap3A_2179], %gather3A_2176 {strides = array<i32>} : memref<4x512xf32, #tpu.memory_space<vmem>>, vector<16xf32>,
    %run_scoped3A_2181 = arith.constant 0 : i32
    %run_scoped3A_2182 = arith.constant 0 : i32
    "tpu.region"() ({
      %run_scoped3A_2197 = tpu.sem_alloc : memref<!tpu.dma_semaphore, #tpu.memory_space<semaphore_mem>>
      %dma_start3A = arith.constant 0 : i32
      %dma_start3A_2198 = tpu.memref_slice %arg10[%run_scoped3A_2181, %dma_start3A] : memref<4x512xf32, #tpu.memory_space<vmem>> -> memref<1x512xf32, #tpu.memory_space<vmem>>
      %dma_start3A_2199 = tpu.memref_squeeze %dma_start3A_2198 : memref<1x512xf32, #tpu.memory_space<vmem>> -> memref<512xf32, #tpu.memory_space<vmem>>
      %dma_start3A_2200 = arith.constant 0 : i32
      %dma_start3A_2201 = tpu.memref_slice %arg5[%run_scoped3A_2182, %add3A, %dma_start3A_2200] : memref<4x32x512xf32, #tpu.memory_space<hbm>> -> memref<1x1x512xf32, #tpu.memory_space<hbm>>
      %dma_start3A_2202 = tpu.memref_squeeze %dma_start3A_2201 : memref<1x1x512xf32, #tpu.memory_space<hbm>> -> memref<512xf32, #tpu.memory_space<hbm>>
      %dma_start3A_2203 = arith.constant 0 : i32
      %dma_start3A_2204 = tpu.memref_slice %arg5[%run_scoped3A_2182, %add3A, %dma_start3A_2203] : memref<4x32x512xf32, #tpu.memory_space<hbm>> -> memref<1x1x512xf32, #tpu.memory_space<hbm>>
      %dma_start3A_2205 = tpu.memref_squeeze %dma_start3A_2204 : memref<1x1x512xf32, #tpu.memory_space<hbm>> -> memref<512xf32, #tpu.memory_space<hbm>>
      %dma_start3A_2206 = arith.constant 0 : i32
      %dma_start3A_2207 = tpu.memref_slice %arg10[%run_scoped3A_2181, %dma_start3A_2206] : memref<4x512xf32, #tpu.memory_space<vmem>> -> memref<1x512xf32, #tpu.memory_space<vmem>>
      %dma_start3A_2208 = tpu.memref_squeeze %dma_start3A_2207 : memref<1x512xf32, #tpu.memory_space<vmem>> -> memref<512xf32, #tpu.memory_space<vmem>>
      tpu.enqueue_dma source(%dma_start3A_2208 : memref<512xf32, #tpu.memory_space<vmem>>) target(%dma_start3A_2205 : memref<512xf32, #tpu.memory_space<hbm>>) target_semaphore(%run_scoped3A_2197 : memref<!tpu.dma_semaphore, #tpu.memory_space<semaphore_mem>>)
      %dma_wait3A = arith.constant 0 : i32
      %dma_wait3A_2209 = tpu.memref_slice %arg10[%run_scoped3A_2181, %dma_wait3A] : memref<4x512xf32, #tpu.memory_space<vmem>> -> memref<1x512xf32, #tpu.memory_space<vmem>>
      %dma_wait3A_2210 = tpu.memref_squeeze %dma_wait3A_2209 : memref<1x512xf32, #tpu.memory_space<vmem>> -> memref<512xf32, #tpu.memory_space<vmem>>
      %dma_wait3A_2211 = arith.constant 0 : i32
      %dma_wait3A_2212 = tpu.memref_slice %arg5[%run_scoped3A_2182, %add3A, %dma_wait3A_2211] : memref<4x32x512xf32, #tpu.memory_space<hbm>> -> memref<1x1x512xf32, #tpu.memory_space<hbm>>
      %dma_wait3A_2213 = tpu.memref_squeeze %dma_wait3A_2212 : memref<1x1x512xf32, #tpu.memory_space<hbm>> -> memref<512xf32, #tpu.memory_space<hbm>>
      %dma_wait3A_2214 = arith.constant 0 : i32
      %dma_wait3A_2215 = tpu.memref_slice %arg5[%run_scoped3A_2182, %add3A, %dma_wait3A_2214] : memref<4x32x512xf32, #tpu.memory_space<hbm>> -> memref<1x1x512xf32, #tpu.memory_space<hbm>>
      %dma_wait3A_2216 = tpu.memref_squeeze %dma_wait3A_2215 : memref<1x1x512xf32, #tpu.memory_space<hbm>> -> memref<512xf32, #tpu.memory_space<hbm>>
      %dma_wait3A_2217 = arith.constant 0 : i32
      %dma_wait3A_2218 = tpu.memref_slice %arg10[%run_scoped3A_2181, %dma_wait3A_2217] : memref<4x512xf32, #tpu.memory_space<vmem>> -> memref<1x512xf32, #tpu.memory_space<vmem>>
      %dma_wait3A_2219 = tpu.memref_squeeze %dma_wait3A_2218 : memref<1x512xf32, #tpu.memory_space<vmem>> -> memref<512xf32, #tpu.memory_space<vmem>>
      tpu.wait_dma2 semaphore(%run_scoped3A_2197 : memref<!tpu.dma_semaphore, #tpu.memory_space<semaphore_mem>>) src(%dma_wait3A_2219 : memref<512xf32, #tpu.memory_space<vmem>>) dst(%dma_wait3A_2216 : memref<512xf32, #tpu.memory_space<hbm>>)
      tpu.yield
    }) : () -> ()
    %run_scoped3A_2183 = arith.constant 0 : i32
    %run_scoped3A_2184 = arith.constant 0 : i32
    "tpu.region"() ({
      %run_scoped3A_2197 = tpu.sem_alloc : memref<!tpu.dma_semaphore, #tpu.memory_space<semaphore_mem>>
      %dma_start3A = arith.constant 0 : i32
      %dma_start3A_2198 = tpu.memref_slice %arg11[%run_scoped3A_2183, %dma_start3A] : memref<4x512xf32, #tpu.memory_space<vmem>> -> memref<1x512xf32, #tpu.memory_space<vmem>>
      %dma_start3A_2199 = tpu.memref_squeeze %dma_start3A_2198 : memref<1x512xf32, #tpu.memory_space<vmem>> -> memref<512xf32, #tpu.memory_space<vmem>>
      %dma_start3A_2200 = arith.constant 0 : i32
      %dma_start3A_2201 = tpu.memref_slice %arg6[%run_scoped3A_2184, %add3A, %dma_start3A_2200] : memref<4x32x512xf32, #tpu.memory_space<hbm>> -> memref<1x1x512xf32, #tpu.memory_space<hbm>>
      %dma_start3A_2202 = tpu.memref_squeeze %dma_start3A_2201 : memref<1x1x512xf32, #tpu.memory_space<hbm>> -> memref<512xf32, #tpu.memory_space<hbm>>
      %dma_start3A_2203 = arith.constant 0 : i32
      %dma_start3A_2204 = tpu.memref_slice %arg6[%run_scoped3A_2184, %add3A, %dma_start3A_2203] : memref<4x32x512xf32, #tpu.memory_space<hbm>> -> memref<1x1x512xf32, #tpu.memory_space<hbm>>
      %dma_start3A_2205 = tpu.memref_squeeze %dma_start3A_2204 : memref<1x1x512xf32, #tpu.memory_space<hbm>> -> memref<512xf32, #tpu.memory_space<hbm>>
      %dma_start3A_2206 = arith.constant 0 : i32
      %dma_start3A_2207 = tpu.memref_slice %arg11[%run_scoped3A_2183, %dma_start3A_2206] : memref<4x512xf32, #tpu.memory_space<vmem>> -> memref<1x512xf32, #tpu.memory_space<vmem>>
      %dma_start3A_2208 = tpu.memref_squeeze %dma_start3A_2207 : memref<1x512xf32, #tpu.memory_space<vmem>> -> memref<512xf32, #tpu.memory_space<vmem>>
      tpu.enqueue_dma source(%dma_start3A_2208 : memref<512xf32, #tpu.memory_space<vmem>>) target(%dma_start3A_2205 : memref<512xf32, #tpu.memory_space<hbm>>) target_semaphore(%run_scoped3A_2197 : memref<!tpu.dma_semaphore, #tpu.memory_space<semaphore_mem>>)
      %dma_wait3A = arith.constant 0 : i32
      %dma_wait3A_2209 = tpu.memref_slice %arg11[%run_scoped3A_2183, %dma_wait3A] : memref<4x512xf32, #tpu.memory_space<vmem>> -> memref<1x512xf32, #tpu.memory_space<vmem>>
      %dma_wait3A_2210 = tpu.memref_squeeze %dma_wait3A_2209 : memref<1x512xf32, #tpu.memory_space<vmem>> -> memref<512xf32, #tpu.memory_space<vmem>>
      %dma_wait3A_2211 = arith.constant 0 : i32
      %dma_wait3A_2212 = tpu.memref_slice %arg6[%run_scoped3A_2184, %add3A, %dma_wait3A_2211] : memref<4x32x512xf32, #tpu.memory_space<hbm>> -> memref<1x1x512xf32, #tpu.memory_space<hbm>>
      %dma_wait3A_2213 = tpu.memref_squeeze %dma_wait3A_2212 : memref<1x1x512xf32, #tpu.memory_space<hbm>> -> memref<512xf32, #tpu.memory_space<hbm>>
      %dma_wait3A_2214 = arith.constant 0 : i32
      %dma_wait3A_2215 = tpu.memref_slice %arg6[%run_scoped3A_2184, %add3A, %dma_wait3A_2214] : memref<4x32x512xf32, #tpu.memory_space<hbm>> -> memref<1x1x512xf32, #tpu.memory_space<hbm>>
      %dma_wait3A_2216 = tpu.memref_squeeze %dma_wait3A_2215 : memref<1x1x512xf32, #tpu.memory_space<hbm>> -> memref<512xf32, #tpu.memory_space<hbm>>
      %dma_wait3A_2217 = arith.constant 0 : i32
      %dma_wait3A_2218 = tpu.memref_slice %arg11[%run_scoped3A_2183, %dma_wait3A_2217] : memref<4x512xf32, #tpu.memory_space<vmem>> -> memref<1x512xf32, #tpu.memory_space<vmem>>
      %dma_wait3A_2219 = tpu.memref_squeeze %dma_wait3A_2218 : memref<1x512xf32, #tpu.memory_space<vmem>> -> memref<512xf32, #tpu.memory_space<vmem>>
      tpu.wait_dma2 semaphore(%run_scoped3A_2197 : memref<!tpu.dma_semaphore, #tpu.memory_space<semaphore_mem>>) src(%dma_wait3A_2219 : memref<512xf32, #tpu.memory_space<vmem>>) dst(%dma_wait3A_2216 : memref<512xf32, #tpu.memory_space<hbm>>)
      tpu.yield
    }) : () -> ()
    %run_scoped3A_2185 = arith.constant 1 : i32
    %run_scoped3A_2186 = arith.constant 1 : i32
    "tpu.region"() ({
      %run_scoped3A_2197 = tpu.sem_alloc : memref<!tpu.dma_semaphore, #tpu.memory_space<semaphore_mem>>
      %dma_start3A = arith.constant 0 : i32
      %dma_start3A_2198 = tpu.memref_slice %arg10[%run_scoped3A_2185, %dma_start3A] : memref<4x512xf32, #tpu.memory_space<vmem>> -> memref<1x512xf32, #tpu.memory_space<vmem>>
      %dma_start3A_2199 = tpu.memref_squeeze %dma_start3A_2198 : memref<1x512xf32, #tpu.memory_space<vmem>> -> memref<512xf32, #tpu.memory_space<vmem>>
      %dma_start3A_2200 = arith.constant 0 : i32
      %dma_start3A_2201 = tpu.memref_slice %arg5[%run_scoped3A_2186, %add3A, %dma_start3A_2200] : memref<4x32x512xf32, #tpu.memory_space<hbm>> -> memref<1x1x512xf32, #tpu.memory_space<hbm>>
      %dma_start3A_2202 = tpu.memref_squeeze %dma_start3A_2201 : memref<1x1x512xf32, #tpu.memory_space<hbm>> -> memref<512xf32, #tpu.memory_space<hbm>>
      %dma_start3A_2203 = arith.constant 0 : i32
      %dma_start3A_2204 = tpu.memref_slice %arg5[%run_scoped3A_2186, %add3A, %dma_start3A_2203] : memref<4x32x512xf32, #tpu.memory_space<hbm>> -> memref<1x1x512xf32, #tpu.memory_space<hbm>>
      %dma_start3A_2205 = tpu.memref_squeeze %dma_start3A_2204 : memref<1x1x512xf32, #tpu.memory_space<hbm>> -> memref<512xf32, #tpu.memory_space<hbm>>
      %dma_start3A_2206 = arith.constant 0 : i32
      %dma_start3A_2207 = tpu.memref_slice %arg10[%run_scoped3A_2185, %dma_start3A_2206] : memref<4x512xf32, #tpu.memory_space<vmem>> -> memref<1x512xf32, #tpu.memory_space<vmem>>
      %dma_start3A_2208 = tpu.memref_squeeze %dma_start3A_2207 : memref<1x512xf32, #tpu.memory_space<vmem>> -> memref<512xf32, #tpu.memory_space<vmem>>
      tpu.enqueue_dma source(%dma_start3A_2208 : memref<512xf32, #tpu.memory_space<vmem>>) target(%dma_start3A_2205 : memref<512xf32, #tpu.memory_space<hbm>>) target_semaphore(%run_scoped3A_2197 : memref<!tpu.dma_semaphore, #tpu.memory_space<semaphore_mem>>)
      %dma_wait3A = arith.constant 0 : i32
      %dma_wait3A_2209 = tpu.memref_slice %arg10[%run_scoped3A_2185, %dma_wait3A] : memref<4x512xf32, #tpu.memory_space<vmem>> -> memref<1x512xf32, #tpu.memory_space<vmem>>
      %dma_wait3A_2210 = tpu.memref_squeeze %dma_wait3A_2209 : memref<1x512xf32, #tpu.memory_space<vmem>> -> memref<512xf32, #tpu.memory_space<vmem>>
      %dma_wait3A_2211 = arith.constant 0 : i32
      %dma_wait3A_2212 = tpu.memref_slice %arg5[%run_scoped3A_2186, %add3A, %dma_wait3A_2211] : memref<4x32x512xf32, #tpu.memory_space<hbm>> -> memref<1x1x512xf32, #tpu.memory_space<hbm>>
      %dma_wait3A_2213 = tpu.memref_squeeze %dma_wait3A_2212 : memref<1x1x512xf32, #tpu.memory_space<hbm>> -> memref<512xf32, #tpu.memory_space<hbm>>
      %dma_wait3A_2214 = arith.constant 0 : i32
      %dma_wait3A_2215 = tpu.memref_slice %arg5[%run_scoped3A_2186, %add3A, %dma_wait3A_2214] : memref<4x32x512xf32, #tpu.memory_space<hbm>> -> memref<1x1x512xf32, #tpu.memory_space<hbm>>
      %dma_wait3A_2216 = tpu.memref_squeeze %dma_wait3A_2215 : memref<1x1x512xf32, #tpu.memory_space<hbm>> -> memref<512xf32, #tpu.memory_space<hbm>>
      %dma_wait3A_2217 = arith.constant 0 : i32
      %dma_wait3A_2218 = tpu.memref_slice %arg10[%run_scoped3A_2185, %dma_wait3A_2217] : memref<4x512xf32, #tpu.memory_space<vmem>> -> memref<1x512xf32, #tpu.memory_space<vmem>>
      %dma_wait3A_2219 = tpu.memref_squeeze %dma_wait3A_2218 : memref<1x512xf32, #tpu.memory_space<vmem>> -> memref<512xf32, #tpu.memory_space<vmem>>
      tpu.wait_dma2 semaphore(%run_scoped3A_2197 : memref<!tpu.dma_semaphore, #tpu.memory_space<semaphore_mem>>) src(%dma_wait3A_2219 : memref<512xf32, #tpu.memory_space<vmem>>) dst(%dma_wait3A_2216 : memref<512xf32, #tpu.memory_space<hbm>>)
      tpu.yield
    }) : () -> ()
    %run_scoped3A_2187 = arith.constant 1 : i32
    %run_scoped3A_2188 = arith.constant 1 : i32
    "tpu.region"() ({
      %run_scoped3A_2197 = tpu.sem_alloc : memref<!tpu.dma_semaphore, #tpu.memory_space<semaphore_mem>>
      %dma_start3A = arith.constant 0 : i32
      %dma_start3A_2198 = tpu.memref_slice %arg11[%run_scoped3A_2187, %dma_start3A] : memref<4x512xf32, #tpu.memory_space<vmem>> -> memref<1x512xf32, #tpu.memory_space<vmem>>
      %dma_start3A_2199 = tpu.memref_squeeze %dma_start3A_2198 : memref<1x512xf32, #tpu.memory_space<vmem>> -> memref<512xf32, #tpu.memory_space<vmem>>
      %dma_start3A_2200 = arith.constant 0 : i32
      %dma_start3A_2201 = tpu.memref_slice %arg6[%run_scoped3A_2188, %add3A, %dma_start3A_2200] : memref<4x32x512xf32, #tpu.memory_space<hbm>> -> memref<1x1x512xf32, #tpu.memory_space<hbm>>
      %dma_start3A_2202 = tpu.memref_squeeze %dma_start3A_2201 : memref<1x1x512xf32, #tpu.memory_space<hbm>> -> memref<512xf32, #tpu.memory_space<hbm>>
      %dma_start3A_2203 = arith.constant 0 : i32
      %dma_start3A_2204 = tpu.memref_slice %arg6[%run_scoped3A_2188, %add3A, %dma_start3A_2203] : memref<4x32x512xf32, #tpu.memory_space<hbm>> -> memref<1x1x512xf32, #tpu.memory_space<hbm>>
      %dma_start3A_2205 = tpu.memref_squeeze %dma_start3A_2204 : memref<1x1x512xf32, #tpu.memory_space<hbm>> -> memref<512xf32, #tpu.memory_space<hbm>>
      %dma_start3A_2206 = arith.constant 0 : i32
      %dma_start3A_2207 = tpu.memref_slice %arg11[%run_scoped3A_2187, %dma_start3A_2206] : memref<4x512xf32, #tpu.memory_space<vmem>> -> memref<1x512xf32, #tpu.memory_space<vmem>>
      %dma_start3A_2208 = tpu.memref_squeeze %dma_start3A_2207 : memref<1x512xf32, #tpu.memory_space<vmem>> -> memref<512xf32, #tpu.memory_space<vmem>>
      tpu.enqueue_dma source(%dma_start3A_2208 : memref<512xf32, #tpu.memory_space<vmem>>) target(%dma_start3A_2205 : memref<512xf32, #tpu.memory_space<hbm>>) target_semaphore(%run_scoped3A_2197 : memref<!tpu.dma_semaphore, #tpu.memory_space<semaphore_mem>>)
      %dma_wait3A = arith.constant 0 : i32
      %dma_wait3A_2209 = tpu.memref_slice %arg11[%run_scoped3A_2187, %dma_wait3A] : memref<4x512xf32, #tpu.memory_space<vmem>> -> memref<1x512xf32, #tpu.memory_space<vmem>>
      %dma_wait3A_2210 = tpu.memref_squeeze %dma_wait3A_2209 : memref<1x512xf32, #tpu.memory_space<vmem>> -> memref<512xf32, #tpu.memory_space<vmem>>
      %dma_wait3A_2211 = arith.constant 0 : i32
      %dma_wait3A_2212 = tpu.memref_slice %arg6[%run_scoped3A_2188, %add3A, %dma_wait3A_2211] : memref<4x32x512xf32, #tpu.memory_space<hbm>> -> memref<1x1x512xf32, #tpu.memory_space<hbm>>
      %dma_wait3A_2213 = tpu.memref_squeeze %dma_wait3A_2212 : memref<1x1x512xf32, #tpu.memory_space<hbm>> -> memref<512xf32, #tpu.memory_space<hbm>>
      %dma_wait3A_2214 = arith.constant 0 : i32
      %dma_wait3A_2215 = tpu.memref_slice %arg6[%run_scoped3A_2188, %add3A, %dma_wait3A_2214] : memref<4x32x512xf32, #tpu.memory_space<hbm>> -> memref<1x1x512xf32, #tpu.memory_space<hbm>>
      %dma_wait3A_2216 = tpu.memref_squeeze %dma_wait3A_2215 : memref<1x1x512xf32, #tpu.memory_space<hbm>> -> memref<512xf32, #tpu.memory_space<hbm>>
      %dma_wait3A_2217 = arith.constant 0 : i32
      %dma_wait3A_2218 = tpu.memref_slice %arg11[%run_scoped3A_2187, %dma_wait3A_2217] : memref<4x512xf32, #tpu.memory_space<vmem>> -> memref<1x512xf32, #tpu.memory_space<vmem>>
      %dma_wait3A_2219 = tpu.memref_squeeze %dma_wait3A_2218 : memref<1x512xf32, #tpu.memory_space<vmem>> -> memref<512xf32, #tpu.memory_space<vmem>>
      tpu.wait_dma2 semaphore(%run_scoped3A_2197 : memref<!tpu.dma_semaphore, #tpu.memory_space<semaphore_mem>>) src(%dma_wait3A_2219 : memref<512xf32, #tpu.memory_space<vmem>>) dst(%dma_wait3A_2216 : memref<512xf32, #tpu.memory_space<hbm>>)
      tpu.yield
    }) : () -> ()
    %run_scoped3A_2189 = arith.constant 2 : i32
    %run_scoped3A_2190 = arith.constant 2 : i32
    "tpu.region"() ({
      %run_scoped3A_2197 = tpu.sem_alloc : memref<!tpu.dma_semaphore, #tpu.memory_space<semaphore_mem>>
      %dma_start3A = arith.constant 0 : i32
      %dma_start3A_2198 = tpu.memref_slice %arg10[%run_scoped3A_2189, %dma_start3A] : memref<4x512xf32, #tpu.memory_space<vmem>> -> memref<1x512xf32, #tpu.memory_space<vmem>>
      %dma_start3A_2199 = tpu.memref_squeeze %dma_start3A_2198 : memref<1x512xf32, #tpu.memory_space<vmem>> -> memref<512xf32, #tpu.memory_space<vmem>>
      %dma_start3A_2200 = arith.constant 0 : i32
      %dma_start3A_2201 = tpu.memref_slice %arg5[%run_scoped3A_2190, %add3A, %dma_start3A_2200] : memref<4x32x512xf32, #tpu.memory_space<hbm>> -> memref<1x1x512xf32, #tpu.memory_space<hbm>>
      %dma_start3A_2202 = tpu.memref_squeeze %dma_start3A_2201 : memref<1x1x512xf32, #tpu.memory_space<hbm>> -> memref<512xf32, #tpu.memory_space<hbm>>
      %dma_start3A_2203 = arith.constant 0 : i32
      %dma_start3A_2204 = tpu.memref_slice %arg5[%run_scoped3A_2190, %add3A, %dma_start3A_2203] : memref<4x32x512xf32, #tpu.memory_space<hbm>> -> memref<1x1x512xf32, #tpu.memory_space<hbm>>
      %dma_start3A_2205 = tpu.memref_squeeze %dma_start3A_2204 : memref<1x1x512xf32, #tpu.memory_space<hbm>> -> memref<512xf32, #tpu.memory_space<hbm>>
      %dma_start3A_2206 = arith.constant 0 : i32
      %dma_start3A_2207 = tpu.memref_slice %arg10[%run_scoped3A_2189, %dma_start3A_2206] : memref<4x512xf32, #tpu.memory_space<vmem>> -> memref<1x512xf32, #tpu.memory_space<vmem>>
      %dma_start3A_2208 = tpu.memref_squeeze %dma_start3A_2207 : memref<1x512xf32, #tpu.memory_space<vmem>> -> memref<512xf32, #tpu.memory_space<vmem>>
      tpu.enqueue_dma source(%dma_start3A_2208 : memref<512xf32, #tpu.memory_space<vmem>>) target(%dma_start3A_2205 : memref<512xf32, #tpu.memory_space<hbm>>) target_semaphore(%run_scoped3A_2197 : memref<!tpu.dma_semaphore, #tpu.memory_space<semaphore_mem>>)
      %dma_wait3A = arith.constant 0 : i32
      %dma_wait3A_2209 = tpu.memref_slice %arg10[%run_scoped3A_2189, %dma_wait3A] : memref<4x512xf32, #tpu.memory_space<vmem>> -> memref<1x512xf32, #tpu.memory_space<vmem>>
      %dma_wait3A_2210 = tpu.memref_squeeze %dma_wait3A_2209 : memref<1x512xf32, #tpu.memory_space<vmem>> -> memref<512xf32, #tpu.memory_space<vmem>>
      %dma_wait3A_2211 = arith.constant 0 : i32
      %dma_wait3A_2212 = tpu.memref_slice %arg5[%run_scoped3A_2190, %add3A, %dma_wait3A_2211] : memref<4x32x512xf32, #tpu.memory_space<hbm>> -> memref<1x1x512xf32, #tpu.memory_space<hbm>>
      %dma_wait3A_2213 = tpu.memref_squeeze %dma_wait3A_2212 : memref<1x1x512xf32, #tpu.memory_space<hbm>> -> memref<512xf32, #tpu.memory_space<hbm>>
      %dma_wait3A_2214 = arith.constant 0 : i32
      %dma_wait3A_2215 = tpu.memref_slice %arg5[%run_scoped3A_2190, %add3A, %dma_wait3A_2214] : memref<4x32x512xf32, #tpu.memory_space<hbm>> -> memref<1x1x512xf32, #tpu.memory_space<hbm>>
      %dma_wait3A_2216 = tpu.memref_squeeze %dma_wait3A_2215 : memref<1x1x512xf32, #tpu.memory_space<hbm>> -> memref<512xf32, #tpu.memory_space<hbm>>
      %dma_wait3A_2217 = arith.constant 0 : i32
      %dma_wait3A_2218 = tpu.memref_slice %arg10[%run_scoped3A_2189, %dma_wait3A_2217] : memref<4x512xf32, #tpu.memory_space<vmem>> -> memref<1x512xf32, #tpu.memory_space<vmem>>
      %dma_wait3A_2219 = tpu.memref_squeeze %dma_wait3A_2218 : memref<1x512xf32, #tpu.memory_space<vmem>> -> memref<512xf32, #tpu.memory_space<vmem>>
      tpu.wait_dma2 semaphore(%run_scoped3A_2197 : memref<!tpu.dma_semaphore, #tpu.memory_space<semaphore_mem>>) src(%dma_wait3A_2219 : memref<512xf32, #tpu.memory_space<vmem>>) dst(%dma_wait3A_2216 : memref<512xf32, #tpu.memory_space<hbm>>)
      tpu.yield
    }) : () -> ()
    %run_scoped3A_2191 = arith.constant 2 : i32
    %run_scoped3A_2192 = arith.constant 2 : i32
    "tpu.region"() ({
      %run_scoped3A_2197 = tpu.sem_alloc : memref<!tpu.dma_semaphore, #tpu.memory_space<semaphore_mem>>
      %dma_start3A = arith.constant 0 : i32
      %dma_start3A_2198 = tpu.memref_slice %arg11[%run_scoped3A_2191, %dma_start3A] : memref<4x512xf32, #tpu.memory_space<vmem>> -> memref<1x512xf32, #tpu.memory_space<vmem>>
      %dma_start3A_2199 = tpu.memref_squeeze %dma_start3A_2198 : memref<1x512xf32, #tpu.memory_space<vmem>> -> memref<512xf32, #tpu.memory_space<vmem>>
      %dma_start3A_2200 = arith.constant 0 : i32
      %dma_start3A_2201 = tpu.memref_slice %arg6[%run_scoped3A_2192, %add3A, %dma_start3A_2200] : memref<4x32x512xf32, #tpu.memory_space<hbm>> -> memref<1x1x512xf32, #tpu.memory_space<hbm>>
      %dma_start3A_2202 = tpu.memref_squeeze %dma_start3A_2201 : memref<1x1x512xf32, #tpu.memory_space<hbm>> -> memref<512xf32, #tpu.memory_space<hbm>>
      %dma_start3A_2203 = arith.constant 0 : i32
      %dma_start3A_2204 = tpu.memref_slice %arg6[%run_scoped3A_2192, %add3A, %dma_start3A_2203] : memref<4x32x512xf32, #tpu.memory_space<hbm>> -> memref<1x1x512xf32, #tpu.memory_space<hbm>>
      %dma_start3A_2205 = tpu.memref_squeeze %dma_start3A_2204 : memref<1x1x512xf32, #tpu.memory_space<hbm>> -> memref<512xf32, #tpu.memory_space<hbm>>
      %dma_start3A_2206 = arith.constant 0 : i32
      %dma_start3A_2207 = tpu.memref_slice %arg11[%run_scoped3A_2191, %dma_start3A_2206] : memref<4x512xf32, #tpu.memory_space<vmem>> -> memref<1x512xf32, #tpu.memory_space<vmem>>
      %dma_start3A_2208 = tpu.memref_squeeze %dma_start3A_2207 : memref<1x512xf32, #tpu.memory_space<vmem>> -> memref<512xf32, #tpu.memory_space<vmem>>
      tpu.enqueue_dma source(%dma_start3A_2208 : memref<512xf32, #tpu.memory_space<vmem>>) target(%dma_start3A_2205 : memref<512xf32, #tpu.memory_space<hbm>>) target_semaphore(%run_scoped3A_2197 : memref<!tpu.dma_semaphore, #tpu.memory_space<semaphore_mem>>)
      %dma_wait3A = arith.constant 0 : i32
      %dma_wait3A_2209 = tpu.memref_slice %arg11[%run_scoped3A_2191, %dma_wait3A] : memref<4x512xf32, #tpu.memory_space<vmem>> -> memref<1x512xf32, #tpu.memory_space<vmem>>
      %dma_wait3A_2210 = tpu.memref_squeeze %dma_wait3A_2209 : memref<1x512xf32, #tpu.memory_space<vmem>> -> memref<512xf32, #tpu.memory_space<vmem>>
      %dma_wait3A_2211 = arith.constant 0 : i32
      %dma_wait3A_2212 = tpu.memref_slice %arg6[%run_scoped3A_2192, %add3A, %dma_wait3A_2211] : memref<4x32x512xf32, #tpu.memory_space<hbm>> -> memref<1x1x512xf32, #tpu.memory_space<hbm>>
      %dma_wait3A_2213 = tpu.memref_squeeze %dma_wait3A_2212 : memref<1x1x512xf32, #tpu.memory_space<hbm>> -> memref<512xf32, #tpu.memory_space<hbm>>
      %dma_wait3A_2214 = arith.constant 0 : i32
      %dma_wait3A_2215 = tpu.memref_slice %arg6[%run_scoped3A_2192, %add3A, %dma_wait3A_2214] : memref<4x32x512xf32, #tpu.memory_space<hbm>> -> memref<1x1x512xf32, #tpu.memory_space<hbm>>
      %dma_wait3A_2216 = tpu.memref_squeeze %dma_wait3A_2215 : memref<1x1x512xf32, #tpu.memory_space<hbm>> -> memref<512xf32, #tpu.memory_space<hbm>>
      %dma_wait3A_2217 = arith.constant 0 : i32
      %dma_wait3A_2218 = tpu.memref_slice %arg11[%run_scoped3A_2191, %dma_wait3A_2217] : memref<4x512xf32, #tpu.memory_space<vmem>> -> memref<1x512xf32, #tpu.memory_space<vmem>>
      %dma_wait3A_2219 = tpu.memref_squeeze %dma_wait3A_2218 : memref<1x512xf32, #tpu.memory_space<vmem>> -> memref<512xf32, #tpu.memory_space<vmem>>
      tpu.wait_dma2 semaphore(%run_scoped3A_2197 : memref<!tpu.dma_semaphore, #tpu.memory_space<semaphore_mem>>) src(%dma_wait3A_2219 : memref<512xf32, #tpu.memory_space<vmem>>) dst(%dma_wait3A_2216 : memref<512xf32, #tpu.memory_space<hbm>>)
      tpu.yield
    }) : () -> ()
    %run_scoped3A_2193 = arith.constant 3 : i32
    %run_scoped3A_2194 = arith.constant 3 : i32
    "tpu.region"() ({
      %run_scoped3A_2197 = tpu.sem_alloc : memref<!tpu.dma_semaphore, #tpu.memory_space<semaphore_mem>>
      %dma_start3A = arith.constant 0 : i32
      %dma_start3A_2198 = tpu.memref_slice %arg10[%run_scoped3A_2193, %dma_start3A] : memref<4x512xf32, #tpu.memory_space<vmem>> -> memref<1x512xf32, #tpu.memory_space<vmem>>
      %dma_start3A_2199 = tpu.memref_squeeze %dma_start3A_2198 : memref<1x512xf32, #tpu.memory_space<vmem>> -> memref<512xf32, #tpu.memory_space<vmem>>
      %dma_start3A_2200 = arith.constant 0 : i32
      %dma_start3A_2201 = tpu.memref_slice %arg5[%run_scoped3A_2194, %add3A, %dma_start3A_2200] : memref<4x32x512xf32, #tpu.memory_space<hbm>> -> memref<1x1x512xf32, #tpu.memory_space<hbm>>
      %dma_start3A_2202 = tpu.memref_squeeze %dma_start3A_2201 : memref<1x1x512xf32, #tpu.memory_space<hbm>> -> memref<512xf32, #tpu.memory_space<hbm>>
      %dma_start3A_2203 = arith.constant 0 : i32
      %dma_start3A_2204 = tpu.memref_slice %arg5[%run_scoped3A_2194, %add3A, %dma_start3A_2203] : memref<4x32x512xf32, #tpu.memory_space<hbm>> -> memref<1x1x512xf32, #tpu.memory_space<hbm>>
      %dma_start3A_2205 = tpu.memref_squeeze %dma_start3A_2204 : memref<1x1x512xf32, #tpu.memory_space<hbm>> -> memref<512xf32, #tpu.memory_space<hbm>>
      %dma_start3A_2206 = arith.constant 0 : i32
      %dma_start3A_2207 = tpu.memref_slice %arg10[%run_scoped3A_2193, %dma_start3A_2206] : memref<4x512xf32, #tpu.memory_space<vmem>> -> memref<1x512xf32, #tpu.memory_space<vmem>>
      %dma_start3A_2208 = tpu.memref_squeeze %dma_start3A_2207 : memref<1x512xf32, #tpu.memory_space<vmem>> -> memref<512xf32, #tpu.memory_space<vmem>>
      tpu.enqueue_dma source(%dma_start3A_2208 : memref<512xf32, #tpu.memory_space<vmem>>) target(%dma_start3A_2205 : memref<512xf32, #tpu.memory_space<hbm>>) target_semaphore(%run_scoped3A_2197 : memref<!tpu.dma_semaphore, #tpu.memory_space<semaphore_mem>>)
      %dma_wait3A = arith.constant 0 : i32
      %dma_wait3A_2209 = tpu.memref_slice %arg10[%run_scoped3A_2193, %dma_wait3A] : memref<4x512xf32, #tpu.memory_space<vmem>> -> memref<1x512xf32, #tpu.memory_space<vmem>>
      %dma_wait3A_2210 = tpu.memref_squeeze %dma_wait3A_2209 : memref<1x512xf32, #tpu.memory_space<vmem>> -> memref<512xf32, #tpu.memory_space<vmem>>
      %dma_wait3A_2211 = arith.constant 0 : i32
      %dma_wait3A_2212 = tpu.memref_slice %arg5[%run_scoped3A_2194, %add3A, %dma_wait3A_2211] : memref<4x32x512xf32, #tpu.memory_space<hbm>> -> memref<1x1x512xf32, #tpu.memory_space<hbm>>
      %dma_wait3A_2213 = tpu.memref_squeeze %dma_wait3A_2212 : memref<1x1x512xf32, #tpu.memory_space<hbm>> -> memref<512xf32, #tpu.memory_space<hbm>>
      %dma_wait3A_2214 = arith.constant 0 : i32
      %dma_wait3A_2215 = tpu.memref_slice %arg5[%run_scoped3A_2194, %add3A, %dma_wait3A_2214] : memref<4x32x512xf32, #tpu.memory_space<hbm>> -> memref<1x1x512xf32, #tpu.memory_space<hbm>>
      %dma_wait3A_2216 = tpu.memref_squeeze %dma_wait3A_2215 : memref<1x1x512xf32, #tpu.memory_space<hbm>> -> memref<512xf32, #tpu.memory_space<hbm>>
      %dma_wait3A_2217 = arith.constant 0 : i32
      %dma_wait3A_2218 = tpu.memref_slice %arg10[%run_scoped3A_2193, %dma_wait3A_2217] : memref<4x512xf32, #tpu.memory_space<vmem>> -> memref<1x512xf32, #tpu.memory_space<vmem>>
      %dma_wait3A_2219 = tpu.memref_squeeze %dma_wait3A_2218 : memref<1x512xf32, #tpu.memory_space<vmem>> -> memref<512xf32, #tpu.memory_space<vmem>>
      tpu.wait_dma2 semaphore(%run_scoped3A_2197 : memref<!tpu.dma_semaphore, #tpu.memory_space<semaphore_mem>>) src(%dma_wait3A_2219 : memref<512xf32, #tpu.memory_space<vmem>>) dst(%dma_wait3A_2216 : memref<512xf32, #tpu.memory_space<hbm>>)
      tpu.yield
    }) : () -> ()
    %run_scoped3A_2195 = arith.constant 3 : i32
    %run_scoped3A_2196 = arith.constant 3 : i32
    "tpu.region"() ({
      %run_scoped3A_2197 = tpu.sem_alloc : memref<!tpu.dma_semaphore, #tpu.memory_space<semaphore_mem>>
      %dma_start3A = arith.constant 0 : i32
      %dma_start3A_2198 = tpu.memref_slice %arg11[%run_scoped3A_2195, %dma_start3A] : memref<4x512xf32, #tpu.memory_space<vmem>> -> memref<1x512xf32, #tpu.memory_space<vmem>>
      %dma_start3A_2199 = tpu.memref_squeeze %dma_start3A_2198 : memref<1x512xf32, #tpu.memory_space<vmem>> -> memref<512xf32, #tpu.memory_space<vmem>>
      %dma_start3A_2200 = arith.constant 0 : i32
      %dma_start3A_2201 = tpu.memref_slice %arg6[%run_scoped3A_2196, %add3A, %dma_start3A_2200] : memref<4x32x512xf32, #tpu.memory_space<hbm>> -> memref<1x1x512xf32, #tpu.memory_space<hbm>>
      %dma_start3A_2202 = tpu.memref_squeeze %dma_start3A_2201 : memref<1x1x512xf32, #tpu.memory_space<hbm>> -> memref<512xf32, #tpu.memory_space<hbm>>
      %dma_start3A_2203 = arith.constant 0 : i32
      %dma_start3A_2204 = tpu.memref_slice %arg6[%run_scoped3A_2196, %add3A, %dma_start3A_2203] : memref<4x32x512xf32, #tpu.memory_space<hbm>> -> memref<1x1x512xf32, #tpu.memory_space<hbm>>
      %dma_start3A_2205 = tpu.memref_squeeze %dma_start3A_2204 : memref<1x1x512xf32, #tpu.memory_space<hbm>> -> memref<512xf32, #tpu.memory_space<hbm>>
      %dma_start3A_2206 = arith.constant 0 : i32
      %dma_start3A_2207 = tpu.memref_slice %arg11[%run_scoped3A_2195, %dma_start3A_2206] : memref<4x512xf32, #tpu.memory_space<vmem>> -> memref<1x512xf32, #tpu.memory_space<vmem>>
      %dma_start3A_2208 = tpu.memref_squeeze %dma_start3A_2207 : memref<1x512xf32, #tpu.memory_space<vmem>> -> memref<512xf32, #tpu.memory_space<vmem>>
      tpu.enqueue_dma source(%dma_start3A_2208 : memref<512xf32, #tpu.memory_space<vmem>>) target(%dma_start3A_2205 : memref<512xf32, #tpu.memory_space<hbm>>) target_semaphore(%run_scoped3A_2197 : memref<!tpu.dma_semaphore, #tpu.memory_space<semaphore_mem>>)
      %dma_wait3A = arith.constant 0 : i32
      %dma_wait3A_2209 = tpu.memref_slice %arg11[%run_scoped3A_2195, %dma_wait3A] : memref<4x512xf32, #tpu.memory_space<vmem>> -> memref<1x512xf32, #tpu.memory_space<vmem>>
      %dma_wait3A_2210 = tpu.memref_squeeze %dma_wait3A_2209 : memref<1x512xf32, #tpu.memory_space<vmem>> -> memref<512xf32, #tpu.memory_space<vmem>>
      %dma_wait3A_2211 = arith.constant 0 : i32
      %dma_wait3A_2212 = tpu.memref_slice %arg6[%run_scoped3A_2196, %add3A, %dma_wait3A_2211] : memref<4x32x512xf32, #tpu.memory_space<hbm>> -> memref<1x1x512xf32, #tpu.memory_space<hbm>>
      %dma_wait3A_2213 = tpu.memref_squeeze %dma_wait3A_2212 : memref<1x1x512xf32, #tpu.memory_space<hbm>> -> memref<512xf32, #tpu.memory_space<hbm>>
      %dma_wait3A_2214 = arith.constant 0 : i32
      %dma_wait3A_2215 = tpu.memref_slice %arg6[%run_scoped3A_2196, %add3A, %dma_wait3A_2214] : memref<4x32x512xf32, #tpu.memory_space<hbm>> -> memref<1x1x512xf32, #tpu.memory_space<hbm>>
      %dma_wait3A_2216 = tpu.memref_squeeze %dma_wait3A_2215 : memref<1x1x512xf32, #tpu.memory_space<hbm>> -> memref<512xf32, #tpu.memory_space<hbm>>
      %dma_wait3A_2217 = arith.constant 0 : i32
      %dma_wait3A_2218 = tpu.memref_slice %arg11[%run_scoped3A_2195, %dma_wait3A_2217] : memref<4x512xf32, #tpu.memory_space<vmem>> -> memref<1x512xf32, #tpu.memory_space<vmem>>
      %dma_wait3A_2219 = tpu.memref_squeeze %dma_wait3A_2218 : memref<1x512xf32, #tpu.memory_space<vmem>> -> memref<512xf32, #tpu.memory_space<vmem>>
      tpu.wait_dma2 semaphore(%run_scoped3A_2197 : memref<!tpu.dma_semaphore, #tpu.memory_space<semaphore_mem>>) src(%dma_wait3A_2219 : memref<512xf32, #tpu.memory_space<vmem>>) dst(%dma_wait3A_2216 : memref<512xf32, #tpu.memory_space<hbm>>)
      tpu.yield
    }) : () -> ()
    return
  }
}

module attributes {stable_mosaic.version = 14 : i64} {
  func.func @_tc_combine_body(%arg0: i32, %arg1: i32, %arg2: memref<512x8xf32, #tpu.memory_space<vmem>>, %arg3: memref<4x2048xf32, #tpu.memory_space<vmem>>, %arg4: memref<4x2048xf32, #tpu.memory_space<vmem>>, %arg5: memref<512x2048xf32, #tpu.memory_space<vmem>>) attributes {dimension_semantics = [#tpu.dimension_semantics<arbitrary>, #tpu.dimension_semantics<arbitrary>], iteration_bounds = array<i64: 4, 8>, scalar_prefetch = 0 : i64, scratch_operands = 0 : i64, tpu.core_type = #tpu.core_type<tc>, window_params = [{transform_indices = @transform_0, window_bounds = array<i64: 512, 8>}, {transform_indices = @transform_1, window_bounds = array<i64: 4, 2048>}, {transform_indices = @transform_2, window_bounds = array<i64: 4, 2048>}, {transform_indices = @transform_3, window_bounds = array<i64: 512, 2048>}]} {
    %get3A = arith.constant 0 : index
    %get3A_0 = arith.constant 0 : index
    %get3A_1 = vector.load %arg2[%get3A, %get3A_0] : memref<512x8xf32, #tpu.memory_space<vmem>>, vector<512x8xf32>
    %get3A_2 = arith.constant 0 : index
    %get3A_3 = arith.constant 0 : index
    %get3A_4 = vector.load %arg3[%get3A_2, %get3A_3] : memref<4x2048xf32, #tpu.memory_space<vmem>>, vector<4x2048xf32>
    %get3A_5 = arith.constant 0 : index
    %get3A_6 = arith.constant 0 : index
    %get3A_7 = vector.load %arg4[%get3A_5, %get3A_6] : memref<4x2048xf32, #tpu.memory_space<vmem>>, vector<4x2048xf32>
    %mul3A = arith.constant -2.000000e+00 : f32
    %mul3A_8 = vector.broadcast %mul3A : f32 to vector<4x2048xf32>
    %mul3A_9 = arith.mulf %mul3A_8, %get3A_7 : vector<4x2048xf32>
    %exp3A = math.exp %mul3A_9 : vector<4x2048xf32>
    %mul3A_10 = arith.constant -5.000000e-01 : f32
    %mul3A_11 = vector.broadcast %mul3A_10 : f32 to vector<4x2048xf32>
    %mul3A_12 = arith.mulf %mul3A_11, %exp3A : vector<4x2048xf32>
    %mul3A_13 = arith.mulf %get3A_4, %exp3A : vector<4x2048xf32>
    %concatenate3A = tpu.concatenate %mul3A_12, %mul3A_13 in 0 : vector<4x2048xf32>, vector<4x2048xf32> -> vector<8x2048xf32>
    %mul3A_14 = arith.constant -5.000000e-01 : f32
    %mul3A_15 = vector.broadcast %mul3A_14 : f32 to vector<4x2048xf32>
    %mul3A_16 = arith.mulf %mul3A_15, %get3A_4 : vector<4x2048xf32>
    %mul3A_17 = arith.mulf %mul3A_16, %get3A_4 : vector<4x2048xf32>
    %mul3A_18 = arith.mulf %mul3A_17, %exp3A : vector<4x2048xf32>
    %sub3A = arith.subf %mul3A_18, %get3A_7 : vector<4x2048xf32>
    %reduce_sum3A = arith.constant dense<0.000000e+00> : vector<2048xf32>
    %reduce_sum3A_19 = vector.multi_reduction <add>, %sub3A, %reduce_sum3A [0] : vector<4x2048xf32> to vector<2048xf32>
    %broadcast_in_dim3A = vector.shape_cast %reduce_sum3A_19 : vector<2048xf32> to vector<1x2048xf32>
    %sub3A_20 = arith.constant 3.67575407 : f32
    %sub3A_21 = vector.broadcast %sub3A_20 : f32 to vector<1x2048xf32>
    %sub3A_22 = arith.subf %broadcast_in_dim3A, %sub3A_21 : vector<1x2048xf32>
    %dot_general3A = arith.constant dense<0.000000e+00> : vector<512x2048xf32>
    %dot_general3A_23 = tpu.matmul %get3A_1, %concatenate3A, %dot_general3A {dimension_numbers = #tpu.dot_dimension_numbers<[1], [0], [0], [1], [0, 0, 1, 1], [], []>, transpose_lhs_hint = false} : vector<512x8xf32>, vector<8x2048xf32>, vector<512x2048xf32> -> vector<512x2048xf32>
    %add3A = vector.broadcast %sub3A_22 : vector<1x2048xf32> to vector<512x2048xf32>
    %add3A_24 = arith.addf %dot_general3A_23, %add3A : vector<512x2048xf32>
    %swap3A = arith.constant 0 : index
    %swap3A_25 = arith.constant 0 : index
    %swap3A_26 = vector.load %arg5[%swap3A, %swap3A_25] : memref<512x2048xf32, #tpu.memory_space<vmem>>, vector<512x2048xf32>
    tpu.vector_store %arg5[%swap3A, %swap3A_25], %add3A_24 {strides = array<i32>} : memref<512x2048xf32, #tpu.memory_space<vmem>>, vector<512x2048xf32>,
    return
  }
  func.func @transform_0(%arg0: i32, %arg1: i32) -> (i32, i32) {
    %c0_i32 = arith.constant 0 : i32
    %c0_i32_0 = arith.constant 0 : i32
    return %arg0, %c0_i32 : i32, i32
  }
  func.func @transform_1(%arg0: i32, %arg1: i32) -> (i32, i32) {
    %c0_i32 = arith.constant 0 : i32
    %c0_i32_0 = arith.constant 0 : i32
    return %c0_i32, %arg1 : i32, i32
  }
  func.func @transform_2(%arg0: i32, %arg1: i32) -> (i32, i32) {
    %c0_i32 = arith.constant 0 : i32
    %c0_i32_0 = arith.constant 0 : i32
    return %c0_i32, %arg1 : i32, i32
  }
  func.func @transform_3(%arg0: i32, %arg1: i32) -> (i32, i32) {
    %c0_i32 = arith.constant 0 : i32
    return %arg0, %arg1 : i32, i32
  }
}

</mosaic_0001>

<sc_bundles>
// kernel: kernel.4.cloned.1.call-start
scs
__scs_entry_jumppad:
0x0: {  	(pc) =	sbr.rel $0x88, $3  }
0x1: {  	(tag) =	ssettag $0x0;
	lr =	simm.s32 $0x1  }
0x2: {  	[smem:$0x3F9D] =	sst lr;
	_ =	strace $0xD0000000  }
0x3: {  	_ = 	snop  }
0x4: {  	_ = 	snop  }
0x5: {  	_ = 	snop  }
0x6: {  	_ = 	snop  }
0x7: {  	_ = 	snop  }
__scs_overlays_trampoline_lowered:
0x8: {  	[smem:$0x3FAC] =	sst s0  }
0x9: {  	[smem:$0x3FAD] =	sst s1  }
0xa: {  	[smem:$0x3FAE] =	sst s2  }
0xb: {  	[smem:$0x3FAF] =	sst s3  }
0xc: {  	[smem:$0x3FB0] =	sst s4  }
0xd: {  	[smem:$0x3FB1] =	sst s5  }
0xe: {  	[smem:$0x3FB2] =	sst s6  }
0xf: {  	[smem:$0x3FB3] =	sst s7  }
0x10: {  	[smem:$0x3FB4] =	sst s8  }
0x11: {  	[smem:$0x3FB5] =	sst s9;
	s0 =	simm.s32 @!p0 $0x0  }
0x12: {  	s1 =	sld [smem:$0x3F9B];
	s0 =	simm.s32 @p0 $0x1  }
0x13: {  	[smem:$0x3FB6] =	sst s0;
	s0 =	simm.s32 @!p1 $0x0  }
0x14: {  	s2 =	sld [smem:$0x3F9A];
	s0 =	simm.s32 @p1 $0x1  }
0x15: {  	[smem:$0x3FB7] =	sst s0;
	s0 =	simm.s32 @!p2 $0x0  }
0x16: {  	s3 =	sld [smem:$0x3FDB];
	s0 =	simm.s32 @p2 $0x1  }
0x17: {  	s4 =	simm.s32 $0x1BF5;
	[smem:$0x3FB9] =	sst s0  }
0x18: {  	s0 =	sld [smem:$0x3F9C];
	_ =	swait.ge [sflag:s4], $0x0  }
0x19: {  	s7 =	sld [smem:$0x3F9D]  }
0x1a: {  	s8 =	sadd.s32 $0xFFFFE003, lr  }
0x1b: {  	s9 =	sadd.s32 $0xFFFFFEF7, lr;
	s5 =	simm.s32 $0xFFFFFFFF;
	p2 =	slt.u32 s8, $0xFFFFF086  }
0x1c: {  	p1 =	slt.u32 s9, $0xF7A;
	s5 =	simm.s32 @!p2 $0x0  }
0x1d: {  	s5 =	simm.s32 @p1 $0x1;
	p0 =	seq.s32 s7, s2  }
0x1e: {  	s7 =	smul.u32 @!p0 $0xF7A, s2;
	p2 =	seq.s32 @!p0 s5, $0x0  }
0x1f: {  	s9 =	smul.u32 $0xF7A, s1;
	s8 =	simm.s32 @!p0 $0x1BF5;
	p2 =	por !p2, p0  }
0x20: {  	[sflag:s8] =	ssyncset.s32 @!p0 $0xFFFFF086;
	s6 =	sadd.s32 @!p0 s3, s7;
	s7 =	simm.s32 @!p0 $0x108  }
0x21: {  	s3 =	sadd.s32 s3, s9;
	s6 =	sadd.s32 @!p0 $0x88, s6;
	s7 =	simm.s32 @p2 $0x1082  }
0x22: {  	[simem:s7], [sflag:s8] =	dma.local @!p0 [hbm:s6], $0xF7A  }
0x23: {  	s9 =	sor.u32 $0xD0000000, s2;
	s6 =	simm.s32 $0x108;
	_ =	swait.ge @!p0 [sflag:s8], $0x0  }
0x24: {  	s3 =	sadd.s32 $0x88, s3;
	s6 =	simm.s32 @!p1 $0x1082;
	[sflag:s4] =	ssyncset.s32 $0xFFFFF086  }
0x25: {  	[simem:s6], [sflag:s4] =	dma.local [hbm:s3], $0xF7A  }
0x26: {  	[smem:$0x3F9D] =	sst s1;
	(tag) =	ssettag s2;
	_ =	strace s9  }
0x27: {  	s1 =	sld [smem:$0x3FAD]  }
0x28: {  	s2 =	sld [smem:$0x3FAE]  }
0x29: {  	s4 =	sld [smem:$0x3FB0]  }
0x2a: {  	p0 =	seq.s32 s5, $0x0;
	s5 =	sld [smem:$0x3FB1]  }
0x2b: {  	s6 =	sld [smem:$0x3FB2]  }
0x2c: {  	s7 =	sld [smem:$0x3FB3]  }
0x2d: {  	s3 =	simm.s32 $0x108;
	s8 =	sld [smem:$0x3FB4]  }
0x2e: {  	s3 =	simm.s32 @!p0 $0x1082;
	s9 =	sld [smem:$0x3FB5]  }
0x2f: {  	lr =	sadd.s32 s0, s3;
	s0 =	sld [smem:$0x3FAC]  }
0x30: {  	s3 =	sld [smem:$0x3FAF]  }
0x31: {  	[smem:$0x3FB8] =	sst s10  }
0x32: {  	s10 =	sld [smem:$0x3FB6];
	_ =	sdelay $0x3  }
0x33: {  	p0 =	seq.s32 s10, $0x1;
	s10 =	sld [smem:$0x3FB8];
	_ =	sdelay $0x3  }
0x34: {  	[smem:$0x3FB8] =	sst s10  }
0x35: {  	s10 =	sld [smem:$0x3FB7];
	_ =	sdelay $0x3  }
0x36: {  	p1 =	seq.s32 s10, $0x1;
	s10 =	sld [smem:$0x3FB8];
	_ =	sdelay $0x3  }
0x37: {  	[smem:$0x3FB8] =	sst s10  }
0x38: {  	s10 =	sld [smem:$0x3FB9]  }
0x39: {  	_ = 	snop;
	(pc) =	sbr.ind lr, $3  }
0x3a: {  	_ = 	snop  }
0x3b: {  	_ = 	snop  }
0x3c: {  	p2 =	seq.s32 s10, $0x1;
	s10 =	sld [smem:$0x3FB8]  }
0x3d: {  	_ =	shalt  }
0x3e: {  	_ =	shalt  }
0x3f: {  	_ =	shalt  }
0x40: {  	_ =	shalt  }
0x41: {  	_ =	shalt  }
0x42: {  	_ =	shalt  }
0x43: {  	_ =	shalt  }
0x44: {  	_ =	shalt  }
0x45: {  	_ =	shalt  }
0x46: {  	_ =	shalt  }
0x47: {  	_ =	shalt  }
0x48: {  	_ =	shalt  }
0x49: {  	_ =	shalt  }
0x4a: {  	_ =	shalt  }
0x4b: {  	_ =	shalt  }
0x4c: {  	_ =	shalt  }
0x4d: {  	_ =	shalt  }
0x4e: {  	_ =	shalt  }
0x4f: {  	_ =	shalt  }
0x50: {  	_ =	shalt  }
0x51: {  	_ =	shalt  }
0x52: {  	_ =	shalt  }
0x53: {  	_ =	shalt  }
0x54: {  	_ =	shalt  }
0x55: {  	_ =	shalt  }
0x56: {  	_ =	shalt  }
0x57: {  	_ =	shalt  }
0x58: {  	_ =	shalt  }
0x59: {  	_ =	shalt  }
0x5a: {  	_ =	shalt  }
0x5b: {  	_ =	shalt  }
0x5c: {  	_ =	shalt  }
0x5d: {  	_ =	shalt  }
0x5e: {  	_ =	shalt  }
0x5f: {  	_ =	shalt  }
0x60: {  	_ =	shalt  }
0x61: {  	_ =	shalt  }
0x62: {  	_ =	shalt  }
0x63: {  	_ =	shalt  }
0x64: {  	_ =	shalt  }
0x65: {  	_ =	shalt  }
0x66: {  	_ =	shalt  }
0x67: {  	_ =	shalt  }
0x68: {  	_ =	shalt  }
0x69: {  	_ =	shalt  }
0x6a: {  	_ =	shalt  }
0x6b: {  	_ =	shalt  }
0x6c: {  	_ =	shalt  }
0x6d: {  	_ =	shalt  }
0x6e: {  	_ =	shalt  }
0x6f: {  	_ =	shalt  }
0x70: {  	_ =	shalt  }
0x71: {  	_ =	shalt  }
0x72: {  	_ =	shalt  }
0x73: {  	_ =	shalt  }
0x74: {  	_ =	shalt  }
0x75: {  	_ =	shalt  }
0x76: {  	_ =	shalt  }
0x77: {  	_ =	shalt  }
0x78: {  	_ =	shalt  }
0x79: {  	_ =	shalt  }
0x7a: {  	_ =	shalt  }
0x7b: {  	_ =	shalt  }
0x7c: {  	_ =	shalt  }
0x7d: {  	_ =	shalt  }
0x7e: {  	_ =	shalt  }
0x7f: {  	_ =	shalt  }
0x80: {  	_ =	shalt  }
0x81: {  	_ =	shalt  }
0x82: {  	_ =	shalt  }
0x83: {  	_ =	shalt  }
0x84: {  	_ =	shalt  }
0x85: {  	_ =	shalt  }
0x86: {  	_ =	shalt  }
0x87: {  	_ =	shalt  }
.Lfunc_end0:
.L_simem_size_0:
called_computation_lowered:
.L_overlay_start_0:
0x88: {  	s2 =	sld [smem:$0x3FD9]  }
0x89: {  	s3 =	sld [smem:$0x3FFE];
	_ =	sdelay $0x1  }
0x8a: {  	s1 =	srdreg.scid  }
0x8b: {  	s0 =	sand.u32 $0x1, s1  }
0x8c: {  	s17 =	sshll.u32 s0, $0xA;
	s2 =	sadd.s32 s3, s2  }
0x8d: {  	s2 =	sadd.s32 s2, s17  }
0x8e: {  	[smem:$0x3FC4] =	sst s2  }
0x8f: {  	_ = 	snop  }
0x90: {  	s2 =	sld [smem:$0x3FD0];
	(tm) =	ssettm $0x1  }
0x91: {  	s18 =	sld [smem:$0x3FFB];
	_ =	sdelay $0x3  }
0x92: {  	_ =	strace s18  }
0x93: {  	s3 =	sld [smem:$0x3FFC];
	_ =	sdelay $0x3  }
0x94: {  	_ =	strace s3  }
0x95: {  	s3 =	sld [smem:$0x3FFD];
	_ =	sdelay $0x3  }
0x96: {  	_ =	strace s3  }
0x97: {  	_ =	strace $0x8FFFFFFF  }
0x98: {  	s19 =	sld [smem:$0x3FDB];
	_ =	sdelay $0x1  }
0x99: {  	s4 =	simm.s32 $_scs_section_size  }
0x9a: {  	s5 =	simm.s32 $_size__tile_overlayer_lowered;
	s6 =	simm.s32 $_tile_overlayer_lowered  }
0x9b: {  	s22 =	simm.s32 $0x1BFF;
	s21 =	sshll.u32 s6, $0x1;
	s3 =	sadd.s32 s4, s19  }
0x9c: {  	s7 =	simm.s32 $0x0;
	s20 =	sshll.u32 s5, $0x1;
	s5 =	sadd.s32 s21, s3  }
0x9d: {  	[timem:s7], [sflag:s22] =	dma.local [hbm:s5], s20  }
0x9e: {  	_ =	swait.ge [sflag:s22], s20  }
0x9f: {  	s4 =	ssub.s32 $0x0, s20;
	[sflag:s22] =	ssyncset.done $0x0  }
0xa0: {  	[sflag:s22] =	ssyncadd.s32 s4;
	_ =	sdelay $0x1  }
0xa1: {  	s23 =	simm.s32 $0x1B8B  }
0xa2: {  	_ =	swait.ge [sflag:s23], $0x1  }
0xa3: {  	[sflag:s23] =	ssyncset.done $0x0  }
0xa4: {  	s25 =	simm.s32 $0x1B8E;
	s24 =	sld [smem:$0x3FFE];
	[sflag:s23] =	ssyncadd.s32 $0xFFFFFFFF  }
0xa5: {  	s26 =	simm.s32 $execute0_lowered;
	[smem:$0x3FD2] =	sst s25  }
0xa6: {  	s5 =	sshll.u32 s26, $0x1;
	_ =	strace $0x80000046;
	[dreg:$0x1] =	wrdreg $0xFFFFFFFF  }
0xa7: {  	s28 =	simm.s32 $_size_execute0_lowered;
	s3 =	sadd.s32 s3, s5;
	[dreg:$0x0] =	wrdreg $0x0  }
0xa8: {  	s5 =	sshll.u32 s28, $0x1;
	[dreg:$0x2] =	wrdreg s3  }
0xa9: {  	[dreg:$0x3] =	wrdreg s5  }
0xaa: {  	[dreg:$0x4] =	wrdreg $0xC0  }
0xab: {  	_ =	task [dreg:s7], $0x5FFFF  }
0xac: {  	[dreg:$0x1] =	wrdreg $0xFFFFFFFF  }
0xad: {  	[dreg:$0x0] =	wrdreg $0x60  }
0xae: {  	[dreg:$0x2] =	wrdreg s2  }
0xaf: {  	[dreg:$0x3] =	wrdreg s24  }
0xb0: {  	[dreg:$0x4] =	wrdreg $0x9  }
0xb1: {  	_ =	task.clear_ibuf [dreg:s7], $0x5FFFF;
	_ =	strace $0x90000046  }
0xb2: {  	s29 =	simm.s32 $0x9;
	_ =	strace $0x80000048  }
0xb3: {  	_ =	swait.ge [sflag:s29], $0x1  }
0xb4: {  	[sflag:s29] =	ssyncadd.s32 $0xFFFFFFFF  }
0xb5: {  	_ =	strace $0x90000048  }
0xb6: {  	_ =	sfence  }
0xb7: {  	s30 =	sld [smem:$0x0];
	_ =	sdelay $0x2  }
0xb8: {  	s31 =	sshll.u32 s1, $0xD;
	s1 =	sshrl.u32 s1, $0x2  }
0xb9: {  	s3 =	sand.u32 $0x4000, s31;
	s1 =	sadd.s32 s1, s30  }
0xba: {  	s0 =	sor.u32 s3, s0;
	s1 =	sshll.u32 s1, $0x11  }
0xbb: {  	s0 =	sor.u32 s1, s0  }
0xbc: {  	s0 =	sadd.s32 $0x8F2B, s0  }
0xbd: {  	[sflag:s0] =	ssyncadd.remote.s32 $0x1  }
0xbe: {  	_ =	sfence.sel $0xFFFF  }
0xbf: {  	[dreg:$0x0] =	wrdreg $0xFFFFFFFF;
	(pc) =	sbr.abs _section_cstart, $3  }
0xc0: {  	[dreg:$0x1] =	wrdreg $0xFFFFFFFF  }
0xc1: {  	_ =	task.clear_ibuf [dreg:s7], $0x2FFFF;
	_ =	strace $0x9FFFFFFF  }
0xc2: {  	(tm) =	ssettm $0x7FFFFFFF  }
0xc3: {  	_ =	shalt  }
tec
execute0_lowered:
.L_overlay_start_1:
0x0: {  	(tag) =	ssettag $0x1  }
0x1: {  	s6 =	rddreg [dreg:$0x0]  }
0x2: {  	s4 =	rddreg [dreg:$0x1]  }
0x3: {  	s0 =	rddreg [dreg:$0x2];
	s2 =	simm.s32 $0x0  }
0x4: {  	[smem:$0x7FF] =	sst s2;
	s9 =	sadd.s32 $0x800, s4  }
0x5: {  	s25 =	sadd.s32 $0x1000, s4;
	_ =	strace $0x80000047;
	[dreg:$0x3] =	wrdreg s9  }
0x6: {  	s26 =	simm.s32 $0x8000;
	[dreg:$0x4] =	wrdreg s25  }
0x7: {  	s29 =	simm.s32 $0x8200;
	[dreg:$0x5] =	wrdreg s26  }
0x8: {  	s30 =	simm.s32 $0x8400;
	[dreg:$0x7] =	wrdreg s29  }
0x9: {  	s31 =	simm.s32 $0x8600;
	[dreg:$0x8] =	wrdreg s30  }
0xa: {  	s10 =	simm.s32 $0x8280;
	[dreg:$0x9] =	wrdreg s31  }
0xb: {  	s11 =	simm.s32 $0x8480;
	[dreg:$0xb] =	wrdreg s10  }
0xc: {  	s12 =	simm.s32 $0x8680;
	[dreg:$0xc] =	wrdreg s11  }
0xd: {  	s13 =	simm.s32 $0x8100;
	[dreg:$0xd] =	wrdreg s12  }
0xe: {  	s14 =	simm.s32 $0x8300;
	[dreg:$0xe] =	wrdreg s13  }
0xf: {  	s15 =	simm.s32 $0x8500;
	[dreg:$0xf] =	wrdreg s14  }
0x10: {  	s16 =	simm.s32 $0x8700;
	[dreg:$0x10] =	wrdreg s15  }
0x11: {  	s17 =	simm.s32 $0x8180;
	[dreg:$0x11] =	wrdreg s16  }
0x12: {  	s18 =	simm.s32 $0x8380;
	[dreg:$0x12] =	wrdreg s17  }
0x13: {  	s19 =	simm.s32 $0x8580;
	[dreg:$0x13] =	wrdreg s18  }
0x14: {  	s20 =	simm.s32 $0x8780;
	[dreg:$0x14] =	wrdreg s19  }
0x15: {  	s3 =	srdreg.scid;
	s21 =	simm.s32 $0x8800;
	[dreg:$0x15] =	wrdreg s20  }
0x16: {  	s1 =	stileid.u32;
	s22 =	simm.s32 $0x8A00;
	[dreg:$0x16] =	wrdreg s21  }
0x17: {  	s23 =	simm.s32 $0x8C00;
	s5 =	sand.u32 $0x1, s3;
	[dreg:$0x17] =	wrdreg s22  }
0x18: {  	s24 =	sshll.u32 s1, $0x5;
	s9 =	simm.s32 $0x8080;
	[dreg:$0x18] =	wrdreg s23  }
0x19: {  	s3 =	sand.u32 $0x60, s24;
	s24 =	simm.s32 $0x8E00;
	[dreg:$0xa] =	wrdreg s9  }
0x1a: {  	s25 =	simm.s32 $0x9000;
	[dreg:$0x19] =	wrdreg s24  }
0x1b: {  	s26 =	simm.s32 $0x9200;
	[dreg:$0x1a] =	wrdreg s25  }
0x1c: {  	s29 =	simm.s32 $0x9600;
	[dreg:$0x1b] =	wrdreg s26  }
0x1d: {  	s30 =	simm.s32 $0x8880;
	[dreg:$0x1d] =	wrdreg s29  }
0x1e: {  	s31 =	simm.s32 $0x8A80;
	[dreg:$0x1e] =	wrdreg s30  }
0x1f: {  	s10 =	simm.s32 $0x8E80;
	[dreg:$0x1f] =	wrdreg s31  }
0x20: {  	s11 =	simm.s32 $0x9080;
	[smem:$0x7E9] =	sst s10  }
0x21: {  	s12 =	simm.s32 $0x9280;
	[smem:$0x7EA] =	sst s11  }
0x22: {  	s15 =	simm.s32 $0x9480;
	[smem:$0x7EB] =	sst s12  }
0x23: {  	s17 =	simm.s32 $0x9680;
	[smem:$0x7EC] =	sst s15  }
0x24: {  	s18 =	simm.s32 $0x8900;
	[smem:$0x7ED] =	sst s17  }
0x25: {  	s19 =	simm.s32 $0x8B00;
	[smem:$0x7EE] =	sst s18  }
0x26: {  	s20 =	simm.s32 $0x8D00;
	[smem:$0x7EF] =	sst s19  }
0x27: {  	s21 =	simm.s32 $0x8F00;
	[smem:$0x7F0] =	sst s20  }
0x28: {  	s22 =	simm.s32 $0x9100;
	[smem:$0x7F1] =	sst s21  }
0x29: {  	s7 =	sshll.u32 s1, $0x7;
	s23 =	simm.s32 $0x9300;
	[smem:$0x7F2] =	sst s22  }
0x2a: {  	s8 =	sshll.u32 s5, $0x4;
	s9 =	simm.s32 $0x8C80;
	[smem:$0x7F3] =	sst s23  }
0x2b: {  	s7 =	sand.u32 $0x600, s7;
	s24 =	simm.s32 $0x9500;
	[smem:$0x7E8] =	sst s9  }
0x2c: {  	s13 =	sadd.s32 $0x1800, s4;
	s25 =	simm.s32 $0x9700;
	[smem:$0x7F4] =	sst s24  }
0x2d: {  	s14 =	sadd.s32 $0x3800, s4;
	s11 =	simm.s32 $0x8980;
	[smem:$0x7F5] =	sst s25  }
0x2e: {  	s5 =	ssub.s32 $0x2, s5;
	s26 =	simm.s32 $0x8B80;
	[smem:$0x7F6] =	sst s11  }
0x2f: {  	s3 =	sor.u32 s8, s3;
	s17 =	simm.s32 $0x8D80;
	[smem:$0x7F7] =	sst s26  }
0x30: {  	s16 =	sshrl.u32 s5, $0x1;
	s29 =	simm.s32 $0x9180;
	[smem:$0x7F8] =	sst s17  }
0x31: {  	s30 =	simm.s32 $0x9380;
	s31 =	simm.s32 $0x9580;
	[smem:$0x7FA] =	sst s29  }
0x32: {  	s18 =	simm.s32 $0x9780;
	s8 =	sor.u32 s7, s3;
	[smem:$0x7FB] =	sst s30  }
0x33: {  	s15 =	ssub.s32 s5, s16;
	[smem:$0x7FC] =	sst s31;
	s17 =	simm.s32 $0x4000  }
0x34: {  	[smem:$0x7FD] =	sst s18;
	s3 =	sadd.s32 s6, s8;
	s10 =	sor.u32 $0x800, s8  }
0x35: {  	s12 =	sor.u32 $0x1000, s8;
	s16 =	sor.u32 $0x1800, s8;
	s7 =	sadd.s32 s13, s8  }
0x36: {  	s8 =	sadd.s32 s14, s8;
	s15 =	smax.u32 s15, $0x1;
	s28 =	sadd.s32 $0x80, s3  }
0x37: {  	s4 =	sadd.s32 s6, s10;
	s5 =	sadd.s32 s6, s12;
	s6 =	sadd.s32 s6, s16  }
0x38: {  	s9 =	sadd.s32 s13, s10;
	s10 =	sadd.s32 s14, s10;
	s11 =	sadd.s32 s13, s12  }
0x39: {  	s12 =	sadd.s32 s14, s12;
	[dreg:$0x6] =	wrdreg s28;
	s28 =	simm.s32 $0x9400  }
0x3a: {  	s13 =	sadd.s32 s13, s16;
	[dreg:$0x1c] =	wrdreg s28;
	s28 =	simm.s32 $0x8F80  }
0x3b: {  	s14 =	sadd.s32 s14, s16;
	s16 =	simm.s32 $0x1;
	[smem:$0x7F9] =	sst s28  }
.LBB2_1:
0x3c: {  	s18 =	rddreg [dreg:$0x3]  }
0x3d: {  	[tilespmem:s2], [sflag:$0x1] =	stream.linear.gather [hbm4b:s18+s2], $0x4000, $0x38;
	[tilespmem:$0x9800] =	vst v63  }
0x3e: {  	_ =	swait.ge [sflag:s16], $0x4000  }
0x3f: {  	[sflag:s16] =	ssyncset.done $0x0  }
0x40: {  	s21 =	rddreg [dreg:$0x4];
	[sflag:s16] =	ssyncadd.s32 $0xFFFFC000  }
0x41: {  	[tilespmem:s17], [sflag:$0x1] =	stream.linear.gather [hbm4b:s21+s2], $0x4000, $0x38;
	[tilespmem:$0x9800] =	vst v63  }
0x42: {  	_ =	swait.ge [sflag:s16], $0x4000  }
0x43: {  	s22 =	rddreg [dreg:$0x5];
	[sflag:s16] =	ssyncset.done $0x0  }
0x44: {  	s19 =	rddreg [dreg:$0x6];
	[sflag:s16] =	ssyncadd.s32 $0xFFFFC000  }
0x45: {  	[tilespmem:s22], [sflag:$0x1] =	stream.linear.gather [hbm4b:s3+s2], $0x80, $0x38;
	[tilespmem:$0x9800] =	vst v63  }
0x46: {  	s20 =	rddreg [dreg:$0x7]  }
0x47: {  	[tilespmem:s20], [sflag:$0x1] =	stream.linear.gather [hbm4b:s19+s2], $0x80, $0x38;
	[tilespmem:$0x9800] =	vst v63  }
0x48: {  	s24 =	sadd.s32 $0x100, s3;
	s23 =	rddreg [dreg:$0x8]  }
0x49: {  	[tilespmem:s23], [sflag:$0x1] =	stream.linear.gather [hbm4b:s24+s2], $0x80, $0x38;
	[tilespmem:$0x9800] =	vst v63  }
0x4a: {  	s26 =	sadd.s32 $0x180, s3;
	s25 =	rddreg [dreg:$0x9]  }
0x4b: {  	[tilespmem:s25], [sflag:$0x1] =	stream.linear.gather [hbm4b:s26+s2], $0x80, $0x38;
	[tilespmem:$0x9800] =	vst v63  }
0x4c: {  	_ =	swait.ge [sflag:s16], $0x200  }
0x4d: {  	[sflag:s16] =	ssyncset.done $0x0  }
0x4e: {  	s28 =	rddreg [dreg:$0xa];
	[sflag:s16] =	ssyncadd.s32 $0xFFFFFE00  }
0x4f: {  	[tilespmem:s28], [sflag:$0x1] =	stream.linear.gather [hbm4b:s4+s2], $0x80, $0x38;
	[tilespmem:$0x9800] =	vst v63  }
0x50: {  	s30 =	sadd.s32 $0x80, s4;
	s29 =	rddreg [dreg:$0xb]  }
0x51: {  	[tilespmem:s29], [sflag:$0x1] =	stream.linear.gather [hbm4b:s30+s2], $0x80, $0x38;
	[tilespmem:$0x9800] =	vst v63  }
0x52: {  	s21 =	sadd.s32 $0x100, s4;
	s31 =	rddreg [dreg:$0xc]  }
0x53: {  	[tilespmem:s31], [sflag:$0x1] =	stream.linear.gather [hbm4b:s21+s2], $0x80, $0x38;
	[tilespmem:$0x9800] =	vst v63  }
0x54: {  	s23 =	sadd.s32 $0x180, s4;
	s22 =	rddreg [dreg:$0xd]  }
0x55: {  	[tilespmem:s22], [sflag:$0x1] =	stream.linear.gather [hbm4b:s23+s2], $0x80, $0x38;
	[tilespmem:$0x9800] =	vst v63  }
0x56: {  	_ =	swait.ge [sflag:s16], $0x200  }
0x57: {  	[sflag:s16] =	ssyncset.done $0x0  }
0x58: {  	s24 =	rddreg [dreg:$0xe];
	[sflag:s16] =	ssyncadd.s32 $0xFFFFFE00  }
0x59: {  	[tilespmem:s24], [sflag:$0x1] =	stream.linear.gather [hbm4b:s5+s2], $0x80, $0x38;
	[tilespmem:$0x9800] =	vst v63  }
0x5a: {  	s26 =	sadd.s32 $0x80, s5;
	s25 =	rddreg [dreg:$0xf]  }
0x5b: {  	[tilespmem:s25], [sflag:$0x1] =	stream.linear.gather [hbm4b:s26+s2], $0x80, $0x38;
	[tilespmem:$0x9800] =	vst v63  }
0x5c: {  	s29 =	sadd.s32 $0x100, s5;
	s28 =	rddreg [dreg:$0x10]  }
0x5d: {  	[tilespmem:s28], [sflag:$0x1] =	stream.linear.gather [hbm4b:s29+s2], $0x80, $0x38;
	[tilespmem:$0x9800] =	vst v63  }
0x5e: {  	s31 =	sadd.s32 $0x180, s5;
	s30 =	rddreg [dreg:$0x11]  }
0x5f: {  	[tilespmem:s30], [sflag:$0x1] =	stream.linear.gather [hbm4b:s31+s2], $0x80, $0x38;
	[tilespmem:$0x9800] =	vst v63  }
0x60: {  	_ =	swait.ge [sflag:s16], $0x200  }
0x61: {  	[sflag:s16] =	ssyncset.done $0x0  }
0x62: {  	s20 =	rddreg [dreg:$0x12];
	[sflag:s16] =	ssyncadd.s32 $0xFFFFFE00  }
0x63: {  	[tilespmem:s20], [sflag:$0x1] =	stream.linear.gather [hbm4b:s6+s2], $0x80, $0x38;
	[tilespmem:$0x9800] =	vst v63  }
0x64: {  	s22 =	sadd.s32 $0x80, s6;
	s21 =	rddreg [dreg:$0x13]  }
0x65: {  	[tilespmem:s21], [sflag:$0x1] =	stream.linear.gather [hbm4b:s22+s2], $0x80, $0x38;
	[tilespmem:$0x9800] =	vst v63  }
0x66: {  	s24 =	sadd.s32 $0x100, s6;
	s23 =	rddreg [dreg:$0x14]  }
0x67: {  	[tilespmem:s23], [sflag:$0x1] =	stream.linear.gather [hbm4b:s24+s2], $0x80, $0x38;
	[tilespmem:$0x9800] =	vst v63  }
0x68: {  	s26 =	sadd.s32 $0x180, s6;
	s25 =	rddreg [dreg:$0x15]  }
0x69: {  	[tilespmem:s25], [sflag:$0x1] =	stream.linear.gather [hbm4b:s26+s2], $0x80, $0x38;
	[tilespmem:$0x9800] =	vst v63  }
0x6a: {  	_ =	swait.ge [sflag:s16], $0x200  }
0x6b: {  	[sflag:s16] =	ssyncset.done $0x0  }
0x6c: {  	[sflag:s16] =	ssyncadd.s32 $0xFFFFFE00  }
0x6d: {  	v0 =	vld [tilespmem:$0x8000];
	_ =	sdelay $0x7  }
0x6e: {  	v1 =	vld.idx.msk [tilespmem:v0+s2+$0x0], $0xffff;
	_ =	sdelay $0x3  }
0x6f: {  	v2 =	vld [tilespmem:$0x8010]  }
0x70: {  	[tilespmem:$0x8800] =	vst v1  }
0x71: {  	v0 =	vld.idx.msk [tilespmem:v0+s17+$0x0], $0xffff;
	_ =	sdelay $0x4  }
0x72: {  	[tilespmem:$0x9000] =	vst v0  }
0x73: {  	v0 =	vld.idx.msk [tilespmem:v2+s2+$0x0], $0xffff;
	_ =	sdelay $0x3  }
0x74: {  	v24 =	vld [tilespmem:$0x8020]  }
0x75: {  	[tilespmem:$0x8810] =	vst v0  }
0x76: {  	v0 =	vld.idx.msk [tilespmem:v2+s17+$0x0], $0xffff;
	_ =	sdelay $0x4  }
0x77: {  	[tilespmem:$0x9010] =	vst v0  }
0x78: {  	v0 =	vld.idx.msk [tilespmem:v24+s2+$0x0], $0xffff;
	_ =	sdelay $0x3  }
0x79: {  	v25 =	vld [tilespmem:$0x8030]  }
0x7a: {  	[tilespmem:$0x8820] =	vst v0  }
0x7b: {  	v0 =	vld.idx.msk [tilespmem:v24+s17+$0x0], $0xffff;
	_ =	sdelay $0x4  }
0x7c: {  	[tilespmem:$0x9020] =	vst v0  }
0x7d: {  	v0 =	vld.idx.msk [tilespmem:v25+s2+$0x0], $0xffff;
	_ =	sdelay $0x3  }
0x7e: {  	v26 =	vld [tilespmem:$0x8040]  }
0x7f: {  	[tilespmem:$0x8830] =	vst v0  }
0x80: {  	v0 =	vld.idx.msk [tilespmem:v25+s17+$0x0], $0xffff;
	_ =	sdelay $0x4  }
0x81: {  	[tilespmem:$0x9030] =	vst v0  }
0x82: {  	v0 =	vld.idx.msk [tilespmem:v26+s2+$0x0], $0xffff;
	_ =	sdelay $0x3  }
0x83: {  	v27 =	vld [tilespmem:$0x8050]  }
0x84: {  	[tilespmem:$0x8840] =	vst v0  }
0x85: {  	v0 =	vld.idx.msk [tilespmem:v26+s17+$0x0], $0xffff;
	_ =	sdelay $0x4  }
0x86: {  	[tilespmem:$0x9040] =	vst v0  }
0x87: {  	v0 =	vld.idx.msk [tilespmem:v27+s2+$0x0], $0xffff;
	_ =	sdelay $0x3  }
0x88: {  	v28 =	vld [tilespmem:$0x8060]  }
0x89: {  	[tilespmem:$0x8850] =	vst v0  }
0x8a: {  	v0 =	vld.idx.msk [tilespmem:v27+s17+$0x0], $0xffff;
	_ =	sdelay $0x4  }
0x8b: {  	[tilespmem:$0x9050] =	vst v0  }
0x8c: {  	v0 =	vld.idx.msk [tilespmem:v28+s2+$0x0], $0xffff;
	_ =	sdelay $0x3  }
0x8d: {  	v29 =	vld [tilespmem:$0x8070]  }
0x8e: {  	[tilespmem:$0x8860] =	vst v0  }
0x8f: {  	v0 =	vld.idx.msk [tilespmem:v28+s17+$0x0], $0xffff;
	_ =	sdelay $0x4  }
0x90: {  	[tilespmem:$0x9060] =	vst v0  }
0x91: {  	v0 =	vld.idx.msk [tilespmem:v29+s2+$0x0], $0xffff;
	_ =	sdelay $0x3  }
0x92: {  	v30 =	vld [tilespmem:$0x8200]  }
0x93: {  	[tilespmem:$0x8870] =	vst v0  }
0x94: {  	v0 =	vld.idx.msk [tilespmem:v29+s17+$0x0], $0xffff;
	_ =	sdelay $0x4  }
0x95: {  	[tilespmem:$0x9070] =	vst v0  }
0x96: {  	v0 =	vld.idx.msk [tilespmem:v30+s2+$0x0], $0xffff;
	_ =	sdelay $0x3  }
0x97: {  	v31 =	vld [tilespmem:$0x8210]  }
0x98: {  	[tilespmem:$0x8A00] =	vst v0  }
0x99: {  	v0 =	vld.idx.msk [tilespmem:v30+s17+$0x0], $0xffff;
	_ =	sdelay $0x4  }
0x9a: {  	[tilespmem:$0x9200] =	vst v0  }
0x9b: {  	v0 =	vld.idx.msk [tilespmem:v31+s2+$0x0], $0xffff;
	_ =	sdelay $0x3  }
0x9c: {  	v32 =	vld [tilespmem:$0x8220]  }
0x9d: {  	[tilespmem:$0x8A10] =	vst v0  }
0x9e: {  	v0 =	vld.idx.msk [tilespmem:v31+s17+$0x0], $0xffff;
	_ =	sdelay $0x4  }
0x9f: {  	[tilespmem:$0x9210] =	vst v0  }
0xa0: {  	v0 =	vld.idx.msk [tilespmem:v32+s2+$0x0], $0xffff;
	_ =	sdelay $0x3  }
0xa1: {  	v33 =	vld [tilespmem:$0x8230]  }
0xa2: {  	[tilespmem:$0x8A20] =	vst v0  }
0xa3: {  	v0 =	vld.idx.msk [tilespmem:v32+s17+$0x0], $0xffff;
	_ =	sdelay $0x4  }
0xa4: {  	[tilespmem:$0x9220] =	vst v0  }
0xa5: {  	v0 =	vld.idx.msk [tilespmem:v33+s2+$0x0], $0xffff;
	_ =	sdelay $0x3  }
0xa6: {  	v34 =	vld [tilespmem:$0x8240]  }
0xa7: {  	[tilespmem:$0x8A30] =	vst v0  }
0xa8: {  	v0 =	vld.idx.msk [tilespmem:v33+s17+$0x0], $0xffff;
	_ =	sdelay $0x4  }
0xa9: {  	[tilespmem:$0x9230] =	vst v0  }
0xaa: {  	v0 =	vld.idx.msk [tilespmem:v34+s2+$0x0], $0xffff;
	_ =	sdelay $0x3  }
0xab: {  	v35 =	vld [tilespmem:$0x8250]  }
0xac: {  	[tilespmem:$0x8A40] =	vst v0  }
0xad: {  	v0 =	vld.idx.msk [tilespmem:v34+s17+$0x0], $0xffff;
	_ =	sdelay $0x4  }
0xae: {  	[tilespmem:$0x9240] =	vst v0  }
0xaf: {  	v0 =	vld.idx.msk [tilespmem:v35+s2+$0x0], $0xffff;
	_ =	sdelay $0x3  }
0xb0: {  	v36 =	vld [tilespmem:$0x8260]  }
0xb1: {  	[tilespmem:$0x8A50] =	vst v0  }
0xb2: {  	v0 =	vld.idx.msk [tilespmem:v35+s17+$0x0], $0xffff;
	_ =	sdelay $0x4  }
0xb3: {  	[tilespmem:$0x9250] =	vst v0  }
0xb4: {  	v0 =	vld.idx.msk [tilespmem:v36+s2+$0x0], $0xffff;
	_ =	sdelay $0x3  }
0xb5: {  	v37 =	vld [tilespmem:$0x8270]  }
0xb6: {  	[tilespmem:$0x8A60] =	vst v0  }
0xb7: {  	v0 =	vld.idx.msk [tilespmem:v36+s17+$0x0], $0xffff;
	_ =	sdelay $0x4  }
0xb8: {  	[tilespmem:$0x9260] =	vst v0  }
0xb9: {  	v0 =	vld.idx.msk [tilespmem:v37+s2+$0x0], $0xffff;
	_ =	sdelay $0x3  }
0xba: {  	v38 =	vld [tilespmem:$0x8400]  }
0xbb: {  	[tilespmem:$0x8A70] =	vst v0  }
0xbc: {  	v0 =	vld.idx.msk [tilespmem:v37+s17+$0x0], $0xffff;
	_ =	sdelay $0x4  }
0xbd: {  	[tilespmem:$0x9270] =	vst v0  }
0xbe: {  	v0 =	vld.idx.msk [tilespmem:v38+s2+$0x0], $0xffff;
	_ =	sdelay $0x3  }
0xbf: {  	v39 =	vld [tilespmem:$0x8410]  }
0xc0: {  	[tilespmem:$0x8C00] =	vst v0  }
0xc1: {  	v0 =	vld.idx.msk [tilespmem:v38+s17+$0x0], $0xffff;
	_ =	sdelay $0x4  }
0xc2: {  	[tilespmem:$0x9400] =	vst v0  }
0xc3: {  	v0 =	vld.idx.msk [tilespmem:v39+s2+$0x0], $0xffff;
	_ =	sdelay $0x3  }
0xc4: {  	v40 =	vld [tilespmem:$0x8420]  }
0xc5: {  	[tilespmem:$0x8C10] =	vst v0  }
0xc6: {  	v0 =	vld.idx.msk [tilespmem:v39+s17+$0x0], $0xffff;
	_ =	sdelay $0x4  }
0xc7: {  	[tilespmem:$0x9410] =	vst v0  }
0xc8: {  	v0 =	vld.idx.msk [tilespmem:v40+s2+$0x0], $0xffff;
	_ =	sdelay $0x3  }
0xc9: {  	v41 =	vld [tilespmem:$0x8430]  }
0xca: {  	[tilespmem:$0x8C20] =	vst v0  }
0xcb: {  	v0 =	vld.idx.msk [tilespmem:v40+s17+$0x0], $0xffff;
	_ =	sdelay $0x4  }
0xcc: {  	[tilespmem:$0x9420] =	vst v0  }
0xcd: {  	v0 =	vld.idx.msk [tilespmem:v41+s2+$0x0], $0xffff;
	_ =	sdelay $0x3  }
0xce: {  	v42 =	vld [tilespmem:$0x8440]  }
0xcf: {  	[tilespmem:$0x8C30] =	vst v0  }
0xd0: {  	v0 =	vld.idx.msk [tilespmem:v41+s17+$0x0], $0xffff;
	_ =	sdelay $0x4  }
0xd1: {  	[tilespmem:$0x9430] =	vst v0  }
0xd2: {  	v0 =	vld.idx.msk [tilespmem:v42+s2+$0x0], $0xffff;
	_ =	sdelay $0x3  }
0xd3: {  	v43 =	vld [tilespmem:$0x8450]  }
0xd4: {  	[tilespmem:$0x8C40] =	vst v0  }
0xd5: {  	v0 =	vld.idx.msk [tilespmem:v42+s17+$0x0], $0xffff;
	_ =	sdelay $0x4  }
0xd6: {  	[tilespmem:$0x9440] =	vst v0  }
0xd7: {  	v0 =	vld.idx.msk [tilespmem:v43+s2+$0x0], $0xffff;
	_ =	sdelay $0x3  }
0xd8: {  	v44 =	vld [tilespmem:$0x8460]  }
0xd9: {  	[tilespmem:$0x8C50] =	vst v0  }
0xda: {  	v0 =	vld.idx.msk [tilespmem:v43+s17+$0x0], $0xffff;
	_ =	sdelay $0x4  }
0xdb: {  	[tilespmem:$0x9450] =	vst v0  }
0xdc: {  	v0 =	vld.idx.msk [tilespmem:v44+s2+$0x0], $0xffff;
	_ =	sdelay $0x3  }
0xdd: {  	v45 =	vld [tilespmem:$0x8470]  }
0xde: {  	[tilespmem:$0x8C60] =	vst v0  }
0xdf: {  	v0 =	vld.idx.msk [tilespmem:v44+s17+$0x0], $0xffff;
	_ =	sdelay $0x4  }
0xe0: {  	[tilespmem:$0x9460] =	vst v0  }
0xe1: {  	v0 =	vld.idx.msk [tilespmem:v45+s2+$0x0], $0xffff;
	_ =	sdelay $0x3  }
0xe2: {  	v46 =	vld [tilespmem:$0x8600]  }
0xe3: {  	[tilespmem:$0x8C70] =	vst v0  }
0xe4: {  	v0 =	vld.idx.msk [tilespmem:v45+s17+$0x0], $0xffff;
	_ =	sdelay $0x4  }
0xe5: {  	[tilespmem:$0x9470] =	vst v0  }
0xe6: {  	v0 =	vld.idx.msk [tilespmem:v46+s2+$0x0], $0xffff;
	_ =	sdelay $0x3  }
0xe7: {  	v47 =	vld [tilespmem:$0x8610]  }
0xe8: {  	[tilespmem:$0x8E00] =	vst v0  }
0xe9: {  	v0 =	vld.idx.msk [tilespmem:v46+s17+$0x0], $0xffff;
	_ =	sdelay $0x4  }
0xea: {  	[tilespmem:$0x9600] =	vst v0  }
0xeb: {  	v0 =	vld.idx.msk [tilespmem:v47+s2+$0x0], $0xffff;
	_ =	sdelay $0x3  }
0xec: {  	v48 =	vld [tilespmem:$0x8620]  }
0xed: {  	[tilespmem:$0x8E10] =	vst v0  }
0xee: {  	v0 =	vld.idx.msk [tilespmem:v47+s17+$0x0], $0xffff;
	_ =	sdelay $0x4  }
0xef: {  	[tilespmem:$0x9610] =	vst v0  }
0xf0: {  	v0 =	vld.idx.msk [tilespmem:v48+s2+$0x0], $0xffff;
	_ =	sdelay $0x3  }
0xf1: {  	v49 =	vld [tilespmem:$0x8630]  }
0xf2: {  	[tilespmem:$0x8E20] =	vst v0  }
0xf3: {  	v0 =	vld.idx.msk [tilespmem:v48+s17+$0x0], $0xffff;
	_ =	sdelay $0x4  }
0xf4: {  	[tilespmem:$0x9620] =	vst v0  }
0xf5: {  	v0 =	vld.idx.msk [tilespmem:v49+s2+$0x0], $0xffff;
	_ =	sdelay $0x3  }
0xf6: {  	v50 =	vld [tilespmem:$0x8640]  }
0xf7: {  	[tilespmem:$0x8E30] =	vst v0  }
0xf8: {  	v0 =	vld.idx.msk [tilespmem:v49+s17+$0x0], $0xffff;
	_ =	sdelay $0x4  }
0xf9: {  	[tilespmem:$0x9630] =	vst v0  }
0xfa: {  	v0 =	vld.idx.msk [tilespmem:v50+s2+$0x0], $0xffff;
	_ =	sdelay $0x3  }
0xfb: {  	v51 =	vld [tilespmem:$0x8650]  }
0xfc: {  	[tilespmem:$0x8E40] =	vst v0  }
0xfd: {  	v0 =	vld.idx.msk [tilespmem:v50+s17+$0x0], $0xffff;
	_ =	sdelay $0x4  }
0xfe: {  	[tilespmem:$0x9640] =	vst v0  }
0xff: {  	v0 =	vld.idx.msk [tilespmem:v51+s2+$0x0], $0xffff;
	_ =	sdelay $0x3  }
0x100: {  	v52 =	vld [tilespmem:$0x8660]  }
0x101: {  	[tilespmem:$0x8E50] =	vst v0  }
0x102: {  	v0 =	vld.idx.msk [tilespmem:v51+s17+$0x0], $0xffff;
	_ =	sdelay $0x4  }
0x103: {  	[tilespmem:$0x9650] =	vst v0  }
0x104: {  	v0 =	vld.idx.msk [tilespmem:v52+s2+$0x0], $0xffff;
	_ =	sdelay $0x3  }
0x105: {  	v53 =	vld [tilespmem:$0x8670]  }
0x106: {  	[tilespmem:$0x8E60] =	vst v0  }
0x107: {  	v0 =	vld.idx.msk [tilespmem:v52+s17+$0x0], $0xffff;
	_ =	sdelay $0x4  }
0x108: {  	[tilespmem:$0x9660] =	vst v0  }
0x109: {  	v0 =	vld.idx.msk [tilespmem:v53+s2+$0x0], $0xffff;
	_ =	sdelay $0x1  }
0x10a: {  	v54 =	vld [tilespmem:$0x8080];
	_ =	sdelay $0x2  }
0x10b: {  	[tilespmem:$0x8E70] =	vst v0  }
0x10c: {  	v0 =	vld.idx.msk [tilespmem:v53+s17+$0x0], $0xffff  }
0x10d: {  	v1 =	vadd.s32 $0x1000, v54;
	_ =	sdelay $0x3  }
0x10e: {  	[tilespmem:$0x9670] =	vst v0  }
0x10f: {  	v0 =	vld.idx.msk [tilespmem:v1+s2+$0x0], $0xffff;
	_ =	sdelay $0x1  }
0x110: {  	v55 =	vld [tilespmem:$0x8090];
	_ =	sdelay $0x2  }
0x111: {  	[tilespmem:$0x8880] =	vst v0  }
0x112: {  	v0 =	vld.idx.msk [tilespmem:v1+s17+$0x0], $0xffff  }
0x113: {  	v56 =	vadd.s32 $0x1000, v55;
	_ =	sdelay $0x3  }
0x114: {  	[tilespmem:$0x9080] =	vst v0  }
0x115: {  	v0 =	vld.idx.msk [tilespmem:v56+s2+$0x0], $0xffff;
	_ =	sdelay $0x1  }
0x116: {  	v57 =	vld [tilespmem:$0x80A0];
	_ =	sdelay $0x2  }
0x117: {  	[tilespmem:$0x8890] =	vst v0  }
0x118: {  	v0 =	vld.idx.msk [tilespmem:v56+s17+$0x0], $0xffff  }
0x119: {  	v58 =	vadd.s32 $0x1000, v57;
	_ =	sdelay $0x3  }
0x11a: {  	[tilespmem:$0x9090] =	vst v0  }
0x11b: {  	v0 =	vld.idx.msk [tilespmem:v58+s2+$0x0], $0xffff;
	_ =	sdelay $0x1  }
0x11c: {  	v59 =	vld [tilespmem:$0x80B0];
	_ =	sdelay $0x2  }
0x11d: {  	[tilespmem:$0x88A0] =	vst v0  }
0x11e: {  	v0 =	vld.idx.msk [tilespmem:v58+s17+$0x0], $0xffff  }
0x11f: {  	v60 =	vadd.s32 $0x1000, v59;
	_ =	sdelay $0x3  }
0x120: {  	[tilespmem:$0x90A0] =	vst v0  }
0x121: {  	v0 =	vld.idx.msk [tilespmem:v60+s2+$0x0], $0xffff;
	_ =	sdelay $0x1  }
0x122: {  	v61 =	vld [tilespmem:$0x80C0];
	_ =	sdelay $0x2  }
0x123: {  	[tilespmem:$0x88B0] =	vst v0  }
0x124: {  	v0 =	vld.idx.msk [tilespmem:v60+s17+$0x0], $0xffff  }
0x125: {  	v62 =	vadd.s32 $0x1000, v61;
	_ =	sdelay $0x3  }
0x126: {  	[tilespmem:$0x90B0] =	vst v0  }
0x127: {  	v0 =	vld.idx.msk [tilespmem:v62+s2+$0x0], $0xffff;
	_ =	sdelay $0x1  }
0x128: {  	v63 =	vld [tilespmem:$0x80D0];
	_ =	sdelay $0x2  }
0x129: {  	[tilespmem:$0x88C0] =	vst v0  }
0x12a: {  	v0 =	vld.idx.msk [tilespmem:v62+s17+$0x0], $0xffff  }
0x12b: {  	v4 =	vadd.s32 $0x1000, v63;
	_ =	sdelay $0x3  }
0x12c: {  	[tilespmem:$0x90C0] =	vst v0  }
0x12d: {  	v0 =	vld.idx.msk [tilespmem:v4+s2+$0x0], $0xffff;
	_ =	sdelay $0x1  }
0x12e: {  	v5 =	vld [tilespmem:$0x80E0];
	_ =	sdelay $0x2  }
0x12f: {  	[tilespmem:$0x88D0] =	vst v0  }
0x130: {  	v0 =	vld.idx.msk [tilespmem:v4+s17+$0x0], $0xffff  }
0x131: {  	v6 =	vadd.s32 $0x1000, v5;
	_ =	sdelay $0x3  }
0x132: {  	[tilespmem:$0x90D0] =	vst v0  }
0x133: {  	v0 =	vld.idx.msk [tilespmem:v6+s2+$0x0], $0xffff;
	_ =	sdelay $0x1  }
0x134: {  	v7 =	vld [tilespmem:$0x80F0];
	_ =	sdelay $0x2  }
0x135: {  	[tilespmem:$0x88E0] =	vst v0  }
0x136: {  	v0 =	vld.idx.msk [tilespmem:v6+s17+$0x0], $0xffff  }
0x137: {  	v8 =	vadd.s32 $0x1000, v7;
	_ =	sdelay $0x3  }
0x138: {  	[tilespmem:$0x90E0] =	vst v0  }
0x139: {  	v0 =	vld.idx.msk [tilespmem:v8+s2+$0x0], $0xffff;
	_ =	sdelay $0x1  }
0x13a: {  	v9 =	vld [tilespmem:$0x8280];
	_ =	sdelay $0x2  }
0x13b: {  	[tilespmem:$0x88F0] =	vst v0  }
0x13c: {  	v0 =	vld.idx.msk [tilespmem:v8+s17+$0x0], $0xffff  }
0x13d: {  	v10 =	vadd.s32 $0x1000, v9;
	_ =	sdelay $0x3  }
0x13e: {  	[tilespmem:$0x90F0] =	vst v0  }
0x13f: {  	v0 =	vld.idx.msk [tilespmem:v10+s2+$0x0], $0xffff;
	_ =	sdelay $0x1  }
0x140: {  	v11 =	vld [tilespmem:$0x8290];
	_ =	sdelay $0x2  }
0x141: {  	[tilespmem:$0x8A80] =	vst v0  }
0x142: {  	v0 =	vld.idx.msk [tilespmem:v10+s17+$0x0], $0xffff  }
0x143: {  	v12 =	vadd.s32 $0x1000, v11;
	_ =	sdelay $0x3  }
0x144: {  	[tilespmem:$0x9280] =	vst v0  }
0x145: {  	v0 =	vld.idx.msk [tilespmem:v12+s2+$0x0], $0xffff;
	_ =	sdelay $0x1  }
0x146: {  	v13 =	vld [tilespmem:$0x82A0];
	_ =	sdelay $0x2  }
0x147: {  	[tilespmem:$0x8A90] =	vst v0  }
0x148: {  	v0 =	vld.idx.msk [tilespmem:v12+s17+$0x0], $0xffff  }
0x149: {  	v14 =	vadd.s32 $0x1000, v13;
	_ =	sdelay $0x3  }
0x14a: {  	[tilespmem:$0x9290] =	vst v0  }
0x14b: {  	v0 =	vld.idx.msk [tilespmem:v14+s2+$0x0], $0xffff;
	_ =	sdelay $0x1  }
0x14c: {  	v15 =	vld [tilespmem:$0x82B0];
	_ =	sdelay $0x2  }
0x14d: {  	[tilespmem:$0x8AA0] =	vst v0  }
0x14e: {  	v0 =	vld.idx.msk [tilespmem:v14+s17+$0x0], $0xffff  }
0x14f: {  	v16 =	vadd.s32 $0x1000, v15;
	_ =	sdelay $0x3  }
0x150: {  	[tilespmem:$0x92A0] =	vst v0  }
0x151: {  	v0 =	vld.idx.msk [tilespmem:v16+s2+$0x0], $0xffff;
	_ =	sdelay $0x4  }
0x152: {  	[tilespmem:$0x8AB0] =	vst v0  }
0x153: {  	v0 =	vld.idx.msk [tilespmem:v16+s17+$0x0], $0xffff;
	_ =	sdelay $0x4  }
0x154: {  	[tilespmem:$0x92B0] =	vst v0  }
0x155: {  	v0 =	vld [tilespmem:$0x82C0];
	_ =	sdelay $0x4  }
0x156: {  	v0 =	vadd.s32 $0x1000, v0;
	_ =	sdelay $0x4  }
0x157: {  	v17 =	vld.idx.msk [tilespmem:v0+s2+$0x0], $0xffff;
	_ =	sdelay $0x1  }
0x158: {  	v18 =	vld [tilespmem:$0x82D0];
	_ =	sdelay $0x2  }
0x159: {  	[tilespmem:$0x8AC0] =	vst v17  }
0x15a: {  	v0 =	vld.idx.msk [tilespmem:v0+s17+$0x0], $0xffff  }
0x15b: {  	v19 =	vadd.s32 $0x1000, v18;
	_ =	sdelay $0x3  }
0x15c: {  	[tilespmem:$0x92C0] =	vst v0  }
0x15d: {  	v0 =	vld.idx.msk [tilespmem:v19+s2+$0x0], $0xffff;
	_ =	sdelay $0x1  }
0x15e: {  	v20 =	vld [tilespmem:$0x82E0];
	_ =	sdelay $0x2  }
0x15f: {  	[tilespmem:$0x8AD0] =	vst v0  }
0x160: {  	v0 =	vld.idx.msk [tilespmem:v19+s17+$0x0], $0xffff  }
0x161: {  	v21 =	vadd.s32 $0x1000, v20;
	_ =	sdelay $0x3  }
0x162: {  	[tilespmem:$0x92D0] =	vst v0  }
0x163: {  	v0 =	vld.idx.msk [tilespmem:v21+s2+$0x0], $0xffff;
	_ =	sdelay $0x1  }
0x164: {  	v22 =	vld [tilespmem:$0x82F0];
	_ =	sdelay $0x2  }
0x165: {  	[tilespmem:$0x8AE0] =	vst v0  }
0x166: {  	v0 =	vld.idx.msk [tilespmem:v21+s17+$0x0], $0xffff  }
0x167: {  	v23 =	vadd.s32 $0x1000, v22;
	_ =	sdelay $0x3  }
0x168: {  	[tilespmem:$0x92E0] =	vst v0  }
0x169: {  	v0 =	vld.idx.msk [tilespmem:v23+s2+$0x0], $0xffff;
	_ =	sdelay $0x1  }
0x16a: {  	v24 =	vld [tilespmem:$0x8480];
	_ =	sdelay $0x2  }
0x16b: {  	[tilespmem:$0x8AF0] =	vst v0  }
0x16c: {  	v0 =	vld.idx.msk [tilespmem:v23+s17+$0x0], $0xffff  }
0x16d: {  	v25 =	vadd.s32 $0x1000, v24;
	_ =	sdelay $0x3  }
0x16e: {  	[tilespmem:$0x92F0] =	vst v0  }
0x16f: {  	v0 =	vld.idx.msk [tilespmem:v25+s2+$0x0], $0xffff;
	_ =	sdelay $0x1  }
0x170: {  	v26 =	vld [tilespmem:$0x8490];
	_ =	sdelay $0x2  }
0x171: {  	[tilespmem:$0x8C80] =	vst v0  }
0x172: {  	v0 =	vld.idx.msk [tilespmem:v25+s17+$0x0], $0xffff  }
0x173: {  	v27 =	vadd.s32 $0x1000, v26;
	_ =	sdelay $0x3  }
0x174: {  	[tilespmem:$0x9480] =	vst v0  }
0x175: {  	v0 =	vld.idx.msk [tilespmem:v27+s2+$0x0], $0xffff;
	_ =	sdelay $0x1  }
0x176: {  	v28 =	vld [tilespmem:$0x84A0];
	_ =	sdelay $0x2  }
0x177: {  	[tilespmem:$0x8C90] =	vst v0  }
0x178: {  	v0 =	vld.idx.msk [tilespmem:v27+s17+$0x0], $0xffff  }
0x179: {  	v29 =	vadd.s32 $0x1000, v28;
	_ =	sdelay $0x3  }
0x17a: {  	[tilespmem:$0x9490] =	vst v0  }
0x17b: {  	v0 =	vld.idx.msk [tilespmem:v29+s2+$0x0], $0xffff;
	_ =	sdelay $0x1  }
0x17c: {  	v30 =	vld [tilespmem:$0x84B0];
	_ =	sdelay $0x2  }
0x17d: {  	[tilespmem:$0x8CA0] =	vst v0  }
0x17e: {  	v0 =	vld.idx.msk [tilespmem:v29+s17+$0x0], $0xffff  }
0x17f: {  	v31 =	vadd.s32 $0x1000, v30;
	_ =	sdelay $0x3  }
0x180: {  	[tilespmem:$0x94A0] =	vst v0  }
0x181: {  	v0 =	vld.idx.msk [tilespmem:v31+s2+$0x0], $0xffff;
	_ =	sdelay $0x1  }
0x182: {  	v32 =	vld [tilespmem:$0x84C0];
	_ =	sdelay $0x2  }
0x183: {  	[tilespmem:$0x8CB0] =	vst v0  }
0x184: {  	v0 =	vld.idx.msk [tilespmem:v31+s17+$0x0], $0xffff  }
0x185: {  	v33 =	vadd.s32 $0x1000, v32;
	_ =	sdelay $0x3  }
0x186: {  	[tilespmem:$0x94B0] =	vst v0  }
0x187: {  	v0 =	vld.idx.msk [tilespmem:v33+s2+$0x0], $0xffff;
	_ =	sdelay $0x1  }
0x188: {  	v34 =	vld [tilespmem:$0x84D0];
	_ =	sdelay $0x2  }
0x189: {  	[tilespmem:$0x8CC0] =	vst v0  }
0x18a: {  	v0 =	vld.idx.msk [tilespmem:v33+s17+$0x0], $0xffff  }
0x18b: {  	v35 =	vadd.s32 $0x1000, v34;
	_ =	sdelay $0x3  }
0x18c: {  	[tilespmem:$0x94C0] =	vst v0  }
0x18d: {  	v0 =	vld.idx.msk [tilespmem:v35+s2+$0x0], $0xffff;
	_ =	sdelay $0x1  }
0x18e: {  	v36 =	vld [tilespmem:$0x84E0];
	_ =	sdelay $0x2  }
0x18f: {  	[tilespmem:$0x8CD0] =	vst v0  }
0x190: {  	v0 =	vld.idx.msk [tilespmem:v35+s17+$0x0], $0xffff  }
0x191: {  	v37 =	vadd.s32 $0x1000, v36;
	_ =	sdelay $0x3  }
0x192: {  	[tilespmem:$0x94D0] =	vst v0  }
0x193: {  	v0 =	vld.idx.msk [tilespmem:v37+s2+$0x0], $0xffff;
	_ =	sdelay $0x1  }
0x194: {  	v38 =	vld [tilespmem:$0x84F0];
	_ =	sdelay $0x2  }
0x195: {  	[tilespmem:$0x8CE0] =	vst v0  }
0x196: {  	v0 =	vld.idx.msk [tilespmem:v37+s17+$0x0], $0xffff  }
0x197: {  	v39 =	vadd.s32 $0x1000, v38;
	_ =	sdelay $0x3  }
0x198: {  	[tilespmem:$0x94E0] =	vst v0  }
0x199: {  	v0 =	vld.idx.msk [tilespmem:v39+s2+$0x0], $0xffff;
	_ =	sdelay $0x1  }
0x19a: {  	v40 =	vld [tilespmem:$0x8680];
	_ =	sdelay $0x2  }
0x19b: {  	[tilespmem:$0x8CF0] =	vst v0  }
0x19c: {  	v0 =	vld.idx.msk [tilespmem:v39+s17+$0x0], $0xffff  }
0x19d: {  	v41 =	vadd.s32 $0x1000, v40;
	_ =	sdelay $0x3  }
0x19e: {  	[tilespmem:$0x94F0] =	vst v0  }
0x19f: {  	v0 =	vld.idx.msk [tilespmem:v41+s2+$0x0], $0xffff;
	_ =	sdelay $0x1  }
0x1a0: {  	v42 =	vld [tilespmem:$0x8690];
	_ =	sdelay $0x2  }
0x1a1: {  	[tilespmem:$0x8E80] =	vst v0  }
0x1a2: {  	v0 =	vld.idx.msk [tilespmem:v41+s17+$0x0], $0xffff  }
0x1a3: {  	v43 =	vadd.s32 $0x1000, v42;
	_ =	sdelay $0x3  }
0x1a4: {  	[tilespmem:$0x9680] =	vst v0  }
0x1a5: {  	v0 =	vld.idx.msk [tilespmem:v43+s2+$0x0], $0xffff;
	_ =	sdelay $0x1  }
0x1a6: {  	v44 =	vld [tilespmem:$0x86A0];
	_ =	sdelay $0x2  }
0x1a7: {  	[tilespmem:$0x8E90] =	vst v0  }
0x1a8: {  	v0 =	vld.idx.msk [tilespmem:v43+s17+$0x0], $0xffff  }
0x1a9: {  	v45 =	vadd.s32 $0x1000, v44;
	_ =	sdelay $0x3  }
0x1aa: {  	[tilespmem:$0x9690] =	vst v0  }
0x1ab: {  	v0 =	vld.idx.msk [tilespmem:v45+s2+$0x0], $0xffff;
	_ =	sdelay $0x1  }
0x1ac: {  	v46 =	vld [tilespmem:$0x86B0];
	_ =	sdelay $0x2  }
0x1ad: {  	[tilespmem:$0x8EA0] =	vst v0  }
0x1ae: {  	v0 =	vld.idx.msk [tilespmem:v45+s17+$0x0], $0xffff  }
0x1af: {  	v47 =	vadd.s32 $0x1000, v46;
	_ =	sdelay $0x3  }
0x1b0: {  	[tilespmem:$0x96A0] =	vst v0  }
0x1b1: {  	v0 =	vld.idx.msk [tilespmem:v47+s2+$0x0], $0xffff;
	_ =	sdelay $0x1  }
0x1b2: {  	v48 =	vld [tilespmem:$0x86C0];
	_ =	sdelay $0x2  }
0x1b3: {  	[tilespmem:$0x8EB0] =	vst v0  }
0x1b4: {  	v0 =	vld.idx.msk [tilespmem:v47+s17+$0x0], $0xffff  }
0x1b5: {  	v49 =	vadd.s32 $0x1000, v48;
	_ =	sdelay $0x3  }
0x1b6: {  	[tilespmem:$0x96B0] =	vst v0  }
0x1b7: {  	v0 =	vld.idx.msk [tilespmem:v49+s2+$0x0], $0xffff;
	_ =	sdelay $0x1  }
0x1b8: {  	v50 =	vld [tilespmem:$0x86D0];
	_ =	sdelay $0x2  }
0x1b9: {  	[tilespmem:$0x8EC0] =	vst v0  }
0x1ba: {  	v0 =	vld.idx.msk [tilespmem:v49+s17+$0x0], $0xffff  }
0x1bb: {  	v51 =	vadd.s32 $0x1000, v50;
	_ =	sdelay $0x3  }
0x1bc: {  	[tilespmem:$0x96C0] =	vst v0  }
0x1bd: {  	v0 =	vld.idx.msk [tilespmem:v51+s2+$0x0], $0xffff;
	_ =	sdelay $0x1  }
0x1be: {  	v52 =	vld [tilespmem:$0x86E0];
	_ =	sdelay $0x2  }
0x1bf: {  	[tilespmem:$0x8ED0] =	vst v0  }
0x1c0: {  	v0 =	vld.idx.msk [tilespmem:v51+s17+$0x0], $0xffff  }
0x1c1: {  	v53 =	vadd.s32 $0x1000, v52;
	_ =	sdelay $0x3  }
0x1c2: {  	[tilespmem:$0x96D0] =	vst v0  }
0x1c3: {  	v0 =	vld.idx.msk [tilespmem:v53+s2+$0x0], $0xffff;
	_ =	sdelay $0x1  }
0x1c4: {  	v54 =	vld [tilespmem:$0x86F0];
	_ =	sdelay $0x2  }
0x1c5: {  	[tilespmem:$0x8EE0] =	vst v0  }
0x1c6: {  	v0 =	vld.idx.msk [tilespmem:v53+s17+$0x0], $0xffff  }
0x1c7: {  	v55 =	vadd.s32 $0x1000, v54;
	_ =	sdelay $0x3  }
0x1c8: {  	[tilespmem:$0x96E0] =	vst v0  }
0x1c9: {  	v0 =	vld.idx.msk [tilespmem:v55+s2+$0x0], $0xffff;
	_ =	sdelay $0x1  }
0x1ca: {  	v56 =	vld [tilespmem:$0x8100];
	_ =	sdelay $0x2  }
0x1cb: {  	[tilespmem:$0x8EF0] =	vst v0  }
0x1cc: {  	v0 =	vld.idx.msk [tilespmem:v55+s17+$0x0], $0xffff  }
0x1cd: {  	v57 =	vadd.s32 $0x2000, v56;
	_ =	sdelay $0x3  }
0x1ce: {  	[tilespmem:$0x96F0] =	vst v0  }
0x1cf: {  	v0 =	vld.idx.msk [tilespmem:v57+s2+$0x0], $0xffff;
	_ =	sdelay $0x1  }
0x1d0: {  	v58 =	vld [tilespmem:$0x8110];
	_ =	sdelay $0x2  }
0x1d1: {  	[tilespmem:$0x8900] =	vst v0  }
0x1d2: {  	v0 =	vld.idx.msk [tilespmem:v57+s17+$0x0], $0xffff  }
0x1d3: {  	v59 =	vadd.s32 $0x2000, v58;
	_ =	sdelay $0x3  }
0x1d4: {  	[tilespmem:$0x9100] =	vst v0  }
0x1d5: {  	v0 =	vld.idx.msk [tilespmem:v59+s2+$0x0], $0xffff;
	_ =	sdelay $0x1  }
0x1d6: {  	v60 =	vld [tilespmem:$0x8120];
	_ =	sdelay $0x2  }
0x1d7: {  	[tilespmem:$0x8910] =	vst v0  }
0x1d8: {  	v0 =	vld.idx.msk [tilespmem:v59+s17+$0x0], $0xffff  }
0x1d9: {  	v61 =	vadd.s32 $0x2000, v60;
	_ =	sdelay $0x3  }
0x1da: {  	[tilespmem:$0x9110] =	vst v0  }
0x1db: {  	v0 =	vld.idx.msk [tilespmem:v61+s2+$0x0], $0xffff;
	_ =	sdelay $0x1  }
0x1dc: {  	v62 =	vld [tilespmem:$0x8130];
	_ =	sdelay $0x2  }
0x1dd: {  	[tilespmem:$0x8920] =	vst v0  }
0x1de: {  	v0 =	vld.idx.msk [tilespmem:v61+s17+$0x0], $0xffff  }
0x1df: {  	v63 =	vadd.s32 $0x2000, v62;
	_ =	sdelay $0x3  }
0x1e0: {  	[tilespmem:$0x9120] =	vst v0  }
0x1e1: {  	v0 =	vld.idx.msk [tilespmem:v63+s2+$0x0], $0xffff;
	_ =	sdelay $0x1  }
0x1e2: {  	v4 =	vld [tilespmem:$0x8140];
	_ =	sdelay $0x2  }
0x1e3: {  	[tilespmem:$0x8930] =	vst v0  }
0x1e4: {  	v0 =	vld.idx.msk [tilespmem:v63+s17+$0x0], $0xffff  }
0x1e5: {  	v5 =	vadd.s32 $0x2000, v4;
	_ =	sdelay $0x3  }
0x1e6: {  	[tilespmem:$0x9130] =	vst v0  }
0x1e7: {  	v0 =	vld.idx.msk [tilespmem:v5+s2+$0x0], $0xffff;
	_ =	sdelay $0x1  }
0x1e8: {  	v6 =	vld [tilespmem:$0x8150];
	_ =	sdelay $0x2  }
0x1e9: {  	[tilespmem:$0x8940] =	vst v0  }
0x1ea: {  	v0 =	vld.idx.msk [tilespmem:v5+s17+$0x0], $0xffff  }
0x1eb: {  	v7 =	vadd.s32 $0x2000, v6;
	_ =	sdelay $0x3  }
0x1ec: {  	[tilespmem:$0x9140] =	vst v0  }
0x1ed: {  	v0 =	vld.idx.msk [tilespmem:v7+s2+$0x0], $0xffff;
	_ =	sdelay $0x1  }
0x1ee: {  	v8 =	vld [tilespmem:$0x8160];
	_ =	sdelay $0x2  }
0x1ef: {  	[tilespmem:$0x8950] =	vst v0  }
0x1f0: {  	v0 =	vld.idx.msk [tilespmem:v7+s17+$0x0], $0xffff  }
0x1f1: {  	v9 =	vadd.s32 $0x2000, v8;
	_ =	sdelay $0x3  }
0x1f2: {  	[tilespmem:$0x9150] =	vst v0  }
0x1f3: {  	v0 =	vld.idx.msk [tilespmem:v9+s2+$0x0], $0xffff;
	_ =	sdelay $0x1  }
0x1f4: {  	v10 =	vld [tilespmem:$0x8170];
	_ =	sdelay $0x2  }
0x1f5: {  	[tilespmem:$0x8960] =	vst v0  }
0x1f6: {  	v0 =	vld.idx.msk [tilespmem:v9+s17+$0x0], $0xffff  }
0x1f7: {  	v11 =	vadd.s32 $0x2000, v10;
	_ =	sdelay $0x3  }
0x1f8: {  	[tilespmem:$0x9160] =	vst v0  }
0x1f9: {  	v0 =	vld.idx.msk [tilespmem:v11+s2+$0x0], $0xffff;
	_ =	sdelay $0x1  }
0x1fa: {  	v12 =	vld [tilespmem:$0x8300];
	_ =	sdelay $0x2  }
0x1fb: {  	[tilespmem:$0x8970] =	vst v0  }
0x1fc: {  	v0 =	vld.idx.msk [tilespmem:v11+s17+$0x0], $0xffff  }
0x1fd: {  	v13 =	vadd.s32 $0x2000, v12;
	_ =	sdelay $0x3  }
0x1fe: {  	[tilespmem:$0x9170] =	vst v0  }
0x1ff: {  	v0 =	vld.idx.msk [tilespmem:v13+s2+$0x0], $0xffff;
	_ =	sdelay $0x1  }
0x200: {  	v14 =	vld [tilespmem:$0x8310];
	_ =	sdelay $0x2  }
0x201: {  	[tilespmem:$0x8B00] =	vst v0  }
0x202: {  	v0 =	vld.idx.msk [tilespmem:v13+s17+$0x0], $0xffff  }
0x203: {  	v15 =	vadd.s32 $0x2000, v14;
	_ =	sdelay $0x3  }
0x204: {  	[tilespmem:$0x9300] =	vst v0  }
0x205: {  	v0 =	vld.idx.msk [tilespmem:v15+s2+$0x0], $0xffff;
	_ =	sdelay $0x1  }
0x206: {  	v16 =	vld [tilespmem:$0x8320];
	_ =	sdelay $0x2  }
0x207: {  	[tilespmem:$0x8B10] =	vst v0  }
0x208: {  	v0 =	vld.idx.msk [tilespmem:v15+s17+$0x0], $0xffff  }
0x209: {  	v17 =	vadd.s32 $0x2000, v16;
	_ =	sdelay $0x3  }
0x20a: {  	[tilespmem:$0x9310] =	vst v0  }
0x20b: {  	v0 =	vld.idx.msk [tilespmem:v17+s2+$0x0], $0xffff;
	_ =	sdelay $0x1  }
0x20c: {  	v18 =	vld [tilespmem:$0x8330];
	_ =	sdelay $0x2  }
0x20d: {  	[tilespmem:$0x8B20] =	vst v0  }
0x20e: {  	v0 =	vld.idx.msk [tilespmem:v17+s17+$0x0], $0xffff  }
0x20f: {  	v19 =	vadd.s32 $0x2000, v18;
	_ =	sdelay $0x3  }
0x210: {  	[tilespmem:$0x9320] =	vst v0  }
0x211: {  	v0 =	vld.idx.msk [tilespmem:v19+s2+$0x0], $0xffff;
	_ =	sdelay $0x1  }
0x212: {  	v20 =	vld [tilespmem:$0x8340];
	_ =	sdelay $0x2  }
0x213: {  	[tilespmem:$0x8B30] =	vst v0  }
0x214: {  	v0 =	vld.idx.msk [tilespmem:v19+s17+$0x0], $0xffff  }
0x215: {  	v21 =	vadd.s32 $0x2000, v20;
	_ =	sdelay $0x3  }
0x216: {  	[tilespmem:$0x9330] =	vst v0  }
0x217: {  	v0 =	vld.idx.msk [tilespmem:v21+s2+$0x0], $0xffff;
	_ =	sdelay $0x1  }
0x218: {  	v22 =	vld [tilespmem:$0x8350];
	_ =	sdelay $0x2  }
0x219: {  	[tilespmem:$0x8B40] =	vst v0  }
0x21a: {  	v0 =	vld.idx.msk [tilespmem:v21+s17+$0x0], $0xffff  }
0x21b: {  	v23 =	vadd.s32 $0x2000, v22;
	_ =	sdelay $0x3  }
0x21c: {  	[tilespmem:$0x9340] =	vst v0  }
0x21d: {  	v0 =	vld.idx.msk [tilespmem:v23+s2+$0x0], $0xffff;
	_ =	sdelay $0x1  }
0x21e: {  	v24 =	vld [tilespmem:$0x8360];
	_ =	sdelay $0x2  }
0x21f: {  	[tilespmem:$0x8B50] =	vst v0  }
0x220: {  	v0 =	vld.idx.msk [tilespmem:v23+s17+$0x0], $0xffff  }
0x221: {  	v25 =	vadd.s32 $0x2000, v24;
	_ =	sdelay $0x3  }
0x222: {  	[tilespmem:$0x9350] =	vst v0  }
0x223: {  	v0 =	vld.idx.msk [tilespmem:v25+s2+$0x0], $0xffff;
	_ =	sdelay $0x1  }
0x224: {  	v26 =	vld [tilespmem:$0x8370];
	_ =	sdelay $0x2  }
0x225: {  	[tilespmem:$0x8B60] =	vst v0  }
0x226: {  	v0 =	vld.idx.msk [tilespmem:v25+s17+$0x0], $0xffff  }
0x227: {  	v27 =	vadd.s32 $0x2000, v26;
	_ =	sdelay $0x3  }
0x228: {  	[tilespmem:$0x9360] =	vst v0  }
0x229: {  	v0 =	vld.idx.msk [tilespmem:v27+s2+$0x0], $0xffff;
	_ =	sdelay $0x1  }
0x22a: {  	v28 =	vld [tilespmem:$0x8500];
	_ =	sdelay $0x2  }
0x22b: {  	[tilespmem:$0x8B70] =	vst v0  }
0x22c: {  	v0 =	vld.idx.msk [tilespmem:v27+s17+$0x0], $0xffff  }
0x22d: {  	v29 =	vadd.s32 $0x2000, v28;
	_ =	sdelay $0x3  }
0x22e: {  	[tilespmem:$0x9370] =	vst v0  }
0x22f: {  	v0 =	vld.idx.msk [tilespmem:v29+s2+$0x0], $0xffff;
	_ =	sdelay $0x1  }
0x230: {  	v30 =	vld [tilespmem:$0x8510];
	_ =	sdelay $0x2  }
0x231: {  	[tilespmem:$0x8D00] =	vst v0  }
0x232: {  	v0 =	vld.idx.msk [tilespmem:v29+s17+$0x0], $0xffff  }
0x233: {  	v31 =	vadd.s32 $0x2000, v30;
	_ =	sdelay $0x3  }
0x234: {  	[tilespmem:$0x9500] =	vst v0  }
0x235: {  	v0 =	vld.idx.msk [tilespmem:v31+s2+$0x0], $0xffff;
	_ =	sdelay $0x1  }
0x236: {  	v32 =	vld [tilespmem:$0x8520];
	_ =	sdelay $0x2  }
0x237: {  	[tilespmem:$0x8D10] =	vst v0  }
0x238: {  	v0 =	vld.idx.msk [tilespmem:v31+s17+$0x0], $0xffff  }
0x239: {  	v33 =	vadd.s32 $0x2000, v32;
	_ =	sdelay $0x3  }
0x23a: {  	[tilespmem:$0x9510] =	vst v0  }
0x23b: {  	v0 =	vld.idx.msk [tilespmem:v33+s2+$0x0], $0xffff;
	_ =	sdelay $0x1  }
0x23c: {  	v34 =	vld [tilespmem:$0x8530];
	_ =	sdelay $0x2  }
0x23d: {  	[tilespmem:$0x8D20] =	vst v0  }
0x23e: {  	v0 =	vld.idx.msk [tilespmem:v33+s17+$0x0], $0xffff  }
0x23f: {  	v35 =	vadd.s32 $0x2000, v34;
	_ =	sdelay $0x3  }
0x240: {  	[tilespmem:$0x9520] =	vst v0  }
0x241: {  	v0 =	vld.idx.msk [tilespmem:v35+s2+$0x0], $0xffff;
	_ =	sdelay $0x1  }
0x242: {  	v36 =	vld [tilespmem:$0x8540];
	_ =	sdelay $0x2  }
0x243: {  	[tilespmem:$0x8D30] =	vst v0  }
0x244: {  	v0 =	vld.idx.msk [tilespmem:v35+s17+$0x0], $0xffff  }
0x245: {  	v37 =	vadd.s32 $0x2000, v36;
	_ =	sdelay $0x3  }
0x246: {  	[tilespmem:$0x9530] =	vst v0  }
0x247: {  	v0 =	vld.idx.msk [tilespmem:v37+s2+$0x0], $0xffff;
	_ =	sdelay $0x1  }
0x248: {  	v38 =	vld [tilespmem:$0x8550];
	_ =	sdelay $0x2  }
0x249: {  	[tilespmem:$0x8D40] =	vst v0  }
0x24a: {  	v0 =	vld.idx.msk [tilespmem:v37+s17+$0x0], $0xffff  }
0x24b: {  	v39 =	vadd.s32 $0x2000, v38;
	_ =	sdelay $0x3  }
0x24c: {  	[tilespmem:$0x9540] =	vst v0  }
0x24d: {  	v0 =	vld.idx.msk [tilespmem:v39+s2+$0x0], $0xffff;
	_ =	sdelay $0x1  }
0x24e: {  	v40 =	vld [tilespmem:$0x8560];
	_ =	sdelay $0x2  }
0x24f: {  	[tilespmem:$0x8D50] =	vst v0  }
0x250: {  	v0 =	vld.idx.msk [tilespmem:v39+s17+$0x0], $0xffff  }
0x251: {  	v41 =	vadd.s32 $0x2000, v40;
	_ =	sdelay $0x3  }
0x252: {  	[tilespmem:$0x9550] =	vst v0  }
0x253: {  	v0 =	vld.idx.msk [tilespmem:v41+s2+$0x0], $0xffff;
	_ =	sdelay $0x1  }
0x254: {  	v42 =	vld [tilespmem:$0x8570];
	_ =	sdelay $0x2  }
0x255: {  	[tilespmem:$0x8D60] =	vst v0  }
0x256: {  	v0 =	vld.idx.msk [tilespmem:v41+s17+$0x0], $0xffff  }
0x257: {  	v43 =	vadd.s32 $0x2000, v42;
	_ =	sdelay $0x3  }
0x258: {  	[tilespmem:$0x9560] =	vst v0  }
0x259: {  	v0 =	vld.idx.msk [tilespmem:v43+s2+$0x0], $0xffff;
	_ =	sdelay $0x1  }
0x25a: {  	v44 =	vld [tilespmem:$0x8700];
	_ =	sdelay $0x2  }
0x25b: {  	[tilespmem:$0x8D70] =	vst v0  }
0x25c: {  	v0 =	vld.idx.msk [tilespmem:v43+s17+$0x0], $0xffff  }
0x25d: {  	v45 =	vadd.s32 $0x2000, v44;
	_ =	sdelay $0x3  }
0x25e: {  	[tilespmem:$0x9570] =	vst v0  }
0x25f: {  	v0 =	vld.idx.msk [tilespmem:v45+s2+$0x0], $0xffff;
	_ =	sdelay $0x1  }
0x260: {  	v46 =	vld [tilespmem:$0x8710];
	_ =	sdelay $0x2  }
0x261: {  	[tilespmem:$0x8F00] =	vst v0  }
0x262: {  	v0 =	vld.idx.msk [tilespmem:v45+s17+$0x0], $0xffff  }
0x263: {  	v47 =	vadd.s32 $0x2000, v46;
	_ =	sdelay $0x3  }
0x264: {  	[tilespmem:$0x9700] =	vst v0  }
0x265: {  	v0 =	vld.idx.msk [tilespmem:v47+s2+$0x0], $0xffff;
	_ =	sdelay $0x1  }
0x266: {  	v48 =	vld [tilespmem:$0x8720];
	_ =	sdelay $0x2  }
0x267: {  	[tilespmem:$0x8F10] =	vst v0  }
0x268: {  	v0 =	vld.idx.msk [tilespmem:v47+s17+$0x0], $0xffff  }
0x269: {  	v49 =	vadd.s32 $0x2000, v48;
	_ =	sdelay $0x3  }
0x26a: {  	[tilespmem:$0x9710] =	vst v0  }
0x26b: {  	v0 =	vld.idx.msk [tilespmem:v49+s2+$0x0], $0xffff;
	_ =	sdelay $0x1  }
0x26c: {  	v50 =	vld [tilespmem:$0x8730];
	_ =	sdelay $0x2  }
0x26d: {  	[tilespmem:$0x8F20] =	vst v0  }
0x26e: {  	v0 =	vld.idx.msk [tilespmem:v49+s17+$0x0], $0xffff  }
0x26f: {  	v51 =	vadd.s32 $0x2000, v50;
	_ =	sdelay $0x3  }
0x270: {  	[tilespmem:$0x9720] =	vst v0  }
0x271: {  	v0 =	vld.idx.msk [tilespmem:v51+s2+$0x0], $0xffff;
	_ =	sdelay $0x1  }
0x272: {  	v52 =	vld [tilespmem:$0x8740];
	_ =	sdelay $0x2  }
0x273: {  	[tilespmem:$0x8F30] =	vst v0  }
0x274: {  	v0 =	vld.idx.msk [tilespmem:v51+s17+$0x0], $0xffff  }
0x275: {  	v53 =	vadd.s32 $0x2000, v52;
	_ =	sdelay $0x3  }
0x276: {  	[tilespmem:$0x9730] =	vst v0  }
0x277: {  	v0 =	vld.idx.msk [tilespmem:v53+s2+$0x0], $0xffff;
	_ =	sdelay $0x1  }
0x278: {  	v54 =	vld [tilespmem:$0x8750];
	_ =	sdelay $0x2  }
0x279: {  	[tilespmem:$0x8F40] =	vst v0  }
0x27a: {  	v0 =	vld.idx.msk [tilespmem:v53+s17+$0x0], $0xffff  }
0x27b: {  	v55 =	vadd.s32 $0x2000, v54;
	_ =	sdelay $0x3  }
0x27c: {  	[tilespmem:$0x9740] =	vst v0  }
0x27d: {  	v0 =	vld.idx.msk [tilespmem:v55+s2+$0x0], $0xffff;
	_ =	sdelay $0x1  }
0x27e: {  	v56 =	vld [tilespmem:$0x8760];
	_ =	sdelay $0x2  }
0x27f: {  	[tilespmem:$0x8F50] =	vst v0  }
0x280: {  	v0 =	vld.idx.msk [tilespmem:v55+s17+$0x0], $0xffff  }
0x281: {  	v57 =	vadd.s32 $0x2000, v56;
	_ =	sdelay $0x3  }
0x282: {  	[tilespmem:$0x9750] =	vst v0  }
0x283: {  	v0 =	vld.idx.msk [tilespmem:v57+s2+$0x0], $0xffff;
	_ =	sdelay $0x1  }
0x284: {  	v58 =	vld [tilespmem:$0x8770];
	_ =	sdelay $0x2  }
0x285: {  	[tilespmem:$0x8F60] =	vst v0  }
0x286: {  	v0 =	vld.idx.msk [tilespmem:v57+s17+$0x0], $0xffff  }
0x287: {  	v59 =	vadd.s32 $0x2000, v58;
	_ =	sdelay $0x3  }
0x288: {  	[tilespmem:$0x9760] =	vst v0  }
0x289: {  	v0 =	vld.idx.msk [tilespmem:v59+s2+$0x0], $0xffff;
	_ =	sdelay $0x1  }
0x28a: {  	v60 =	vld [tilespmem:$0x8180];
	_ =	sdelay $0x2  }
0x28b: {  	[tilespmem:$0x8F70] =	vst v0  }
0x28c: {  	v0 =	vld.idx.msk [tilespmem:v59+s17+$0x0], $0xffff  }
0x28d: {  	v61 =	vadd.s32 $0x3000, v60;
	_ =	sdelay $0x3  }
0x28e: {  	[tilespmem:$0x9770] =	vst v0  }
0x28f: {  	v0 =	vld.idx.msk [tilespmem:v61+s2+$0x0], $0xffff;
	_ =	sdelay $0x1  }
0x290: {  	v62 =	vld [tilespmem:$0x8190];
	_ =	sdelay $0x2  }
0x291: {  	[tilespmem:$0x8980] =	vst v0  }
0x292: {  	v0 =	vld.idx.msk [tilespmem:v61+s17+$0x0], $0xffff  }
0x293: {  	v63 =	vadd.s32 $0x3000, v62;
	_ =	sdelay $0x3  }
0x294: {  	[tilespmem:$0x9180] =	vst v0  }
0x295: {  	v0 =	vld.idx.msk [tilespmem:v63+s2+$0x0], $0xffff;
	_ =	sdelay $0x1  }
0x296: {  	v4 =	vld [tilespmem:$0x81A0];
	_ =	sdelay $0x2  }
0x297: {  	[tilespmem:$0x8990] =	vst v0  }
0x298: {  	v0 =	vld.idx.msk [tilespmem:v63+s17+$0x0], $0xffff  }
0x299: {  	v5 =	vadd.s32 $0x3000, v4;
	_ =	sdelay $0x3  }
0x29a: {  	[tilespmem:$0x9190] =	vst v0  }
0x29b: {  	v0 =	vld.idx.msk [tilespmem:v5+s2+$0x0], $0xffff;
	_ =	sdelay $0x1  }
0x29c: {  	v6 =	vld [tilespmem:$0x81B0];
	_ =	sdelay $0x2  }
0x29d: {  	[tilespmem:$0x89A0] =	vst v0  }
0x29e: {  	v0 =	vld.idx.msk [tilespmem:v5+s17+$0x0], $0xffff  }
0x29f: {  	v7 =	vadd.s32 $0x3000, v6;
	_ =	sdelay $0x3  }
0x2a0: {  	[tilespmem:$0x91A0] =	vst v0  }
0x2a1: {  	v0 =	vld.idx.msk [tilespmem:v7+s2+$0x0], $0xffff;
	_ =	sdelay $0x1  }
0x2a2: {  	v8 =	vld [tilespmem:$0x81C0];
	_ =	sdelay $0x2  }
0x2a3: {  	[tilespmem:$0x89B0] =	vst v0  }
0x2a4: {  	v0 =	vld.idx.msk [tilespmem:v7+s17+$0x0], $0xffff  }
0x2a5: {  	v9 =	vadd.s32 $0x3000, v8;
	_ =	sdelay $0x3  }
0x2a6: {  	[tilespmem:$0x91B0] =	vst v0  }
0x2a7: {  	v0 =	vld.idx.msk [tilespmem:v9+s2+$0x0], $0xffff;
	_ =	sdelay $0x1  }
0x2a8: {  	v10 =	vld [tilespmem:$0x81D0];
	_ =	sdelay $0x2  }
0x2a9: {  	[tilespmem:$0x89C0] =	vst v0  }
0x2aa: {  	v0 =	vld.idx.msk [tilespmem:v9+s17+$0x0], $0xffff  }
0x2ab: {  	v11 =	vadd.s32 $0x3000, v10;
	_ =	sdelay $0x3  }
0x2ac: {  	[tilespmem:$0x91C0] =	vst v0  }
0x2ad: {  	v0 =	vld.idx.msk [tilespmem:v11+s2+$0x0], $0xffff;
	_ =	sdelay $0x1  }
0x2ae: {  	v12 =	vld [tilespmem:$0x81E0];
	_ =	sdelay $0x2  }
0x2af: {  	[tilespmem:$0x89D0] =	vst v0  }
0x2b0: {  	v0 =	vld.idx.msk [tilespmem:v11+s17+$0x0], $0xffff  }
0x2b1: {  	v13 =	vadd.s32 $0x3000, v12;
	_ =	sdelay $0x3  }
0x2b2: {  	[tilespmem:$0x91D0] =	vst v0  }
0x2b3: {  	v0 =	vld.idx.msk [tilespmem:v13+s2+$0x0], $0xffff;
	_ =	sdelay $0x1  }
0x2b4: {  	v14 =	vld [tilespmem:$0x81F0];
	_ =	sdelay $0x2  }
0x2b5: {  	[tilespmem:$0x89E0] =	vst v0  }
0x2b6: {  	v0 =	vld.idx.msk [tilespmem:v13+s17+$0x0], $0xffff  }
0x2b7: {  	v15 =	vadd.s32 $0x3000, v14;
	_ =	sdelay $0x3  }
0x2b8: {  	[tilespmem:$0x91E0] =	vst v0  }
0x2b9: {  	v0 =	vld.idx.msk [tilespmem:v15+s2+$0x0], $0xffff;
	_ =	sdelay $0x1  }
0x2ba: {  	v16 =	vld [tilespmem:$0x8380];
	_ =	sdelay $0x2  }
0x2bb: {  	[tilespmem:$0x89F0] =	vst v0  }
0x2bc: {  	v0 =	vld.idx.msk [tilespmem:v15+s17+$0x0], $0xffff  }
0x2bd: {  	v17 =	vadd.s32 $0x3000, v16;
	_ =	sdelay $0x3  }
0x2be: {  	[tilespmem:$0x91F0] =	vst v0  }
0x2bf: {  	v0 =	vld.idx.msk [tilespmem:v17+s2+$0x0], $0xffff;
	_ =	sdelay $0x1  }
0x2c0: {  	v18 =	vld [tilespmem:$0x8390];
	_ =	sdelay $0x2  }
0x2c1: {  	[tilespmem:$0x8B80] =	vst v0  }
0x2c2: {  	v0 =	vld.idx.msk [tilespmem:v17+s17+$0x0], $0xffff  }
0x2c3: {  	v19 =	vadd.s32 $0x3000, v18;
	_ =	sdelay $0x3  }
0x2c4: {  	[tilespmem:$0x9380] =	vst v0  }
0x2c5: {  	v0 =	vld.idx.msk [tilespmem:v19+s2+$0x0], $0xffff;
	_ =	sdelay $0x1  }
0x2c6: {  	v20 =	vld [tilespmem:$0x83A0];
	_ =	sdelay $0x2  }
0x2c7: {  	[tilespmem:$0x8B90] =	vst v0  }
0x2c8: {  	v0 =	vld.idx.msk [tilespmem:v19+s17+$0x0], $0xffff  }
0x2c9: {  	v21 =	vadd.s32 $0x3000, v20;
	_ =	sdelay $0x3  }
0x2ca: {  	[tilespmem:$0x9390] =	vst v0  }
0x2cb: {  	v0 =	vld.idx.msk [tilespmem:v21+s2+$0x0], $0xffff;
	_ =	sdelay $0x1  }
0x2cc: {  	v22 =	vld [tilespmem:$0x83B0];
	_ =	sdelay $0x2  }
0x2cd: {  	[tilespmem:$0x8BA0] =	vst v0  }
0x2ce: {  	v0 =	vld.idx.msk [tilespmem:v21+s17+$0x0], $0xffff  }
0x2cf: {  	v23 =	vadd.s32 $0x3000, v22;
	_ =	sdelay $0x3  }
0x2d0: {  	[tilespmem:$0x93A0] =	vst v0  }
0x2d1: {  	v0 =	vld.idx.msk [tilespmem:v23+s2+$0x0], $0xffff;
	_ =	sdelay $0x1  }
0x2d2: {  	v24 =	vld [tilespmem:$0x83C0];
	_ =	sdelay $0x2  }
0x2d3: {  	[tilespmem:$0x8BB0] =	vst v0  }
0x2d4: {  	v0 =	vld.idx.msk [tilespmem:v23+s17+$0x0], $0xffff  }
0x2d5: {  	v25 =	vadd.s32 $0x3000, v24;
	_ =	sdelay $0x3  }
0x2d6: {  	[tilespmem:$0x93B0] =	vst v0  }
0x2d7: {  	v0 =	vld.idx.msk [tilespmem:v25+s2+$0x0], $0xffff;
	_ =	sdelay $0x1  }
0x2d8: {  	v26 =	vld [tilespmem:$0x83D0];
	_ =	sdelay $0x2  }
0x2d9: {  	[tilespmem:$0x8BC0] =	vst v0  }
0x2da: {  	v0 =	vld.idx.msk [tilespmem:v25+s17+$0x0], $0xffff  }
0x2db: {  	v27 =	vadd.s32 $0x3000, v26;
	_ =	sdelay $0x3  }
0x2dc: {  	[tilespmem:$0x93C0] =	vst v0  }
0x2dd: {  	v0 =	vld.idx.msk [tilespmem:v27+s2+$0x0], $0xffff;
	_ =	sdelay $0x1  }
0x2de: {  	v28 =	vld [tilespmem:$0x83E0];
	_ =	sdelay $0x2  }
0x2df: {  	[tilespmem:$0x8BD0] =	vst v0  }
0x2e0: {  	v0 =	vld.idx.msk [tilespmem:v27+s17+$0x0], $0xffff  }
0x2e1: {  	v29 =	vadd.s32 $0x3000, v28;
	_ =	sdelay $0x3  }
0x2e2: {  	[tilespmem:$0x93D0] =	vst v0  }
0x2e3: {  	v0 =	vld.idx.msk [tilespmem:v29+s2+$0x0], $0xffff;
	_ =	sdelay $0x1  }
0x2e4: {  	v30 =	vld [tilespmem:$0x83F0];
	_ =	sdelay $0x2  }
0x2e5: {  	[tilespmem:$0x8BE0] =	vst v0  }
0x2e6: {  	v0 =	vld.idx.msk [tilespmem:v29+s17+$0x0], $0xffff  }
0x2e7: {  	v31 =	vadd.s32 $0x3000, v30;
	_ =	sdelay $0x3  }
0x2e8: {  	[tilespmem:$0x93E0] =	vst v0  }
0x2e9: {  	v0 =	vld.idx.msk [tilespmem:v31+s2+$0x0], $0xffff;
	_ =	sdelay $0x1  }
0x2ea: {  	v32 =	vld [tilespmem:$0x8580];
	_ =	sdelay $0x2  }
0x2eb: {  	[tilespmem:$0x8BF0] =	vst v0  }
0x2ec: {  	v0 =	vld.idx.msk [tilespmem:v31+s17+$0x0], $0xffff  }
0x2ed: {  	v33 =	vadd.s32 $0x3000, v32;
	_ =	sdelay $0x3  }
0x2ee: {  	[tilespmem:$0x93F0] =	vst v0  }
0x2ef: {  	v0 =	vld.idx.msk [tilespmem:v33+s2+$0x0], $0xffff;
	_ =	sdelay $0x1  }
0x2f0: {  	v34 =	vld [tilespmem:$0x8590];
	_ =	sdelay $0x2  }
0x2f1: {  	[tilespmem:$0x8D80] =	vst v0  }
0x2f2: {  	v0 =	vld.idx.msk [tilespmem:v33+s17+$0x0], $0xffff  }
0x2f3: {  	v35 =	vadd.s32 $0x3000, v34;
	_ =	sdelay $0x3  }
0x2f4: {  	[tilespmem:$0x9580] =	vst v0  }
0x2f5: {  	v0 =	vld.idx.msk [tilespmem:v35+s2+$0x0], $0xffff;
	_ =	sdelay $0x1  }
0x2f6: {  	v36 =	vld [tilespmem:$0x85A0];
	_ =	sdelay $0x2  }
0x2f7: {  	[tilespmem:$0x8D90] =	vst v0  }
0x2f8: {  	v0 =	vld.idx.msk [tilespmem:v35+s17+$0x0], $0xffff  }
0x2f9: {  	v37 =	vadd.s32 $0x3000, v36;
	_ =	sdelay $0x3  }
0x2fa: {  	[tilespmem:$0x9590] =	vst v0  }
0x2fb: {  	v0 =	vld.idx.msk [tilespmem:v37+s2+$0x0], $0xffff;
	_ =	sdelay $0x1  }
0x2fc: {  	v38 =	vld [tilespmem:$0x85B0];
	_ =	sdelay $0x2  }
0x2fd: {  	[tilespmem:$0x8DA0] =	vst v0  }
0x2fe: {  	v0 =	vld.idx.msk [tilespmem:v37+s17+$0x0], $0xffff  }
0x2ff: {  	v39 =	vadd.s32 $0x3000, v38;
	_ =	sdelay $0x3  }
0x300: {  	[tilespmem:$0x95A0] =	vst v0  }
0x301: {  	v0 =	vld.idx.msk [tilespmem:v39+s2+$0x0], $0xffff;
	_ =	sdelay $0x1  }
0x302: {  	v40 =	vld [tilespmem:$0x85C0];
	_ =	sdelay $0x2  }
0x303: {  	[tilespmem:$0x8DB0] =	vst v0  }
0x304: {  	v0 =	vld.idx.msk [tilespmem:v39+s17+$0x0], $0xffff  }
0x305: {  	v41 =	vadd.s32 $0x3000, v40;
	_ =	sdelay $0x3  }
0x306: {  	[tilespmem:$0x95B0] =	vst v0  }
0x307: {  	v0 =	vld.idx.msk [tilespmem:v41+s2+$0x0], $0xffff;
	_ =	sdelay $0x1  }
0x308: {  	v42 =	vld [tilespmem:$0x85D0];
	_ =	sdelay $0x2  }
0x309: {  	[tilespmem:$0x8DC0] =	vst v0  }
0x30a: {  	v0 =	vld.idx.msk [tilespmem:v41+s17+$0x0], $0xffff  }
0x30b: {  	v43 =	vadd.s32 $0x3000, v42;
	_ =	sdelay $0x3  }
0x30c: {  	[tilespmem:$0x95C0] =	vst v0  }
0x30d: {  	v0 =	vld.idx.msk [tilespmem:v43+s2+$0x0], $0xffff;
	_ =	sdelay $0x1  }
0x30e: {  	v44 =	vld [tilespmem:$0x85E0];
	_ =	sdelay $0x2  }
0x30f: {  	[tilespmem:$0x8DD0] =	vst v0  }
0x310: {  	v0 =	vld.idx.msk [tilespmem:v43+s17+$0x0], $0xffff  }
0x311: {  	v45 =	vadd.s32 $0x3000, v44;
	_ =	sdelay $0x3  }
0x312: {  	[tilespmem:$0x95D0] =	vst v0  }
0x313: {  	v0 =	vld.idx.msk [tilespmem:v45+s2+$0x0], $0xffff;
	_ =	sdelay $0x1  }
0x314: {  	v46 =	vld [tilespmem:$0x85F0];
	_ =	sdelay $0x2  }
0x315: {  	[tilespmem:$0x8DE0] =	vst v0  }
0x316: {  	v0 =	vld.idx.msk [tilespmem:v45+s17+$0x0], $0xffff  }
0x317: {  	v47 =	vadd.s32 $0x3000, v46;
	_ =	sdelay $0x3  }
0x318: {  	[tilespmem:$0x95E0] =	vst v0  }
0x319: {  	v0 =	vld.idx.msk [tilespmem:v47+s2+$0x0], $0xffff;
	_ =	sdelay $0x1  }
0x31a: {  	v48 =	vld [tilespmem:$0x8780];
	_ =	sdelay $0x2  }
0x31b: {  	[tilespmem:$0x8DF0] =	vst v0  }
0x31c: {  	v0 =	vld.idx.msk [tilespmem:v47+s17+$0x0], $0xffff  }
0x31d: {  	v49 =	vadd.s32 $0x3000, v48;
	_ =	sdelay $0x3  }
0x31e: {  	[tilespmem:$0x95F0] =	vst v0  }
0x31f: {  	v0 =	vld.idx.msk [tilespmem:v49+s2+$0x0], $0xffff;
	_ =	sdelay $0x1  }
0x320: {  	v50 =	vld [tilespmem:$0x8790];
	_ =	sdelay $0x2  }
0x321: {  	[tilespmem:$0x8F80] =	vst v0  }
0x322: {  	v0 =	vld.idx.msk [tilespmem:v49+s17+$0x0], $0xffff  }
0x323: {  	v51 =	vadd.s32 $0x3000, v50;
	_ =	sdelay $0x3  }
0x324: {  	[tilespmem:$0x9780] =	vst v0  }
0x325: {  	v0 =	vld.idx.msk [tilespmem:v51+s2+$0x0], $0xffff;
	_ =	sdelay $0x1  }
0x326: {  	v52 =	vld [tilespmem:$0x87A0];
	_ =	sdelay $0x2  }
0x327: {  	[tilespmem:$0x8F90] =	vst v0  }
0x328: {  	v0 =	vld.idx.msk [tilespmem:v51+s17+$0x0], $0xffff  }
0x329: {  	v53 =	vadd.s32 $0x3000, v52;
	_ =	sdelay $0x3  }
0x32a: {  	[tilespmem:$0x9790] =	vst v0  }
0x32b: {  	v0 =	vld.idx.msk [tilespmem:v53+s2+$0x0], $0xffff;
	_ =	sdelay $0x1  }
0x32c: {  	v54 =	vld [tilespmem:$0x87B0];
	_ =	sdelay $0x2  }
0x32d: {  	[tilespmem:$0x8FA0] =	vst v0  }
0x32e: {  	v0 =	vld.idx.msk [tilespmem:v53+s17+$0x0], $0xffff  }
0x32f: {  	v55 =	vadd.s32 $0x3000, v54;
	_ =	sdelay $0x3  }
0x330: {  	[tilespmem:$0x97A0] =	vst v0  }
0x331: {  	v0 =	vld.idx.msk [tilespmem:v55+s2+$0x0], $0xffff;
	_ =	sdelay $0x1  }
0x332: {  	v56 =	vld [tilespmem:$0x87C0];
	_ =	sdelay $0x2  }
0x333: {  	[tilespmem:$0x8FB0] =	vst v0  }
0x334: {  	v0 =	vld.idx.msk [tilespmem:v55+s17+$0x0], $0xffff  }
0x335: {  	v57 =	vadd.s32 $0x3000, v56;
	_ =	sdelay $0x3  }
0x336: {  	[tilespmem:$0x97B0] =	vst v0  }
0x337: {  	v0 =	vld.idx.msk [tilespmem:v57+s2+$0x0], $0xffff;
	_ =	sdelay $0x1  }
0x338: {  	v58 =	vld [tilespmem:$0x87D0];
	_ =	sdelay $0x2  }
0x339: {  	[tilespmem:$0x8FC0] =	vst v0  }
0x33a: {  	v0 =	vld.idx.msk [tilespmem:v57+s17+$0x0], $0xffff  }
0x33b: {  	v59 =	vadd.s32 $0x3000, v58;
	_ =	sdelay $0x3  }
0x33c: {  	[tilespmem:$0x97C0] =	vst v0  }
0x33d: {  	v0 =	vld.idx.msk [tilespmem:v59+s2+$0x0], $0xffff;
	_ =	sdelay $0x1  }
0x33e: {  	v60 =	vld [tilespmem:$0x87E0];
	_ =	sdelay $0x2  }
0x33f: {  	[tilespmem:$0x8FD0] =	vst v0  }
0x340: {  	v0 =	vld.idx.msk [tilespmem:v59+s17+$0x0], $0xffff  }
0x341: {  	v61 =	vadd.s32 $0x3000, v60;
	_ =	sdelay $0x3  }
0x342: {  	[tilespmem:$0x97D0] =	vst v0  }
0x343: {  	v0 =	vld.idx.msk [tilespmem:v61+s2+$0x0], $0xffff;
	_ =	sdelay $0x1  }
0x344: {  	v62 =	vld [tilespmem:$0x87F0];
	_ =	sdelay $0x2  }
0x345: {  	[tilespmem:$0x8FE0] =	vst v0  }
0x346: {  	v0 =	vld.idx.msk [tilespmem:v61+s17+$0x0], $0xffff  }
0x347: {  	v63 =	vadd.s32 $0x3000, v62;
	_ =	sdelay $0x3  }
0x348: {  	[tilespmem:$0x97E0] =	vst v0  }
0x349: {  	v0 =	vld.idx.msk [tilespmem:v63+s2+$0x0], $0xffff;
	_ =	sdelay $0x4  }
0x34a: {  	[tilespmem:$0x8FF0] =	vst v0  }
0x34b: {  	v0 =	vld.idx.msk [tilespmem:v63+s17+$0x0], $0xffff;
	_ =	sdelay $0x4  }
0x34c: {  	s28 =	rddreg [dreg:$0x16];
	[tilespmem:$0x97F0] =	vst v0  }
0x34d: {  	[hbm4b:s7+s2] =	stream.linear.scatter [tilespmem:s28], [sflag:$0x1], $0x80, $0x38;
	[tilespmem:$0x9800] =	vst v63  }
0x34e: {  	s30 =	sadd.s32 $0x80, s7;
	s29 =	rddreg [dreg:$0x17]  }
0x34f: {  	[hbm4b:s30+s2] =	stream.linear.scatter [tilespmem:s29], [sflag:$0x1], $0x80, $0x38;
	[tilespmem:$0x9800] =	vst v63  }
0x350: {  	s21 =	sadd.s32 $0x100, s7;
	s31 =	rddreg [dreg:$0x18]  }
0x351: {  	[hbm4b:s21+s2] =	stream.linear.scatter [tilespmem:s31], [sflag:$0x1], $0x80, $0x38;
	[tilespmem:$0x9800] =	vst v63  }
0x352: {  	s23 =	sadd.s32 $0x180, s7;
	s22 =	rddreg [dreg:$0x19]  }
0x353: {  	[hbm4b:s23+s2] =	stream.linear.scatter [tilespmem:s22], [sflag:$0x1], $0x80, $0x38;
	[tilespmem:$0x9800] =	vst v63  }
0x354: {  	_ =	swait.ge [sflag:s16], $0x200  }
0x355: {  	[sflag:s16] =	ssyncset.done $0x0  }
0x356: {  	s24 =	rddreg [dreg:$0x1a];
	[sflag:s16] =	ssyncadd.s32 $0xFFFFFE00  }
0x357: {  	[hbm4b:s8+s2] =	stream.linear.scatter [tilespmem:s24], [sflag:$0x1], $0x80, $0x38;
	[tilespmem:$0x9800] =	vst v63  }
0x358: {  	s26 =	sadd.s32 $0x80, s8;
	s25 =	rddreg [dreg:$0x1b]  }
0x359: {  	[hbm4b:s26+s2] =	stream.linear.scatter [tilespmem:s25], [sflag:$0x1], $0x80, $0x38;
	[tilespmem:$0x9800] =	vst v63  }
0x35a: {  	s29 =	sadd.s32 $0x100, s8;
	s28 =	rddreg [dreg:$0x1c]  }
0x35b: {  	[hbm4b:s29+s2] =	stream.linear.scatter [tilespmem:s28], [sflag:$0x1], $0x80, $0x38;
	[tilespmem:$0x9800] =	vst v63  }
0x35c: {  	s31 =	sadd.s32 $0x180, s8;
	s30 =	rddreg [dreg:$0x1d]  }
0x35d: {  	[hbm4b:s31+s2] =	stream.linear.scatter [tilespmem:s30], [sflag:$0x1], $0x80, $0x38;
	[tilespmem:$0x9800] =	vst v63  }
0x35e: {  	_ =	swait.ge [sflag:s16], $0x200  }
0x35f: {  	s20 =	rddreg [dreg:$0x1e];
	[sflag:s16] =	ssyncset.done $0x0  }
0x360: {  	s21 =	rddreg [dreg:$0x1f];
	[sflag:s16] =	ssyncadd.s32 $0xFFFFFE00  }
0x361: {  	[hbm4b:s9+s2] =	stream.linear.scatter [tilespmem:s20], [sflag:$0x1], $0x80, $0x38;
	[tilespmem:$0x9800] =	vst v63  }
0x362: {  	s22 =	sadd.s32 $0x80, s9;
	s23 =	sld [smem:$0x7E8]  }
0x363: {  	[hbm4b:s22+s2] =	stream.linear.scatter [tilespmem:s21], [sflag:$0x1], $0x80, $0x38;
	[tilespmem:$0x9800] =	vst v63  }
0x364: {  	s24 =	sadd.s32 $0x100, s9;
	s25 =	sld [smem:$0x7E9]  }
0x365: {  	[hbm4b:s24+s2] =	stream.linear.scatter [tilespmem:s23], [sflag:$0x1], $0x80, $0x38;
	[tilespmem:$0x9800] =	vst v63  }
0x366: {  	s26 =	sadd.s32 $0x180, s9  }
0x367: {  	[hbm4b:s26+s2] =	stream.linear.scatter [tilespmem:s25], [sflag:$0x1], $0x80, $0x38;
	[tilespmem:$0x9800] =	vst v63  }
0x368: {  	_ =	swait.ge [sflag:s16], $0x200  }
0x369: {  	s28 =	sld [smem:$0x7EA]  }
0x36a: {  	[sflag:s16] =	ssyncset.done $0x0  }
0x36b: {  	s29 =	sld [smem:$0x7EB];
	[sflag:s16] =	ssyncadd.s32 $0xFFFFFE00  }
0x36c: {  	[hbm4b:s10+s2] =	stream.linear.scatter [tilespmem:s28], [sflag:$0x1], $0x80, $0x38;
	[tilespmem:$0x9800] =	vst v63  }
0x36d: {  	s30 =	sadd.s32 $0x80, s10;
	s31 =	sld [smem:$0x7EC]  }
0x36e: {  	[hbm4b:s30+s2] =	stream.linear.scatter [tilespmem:s29], [sflag:$0x1], $0x80, $0x38;
	[tilespmem:$0x9800] =	vst v63  }
0x36f: {  	s21 =	sadd.s32 $0x100, s10;
	s22 =	sld [smem:$0x7ED]  }
0x370: {  	[hbm4b:s21+s2] =	stream.linear.scatter [tilespmem:s31], [sflag:$0x1], $0x80, $0x38;
	[tilespmem:$0x9800] =	vst v63  }
0x371: {  	s23 =	sadd.s32 $0x180, s10  }
0x372: {  	[hbm4b:s23+s2] =	stream.linear.scatter [tilespmem:s22], [sflag:$0x1], $0x80, $0x38;
	[tilespmem:$0x9800] =	vst v63  }
0x373: {  	_ =	swait.ge [sflag:s16], $0x200  }
0x374: {  	s24 =	sld [smem:$0x7EE]  }
0x375: {  	[sflag:s16] =	ssyncset.done $0x0  }
0x376: {  	s25 =	sld [smem:$0x7EF];
	[sflag:s16] =	ssyncadd.s32 $0xFFFFFE00  }
0x377: {  	[hbm4b:s11+s2] =	stream.linear.scatter [tilespmem:s24], [sflag:$0x1], $0x80, $0x38;
	[tilespmem:$0x9800] =	vst v63  }
0x378: {  	s26 =	sadd.s32 $0x80, s11;
	s28 =	sld [smem:$0x7F0]  }
0x379: {  	[hbm4b:s26+s2] =	stream.linear.scatter [tilespmem:s25], [sflag:$0x1], $0x80, $0x38;
	[tilespmem:$0x9800] =	vst v63  }
0x37a: {  	s29 =	sadd.s32 $0x100, s11;
	s30 =	sld [smem:$0x7F1]  }
0x37b: {  	[hbm4b:s29+s2] =	stream.linear.scatter [tilespmem:s28], [sflag:$0x1], $0x80, $0x38;
	[tilespmem:$0x9800] =	vst v63  }
0x37c: {  	s31 =	sadd.s32 $0x180, s11  }
0x37d: {  	[hbm4b:s31+s2] =	stream.linear.scatter [tilespmem:s30], [sflag:$0x1], $0x80, $0x38;
	[tilespmem:$0x9800] =	vst v63  }
0x37e: {  	_ =	swait.ge [sflag:s16], $0x200  }
0x37f: {  	s20 =	sld [smem:$0x7F2]  }
0x380: {  	[sflag:s16] =	ssyncset.done $0x0  }
0x381: {  	s21 =	sld [smem:$0x7F3];
	[sflag:s16] =	ssyncadd.s32 $0xFFFFFE00  }
0x382: {  	[hbm4b:s12+s2] =	stream.linear.scatter [tilespmem:s20], [sflag:$0x1], $0x80, $0x38;
	[tilespmem:$0x9800] =	vst v63  }
0x383: {  	s22 =	sadd.s32 $0x80, s12;
	s23 =	sld [smem:$0x7F4]  }
0x384: {  	[hbm4b:s22+s2] =	stream.linear.scatter [tilespmem:s21], [sflag:$0x1], $0x80, $0x38;
	[tilespmem:$0x9800] =	vst v63  }
0x385: {  	s24 =	sadd.s32 $0x100, s12;
	s25 =	sld [smem:$0x7F5]  }
0x386: {  	[hbm4b:s24+s2] =	stream.linear.scatter [tilespmem:s23], [sflag:$0x1], $0x80, $0x38;
	[tilespmem:$0x9800] =	vst v63  }
0x387: {  	s26 =	sadd.s32 $0x180, s12  }
0x388: {  	[hbm4b:s26+s2] =	stream.linear.scatter [tilespmem:s25], [sflag:$0x1], $0x80, $0x38;
	[tilespmem:$0x9800] =	vst v63  }
0x389: {  	_ =	swait.ge [sflag:s16], $0x200  }
0x38a: {  	s28 =	sld [smem:$0x7F6]  }
0x38b: {  	[sflag:s16] =	ssyncset.done $0x0  }
0x38c: {  	s29 =	sld [smem:$0x7F7];
	[sflag:s16] =	ssyncadd.s32 $0xFFFFFE00  }
0x38d: {  	[hbm4b:s13+s2] =	stream.linear.scatter [tilespmem:s28], [sflag:$0x1], $0x80, $0x38;
	[tilespmem:$0x9800] =	vst v63  }
0x38e: {  	s30 =	sadd.s32 $0x80, s13;
	s31 =	sld [smem:$0x7F8]  }
0x38f: {  	[hbm4b:s30+s2] =	stream.linear.scatter [tilespmem:s29], [sflag:$0x1], $0x80, $0x38;
	[tilespmem:$0x9800] =	vst v63  }
0x390: {  	s21 =	sadd.s32 $0x100, s13;
	s22 =	sld [smem:$0x7F9]  }
0x391: {  	[hbm4b:s21+s2] =	stream.linear.scatter [tilespmem:s31], [sflag:$0x1], $0x80, $0x38;
	[tilespmem:$0x9800] =	vst v63  }
0x392: {  	s23 =	sadd.s32 $0x180, s13  }
0x393: {  	[hbm4b:s23+s2] =	stream.linear.scatter [tilespmem:s22], [sflag:$0x1], $0x80, $0x38;
	[tilespmem:$0x9800] =	vst v63  }
0x394: {  	_ =	swait.ge [sflag:s16], $0x200  }
0x395: {  	s24 =	sld [smem:$0x7FA]  }
0x396: {  	[sflag:s16] =	ssyncset.done $0x0  }
0x397: {  	s25 =	sld [smem:$0x7FB];
	[sflag:s16] =	ssyncadd.s32 $0xFFFFFE00  }
0x398: {  	[hbm4b:s14+s2] =	stream.linear.scatter [tilespmem:s24], [sflag:$0x1], $0x80, $0x38;
	[tilespmem:$0x9800] =	vst v63  }
0x399: {  	s26 =	sadd.s32 $0x80, s14;
	s28 =	sld [smem:$0x7FC]  }
0x39a: {  	[hbm4b:s26+s2] =	stream.linear.scatter [tilespmem:s25], [sflag:$0x1], $0x80, $0x38;
	[tilespmem:$0x9800] =	vst v63  }
0x39b: {  	p0 =	sne.s32 s15, $0x1;
	s29 =	sadd.s32 $0x100, s14;
	s30 =	sld [smem:$0x7FD]  }
0x39c: {  	[hbm4b:s29+s2] =	stream.linear.scatter [tilespmem:s28], [sflag:$0x1], $0x80, $0x38;
	[tilespmem:$0x9800] =	vst v63  }
.Ltmp0:
0x39d: {  	s31 =	sadd.s32 $0x180, s14;
	(pc) =	sbr.rel @p0 .LBB2_1-.Ltmp0, $4  }
0x39e: {  	[hbm4b:s31+s2] =	stream.linear.scatter [tilespmem:s30], [sflag:$0x1], $0x80, $0x38;
	[tilespmem:$0x9800] =	vst v63  }
0x39f: {  	_ =	swait.ge [sflag:s16], $0x200  }
0x3a0: {  	[sflag:s16] =	ssyncset.done $0x0  }
0x3a1: {  	s15 =	sadd.s32 $0xFFFFFFFF, s15;
	[sflag:s16] =	ssyncadd.s32 $0xFFFFFE00  }
0x3a2: {  	_ =	sfence.sel $0x180000  }
0x3a3: {  	[bflag:$0x0] =	sbarrier.arrive $0xFFFF  }
0x3a4: {  	p0 =	sne.s32 s1, $0x0;
	_ =	strace $0x90000047  }
0x3a5: {  	s0 =	sadd.s32 @!p0 $0x100000, s0;
	[bflag:$0x2] =	sbarrier.arrive $0xFFFF  }
0x3a6: {  	[sflag:s0] =	ssyncadd.tile.s32 @!p0 $0x1;
	_ =	shalt  }
.Lfunc_end2:
_tile_overlayer_lowered:
.L_overlay_start_2:
0x3a7: {  	(tag) =	ssettag $0x2  }
0x3a8: {  	s0 =	rddreg [dreg:$0x0];
	s2 =	stileid.u32  }
0x3a9: {  	s1 =	rddreg [dreg:$0x1];
	p0 =	sne.s32 s2, $0x0  }
0x3aa: {  	s3 =	rddreg [dreg:$0x2];
	[bflag:$0x3] =	sbarrier.arrive $0xFFFF;
	s2 =	simm.s32 @!p0 $0x1C01  }
0x3ab: {  	[timem:s3], [sflag:s2] =	dma.local @!p0 [hbm:s0], s1  }
0x3ac: {  	s0 =	simm.s32 @!p0 $0x1  }
0x3ad: {  	_ =	swait.ge @!p0 [sflag:s0], s1  }
0x3ae: {  	s1 =	ssub.s32 @!p0 $0x0, s1;
	[sflag:s0] =	ssyncset.done @!p0 $0x0  }
0x3af: {  	[sflag:s0] =	ssyncadd.s32 @!p0 s1  }
0x3b0: {  	[bflag:$0x3] =	sbarrier.arrive $0xFFFF  }
0x3b1: {  	_ =	shalt  }

</sc_bundles>
